<compile_context>
chip_gen: v7x
topology: tpu7x:2x2x1
jax: 0.10.2.dev20260603
libtpu: 0.0.44.dev20260713+nightly
codegen_flags: <defaults>
</compile_context>

<pallas_src>
import functools

import jax
import jax.numpy as jnp
import numpy as np
from jax import lax
from jax.experimental import pallas as pl
from jax.experimental.pallas import tpu as pltpu
from jax.experimental.pallas import tpu_sc as plsc

C = 192
NB = 49
NW = 32
RPW = 16
SPATIAL_SCALE = (0.25, 0.125, 0.0625, 0.03125)
HS = (128, 64, 32, 16)
LOFF = (0, 32768, 40960, 43008)
NROWS = 43520


def _build_idx_w(boxes_1, boxes_2):
    B, M, _ = boxes_1.shape
    r1 = boxes_1.reshape(B * M, 4)
    r2 = boxes_2.reshape(B * M, 4)
    N = B * M
    batch = jnp.arange(N, dtype=jnp.int32) // M
    ux1 = jnp.minimum(r1[:, 0], r2[:, 0])
    uy1 = jnp.minimum(r1[:, 1], r2[:, 1])
    ux2 = jnp.maximum(r1[:, 2], r2[:, 2])
    uy2 = jnp.maximum(r1[:, 3], r2[:, 3])
    s1 = jnp.sqrt((r1[:, 2] - r1[:, 0]) * (r1[:, 3] - r1[:, 1]))
    s2 = jnp.sqrt((r2[:, 2] - r2[:, 0]) * (r2[:, 3] - r2[:, 1]))
    s = jnp.minimum(s1, s2)
    t = jnp.floor(4.0 + jnp.log2(s / 224.0 + 1e-6))
    lvl = jnp.clip(t, 2.0, 5.0).astype(jnp.int32) - 2

    scale = jnp.take(jnp.array(SPATIAL_SCALE, jnp.float32), lvl)
    Hf = jnp.take(jnp.array(HS, jnp.float32), lvl)
    Hi = jnp.take(jnp.array(HS, jnp.int32), lvl)
    base = jnp.take(jnp.array(LOFF, jnp.int32), lvl)

    x1 = ux1 * scale
    y1 = uy1 * scale
    x2 = ux2 * scale
    y2 = uy2 * scale
    bw = jnp.maximum(x2 - x1, 1.0) / 7.0
    bh = jnp.maximum(y2 - y1, 1.0) / 7.0

    off = (jnp.arange(14, dtype=jnp.float32) + 0.5) / 2.0

    def axis_terms(lo, bsz):
        c = lo[:, None] + off[None, :] * bsz[:, None]
        valid = (c >= -1.0) & (c <= Hf[:, None])
        cc = jnp.maximum(c, 0.0)
        c0 = jnp.minimum(jnp.floor(cc), Hf[:, None] - 1.0)
        frac = jnp.where(cc >= Hf[:, None] - 1.0, 0.0, cc - c0)
        c0i = c0.astype(jnp.int32)
        c1i = jnp.minimum(c0i + 1, Hi[:, None] - 1)
        w = jnp.stack([1.0 - frac, frac], axis=-1) * valid[:, :, None]
        ii = jnp.stack([c0i, c1i], axis=-1)
        return ii, w

    yi, wy = axis_terms(y1, bh)
    xi, wx = axis_terms(x1, bw)

    yterm = base[:, None, None] + (batch[:, None, None] * Hi[:, None, None]
                                   + yi) * Hi[:, None, None]
    yv = yterm.reshape(N, 28).astype(jnp.float32)
    wyv = wy.reshape(N, 28)
    xv = xi.reshape(N, 28).astype(jnp.float32)
    wxv = wx.reshape(N, 28)

    p = np.arange(784)
    ph, pw = p // 112, (p // 16) % 7
    j, a = (p // 8) % 2, (p // 4) % 2
    k, b = (p // 2) % 2, p % 2
    my = np.zeros((28, 784), np.float32)
    my[(ph * 2 + j) * 2 + a, p] = 1.0
    mx = np.zeros((28, 784), np.float32)
    mx[(pw * 2 + k) * 2 + b, p] = 1.0
    My = jnp.asarray(my)
    Mx = jnp.asarray(mx)

    hp = functools.partial(jnp.matmul, precision=lax.Precision.HIGHEST)
    idx = (hp(yv, My) + hp(xv, Mx)).astype(jnp.int32)
    w = hp(wyv, My) * hp(wxv, Mx) * 0.25
    return idx.reshape(N * NB, 16), w.reshape(N * NB, 16)


def _sc_body(idx_hbm, w_hbm, tbl_hbm, out_hbm, idx_v, w_v, buf0, buf1,
             stage, sem0, sem1):
    wid = lax.axis_index("s") * 2 + lax.axis_index("c")
    pltpu.sync_copy(idx_hbm.at[wid], idx_v)
    pltpu.sync_copy(w_hbm.at[wid], w_v)

    def compute_group(g, buf):
        def bin_body(t, carry):
            binw = g * 7 + t
            wrow = w_v[pl.ds(binw * 16, 16)]
            wk = [wrow[k] for k in range(16)]
            for c in range(12):
                acc = wk[0] * buf[t * 16, pl.ds(c * 16, 16)]
                for k in range(1, 16):
                    acc = acc + wk[k] * buf[t * 16 + k, pl.ds(c * 16, 16)]
                stage[lax.rem(binw, NB), pl.ds(c * 16, 16)] = acc
            return carry

        lax.fori_loop(0, 7, bin_body, 0)

        @pl.when(lax.rem(g, 7) == 6)
        def _():
            pltpu.sync_copy(stage, out_hbm.at[wid * RPW + lax.div(g, 7)])

    pltpu.async_copy(tbl_hbm.at[idx_v.at[0]], buf0, sem0)

    def pair_body(p, carry):
        g0 = p * 2
        pltpu.async_copy(tbl_hbm.at[idx_v.at[g0 + 1]], buf1, sem1)
        pltpu.make_async_copy(tbl_hbm.at[idx_v.at[g0]], buf0, sem0).wait()
        compute_group(g0, buf0)

        @pl.when(p < 55)
        def _():
            pltpu.async_copy(tbl_hbm.at[idx_v.at[g0 + 2]], buf0, sem0)

        pltpu.make_async_copy(tbl_hbm.at[idx_v.at[g0 + 1]], buf1, sem1).wait()
        compute_group(g0 + 1, buf1)
        return carry

    lax.fori_loop(0, 56, pair_body, 0)


def kernel(feat0, feat1, feat2, feat3, boxes_1, boxes_2):
    tbl = jnp.concatenate([f.transpose(0, 2, 3, 1).reshape(-1, C)
                           for f in (feat0, feat1, feat2, feat3)], axis=0)
    idx, w = _build_idx_w(boxes_1, boxes_2)
    idx3 = idx.reshape(NW, 112, 112)
    w3 = w.reshape(NW, RPW * NB * 16)

    f = pl.kernel(
        _sc_body,
        out_type=jax.ShapeDtypeStruct((512, NB, C), jnp.float32),
        mesh=plsc.VectorSubcoreMesh(core_axis_name="c", subcore_axis_name="s"),
        scratch_types=[
            pltpu.VMEM((112, 112), jnp.int32),
            pltpu.VMEM((RPW * NB * 16,), jnp.float32),
            pltpu.VMEM((112, C), jnp.float32),
            pltpu.VMEM((112, C), jnp.float32),
            pltpu.VMEM((NB, C), jnp.float32),
            pltpu.SemaphoreType.DMA,
            pltpu.SemaphoreType.DMA,
        ],
        compiler_params=pltpu.CompilerParams(use_tc_tiling_on_sc=False),
    )
    out = f(idx3, w3, tbl)
    return out.reshape(512, 7, 7, C).transpose(0, 3, 1, 2)

# --- scband reference (transcript-rebuilt; emitter-appended) ---
"""Pipeline reference for scband-masked-box-pair-pool-12395275616332 (READ-ONLY COPY).

The authoritative reference and input builder live on the scoring server;
editing this copy changes nothing except your own understanding.
"""

import jax, jax.numpy as jnp
import numpy as np

OUTPUT_SIZE = (7, 7)
SPATIAL_SCALE = (0.25, 0.125, 0.0625, 0.03125)
SAMPLING_RATIO = 2
K_MIN = 2.0
K_MAX = 5.0
LVL0 = 4.0
S0 = 224.0
EPS = 1e-6


def setup_inputs(seed: int = 0):
    key = jax.random.key(seed)
    ks = jax.random.split(key, 6)
    B, C, M, IMG = 2, 192, 256, 512.0
    feats = {}
    base = 128
    for i in range(4):
        h = base >> i
        feats["feat%d" % i] = jax.random.normal(ks[i], (B, C, h, h), dtype=jnp.float32)

    def make_boxes(k):
        kc, kw = jax.random.split(k)
        ctr = jax.random.uniform(kc, (B, M, 2), minval=0.0, maxval=IMG)
        wh = jax.random.uniform(kw, (B, M, 2), minval=8.0, maxval=256.0)
        x1y1 = jnp.clip(ctr - wh / 2.0, 0.0, IMG)
        x2y2 = jnp.clip(ctr + wh / 2.0, 0.0, IMG)
        return jnp.concatenate([x1y1, x2y2], axis=-1).astype(jnp.float32)

    return {**feats, "boxes_1": make_boxes(ks[4]), "boxes_2": make_boxes(ks[5])}


def _to_roi_format(boxes):
    B, M, _ = boxes.shape
    idx = jnp.repeat(jnp.arange(B, dtype=boxes.dtype), M)[:, None]
    return jnp.concatenate([idx, boxes.reshape(B * M, 4)], axis=1)


def _roi_align(feat, rois, output_size, spatial_scale, sampling_ratio):
    N, C, H, W = feat.shape
    ph, pw = output_size
    rg = sampling_ratio
    b = rois[:, 0].astype(jnp.int32)
    x1 = rois[:, 1] * spatial_scale
    y1 = rois[:, 2] * spatial_scale
    x2 = rois[:, 3] * spatial_scale
    y2 = rois[:, 4] * spatial_scale
    roi_w = jnp.maximum(x2 - x1, 1.0)
    roi_h = jnp.maximum(y2 - y1, 1.0)
    bw = roi_w / pw
    bh = roi_h / ph
    off_h = jnp.arange(ph, dtype=jnp.float32)[None, :, None] + (jnp.arange(rg, dtype=jnp.float32)[None, None, :] + 0.5) / rg
    off_w = jnp.arange(pw, dtype=jnp.float32)[None, :, None] + (jnp.arange(rg, dtype=jnp.float32)[None, None, :] + 0.5) / rg
    sy = y1[:, None, None] + off_h * bh[:, None, None]
    sx = x1[:, None, None] + off_w * bw[:, None, None]
    yy = sy[:, :, :, None, None]
    xx = sx[:, None, None, :, :]
    valid = (yy >= -1.0) & (yy <= H) & (xx >= -1.0) & (xx <= W)
    yc = jnp.maximum(yy, 0.0)
    xc = jnp.maximum(xx, 0.0)
    y0 = jnp.minimum(jnp.floor(yc), H - 1.0)
    x0 = jnp.minimum(jnp.floor(xc), W - 1.0)
    ly = jnp.where(yc >= H - 1.0, 0.0, yc - y0)
    lx = jnp.where(xc >= W - 1.0, 0.0, xc - x0)
    hy = 1.0 - ly
    hx = 1.0 - lx
    y0i = y0.astype(jnp.int32)
    x0i = x0.astype(jnp.int32)
    y1i = jnp.minimum(y0i + 1, H - 1)
    x1i = jnp.minimum(x0i + 1, W - 1)
    feat_flat = feat.reshape(N, C, H * W).transpose(0, 2, 1)
    bb = b[:, None, None, None, None]

    def g(yi, xi):
        return feat_flat[bb, yi * W + xi]

    acc = (hy * hx)[..., None] * g(y0i, x0i)
    acc = acc + (hy * lx)[..., None] * g(y0i, x1i)
    acc = acc + (ly * hx)[..., None] * g(y1i, x0i)
    acc = acc + (ly * lx)[..., None] * g(y1i, x1i)
    acc = jnp.where(valid[..., None], acc, 0.0)
    out = acc.sum(axis=(2, 4)) / float(rg * rg)
    return out.transpose(0, 3, 1, 2)


def _map_levels(r1, r2):
    s1 = jnp.sqrt((r1[:, 3] - r1[:, 1]) * (r1[:, 4] - r1[:, 2]))
    s2 = jnp.sqrt((r2[:, 3] - r2[:, 1]) * (r2[:, 4] - r2[:, 2]))
    s = jnp.minimum(s1, s2)
    t = jnp.floor(LVL0 + jnp.log2(s / S0 + EPS))
    t = jnp.clip(t, K_MIN, K_MAX)
    return t.astype(jnp.int32) - int(K_MIN)


def reference(feat0, feat1, feat2, feat3, boxes_1, boxes_2):
    features = [feat0, feat1, feat2, feat3]
    r1 = _to_roi_format(boxes_1)
    r2 = _to_roi_format(boxes_2)
    union = jnp.concatenate([
        r1[:, :1],
        jnp.minimum(r1[:, 1:3], r2[:, 1:3]),
        jnp.maximum(r1[:, 3:5], r2[:, 3:5]),
    ], axis=1)
    levels = _map_levels(r1, r2)
    result = jnp.zeros((union.shape[0], feat0.shape[1], OUTPUT_SIZE[0], OUTPUT_SIZE[1]), dtype=feat0.dtype)
    for lvl in range(len(features)):
        pooled = _roi_align(features[lvl], union, OUTPUT_SIZE, SPATIAL_SCALE[lvl], SAMPLING_RATIO)
        result = jnp.where((levels == lvl)[:, None, None, None], pooled, result)
    return result

if __name__ == "__main__":
    import jax
    _d = setup_inputs()
    print(jax.jit(kernel)(*tuple(_d.values())))

</pallas_src>

<mosaic_0001>
#map = affine_map<(d0, d1) -> (0, 0, 0)>
#map1 = affine_map<(d0, d1) -> (0, 0)>
module attributes {stable_mosaic.version = 14 : i64} {
  func.func @_sc_body(%arg0: i32, %arg1: i32, %arg2: memref<32x112x112xi32, #tpu.memory_space<hbm>>, %arg3: memref<32x12544xf32, #tpu.memory_space<hbm>>, %arg4: memref<43520x192xf32, #tpu.memory_space<hbm>>, %arg5: memref<512x49x192xf32, #tpu.memory_space<hbm>>, %arg6: memref<112x112xi32, #tpu.memory_space<vmem>>, %arg7: memref<12544xf32, #tpu.memory_space<vmem>>, %arg8: memref<112x192xf32, #tpu.memory_space<vmem>>, %arg9: memref<112x192xf32, #tpu.memory_space<vmem>>, %arg10: memref<49x192xf32, #tpu.memory_space<vmem>>, %arg11: memref<!tpu.dma_semaphore, #tpu.memory_space<semaphore_mem>>, %arg12: memref<!tpu.dma_semaphore, #tpu.memory_space<semaphore_mem>>) attributes {dimension_semantics = [#tpu.dimension_semantics<core_parallel>, #tpu.dimension_semantics<subcore_parallel>], iteration_bounds = array<i64: 2, 16>, scalar_prefetch = 0 : i64, scratch_operands = 7 : i64, tpu.core_type = #tpu.core_type<sc_vector_subcore>, window_params = [{transform_indices = #map}, {transform_indices = #map1}, {transform_indices = #map1}, {transform_indices = #map}]} {
    %mul3A = arith.constant 2 : i32
    %mul3A_0 = arith.muli %arg1, %mul3A : i32
    %add3A = arith.addi %mul3A_0, %arg0 : i32
    "tpu.region"() ({
      %run_scoped3A = tpu.sem_alloc : memref<!tpu.dma_semaphore, #tpu.memory_space<semaphore_mem>>
      %dma_start3A_12 = arith.constant 0 : i32
      %dma_start3A_13 = arith.constant 0 : i32
      %dma_start3A_14 = tpu.memref_slice %arg2[%add3A, %dma_start3A_12, %dma_start3A_13] : memref<32x112x112xi32, #tpu.memory_space<hbm>> -> memref<1x112x112xi32, #tpu.memory_space<hbm>>
      %dma_start3A_15 = tpu.memref_squeeze %dma_start3A_14 : memref<1x112x112xi32, #tpu.memory_space<hbm>> -> memref<112x112xi32, #tpu.memory_space<hbm>>
      %dma_start3A_16 = arith.constant 0 : i32
      %dma_start3A_17 = arith.constant 0 : i32
      %dma_start3A_18 = tpu.memref_slice %arg2[%add3A, %dma_start3A_16, %dma_start3A_17] : memref<32x112x112xi32, #tpu.memory_space<hbm>> -> memref<1x112x112xi32, #tpu.memory_space<hbm>>
      %dma_start3A_19 = tpu.memref_squeeze %dma_start3A_18 : memref<1x112x112xi32, #tpu.memory_space<hbm>> -> memref<112x112xi32, #tpu.memory_space<hbm>>
      tpu.enqueue_dma source(%dma_start3A_19 : memref<112x112xi32, #tpu.memory_space<hbm>>) target(%arg6 : memref<112x112xi32, #tpu.memory_space<vmem>>) target_semaphore(%run_scoped3A : memref<!tpu.dma_semaphore, #tpu.memory_space<semaphore_mem>>)
      %dma_wait3A = arith.constant 0 : i32
      %dma_wait3A_20 = arith.constant 0 : i32
      %dma_wait3A_21 = tpu.memref_slice %arg2[%add3A, %dma_wait3A, %dma_wait3A_20] : memref<32x112x112xi32, #tpu.memory_space<hbm>> -> memref<1x112x112xi32, #tpu.memory_space<hbm>>
      %dma_wait3A_22 = tpu.memref_squeeze %dma_wait3A_21 : memref<1x112x112xi32, #tpu.memory_space<hbm>> -> memref<112x112xi32, #tpu.memory_space<hbm>>
      %dma_wait3A_23 = arith.constant 0 : i32
      %dma_wait3A_24 = arith.constant 0 : i32
      %dma_wait3A_25 = tpu.memref_slice %arg2[%add3A, %dma_wait3A_23, %dma_wait3A_24] : memref<32x112x112xi32, #tpu.memory_space<hbm>> -> memref<1x112x112xi32, #tpu.memory_space<hbm>>
      %dma_wait3A_26 = tpu.memref_squeeze %dma_wait3A_25 : memref<1x112x112xi32, #tpu.memory_space<hbm>> -> memref<112x112xi32, #tpu.memory_space<hbm>>
      tpu.wait_dma2 semaphore(%run_scoped3A : memref<!tpu.dma_semaphore, #tpu.memory_space<semaphore_mem>>) src(%dma_wait3A_26 : memref<112x112xi32, #tpu.memory_space<hbm>>) dst(%arg6 : memref<112x112xi32, #tpu.memory_space<vmem>>)
      tpu.yield
    }) : () -> ()
    "tpu.region"() ({
      %run_scoped3A = tpu.sem_alloc : memref<!tpu.dma_semaphore, #tpu.memory_space<semaphore_mem>>
      %dma_start3A_12 = arith.constant 0 : i32
      %dma_start3A_13 = tpu.memref_slice %arg3[%add3A, %dma_start3A_12] : memref<32x12544xf32, #tpu.memory_space<hbm>> -> memref<1x12544xf32, #tpu.memory_space<hbm>>
      %dma_start3A_14 = tpu.memref_squeeze %dma_start3A_13 : memref<1x12544xf32, #tpu.memory_space<hbm>> -> memref<12544xf32, #tpu.memory_space<hbm>>
      %dma_start3A_15 = arith.constant 0 : i32
      %dma_start3A_16 = tpu.memref_slice %arg3[%add3A, %dma_start3A_15] : memref<32x12544xf32, #tpu.memory_space<hbm>> -> memref<1x12544xf32, #tpu.memory_space<hbm>>
      %dma_start3A_17 = tpu.memref_squeeze %dma_start3A_16 : memref<1x12544xf32, #tpu.memory_space<hbm>> -> memref<12544xf32, #tpu.memory_space<hbm>>
      tpu.enqueue_dma source(%dma_start3A_17 : memref<12544xf32, #tpu.memory_space<hbm>>) target(%arg7 : memref<12544xf32, #tpu.memory_space<vmem>>) target_semaphore(%run_scoped3A : memref<!tpu.dma_semaphore, #tpu.memory_space<semaphore_mem>>)
      %dma_wait3A = arith.constant 0 : i32
      %dma_wait3A_18 = tpu.memref_slice %arg3[%add3A, %dma_wait3A] : memref<32x12544xf32, #tpu.memory_space<hbm>> -> memref<1x12544xf32, #tpu.memory_space<hbm>>
      %dma_wait3A_19 = tpu.memref_squeeze %dma_wait3A_18 : memref<1x12544xf32, #tpu.memory_space<hbm>> -> memref<12544xf32, #tpu.memory_space<hbm>>
      %dma_wait3A_20 = arith.constant 0 : i32
      %dma_wait3A_21 = tpu.memref_slice %arg3[%add3A, %dma_wait3A_20] : memref<32x12544xf32, #tpu.memory_space<hbm>> -> memref<1x12544xf32, #tpu.memory_space<hbm>>
      %dma_wait3A_22 = tpu.memref_squeeze %dma_wait3A_21 : memref<1x12544xf32, #tpu.memory_space<hbm>> -> memref<12544xf32, #tpu.memory_space<hbm>>
      tpu.wait_dma2 semaphore(%run_scoped3A : memref<!tpu.dma_semaphore, #tpu.memory_space<semaphore_mem>>) src(%dma_wait3A_22 : memref<12544xf32, #tpu.memory_space<hbm>>) dst(%arg7 : memref<12544xf32, #tpu.memory_space<vmem>>)
      tpu.yield
    }) : () -> ()
    %dma_start3A = arith.constant 0 : i32
    %dma_start3A_1 = arith.constant 0 : i32
    %dma_start3A_2 = tpu.memref_slice %arg6[%dma_start3A, %dma_start3A_1] : memref<112x112xi32, #tpu.memory_space<vmem>> -> memref<1x112xi32, #tpu.memory_space<vmem>>
    %dma_start3A_3 = tpu.memref_squeeze %dma_start3A_2 : memref<1x112xi32, #tpu.memory_space<vmem>> -> memref<112xi32, #tpu.memory_space<vmem>>
    %dma_start3A_4 = arith.constant 0 : i32
    %dma_start3A_5 = arith.constant 0 : i32
    %dma_start3A_6 = tpu.memref_slice %arg4[%dma_start3A_4, %dma_start3A_5] : memref<43520x192xf32, #tpu.memory_space<hbm>> -> memref<43520x192xf32, #tpu.memory_space<hbm>>
    tpu.enqueue_indirect_dma source(%dma_start3A_6 : memref<43520x192xf32, #tpu.memory_space<hbm>>) target(%arg8 : memref<112x192xf32, #tpu.memory_space<vmem>>) offsets(%dma_start3A_3 : memref<112xi32, #tpu.memory_space<vmem>>) semaphore(%arg11 : memref<!tpu.dma_semaphore, #tpu.memory_space<semaphore_mem>>)
    %scan3A = arith.constant 0 : i32
    %scan3A_7 = arith.constant 0 : i32
    %scan3A_8 = arith.constant 56 : i32
    %scan3A_9 = arith.addi %scan3A_7, %scan3A_8 : i32
    %scan3A_10 = arith.constant 1 : i32
    scf.for %scan3A_12 = %scan3A_7 to %scan3A_9 step %scan3A_10  : i32 {
      %mul3A_13 = arith.constant 2 : i32
      %mul3A_14 = arith.muli %scan3A_12, %mul3A_13 : i32
      %add3A_15 = arith.constant 1 : i32
      %add3A_16 = arith.addi %mul3A_14, %add3A_15 : i32
      %dma_start3A_17 = arith.constant 0 : i32
      %dma_start3A_18 = tpu.memref_slice %arg6[%add3A_16, %dma_start3A_17] : memref<112x112xi32, #tpu.memory_space<vmem>> -> memref<1x112xi32, #tpu.memory_space<vmem>>
      %dma_start3A_19 = tpu.memref_squeeze %dma_start3A_18 : memref<1x112xi32, #tpu.memory_space<vmem>> -> memref<112xi32, #tpu.memory_space<vmem>>
      %dma_start3A_20 = arith.constant 0 : i32
      %dma_start3A_21 = arith.constant 0 : i32
      %dma_start3A_22 = tpu.memref_slice %arg4[%dma_start3A_20, %dma_start3A_21] : memref<43520x192xf32, #tpu.memory_space<hbm>> -> memref<43520x192xf32, #tpu.memory_space<hbm>>
      tpu.enqueue_indirect_dma source(%dma_start3A_22 : memref<43520x192xf32, #tpu.memory_space<hbm>>) target(%arg9 : memref<112x192xf32, #tpu.memory_space<vmem>>) offsets(%dma_start3A_19 : memref<112xi32, #tpu.memory_space<vmem>>) semaphore(%arg12 : memref<!tpu.dma_semaphore, #tpu.memory_space<semaphore_mem>>)
      %dma_wait3A = arith.constant 0 : i32
      %dma_wait3A_23 = tpu.memref_slice %arg6[%mul3A_14, %dma_wait3A] : memref<112x112xi32, #tpu.memory_space<vmem>> -> memref<1x112xi32, #tpu.memory_space<vmem>>
      %dma_wait3A_24 = tpu.memref_squeeze %dma_wait3A_23 : memref<1x112xi32, #tpu.memory_space<vmem>> -> memref<112xi32, #tpu.memory_space<vmem>>
      %dma_wait3A_25 = arith.constant 0 : i32
      %dma_wait3A_26 = arith.constant 0 : i32
      %dma_wait3A_27 = tpu.memref_slice %arg4[%dma_wait3A_25, %dma_wait3A_26] : memref<43520x192xf32, #tpu.memory_space<hbm>> -> memref<43520x192xf32, #tpu.memory_space<hbm>>
      tpu.wait_indirect_dma semaphore(%arg11 : memref<!tpu.dma_semaphore, #tpu.memory_space<semaphore_mem>>) src(%dma_wait3A_27 : memref<43520x192xf32, #tpu.memory_space<hbm>>) dst(%arg8 : memref<112x192xf32, #tpu.memory_space<vmem>>)
      %scan3A_28 = arith.constant 0 : i32
      %scan3A_29 = arith.constant 0 : i32
      %scan3A_30 = arith.constant 7 : i32
      %scan3A_31 = arith.addi %scan3A_29, %scan3A_30 : i32
      %scan3A_32 = arith.constant 1 : i32
      scf.for %scan3A_64 = %scan3A_29 to %scan3A_31 step %scan3A_32  : i32 {
        %mul3A_65 = arith.constant 7 : i32
        %mul3A_66 = arith.muli %mul3A_14, %mul3A_65 : i32
        %add3A_67 = arith.addi %mul3A_66, %scan3A_64 : i32
        %mul3A_68 = arith.constant 16 : i32
        %mul3A_69 = arith.muli %add3A_67, %mul3A_68 : i32
        %get3A = arith.index_cast %mul3A_69 : i32 to index
        %get3A_70 = tpu.vector_load %arg7[%get3A] {strides = array<i32>} : memref<12544xf32, #tpu.memory_space<vmem>>, vector<16xf32>,
        %get3A_71 = vector.shape_cast %get3A_70 : vector<16xf32> to vector<16xf32>
        %slice3A = vector.extract_strided_slice %get3A_71 {offsets = [0], sizes = [1], strides = [1]} : vector<16xf32> to vector<1xf32>
        %squeeze3A = vector.extract %slice3A[0] : f32 from vector<1xf32>
        %slice3A_72 = vector.extract_strided_slice %get3A_71 {offsets = [1], sizes = [1], strides = [1]} : vector<16xf32> to vector<1xf32>
        %squeeze3A_73 = vector.extract %slice3A_72[0] : f32 from vector<1xf32>
        %slice3A_74 = vector.extract_strided_slice %get3A_71 {offsets = [2], sizes = [1], strides = [1]} : vector<16xf32> to vector<1xf32>
        %squeeze3A_75 = vector.extract %slice3A_74[0] : f32 from vector<1xf32>
        %slice3A_76 = vector.extract_strided_slice %get3A_71 {offsets = [3], sizes = [1], strides = [1]} : vector<16xf32> to vector<1xf32>
        %squeeze3A_77 = vector.extract %slice3A_76[0] : f32 from vector<1xf32>
        %slice3A_78 = vector.extract_strided_slice %get3A_71 {offsets = [4], sizes = [1], strides = [1]} : vector<16xf32> to vector<1xf32>
        %squeeze3A_79 = vector.extract %slice3A_78[0] : f32 from vector<1xf32>
        %slice3A_80 = vector.extract_strided_slice %get3A_71 {offsets = [5], sizes = [1], strides = [1]} : vector<16xf32> to vector<1xf32>
        %squeeze3A_81 = vector.extract %slice3A_80[0] : f32 from vector<1xf32>
        %slice3A_82 = vector.extract_strided_slice %get3A_71 {offsets = [6], sizes = [1], strides = [1]} : vector<16xf32> to vector<1xf32>
        %squeeze3A_83 = vector.extract %slice3A_82[0] : f32 from vector<1xf32>
        %slice3A_84 = vector.extract_strided_slice %get3A_71 {offsets = [7], sizes = [1], strides = [1]} : vector<16xf32> to vector<1xf32>
        %squeeze3A_85 = vector.extract %slice3A_84[0] : f32 from vector<1xf32>
        %slice3A_86 = vector.extract_strided_slice %get3A_71 {offsets = [8], sizes = [1], strides = [1]} : vector<16xf32> to vector<1xf32>
        %squeeze3A_87 = vector.extract %slice3A_86[0] : f32 from vector<1xf32>
        %slice3A_88 = vector.extract_strided_slice %get3A_71 {offsets = [9], sizes = [1], strides = [1]} : vector<16xf32> to vector<1xf32>
        %squeeze3A_89 = vector.extract %slice3A_88[0] : f32 from vector<1xf32>
        %slice3A_90 = vector.extract_strided_slice %get3A_71 {offsets = [10], sizes = [1], strides = [1]} : vector<16xf32> to vector<1xf32>
        %squeeze3A_91 = vector.extract %slice3A_90[0] : f32 from vector<1xf32>
        %slice3A_92 = vector.extract_strided_slice %get3A_71 {offsets = [11], sizes = [1], strides = [1]} : vector<16xf32> to vector<1xf32>
        %squeeze3A_93 = vector.extract %slice3A_92[0] : f32 from vector<1xf32>
        %slice3A_94 = vector.extract_strided_slice %get3A_71 {offsets = [12], sizes = [1], strides = [1]} : vector<16xf32> to vector<1xf32>
        %squeeze3A_95 = vector.extract %slice3A_94[0] : f32 from vector<1xf32>
        %slice3A_96 = vector.extract_strided_slice %get3A_71 {offsets = [13], sizes = [1], strides = [1]} : vector<16xf32> to vector<1xf32>
        %squeeze3A_97 = vector.extract %slice3A_96[0] : f32 from vector<1xf32>
        %slice3A_98 = vector.extract_strided_slice %get3A_71 {offsets = [14], sizes = [1], strides = [1]} : vector<16xf32> to vector<1xf32>
        %squeeze3A_99 = vector.extract %slice3A_98[0] : f32 from vector<1xf32>
        %slice3A_100 = vector.extract_strided_slice %get3A_71 {offsets = [15], sizes = [1], strides = [1]} : vector<16xf32> to vector<1xf32>
        %squeeze3A_101 = vector.extract %slice3A_100[0] : f32 from vector<1xf32>
        %mul3A_102 = arith.constant 16 : i32
        %mul3A_103 = arith.muli %scan3A_64, %mul3A_102 : i32
        %get3A_104 = arith.index_cast %mul3A_103 : i32 to index
        %get3A_105 = arith.constant 0 : index
        %get3A_106 = tpu.vector_load %arg8[%get3A_104, %get3A_105] {strides = array<i32>} : memref<112x192xf32, #tpu.memory_space<vmem>>, vector<1x16xf32>,
        %get3A_107 = vector.shape_cast %get3A_106 : vector<1x16xf32> to vector<16xf32>
        %mul3A_108 = vector.broadcast %squeeze3A : f32 to vector<16xf32>
        %mul3A_109 = arith.mulf %mul3A_108, %get3A_107 : vector<16xf32>
        %mul3A_110 = arith.constant 16 : i32
        %mul3A_111 = arith.muli %scan3A_64, %mul3A_110 : i32
        %add3A_112 = arith.constant 1 : i32
        %add3A_113 = arith.addi %mul3A_111, %add3A_112 : i32
        %get3A_114 = arith.index_cast %add3A_113 : i32 to index
        %get3A_115 = arith.constant 0 : index
        %get3A_116 = tpu.vector_load %arg8[%get3A_114, %get3A_115] {strides = array<i32>} : memref<112x192xf32, #tpu.memory_space<vmem>>, vector<1x16xf32>,
        %get3A_117 = vector.shape_cast %get3A_116 : vector<1x16xf32> to vector<16xf32>
        %mul3A_118 = vector.broadcast %squeeze3A_73 : f32 to vector<16xf32>
        %mul3A_119 = arith.mulf %mul3A_118, %get3A_117 : vector<16xf32>
        %add3A_120 = arith.addf %mul3A_109, %mul3A_119 : vector<16xf32>
        %mul3A_121 = arith.constant 16 : i32
        %mul3A_122 = arith.muli %scan3A_64, %mul3A_121 : i32
        %add3A_123 = arith.constant 2 : i32
        %add3A_124 = arith.addi %mul3A_122, %add3A_123 : i32
        %get3A_125 = arith.index_cast %add3A_124 : i32 to index
        %get3A_126 = arith.constant 0 : index
        %get3A_127 = tpu.vector_load %arg8[%get3A_125, %get3A_126] {strides = array<i32>} : memref<112x192xf32, #tpu.memory_space<vmem>>, vector<1x16xf32>,
        %get3A_128 = vector.shape_cast %get3A_127 : vector<1x16xf32> to vector<16xf32>
        %mul3A_129 = vector.broadcast %squeeze3A_75 : f32 to vector<16xf32>
        %mul3A_130 = arith.mulf %mul3A_129, %get3A_128 : vector<16xf32>
        %add3A_131 = arith.addf %add3A_120, %mul3A_130 : vector<16xf32>
        %mul3A_132 = arith.constant 16 : i32
        %mul3A_133 = arith.muli %scan3A_64, %mul3A_132 : i32
        %add3A_134 = arith.constant 3 : i32
        %add3A_135 = arith.addi %mul3A_133, %add3A_134 : i32
        %get3A_136 = arith.index_cast %add3A_135 : i32 to index
        %get3A_137 = arith.constant 0 : index
        %get3A_138 = tpu.vector_load %arg8[%get3A_136, %get3A_137] {strides = array<i32>} : memref<112x192xf32, #tpu.memory_space<vmem>>, vector<1x16xf32>,
        %get3A_139 = vector.shape_cast %get3A_138 : vector<1x16xf32> to vector<16xf32>
        %mul3A_140 = vector.broadcast %squeeze3A_77 : f32 to vector<16xf32>
        %mul3A_141 = arith.mulf %mul3A_140, %get3A_139 : vector<16xf32>
        %add3A_142 = arith.addf %add3A_131, %mul3A_141 : vector<16xf32>
        %mul3A_143 = arith.constant 16 : i32
        %mul3A_144 = arith.muli %scan3A_64, %mul3A_143 : i32
        %add3A_145 = arith.constant 4 : i32
        %add3A_146 = arith.addi %mul3A_144, %add3A_145 : i32
        %get3A_147 = arith.index_cast %add3A_146 : i32 to index
        %get3A_148 = arith.constant 0 : index
        %get3A_149 = tpu.vector_load %arg8[%get3A_147, %get3A_148] {strides = array<i32>} : memref<112x192xf32, #tpu.memory_space<vmem>>, vector<1x16xf32>,
        %get3A_150 = vector.shape_cast %get3A_149 : vector<1x16xf32> to vector<16xf32>
        %mul3A_151 = vector.broadcast %squeeze3A_79 : f32 to vector<16xf32>
        %mul3A_152 = arith.mulf %mul3A_151, %get3A_150 : vector<16xf32>
        %add3A_153 = arith.addf %add3A_142, %mul3A_152 : vector<16xf32>
        %mul3A_154 = arith.constant 16 : i32
        %mul3A_155 = arith.muli %scan3A_64, %mul3A_154 : i32
        %add3A_156 = arith.constant 5 : i32
        %add3A_157 = arith.addi %mul3A_155, %add3A_156 : i32
        %get3A_158 = arith.index_cast %add3A_157 : i32 to index
        %get3A_159 = arith.constant 0 : index
        %get3A_160 = tpu.vector_load %arg8[%get3A_158, %get3A_159] {strides = array<i32>} : memref<112x192xf32, #tpu.memory_space<vmem>>, vector<1x16xf32>,
        %get3A_161 = vector.shape_cast %get3A_160 : vector<1x16xf32> to vector<16xf32>
        %mul3A_162 = vector.broadcast %squeeze3A_81 : f32 to vector<16xf32>
        %mul3A_163 = arith.mulf %mul3A_162, %get3A_161 : vector<16xf32>
        %add3A_164 = arith.addf %add3A_153, %mul3A_163 : vector<16xf32>
        %mul3A_165 = arith.constant 16 : i32
        %mul3A_166 = arith.muli %scan3A_64, %mul3A_165 : i32
        %add3A_167 = arith.constant 6 : i32
        %add3A_168 = arith.addi %mul3A_166, %add3A_167 : i32
        %get3A_169 = arith.index_cast %add3A_168 : i32 to index
        %get3A_170 = arith.constant 0 : index
        %get3A_171 = tpu.vector_load %arg8[%get3A_169, %get3A_170] {strides = array<i32>} : memref<112x192xf32, #tpu.memory_space<vmem>>, vector<1x16xf32>,
        %get3A_172 = vector.shape_cast %get3A_171 : vector<1x16xf32> to vector<16xf32>
        %mul3A_173 = vector.broadcast %squeeze3A_83 : f32 to vector<16xf32>
        %mul3A_174 = arith.mulf %mul3A_173, %get3A_172 : vector<16xf32>
        %add3A_175 = arith.addf %add3A_164, %mul3A_174 : vector<16xf32>
        %mul3A_176 = arith.constant 16 : i32
        %mul3A_177 = arith.muli %scan3A_64, %mul3A_176 : i32
        %add3A_178 = arith.constant 7 : i32
        %add3A_179 = arith.addi %mul3A_177, %add3A_178 : i32
        %get3A_180 = arith.index_cast %add3A_179 : i32 to index
        %get3A_181 = arith.constant 0 : index
        %get3A_182 = tpu.vector_load %arg8[%get3A_180, %get3A_181] {strides = array<i32>} : memref<112x192xf32, #tpu.memory_space<vmem>>, vector<1x16xf32>,
        %get3A_183 = vector.shape_cast %get3A_182 : vector<1x16xf32> to vector<16xf32>
        %mul3A_184 = vector.broadcast %squeeze3A_85 : f32 to vector<16xf32>
        %mul3A_185 = arith.mulf %mul3A_184, %get3A_183 : vector<16xf32>
        %add3A_186 = arith.addf %add3A_175, %mul3A_185 : vector<16xf32>
        %mul3A_187 = arith.constant 16 : i32
        %mul3A_188 = arith.muli %scan3A_64, %mul3A_187 : i32
        %add3A_189 = arith.constant 8 : i32
        %add3A_190 = arith.addi %mul3A_188, %add3A_189 : i32
        %get3A_191 = arith.index_cast %add3A_190 : i32 to index
        %get3A_192 = arith.constant 0 : index
        %get3A_193 = tpu.vector_load %arg8[%get3A_191, %get3A_192] {strides = array<i32>} : memref<112x192xf32, #tpu.memory_space<vmem>>, vector<1x16xf32>,
        %get3A_194 = vector.shape_cast %get3A_193 : vector<1x16xf32> to vector<16xf32>
        %mul3A_195 = vector.broadcast %squeeze3A_87 : f32 to vector<16xf32>
        %mul3A_196 = arith.mulf %mul3A_195, %get3A_194 : vector<16xf32>
        %add3A_197 = arith.addf %add3A_186, %mul3A_196 : vector<16xf32>
        %mul3A_198 = arith.constant 16 : i32
        %mul3A_199 = arith.muli %scan3A_64, %mul3A_198 : i32
        %add3A_200 = arith.constant 9 : i32
        %add3A_201 = arith.addi %mul3A_199, %add3A_200 : i32
        %get3A_202 = arith.index_cast %add3A_201 : i32 to index
        %get3A_203 = arith.constant 0 : index
        %get3A_204 = tpu.vector_load %arg8[%get3A_202, %get3A_203] {strides = array<i32>} : memref<112x192xf32, #tpu.memory_space<vmem>>, vector<1x16xf32>,
        %get3A_205 = vector.shape_cast %get3A_204 : vector<1x16xf32> to vector<16xf32>
        %mul3A_206 = vector.broadcast %squeeze3A_89 : f32 to vector<16xf32>
        %mul3A_207 = arith.mulf %mul3A_206, %get3A_205 : vector<16xf32>
        %add3A_208 = arith.addf %add3A_197, %mul3A_207 : vector<16xf32>
        %mul3A_209 = arith.constant 16 : i32
        %mul3A_210 = arith.muli %scan3A_64, %mul3A_209 : i32
        %add3A_211 = arith.constant 10 : i32
        %add3A_212 = arith.addi %mul3A_210, %add3A_211 : i32
        %get3A_213 = arith.index_cast %add3A_212 : i32 to index
        %get3A_214 = arith.constant 0 : index
        %get3A_215 = tpu.vector_load %arg8[%get3A_213, %get3A_214] {strides = array<i32>} : memref<112x192xf32, #tpu.memory_space<vmem>>, vector<1x16xf32>,
        %get3A_216 = vector.shape_cast %get3A_215 : vector<1x16xf32> to vector<16xf32>
        %mul3A_217 = vector.broadcast %squeeze3A_91 : f32 to vector<16xf32>
        %mul3A_218 = arith.mulf %mul3A_217, %get3A_216 : vector<16xf32>
        %add3A_219 = arith.addf %add3A_208, %mul3A_218 : vector<16xf32>
        %mul3A_220 = arith.constant 16 : i32
        %mul3A_221 = arith.muli %scan3A_64, %mul3A_220 : i32
        %add3A_222 = arith.constant 11 : i32
        %add3A_223 = arith.addi %mul3A_221, %add3A_222 : i32
        %get3A_224 = arith.index_cast %add3A_223 : i32 to index
        %get3A_225 = arith.constant 0 : index
        %get3A_226 = tpu.vector_load %arg8[%get3A_224, %get3A_225] {strides = array<i32>} : memref<112x192xf32, #tpu.memory_space<vmem>>, vector<1x16xf32>,
        %get3A_227 = vector.shape_cast %get3A_226 : vector<1x16xf32> to vector<16xf32>
        %mul3A_228 = vector.broadcast %squeeze3A_93 : f32 to vector<16xf32>
        %mul3A_229 = arith.mulf %mul3A_228, %get3A_227 : vector<16xf32>
        %add3A_230 = arith.addf %add3A_219, %mul3A_229 : vector<16xf32>
        %mul3A_231 = arith.constant 16 : i32
        %mul3A_232 = arith.muli %scan3A_64, %mul3A_231 : i32
        %add3A_233 = arith.constant 12 : i32
        %add3A_234 = arith.addi %mul3A_232, %add3A_233 : i32
        %get3A_235 = arith.index_cast %add3A_234 : i32 to index
        %get3A_236 = arith.constant 0 : index
        %get3A_237 = tpu.vector_load %arg8[%get3A_235, %get3A_236] {strides = array<i32>} : memref<112x192xf32, #tpu.memory_space<vmem>>, vector<1x16xf32>,
        %get3A_238 = vector.shape_cast %get3A_237 : vector<1x16xf32> to vector<16xf32>
        %mul3A_239 = vector.broadcast %squeeze3A_95 : f32 to vector<16xf32>
        %mul3A_240 = arith.mulf %mul3A_239, %get3A_238 : vector<16xf32>
        %add3A_241 = arith.addf %add3A_230, %mul3A_240 : vector<16xf32>
        %mul3A_242 = arith.constant 16 : i32
        %mul3A_243 = arith.muli %scan3A_64, %mul3A_242 : i32
        %add3A_244 = arith.constant 13 : i32
        %add3A_245 = arith.addi %mul3A_243, %add3A_244 : i32
        %get3A_246 = arith.index_cast %add3A_245 : i32 to index
        %get3A_247 = arith.constant 0 : index
        %get3A_248 = tpu.vector_load %arg8[%get3A_246, %get3A_247] {strides = array<i32>} : memref<112x192xf32, #tpu.memory_space<vmem>>, vector<1x16xf32>,
        %get3A_249 = vector.shape_cast %get3A_248 : vector<1x16xf32> to vector<16xf32>
        %mul3A_250 = vector.broadcast %squeeze3A_97 : f32 to vector<16xf32>
        %mul3A_251 = arith.mulf %mul3A_250, %get3A_249 : vector<16xf32>
        %add3A_252 = arith.addf %add3A_241, %mul3A_251 : vector<16xf32>
        %mul3A_253 = arith.constant 16 : i32
        %mul3A_254 = arith.muli %scan3A_64, %mul3A_253 : i32
        %add3A_255 = arith.constant 14 : i32
        %add3A_256 = arith.addi %mul3A_254, %add3A_255 : i32
        %get3A_257 = arith.index_cast %add3A_256 : i32 to index
        %get3A_258 = arith.constant 0 : index
        %get3A_259 = tpu.vector_load %arg8[%get3A_257, %get3A_258] {strides = array<i32>} : memref<112x192xf32, #tpu.memory_space<vmem>>, vector<1x16xf32>,
        %get3A_260 = vector.shape_cast %get3A_259 : vector<1x16xf32> to vector<16xf32>
        %mul3A_261 = vector.broadcast %squeeze3A_99 : f32 to vector<16xf32>
        %mul3A_262 = arith.mulf %mul3A_261, %get3A_260 : vector<16xf32>
        %add3A_263 = arith.addf %add3A_252, %mul3A_262 : vector<16xf32>
        %mul3A_264 = arith.constant 16 : i32
        %mul3A_265 = arith.muli %scan3A_64, %mul3A_264 : i32
        %add3A_266 = arith.constant 15 : i32
        %add3A_267 = arith.addi %mul3A_265, %add3A_266 : i32
        %get3A_268 = arith.index_cast %add3A_267 : i32 to index
        %get3A_269 = arith.constant 0 : index
        %get3A_270 = tpu.vector_load %arg8[%get3A_268, %get3A_269] {strides = array<i32>} : memref<112x192xf32, #tpu.memory_space<vmem>>, vector<1x16xf32>,
        %get3A_271 = vector.shape_cast %get3A_270 : vector<1x16xf32> to vector<16xf32>
        %mul3A_272 = vector.broadcast %squeeze3A_101 : f32 to vector<16xf32>
        %mul3A_273 = arith.mulf %mul3A_272, %get3A_271 : vector<16xf32>
        %add3A_274 = arith.addf %add3A_263, %mul3A_273 : vector<16xf32>
        %rem3A_275 = arith.constant 49 : i32
        %rem3A_276 = arith.remsi %add3A_67, %rem3A_275 : i32
        %swap3A = arith.index_cast %rem3A_276 : i32 to index
        %swap3A_277 = arith.constant 0 : index
        %swap3A_278 = tpu.vector_load %arg10[%swap3A, %swap3A_277] {strides = array<i32>} : memref<49x192xf32, #tpu.memory_space<vmem>>, vector<1x16xf32>,
        %swap3A_279 = vector.shape_cast %swap3A_278 : vector<1x16xf32> to vector<16xf32>
        %swap3A_280 = vector.shape_cast %add3A_274 : vector<16xf32> to vector<1x16xf32>
        tpu.vector_store %arg10[%swap3A, %swap3A_277], %swap3A_280 {strides = array<i32>} : memref<49x192xf32, #tpu.memory_space<vmem>>, vector<1x16xf32>,
        %mul3A_281 = arith.constant 16 : i32
        %mul3A_282 = arith.muli %scan3A_64, %mul3A_281 : i32
        %get3A_283 = arith.index_cast %mul3A_282 : i32 to index
        %get3A_284 = arith.constant 16 : index
        %get3A_285 = tpu.vector_load %arg8[%get3A_283, %get3A_284] {strides = array<i32>} : memref<112x192xf32, #tpu.memory_space<vmem>>, vector<1x16xf32>,
        %get3A_286 = vector.shape_cast %get3A_285 : vector<1x16xf32> to vector<16xf32>
        %mul3A_287 = vector.broadcast %squeeze3A : f32 to vector<16xf32>
        %mul3A_288 = arith.mulf %mul3A_287, %get3A_286 : vector<16xf32>
        %mul3A_289 = arith.constant 16 : i32
        %mul3A_290 = arith.muli %scan3A_64, %mul3A_289 : i32
        %add3A_291 = arith.constant 1 : i32
        %add3A_292 = arith.addi %mul3A_290, %add3A_291 : i32
        %get3A_293 = arith.index_cast %add3A_292 : i32 to index
        %get3A_294 = arith.constant 16 : index
        %get3A_295 = tpu.vector_load %arg8[%get3A_293, %get3A_294] {strides = array<i32>} : memref<112x192xf32, #tpu.memory_space<vmem>>, vector<1x16xf32>,
        %get3A_296 = vector.shape_cast %get3A_295 : vector<1x16xf32> to vector<16xf32>
        %mul3A_297 = vector.broadcast %squeeze3A_73 : f32 to vector<16xf32>
        %mul3A_298 = arith.mulf %mul3A_297, %get3A_296 : vector<16xf32>
        %add3A_299 = arith.addf %mul3A_288, %mul3A_298 : vector<16xf32>
        %mul3A_300 = arith.constant 16 : i32
        %mul3A_301 = arith.muli %scan3A_64, %mul3A_300 : i32
        %add3A_302 = arith.constant 2 : i32
        %add3A_303 = arith.addi %mul3A_301, %add3A_302 : i32
        %get3A_304 = arith.index_cast %add3A_303 : i32 to index
        %get3A_305 = arith.constant 16 : index
        %get3A_306 = tpu.vector_load %arg8[%get3A_304, %get3A_305] {strides = array<i32>} : memref<112x192xf32, #tpu.memory_space<vmem>>, vector<1x16xf32>,
        %get3A_307 = vector.shape_cast %get3A_306 : vector<1x16xf32> to vector<16xf32>
        %mul3A_308 = vector.broadcast %squeeze3A_75 : f32 to vector<16xf32>
        %mul3A_309 = arith.mulf %mul3A_308, %get3A_307 : vector<16xf32>
        %add3A_310 = arith.addf %add3A_299, %mul3A_309 : vector<16xf32>
        %mul3A_311 = arith.constant 16 : i32
        %mul3A_312 = arith.muli %scan3A_64, %mul3A_311 : i32
        %add3A_313 = arith.constant 3 : i32
        %add3A_314 = arith.addi %mul3A_312, %add3A_313 : i32
        %get3A_315 = arith.index_cast %add3A_314 : i32 to index
        %get3A_316 = arith.constant 16 : index
        %get3A_317 = tpu.vector_load %arg8[%get3A_315, %get3A_316] {strides = array<i32>} : memref<112x192xf32, #tpu.memory_space<vmem>>, vector<1x16xf32>,
        %get3A_318 = vector.shape_cast %get3A_317 : vector<1x16xf32> to vector<16xf32>
        %mul3A_319 = vector.broadcast %squeeze3A_77 : f32 to vector<16xf32>
        %mul3A_320 = arith.mulf %mul3A_319, %get3A_318 : vector<16xf32>
        %add3A_321 = arith.addf %add3A_310, %mul3A_320 : vector<16xf32>
        %mul3A_322 = arith.constant 16 : i32
        %mul3A_323 = arith.muli %scan3A_64, %mul3A_322 : i32
        %add3A_324 = arith.constant 4 : i32
        %add3A_325 = arith.addi %mul3A_323, %add3A_324 : i32
        %get3A_326 = arith.index_cast %add3A_325 : i32 to index
        %get3A_327 = arith.constant 16 : index
        %get3A_328 = tpu.vector_load %arg8[%get3A_326, %get3A_327] {strides = array<i32>} : memref<112x192xf32, #tpu.memory_space<vmem>>, vector<1x16xf32>,
        %get3A_329 = vector.shape_cast %get3A_328 : vector<1x16xf32> to vector<16xf32>
        %mul3A_330 = vector.broadcast %squeeze3A_79 : f32 to vector<16xf32>
        %mul3A_331 = arith.mulf %mul3A_330, %get3A_329 : vector<16xf32>
        %add3A_332 = arith.addf %add3A_321, %mul3A_331 : vector<16xf32>
        %mul3A_333 = arith.constant 16 : i32
        %mul3A_334 = arith.muli %scan3A_64, %mul3A_333 : i32
        %add3A_335 = arith.constant 5 : i32
        %add3A_336 = arith.addi %mul3A_334, %add3A_335 : i32
        %get3A_337 = arith.index_cast %add3A_336 : i32 to index
        %get3A_338 = arith.constant 16 : index
        %get3A_339 = tpu.vector_load %arg8[%get3A_337, %get3A_338] {strides = array<i32>} : memref<112x192xf32, #tpu.memory_space<vmem>>, vector<1x16xf32>,
        %get3A_340 = vector.shape_cast %get3A_339 : vector<1x16xf32> to vector<16xf32>
        %mul3A_341 = vector.broadcast %squeeze3A_81 : f32 to vector<16xf32>
        %mul3A_342 = arith.mulf %mul3A_341, %get3A_340 : vector<16xf32>
        %add3A_343 = arith.addf %add3A_332, %mul3A_342 : vector<16xf32>
        %mul3A_344 = arith.constant 16 : i32
        %mul3A_345 = arith.muli %scan3A_64, %mul3A_344 : i32
        %add3A_346 = arith.constant 6 : i32
        %add3A_347 = arith.addi %mul3A_345, %add3A_346 : i32
        %get3A_348 = arith.index_cast %add3A_347 : i32 to index
        %get3A_349 = arith.constant 16 : index
        %get3A_350 = tpu.vector_load %arg8[%get3A_348, %get3A_349] {strides = array<i32>} : memref<112x192xf32, #tpu.memory_space<vmem>>, vector<1x16xf32>,
        %get3A_351 = vector.shape_cast %get3A_350 : vector<1x16xf32> to vector<16xf32>
        %mul3A_352 = vector.broadcast %squeeze3A_83 : f32 to vector<16xf32>
        %mul3A_353 = arith.mulf %mul3A_352, %get3A_351 : vector<16xf32>
        %add3A_354 = arith.addf %add3A_343, %mul3A_353 : vector<16xf32>
        %mul3A_355 = arith.constant 16 : i32
        %mul3A_356 = arith.muli %scan3A_64, %mul3A_355 : i32
        %add3A_357 = arith.constant 7 : i32
        %add3A_358 = arith.addi %mul3A_356, %add3A_357 : i32
        %get3A_359 = arith.index_cast %add3A_358 : i32 to index
        %get3A_360 = arith.constant 16 : index
        %get3A_361 = tpu.vector_load %arg8[%get3A_359, %get3A_360] {strides = array<i32>} : memref<112x192xf32, #tpu.memory_space<vmem>>, vector<1x16xf32>,
        %get3A_362 = vector.shape_cast %get3A_361 : vector<1x16xf32> to vector<16xf32>
        %mul3A_363 = vector.broadcast %squeeze3A_85 : f32 to vector<16xf32>
        %mul3A_364 = arith.mulf %mul3A_363, %get3A_362 : vector<16xf32>
        %add3A_365 = arith.addf %add3A_354, %mul3A_364 : vector<16xf32>
        %mul3A_366 = arith.constant 16 : i32
        %mul3A_367 = arith.muli %scan3A_64, %mul3A_366 : i32
        %add3A_368 = arith.constant 8 : i32
        %add3A_369 = arith.addi %mul3A_367, %add3A_368 : i32
        %get3A_370 = arith.index_cast %add3A_369 : i32 to index
        %get3A_371 = arith.constant 16 : index
        %get3A_372 = tpu.vector_load %arg8[%get3A_370, %get3A_371] {strides = array<i32>} : memref<112x192xf32, #tpu.memory_space<vmem>>, vector<1x16xf32>,
        %get3A_373 = vector.shape_cast %get3A_372 : vector<1x16xf32> to vector<16xf32>
        %mul3A_374 = vector.broadcast %squeeze3A_87 : f32 to vector<16xf32>
        %mul3A_375 = arith.mulf %mul3A_374, %get3A_373 : vector<16xf32>
        %add3A_376 = arith.addf %add3A_365, %mul3A_375 : vector<16xf32>
        %mul3A_377 = arith.constant 16 : i32
        %mul3A_378 = arith.muli %scan3A_64, %mul3A_377 : i32
        %add3A_379 = arith.constant 9 : i32
        %add3A_380 = arith.addi %mul3A_378, %add3A_379 : i32
        %get3A_381 = arith.index_cast %add3A_380 : i32 to index
        %get3A_382 = arith.constant 16 : index
        %get3A_383 = tpu.vector_load %arg8[%get3A_381, %get3A_382] {strides = array<i32>} : memref<112x192xf32, #tpu.memory_space<vmem>>, vector<1x16xf32>,
        %get3A_384 = vector.shape_cast %get3A_383 : vector<1x16xf32> to vector<16xf32>
        %mul3A_385 = vector.broadcast %squeeze3A_89 : f32 to vector<16xf32>
        %mul3A_386 = arith.mulf %mul3A_385, %get3A_384 : vector<16xf32>
        %add3A_387 = arith.addf %add3A_376, %mul3A_386 : vector<16xf32>
        %mul3A_388 = arith.constant 16 : i32
        %mul3A_389 = arith.muli %scan3A_64, %mul3A_388 : i32
        %add3A_390 = arith.constant 10 : i32
        %add3A_391 = arith.addi %mul3A_389, %add3A_390 : i32
        %get3A_392 = arith.index_cast %add3A_391 : i32 to index
        %get3A_393 = arith.constant 16 : index
        %get3A_394 = tpu.vector_load %arg8[%get3A_392, %get3A_393] {strides = array<i32>} : memref<112x192xf32, #tpu.memory_space<vmem>>, vector<1x16xf32>,
        %get3A_395 = vector.shape_cast %get3A_394 : vector<1x16xf32> to vector<16xf32>
        %mul3A_396 = vector.broadcast %squeeze3A_91 : f32 to vector<16xf32>
        %mul3A_397 = arith.mulf %mul3A_396, %get3A_395 : vector<16xf32>
        %add3A_398 = arith.addf %add3A_387, %mul3A_397 : vector<16xf32>
        %mul3A_399 = arith.constant 16 : i32
        %mul3A_400 = arith.muli %scan3A_64, %mul3A_399 : i32
        %add3A_401 = arith.constant 11 : i32
        %add3A_402 = arith.addi %mul3A_400, %add3A_401 : i32
        %get3A_403 = arith.index_cast %add3A_402 : i32 to index
        %get3A_404 = arith.constant 16 : index
        %get3A_405 = tpu.vector_load %arg8[%get3A_403, %get3A_404] {strides = array<i32>} : memref<112x192xf32, #tpu.memory_space<vmem>>, vector<1x16xf32>,
        %get3A_406 = vector.shape_cast %get3A_405 : vector<1x16xf32> to vector<16xf32>
        %mul3A_407 = vector.broadcast %squeeze3A_93 : f32 to vector<16xf32>
        %mul3A_408 = arith.mulf %mul3A_407, %get3A_406 : vector<16xf32>
        %add3A_409 = arith.addf %add3A_398, %mul3A_408 : vector<16xf32>
        %mul3A_410 = arith.constant 16 : i32
        %mul3A_411 = arith.muli %scan3A_64, %mul3A_410 : i32
        %add3A_412 = arith.constant 12 : i32
        %add3A_413 = arith.addi %mul3A_411, %add3A_412 : i32
        %get3A_414 = arith.index_cast %add3A_413 : i32 to index
        %get3A_415 = arith.constant 16 : index
        %get3A_416 = tpu.vector_load %arg8[%get3A_414, %get3A_415] {strides = array<i32>} : memref<112x192xf32, #tpu.memory_space<vmem>>, vector<1x16xf32>,
        %get3A_417 = vector.shape_cast %get3A_416 : vector<1x16xf32> to vector<16xf32>
        %mul3A_418 = vector.broadcast %squeeze3A_95 : f32 to vector<16xf32>
        %mul3A_419 = arith.mulf %mul3A_418, %get3A_417 : vector<16xf32>
        %add3A_420 = arith.addf %add3A_409, %mul3A_419 : vector<16xf32>
        %mul3A_421 = arith.constant 16 : i32
        %mul3A_422 = arith.muli %scan3A_64, %mul3A_421 : i32
        %add3A_423 = arith.constant 13 : i32
        %add3A_424 = arith.addi %mul3A_422, %add3A_423 : i32
        %get3A_425 = arith.index_cast %add3A_424 : i32 to index
        %get3A_426 = arith.constant 16 : index
        %get3A_427 = tpu.vector_load %arg8[%get3A_425, %get3A_426] {strides = array<i32>} : memref<112x192xf32, #tpu.memory_space<vmem>>, vector<1x16xf32>,
        %get3A_428 = vector.shape_cast %get3A_427 : vector<1x16xf32> to vector<16xf32>
        %mul3A_429 = vector.broadcast %squeeze3A_97 : f32 to vector<16xf32>
        %mul3A_430 = arith.mulf %mul3A_429, %get3A_428 : vector<16xf32>
        %add3A_431 = arith.addf %add3A_420, %mul3A_430 : vector<16xf32>
        %mul3A_432 = arith.constant 16 : i32
        %mul3A_433 = arith.muli %scan3A_64, %mul3A_432 : i32
        %add3A_434 = arith.constant 14 : i32
        %add3A_435 = arith.addi %mul3A_433, %add3A_434 : i32
        %get3A_436 = arith.index_cast %add3A_435 : i32 to index
        %get3A_437 = arith.constant 16 : index
        %get3A_438 = tpu.vector_load %arg8[%get3A_436, %get3A_437] {strides = array<i32>} : memref<112x192xf32, #tpu.memory_space<vmem>>, vector<1x16xf32>,
        %get3A_439 = vector.shape_cast %get3A_438 : vector<1x16xf32> to vector<16xf32>
        %mul3A_440 = vector.broadcast %squeeze3A_99 : f32 to vector<16xf32>
        %mul3A_441 = arith.mulf %mul3A_440, %get3A_439 : vector<16xf32>
        %add3A_442 = arith.addf %add3A_431, %mul3A_441 : vector<16xf32>
        %mul3A_443 = arith.constant 16 : i32
        %mul3A_444 = arith.muli %scan3A_64, %mul3A_443 : i32
        %add3A_445 = arith.constant 15 : i32
        %add3A_446 = arith.addi %mul3A_444, %add3A_445 : i32
        %get3A_447 = arith.index_cast %add3A_446 : i32 to index
        %get3A_448 = arith.constant 16 : index
        %get3A_449 = tpu.vector_load %arg8[%get3A_447, %get3A_448] {strides = array<i32>} : memref<112x192xf32, #tpu.memory_space<vmem>>, vector<1x16xf32>,
        %get3A_450 = vector.shape_cast %get3A_449 : vector<1x16xf32> to vector<16xf32>
        %mul3A_451 = vector.broadcast %squeeze3A_101 : f32 to vector<16xf32>
        %mul3A_452 = arith.mulf %mul3A_451, %get3A_450 : vector<16xf32>
        %add3A_453 = arith.addf %add3A_442, %mul3A_452 : vector<16xf32>
        %rem3A_454 = arith.constant 49 : i32
        %rem3A_455 = arith.remsi %add3A_67, %rem3A_454 : i32
        %swap3A_456 = arith.index_cast %rem3A_455 : i32 to index
        %swap3A_457 = arith.constant 16 : index
        %swap3A_458 = tpu.vector_load %arg10[%swap3A_456, %swap3A_457] {strides = array<i32>} : memref<49x192xf32, #tpu.memory_space<vmem>>, vector<1x16xf32>,
        %swap3A_459 = vector.shape_cast %swap3A_458 : vector<1x16xf32> to vector<16xf32>
        %swap3A_460 = vector.shape_cast %add3A_453 : vector<16xf32> to vector<1x16xf32>
        tpu.vector_store %arg10[%swap3A_456, %swap3A_457], %swap3A_460 {strides = array<i32>} : memref<49x192xf32, #tpu.memory_space<vmem>>, vector<1x16xf32>,
        %mul3A_461 = arith.constant 16 : i32
        %mul3A_462 = arith.muli %scan3A_64, %mul3A_461 : i32
        %get3A_463 = arith.index_cast %mul3A_462 : i32 to index
        %get3A_464 = arith.constant 32 : index
        %get3A_465 = tpu.vector_load %arg8[%get3A_463, %get3A_464] {strides = array<i32>} : memref<112x192xf32, #tpu.memory_space<vmem>>, vector<1x16xf32>,
        %get3A_466 = vector.shape_cast %get3A_465 : vector<1x16xf32> to vector<16xf32>
        %mul3A_467 = vector.broadcast %squeeze3A : f32 to vector<16xf32>
        %mul3A_468 = arith.mulf %mul3A_467, %get3A_466 : vector<16xf32>
        %mul3A_469 = arith.constant 16 : i32
        %mul3A_470 = arith.muli %scan3A_64, %mul3A_469 : i32
        %add3A_471 = arith.constant 1 : i32
        %add3A_472 = arith.addi %mul3A_470, %add3A_471 : i32
        %get3A_473 = arith.index_cast %add3A_472 : i32 to index
        %get3A_474 = arith.constant 32 : index
        %get3A_475 = tpu.vector_load %arg8[%get3A_473, %get3A_474] {strides = array<i32>} : memref<112x192xf32, #tpu.memory_space<vmem>>, vector<1x16xf32>,
        %get3A_476 = vector.shape_cast %get3A_475 : vector<1x16xf32> to vector<16xf32>
        %mul3A_477 = vector.broadcast %squeeze3A_73 : f32 to vector<16xf32>
        %mul3A_478 = arith.mulf %mul3A_477, %get3A_476 : vector<16xf32>
        %add3A_479 = arith.addf %mul3A_468, %mul3A_478 : vector<16xf32>
        %mul3A_480 = arith.constant 16 : i32
        %mul3A_481 = arith.muli %scan3A_64, %mul3A_480 : i32
        %add3A_482 = arith.constant 2 : i32
        %add3A_483 = arith.addi %mul3A_481, %add3A_482 : i32
        %get3A_484 = arith.index_cast %add3A_483 : i32 to index
        %get3A_485 = arith.constant 32 : index
        %get3A_486 = tpu.vector_load %arg8[%get3A_484, %get3A_485] {strides = array<i32>} : memref<112x192xf32, #tpu.memory_space<vmem>>, vector<1x16xf32>,
        %get3A_487 = vector.shape_cast %get3A_486 : vector<1x16xf32> to vector<16xf32>
        %mul3A_488 = vector.broadcast %squeeze3A_75 : f32 to vector<16xf32>
        %mul3A_489 = arith.mulf %mul3A_488, %get3A_487 : vector<16xf32>
        %add3A_490 = arith.addf %add3A_479, %mul3A_489 : vector<16xf32>
        %mul3A_491 = arith.constant 16 : i32
        %mul3A_492 = arith.muli %scan3A_64, %mul3A_491 : i32
        %add3A_493 = arith.constant 3 : i32
        %add3A_494 = arith.addi %mul3A_492, %add3A_493 : i32
        %get3A_495 = arith.index_cast %add3A_494 : i32 to index
        %get3A_496 = arith.constant 32 : index
        %get3A_497 = tpu.vector_load %arg8[%get3A_495, %get3A_496] {strides = array<i32>} : memref<112x192xf32, #tpu.memory_space<vmem>>, vector<1x16xf32>,
        %get3A_498 = vector.shape_cast %get3A_497 : vector<1x16xf32> to vector<16xf32>
        %mul3A_499 = vector.broadcast %squeeze3A_77 : f32 to vector<16xf32>
        %mul3A_500 = arith.mulf %mul3A_499, %get3A_498 : vector<16xf32>
        %add3A_501 = arith.addf %add3A_490, %mul3A_500 : vector<16xf32>
        %mul3A_502 = arith.constant 16 : i32
        %mul3A_503 = arith.muli %scan3A_64, %mul3A_502 : i32
        %add3A_504 = arith.constant 4 : i32
        %add3A_505 = arith.addi %mul3A_503, %add3A_504 : i32
        %get3A_506 = arith.index_cast %add3A_505 : i32 to index
        %get3A_507 = arith.constant 32 : index
        %get3A_508 = tpu.vector_load %arg8[%get3A_506, %get3A_507] {strides = array<i32>} : memref<112x192xf32, #tpu.memory_space<vmem>>, vector<1x16xf32>,
        %get3A_509 = vector.shape_cast %get3A_508 : vector<1x16xf32> to vector<16xf32>
        %mul3A_510 = vector.broadcast %squeeze3A_79 : f32 to vector<16xf32>
        %mul3A_511 = arith.mulf %mul3A_510, %get3A_509 : vector<16xf32>
        %add3A_512 = arith.addf %add3A_501, %mul3A_511 : vector<16xf32>
        %mul3A_513 = arith.constant 16 : i32
        %mul3A_514 = arith.muli %scan3A_64, %mul3A_513 : i32
        %add3A_515 = arith.constant 5 : i32
        %add3A_516 = arith.addi %mul3A_514, %add3A_515 : i32
        %get3A_517 = arith.index_cast %add3A_516 : i32 to index
        %get3A_518 = arith.constant 32 : index
        %get3A_519 = tpu.vector_load %arg8[%get3A_517, %get3A_518] {strides = array<i32>} : memref<112x192xf32, #tpu.memory_space<vmem>>, vector<1x16xf32>,
        %get3A_520 = vector.shape_cast %get3A_519 : vector<1x16xf32> to vector<16xf32>
        %mul3A_521 = vector.broadcast %squeeze3A_81 : f32 to vector<16xf32>
        %mul3A_522 = arith.mulf %mul3A_521, %get3A_520 : vector<16xf32>
        %add3A_523 = arith.addf %add3A_512, %mul3A_522 : vector<16xf32>
        %mul3A_524 = arith.constant 16 : i32
        %mul3A_525 = arith.muli %scan3A_64, %mul3A_524 : i32
        %add3A_526 = arith.constant 6 : i32
        %add3A_527 = arith.addi %mul3A_525, %add3A_526 : i32
        %get3A_528 = arith.index_cast %add3A_527 : i32 to index
        %get3A_529 = arith.constant 32 : index
        %get3A_530 = tpu.vector_load %arg8[%get3A_528, %get3A_529] {strides = array<i32>} : memref<112x192xf32, #tpu.memory_space<vmem>>, vector<1x16xf32>,
        %get3A_531 = vector.shape_cast %get3A_530 : vector<1x16xf32> to vector<16xf32>
        %mul3A_532 = vector.broadcast %squeeze3A_83 : f32 to vector<16xf32>
        %mul3A_533 = arith.mulf %mul3A_532, %get3A_531 : vector<16xf32>
        %add3A_534 = arith.addf %add3A_523, %mul3A_533 : vector<16xf32>
        %mul3A_535 = arith.constant 16 : i32
        %mul3A_536 = arith.muli %scan3A_64, %mul3A_535 : i32
        %add3A_537 = arith.constant 7 : i32
        %add3A_538 = arith.addi %mul3A_536, %add3A_537 : i32
        %get3A_539 = arith.index_cast %add3A_538 : i32 to index
        %get3A_540 = arith.constant 32 : index
        %get3A_541 = tpu.vector_load %arg8[%get3A_539, %get3A_540] {strides = array<i32>} : memref<112x192xf32, #tpu.memory_space<vmem>>, vector<1x16xf32>,
        %get3A_542 = vector.shape_cast %get3A_541 : vector<1x16xf32> to vector<16xf32>
        %mul3A_543 = vector.broadcast %squeeze3A_85 : f32 to vector<16xf32>
        %mul3A_544 = arith.mulf %mul3A_543, %get3A_542 : vector<16xf32>
        %add3A_545 = arith.addf %add3A_534, %mul3A_544 : vector<16xf32>
        %mul3A_546 = arith.constant 16 : i32
        %mul3A_547 = arith.muli %scan3A_64, %mul3A_546 : i32
        %add3A_548 = arith.constant 8 : i32
        %add3A_549 = arith.addi %mul3A_547, %add3A_548 : i32
        %get3A_550 = arith.index_cast %add3A_549 : i32 to index
        %get3A_551 = arith.constant 32 : index
        %get3A_552 = tpu.vector_load %arg8[%get3A_550, %get3A_551] {strides = array<i32>} : memref<112x192xf32, #tpu.memory_space<vmem>>, vector<1x16xf32>,
        %get3A_553 = vector.shape_cast %get3A_552 : vector<1x16xf32> to vector<16xf32>
        %mul3A_554 = vector.broadcast %squeeze3A_87 : f32 to vector<16xf32>
        %mul3A_555 = arith.mulf %mul3A_554, %get3A_553 : vector<16xf32>
        %add3A_556 = arith.addf %add3A_545, %mul3A_555 : vector<16xf32>
        %mul3A_557 = arith.constant 16 : i32
        %mul3A_558 = arith.muli %scan3A_64, %mul3A_557 : i32
        %add3A_559 = arith.constant 9 : i32
        %add3A_560 = arith.addi %mul3A_558, %add3A_559 : i32
        %get3A_561 = arith.index_cast %add3A_560 : i32 to index
        %get3A_562 = arith.constant 32 : index
        %get3A_563 = tpu.vector_load %arg8[%get3A_561, %get3A_562] {strides = array<i32>} : memref<112x192xf32, #tpu.memory_space<vmem>>, vector<1x16xf32>,
        %get3A_564 = vector.shape_cast %get3A_563 : vector<1x16xf32> to vector<16xf32>
        %mul3A_565 = vector.broadcast %squeeze3A_89 : f32 to vector<16xf32>
        %mul3A_566 = arith.mulf %mul3A_565, %get3A_564 : vector<16xf32>
        %add3A_567 = arith.addf %add3A_556, %mul3A_566 : vector<16xf32>
        %mul3A_568 = arith.constant 16 : i32
        %mul3A_569 = arith.muli %scan3A_64, %mul3A_568 : i32
        %add3A_570 = arith.constant 10 : i32
        %add3A_571 = arith.addi %mul3A_569, %add3A_570 : i32
        %get3A_572 = arith.index_cast %add3A_571 : i32 to index
        %get3A_573 = arith.constant 32 : index
        %get3A_574 = tpu.vector_load %arg8[%get3A_572, %get3A_573] {strides = array<i32>} : memref<112x192xf32, #tpu.memory_space<vmem>>, vector<1x16xf32>,
        %get3A_575 = vector.shape_cast %get3A_574 : vector<1x16xf32> to vector<16xf32>
        %mul3A_576 = vector.broadcast %squeeze3A_91 : f32 to vector<16xf32>
        %mul3A_577 = arith.mulf %mul3A_576, %get3A_575 : vector<16xf32>
        %add3A_578 = arith.addf %add3A_567, %mul3A_577 : vector<16xf32>
        %mul3A_579 = arith.constant 16 : i32
        %mul3A_580 = arith.muli %scan3A_64, %mul3A_579 : i32
        %add3A_581 = arith.constant 11 : i32
        %add3A_582 = arith.addi %mul3A_580, %add3A_581 : i32
        %get3A_583 = arith.index_cast %add3A_582 : i32 to index
        %get3A_584 = arith.constant 32 : index
        %get3A_585 = tpu.vector_load %arg8[%get3A_583, %get3A_584] {strides = array<i32>} : memref<112x192xf32, #tpu.memory_space<vmem>>, vector<1x16xf32>,
        %get3A_586 = vector.shape_cast %get3A_585 : vector<1x16xf32> to vector<16xf32>
        %mul3A_587 = vector.broadcast %squeeze3A_93 : f32 to vector<16xf32>
        %mul3A_588 = arith.mulf %mul3A_587, %get3A_586 : vector<16xf32>
        %add3A_589 = arith.addf %add3A_578, %mul3A_588 : vector<16xf32>
        %mul3A_590 = arith.constant 16 : i32
        %mul3A_591 = arith.muli %scan3A_64, %mul3A_590 : i32
        %add3A_592 = arith.constant 12 : i32
        %add3A_593 = arith.addi %mul3A_591, %add3A_592 : i32
        %get3A_594 = arith.index_cast %add3A_593 : i32 to index
        %get3A_595 = arith.constant 32 : index
        %get3A_596 = tpu.vector_load %arg8[%get3A_594, %get3A_595] {strides = array<i32>} : memref<112x192xf32, #tpu.memory_space<vmem>>, vector<1x16xf32>,
        %get3A_597 = vector.shape_cast %get3A_596 : vector<1x16xf32> to vector<16xf32>
        %mul3A_598 = vector.broadcast %squeeze3A_95 : f32 to vector<16xf32>
        %mul3A_599 = arith.mulf %mul3A_598, %get3A_597 : vector<16xf32>
        %add3A_600 = arith.addf %add3A_589, %mul3A_599 : vector<16xf32>
        %mul3A_601 = arith.constant 16 : i32
        %mul3A_602 = arith.muli %scan3A_64, %mul3A_601 : i32
        %add3A_603 = arith.constant 13 : i32
        %add3A_604 = arith.addi %mul3A_602, %add3A_603 : i32
        %get3A_605 = arith.index_cast %add3A_604 : i32 to index
        %get3A_606 = arith.constant 32 : index
        %get3A_607 = tpu.vector_load %arg8[%get3A_605, %get3A_606] {strides = array<i32>} : memref<112x192xf32, #tpu.memory_space<vmem>>, vector<1x16xf32>,
        %get3A_608 = vector.shape_cast %get3A_607 : vector<1x16xf32> to vector<16xf32>
        %mul3A_609 = vector.broadcast %squeeze3A_97 : f32 to vector<16xf32>
        %mul3A_610 = arith.mulf %mul3A_609, %get3A_608 : vector<16xf32>
        %add3A_611 = arith.addf %add3A_600, %mul3A_610 : vector<16xf32>
        %mul3A_612 = arith.constant 16 : i32
        %mul3A_613 = arith.muli %scan3A_64, %mul3A_612 : i32
        %add3A_614 = arith.constant 14 : i32
        %add3A_615 = arith.addi %mul3A_613, %add3A_614 : i32
        %get3A_616 = arith.index_cast %add3A_615 : i32 to index
        %get3A_617 = arith.constant 32 : index
        %get3A_618 = tpu.vector_load %arg8[%get3A_616, %get3A_617] {strides = array<i32>} : memref<112x192xf32, #tpu.memory_space<vmem>>, vector<1x16xf32>,
        %get3A_619 = vector.shape_cast %get3A_618 : vector<1x16xf32> to vector<16xf32>
        %mul3A_620 = vector.broadcast %squeeze3A_99 : f32 to vector<16xf32>
        %mul3A_621 = arith.mulf %mul3A_620, %get3A_619 : vector<16xf32>
        %add3A_622 = arith.addf %add3A_611, %mul3A_621 : vector<16xf32>
        %mul3A_623 = arith.constant 16 : i32
        %mul3A_624 = arith.muli %scan3A_64, %mul3A_623 : i32
        %add3A_625 = arith.constant 15 : i32
        %add3A_626 = arith.addi %mul3A_624, %add3A_625 : i32
        %get3A_627 = arith.index_cast %add3A_626 : i32 to index
        %get3A_628 = arith.constant 32 : index
        %get3A_629 = tpu.vector_load %arg8[%get3A_627, %get3A_628] {strides = array<i32>} : memref<112x192xf32, #tpu.memory_space<vmem>>, vector<1x16xf32>,
        %get3A_630 = vector.shape_cast %get3A_629 : vector<1x16xf32> to vector<16xf32>
        %mul3A_631 = vector.broadcast %squeeze3A_101 : f32 to vector<16xf32>
        %mul3A_632 = arith.mulf %mul3A_631, %get3A_630 : vector<16xf32>
        %add3A_633 = arith.addf %add3A_622, %mul3A_632 : vector<16xf32>
        %rem3A_634 = arith.constant 49 : i32
        %rem3A_635 = arith.remsi %add3A_67, %rem3A_634 : i32
        %swap3A_636 = arith.index_cast %rem3A_635 : i32 to index
        %swap3A_637 = arith.constant 32 : index
        %swap3A_638 = tpu.vector_load %arg10[%swap3A_636, %swap3A_637] {strides = array<i32>} : memref<49x192xf32, #tpu.memory_space<vmem>>, vector<1x16xf32>,
        %swap3A_639 = vector.shape_cast %swap3A_638 : vector<1x16xf32> to vector<16xf32>
        %swap3A_640 = vector.shape_cast %add3A_633 : vector<16xf32> to vector<1x16xf32>
        tpu.vector_store %arg10[%swap3A_636, %swap3A_637], %swap3A_640 {strides = array<i32>} : memref<49x192xf32, #tpu.memory_space<vmem>>, vector<1x16xf32>,
        %mul3A_641 = arith.constant 16 : i32
        %mul3A_642 = arith.muli %scan3A_64, %mul3A_641 : i32
        %get3A_643 = arith.index_cast %mul3A_642 : i32 to index
        %get3A_644 = arith.constant 48 : index
        %get3A_645 = tpu.vector_load %arg8[%get3A_643, %get3A_644] {strides = array<i32>} : memref<112x192xf32, #tpu.memory_space<vmem>>, vector<1x16xf32>,
        %get3A_646 = vector.shape_cast %get3A_645 : vector<1x16xf32> to vector<16xf32>
        %mul3A_647 = vector.broadcast %squeeze3A : f32 to vector<16xf32>
        %mul3A_648 = arith.mulf %mul3A_647, %get3A_646 : vector<16xf32>
        %mul3A_649 = arith.constant 16 : i32
        %mul3A_650 = arith.muli %scan3A_64, %mul3A_649 : i32
        %add3A_651 = arith.constant 1 : i32
        %add3A_652 = arith.addi %mul3A_650, %add3A_651 : i32
        %get3A_653 = arith.index_cast %add3A_652 : i32 to index
        %get3A_654 = arith.constant 48 : index
        %get3A_655 = tpu.vector_load %arg8[%get3A_653, %get3A_654] {strides = array<i32>} : memref<112x192xf32, #tpu.memory_space<vmem>>, vector<1x16xf32>,
        %get3A_656 = vector.shape_cast %get3A_655 : vector<1x16xf32> to vector<16xf32>
        %mul3A_657 = vector.broadcast %squeeze3A_73 : f32 to vector<16xf32>
        %mul3A_658 = arith.mulf %mul3A_657, %get3A_656 : vector<16xf32>
        %add3A_659 = arith.addf %mul3A_648, %mul3A_658 : vector<16xf32>
        %mul3A_660 = arith.constant 16 : i32
        %mul3A_661 = arith.muli %scan3A_64, %mul3A_660 : i32
        %add3A_662 = arith.constant 2 : i32
        %add3A_663 = arith.addi %mul3A_661, %add3A_662 : i32
        %get3A_664 = arith.index_cast %add3A_663 : i32 to index
        %get3A_665 = arith.constant 48 : index
        %get3A_666 = tpu.vector_load %arg8[%get3A_664, %get3A_665] {strides = array<i32>} : memref<112x192xf32, #tpu.memory_space<vmem>>, vector<1x16xf32>,
        %get3A_667 = vector.shape_cast %get3A_666 : vector<1x16xf32> to vector<16xf32>
        %mul3A_668 = vector.broadcast %squeeze3A_75 : f32 to vector<16xf32>
        %mul3A_669 = arith.mulf %mul3A_668, %get3A_667 : vector<16xf32>
        %add3A_670 = arith.addf %add3A_659, %mul3A_669 : vector<16xf32>
        %mul3A_671 = arith.constant 16 : i32
        %mul3A_672 = arith.muli %scan3A_64, %mul3A_671 : i32
        %add3A_673 = arith.constant 3 : i32
        %add3A_674 = arith.addi %mul3A_672, %add3A_673 : i32
        %get3A_675 = arith.index_cast %add3A_674 : i32 to index
        %get3A_676 = arith.constant 48 : index
        %get3A_677 = tpu.vector_load %arg8[%get3A_675, %get3A_676] {strides = array<i32>} : memref<112x192xf32, #tpu.memory_space<vmem>>, vector<1x16xf32>,
        %get3A_678 = vector.shape_cast %get3A_677 : vector<1x16xf32> to vector<16xf32>
        %mul3A_679 = vector.broadcast %squeeze3A_77 : f32 to vector<16xf32>
        %mul3A_680 = arith.mulf %mul3A_679, %get3A_678 : vector<16xf32>
        %add3A_681 = arith.addf %add3A_670, %mul3A_680 : vector<16xf32>
        %mul3A_682 = arith.constant 16 : i32
        %mul3A_683 = arith.muli %scan3A_64, %mul3A_682 : i32
        %add3A_684 = arith.constant 4 : i32
        %add3A_685 = arith.addi %mul3A_683, %add3A_684 : i32
        %get3A_686 = arith.index_cast %add3A_685 : i32 to index
        %get3A_687 = arith.constant 48 : index
        %get3A_688 = tpu.vector_load %arg8[%get3A_686, %get3A_687] {strides = array<i32>} : memref<112x192xf32, #tpu.memory_space<vmem>>, vector<1x16xf32>,
        %get3A_689 = vector.shape_cast %get3A_688 : vector<1x16xf32> to vector<16xf32>
        %mul3A_690 = vector.broadcast %squeeze3A_79 : f32 to vector<16xf32>
        %mul3A_691 = arith.mulf %mul3A_690, %get3A_689 : vector<16xf32>
        %add3A_692 = arith.addf %add3A_681, %mul3A_691 : vector<16xf32>
        %mul3A_693 = arith.constant 16 : i32
        %mul3A_694 = arith.muli %scan3A_64, %mul3A_693 : i32
        %add3A_695 = arith.constant 5 : i32
        %add3A_696 = arith.addi %mul3A_694, %add3A_695 : i32
        %get3A_697 = arith.index_cast %add3A_696 : i32 to index
        %get3A_698 = arith.constant 48 : index
        %get3A_699 = tpu.vector_load %arg8[%get3A_697, %get3A_698] {strides = array<i32>} : memref<112x192xf32, #tpu.memory_space<vmem>>, vector<1x16xf32>,
        %get3A_700 = vector.shape_cast %get3A_699 : vector<1x16xf32> to vector<16xf32>
        %mul3A_701 = vector.broadcast %squeeze3A_81 : f32 to vector<16xf32>
        %mul3A_702 = arith.mulf %mul3A_701, %get3A_700 : vector<16xf32>
        %add3A_703 = arith.addf %add3A_692, %mul3A_702 : vector<16xf32>
        %mul3A_704 = arith.constant 16 : i32
        %mul3A_705 = arith.muli %scan3A_64, %mul3A_704 : i32
        %add3A_706 = arith.constant 6 : i32
        %add3A_707 = arith.addi %mul3A_705, %add3A_706 : i32
        %get3A_708 = arith.index_cast %add3A_707 : i32 to index
        %get3A_709 = arith.constant 48 : index
        %get3A_710 = tpu.vector_load %arg8[%get3A_708, %get3A_709] {strides = array<i32>} : memref<112x192xf32, #tpu.memory_space<vmem>>, vector<1x16xf32>,
        %get3A_711 = vector.shape_cast %get3A_710 : vector<1x16xf32> to vector<16xf32>
        %mul3A_712 = vector.broadcast %squeeze3A_83 : f32 to vector<16xf32>
        %mul3A_713 = arith.mulf %mul3A_712, %get3A_711 : vector<16xf32>
        %add3A_714 = arith.addf %add3A_703, %mul3A_713 : vector<16xf32>
        %mul3A_715 = arith.constant 16 : i32
        %mul3A_716 = arith.muli %scan3A_64, %mul3A_715 : i32
        %add3A_717 = arith.constant 7 : i32
        %add3A_718 = arith.addi %mul3A_716, %add3A_717 : i32
        %get3A_719 = arith.index_cast %add3A_718 : i32 to index
        %get3A_720 = arith.constant 48 : index
        %get3A_721 = tpu.vector_load %arg8[%get3A_719, %get3A_720] {strides = array<i32>} : memref<112x192xf32, #tpu.memory_space<vmem>>, vector<1x16xf32>,
        %get3A_722 = vector.shape_cast %get3A_721 : vector<1x16xf32> to vector<16xf32>
        %mul3A_723 = vector.broadcast %squeeze3A_85 : f32 to vector<16xf32>
        %mul3A_724 = arith.mulf %mul3A_723, %get3A_722 : vector<16xf32>
        %add3A_725 = arith.addf %add3A_714, %mul3A_724 : vector<16xf32>
        %mul3A_726 = arith.constant 16 : i32
        %mul3A_727 = arith.muli %scan3A_64, %mul3A_726 : i32
        %add3A_728 = arith.constant 8 : i32
        %add3A_729 = arith.addi %mul3A_727, %add3A_728 : i32
        %get3A_730 = arith.index_cast %add3A_729 : i32 to index
        %get3A_731 = arith.constant 48 : index
        %get3A_732 = tpu.vector_load %arg8[%get3A_730, %get3A_731] {strides = array<i32>} : memref<112x192xf32, #tpu.memory_space<vmem>>, vector<1x16xf32>,
        %get3A_733 = vector.shape_cast %get3A_732 : vector<1x16xf32> to vector<16xf32>
        %mul3A_734 = vector.broadcast %squeeze3A_87 : f32 to vector<16xf32>
        %mul3A_735 = arith.mulf %mul3A_734, %get3A_733 : vector<16xf32>
        %add3A_736 = arith.addf %add3A_725, %mul3A_735 : vector<16xf32>
        %mul3A_737 = arith.constant 16 : i32
        %mul3A_738 = arith.muli %scan3A_64, %mul3A_737 : i32
        %add3A_739 = arith.constant 9 : i32
        %add3A_740 = arith.addi %mul3A_738, %add3A_739 : i32
        %get3A_741 = arith.index_cast %add3A_740 : i32 to index
        %get3A_742 = arith.constant 48 : index
        %get3A_743 = tpu.vector_load %arg8[%get3A_741, %get3A_742] {strides = array<i32>} : memref<112x192xf32, #tpu.memory_space<vmem>>, vector<1x16xf32>,
        %get3A_744 = vector.shape_cast %get3A_743 : vector<1x16xf32> to vector<16xf32>
        %mul3A_745 = vector.broadcast %squeeze3A_89 : f32 to vector<16xf32>
        %mul3A_746 = arith.mulf %mul3A_745, %get3A_744 : vector<16xf32>
        %add3A_747 = arith.addf %add3A_736, %mul3A_746 : vector<16xf32>
        %mul3A_748 = arith.constant 16 : i32
        %mul3A_749 = arith.muli %scan3A_64, %mul3A_748 : i32
        %add3A_750 = arith.constant 10 : i32
        %add3A_751 = arith.addi %mul3A_749, %add3A_750 : i32
        %get3A_752 = arith.index_cast %add3A_751 : i32 to index
        %get3A_753 = arith.constant 48 : index
        %get3A_754 = tpu.vector_load %arg8[%get3A_752, %get3A_753] {strides = array<i32>} : memref<112x192xf32, #tpu.memory_space<vmem>>, vector<1x16xf32>,
        %get3A_755 = vector.shape_cast %get3A_754 : vector<1x16xf32> to vector<16xf32>
        %mul3A_756 = vector.broadcast %squeeze3A_91 : f32 to vector<16xf32>
        %mul3A_757 = arith.mulf %mul3A_756, %get3A_755 : vector<16xf32>
        %add3A_758 = arith.addf %add3A_747, %mul3A_757 : vector<16xf32>
        %mul3A_759 = arith.constant 16 : i32
        %mul3A_760 = arith.muli %scan3A_64, %mul3A_759 : i32
        %add3A_761 = arith.constant 11 : i32
        %add3A_762 = arith.addi %mul3A_760, %add3A_761 : i32
        %get3A_763 = arith.index_cast %add3A_762 : i32 to index
        %get3A_764 = arith.constant 48 : index
        %get3A_765 = tpu.vector_load %arg8[%get3A_763, %get3A_764] {strides = array<i32>} : memref<112x192xf32, #tpu.memory_space<vmem>>, vector<1x16xf32>,
        %get3A_766 = vector.shape_cast %get3A_765 : vector<1x16xf32> to vector<16xf32>
        %mul3A_767 = vector.broadcast %squeeze3A_93 : f32 to vector<16xf32>
        %mul3A_768 = arith.mulf %mul3A_767, %get3A_766 : vector<16xf32>
        %add3A_769 = arith.addf %add3A_758, %mul3A_768 : vector<16xf32>
        %mul3A_770 = arith.constant 16 : i32
        %mul3A_771 = arith.muli %scan3A_64, %mul3A_770 : i32
        %add3A_772 = arith.constant 12 : i32
        %add3A_773 = arith.addi %mul3A_771, %add3A_772 : i32
        %get3A_774 = arith.index_cast %add3A_773 : i32 to index
        %get3A_775 = arith.constant 48 : index
        %get3A_776 = tpu.vector_load %arg8[%get3A_774, %get3A_775] {strides = array<i32>} : memref<112x192xf32, #tpu.memory_space<vmem>>, vector<1x16xf32>,
        %get3A_777 = vector.shape_cast %get3A_776 : vector<1x16xf32> to vector<16xf32>
        %mul3A_778 = vector.broadcast %squeeze3A_95 : f32 to vector<16xf32>
        %mul3A_779 = arith.mulf %mul3A_778, %get3A_777 : vector<16xf32>
        %add3A_780 = arith.addf %add3A_769, %mul3A_779 : vector<16xf32>
        %mul3A_781 = arith.constant 16 : i32
        %mul3A_782 = arith.muli %scan3A_64, %mul3A_781 : i32
        %add3A_783 = arith.constant 13 : i32
        %add3A_784 = arith.addi %mul3A_782, %add3A_783 : i32
        %get3A_785 = arith.index_cast %add3A_784 : i32 to index
        %get3A_786 = arith.constant 48 : index
        %get3A_787 = tpu.vector_load %arg8[%get3A_785, %get3A_786] {strides = array<i32>} : memref<112x192xf32, #tpu.memory_space<vmem>>, vector<1x16xf32>,
        %get3A_788 = vector.shape_cast %get3A_787 : vector<1x16xf32> to vector<16xf32>
        %mul3A_789 = vector.broadcast %squeeze3A_97 : f32 to vector<16xf32>
        %mul3A_790 = arith.mulf %mul3A_789, %get3A_788 : vector<16xf32>
        %add3A_791 = arith.addf %add3A_780, %mul3A_790 : vector<16xf32>
        %mul3A_792 = arith.constant 16 : i32
        %mul3A_793 = arith.muli %scan3A_64, %mul3A_792 : i32
        %add3A_794 = arith.constant 14 : i32
        %add3A_795 = arith.addi %mul3A_793, %add3A_794 : i32
        %get3A_796 = arith.index_cast %add3A_795 : i32 to index
        %get3A_797 = arith.constant 48 : index
        %get3A_798 = tpu.vector_load %arg8[%get3A_796, %get3A_797] {strides = array<i32>} : memref<112x192xf32, #tpu.memory_space<vmem>>, vector<1x16xf32>,
        %get3A_799 = vector.shape_cast %get3A_798 : vector<1x16xf32> to vector<16xf32>
        %mul3A_800 = vector.broadcast %squeeze3A_99 : f32 to vector<16xf32>
        %mul3A_801 = arith.mulf %mul3A_800, %get3A_799 : vector<16xf32>
        %add3A_802 = arith.addf %add3A_791, %mul3A_801 : vector<16xf32>
        %mul3A_803 = arith.constant 16 : i32
        %mul3A_804 = arith.muli %scan3A_64, %mul3A_803 : i32
        %add3A_805 = arith.constant 15 : i32
        %add3A_806 = arith.addi %mul3A_804, %add3A_805 : i32
        %get3A_807 = arith.index_cast %add3A_806 : i32 to index
        %get3A_808 = arith.constant 48 : index
        %get3A_809 = tpu.vector_load %arg8[%get3A_807, %get3A_808] {strides = array<i32>} : memref<112x192xf32, #tpu.memory_space<vmem>>, vector<1x16xf32>,
        %get3A_810 = vector.shape_cast %get3A_809 : vector<1x16xf32> to vector<16xf32>
        %mul3A_811 = vector.broadcast %squeeze3A_101 : f32 to vector<16xf32>
        %mul3A_812 = arith.mulf %mul3A_811, %get3A_810 : vector<16xf32>
        %add3A_813 = arith.addf %add3A_802, %mul3A_812 : vector<16xf32>
        %rem3A_814 = arith.constant 49 : i32
        %rem3A_815 = arith.remsi %add3A_67, %rem3A_814 : i32
        %swap3A_816 = arith.index_cast %rem3A_815 : i32 to index
        %swap3A_817 = arith.constant 48 : index
        %swap3A_818 = tpu.vector_load %arg10[%swap3A_816, %swap3A_817] {strides = array<i32>} : memref<49x192xf32, #tpu.memory_space<vmem>>, vector<1x16xf32>,
        %swap3A_819 = vector.shape_cast %swap3A_818 : vector<1x16xf32> to vector<16xf32>
        %swap3A_820 = vector.shape_cast %add3A_813 : vector<16xf32> to vector<1x16xf32>
        tpu.vector_store %arg10[%swap3A_816, %swap3A_817], %swap3A_820 {strides = array<i32>} : memref<49x192xf32, #tpu.memory_space<vmem>>, vector<1x16xf32>,
        %mul3A_821 = arith.constant 16 : i32
        %mul3A_822 = arith.muli %scan3A_64, %mul3A_821 : i32
        %get3A_823 = arith.index_cast %mul3A_822 : i32 to index
        %get3A_824 = arith.constant 64 : index
        %get3A_825 = tpu.vector_load %arg8[%get3A_823, %get3A_824] {strides = array<i32>} : memref<112x192xf32, #tpu.memory_space<vmem>>, vector<1x16xf32>,
        %get3A_826 = vector.shape_cast %get3A_825 : vector<1x16xf32> to vector<16xf32>
        %mul3A_827 = vector.broadcast %squeeze3A : f32 to vector<16xf32>
        %mul3A_828 = arith.mulf %mul3A_827, %get3A_826 : vector<16xf32>
        %mul3A_829 = arith.constant 16 : i32
        %mul3A_830 = arith.muli %scan3A_64, %mul3A_829 : i32
        %add3A_831 = arith.constant 1 : i32
        %add3A_832 = arith.addi %mul3A_830, %add3A_831 : i32
        %get3A_833 = arith.index_cast %add3A_832 : i32 to index
        %get3A_834 = arith.constant 64 : index
        %get3A_835 = tpu.vector_load %arg8[%get3A_833, %get3A_834] {strides = array<i32>} : memref<112x192xf32, #tpu.memory_space<vmem>>, vector<1x16xf32>,
        %get3A_836 = vector.shape_cast %get3A_835 : vector<1x16xf32> to vector<16xf32>
        %mul3A_837 = vector.broadcast %squeeze3A_73 : f32 to vector<16xf32>
        %mul3A_838 = arith.mulf %mul3A_837, %get3A_836 : vector<16xf32>
        %add3A_839 = arith.addf %mul3A_828, %mul3A_838 : vector<16xf32>
        %mul3A_840 = arith.constant 16 : i32
        %mul3A_841 = arith.muli %scan3A_64, %mul3A_840 : i32
        %add3A_842 = arith.constant 2 : i32
        %add3A_843 = arith.addi %mul3A_841, %add3A_842 : i32
        %get3A_844 = arith.index_cast %add3A_843 : i32 to index
        %get3A_845 = arith.constant 64 : index
        %get3A_846 = tpu.vector_load %arg8[%get3A_844, %get3A_845] {strides = array<i32>} : memref<112x192xf32, #tpu.memory_space<vmem>>, vector<1x16xf32>,
        %get3A_847 = vector.shape_cast %get3A_846 : vector<1x16xf32> to vector<16xf32>
        %mul3A_848 = vector.broadcast %squeeze3A_75 : f32 to vector<16xf32>
        %mul3A_849 = arith.mulf %mul3A_848, %get3A_847 : vector<16xf32>
        %add3A_850 = arith.addf %add3A_839, %mul3A_849 : vector<16xf32>
        %mul3A_851 = arith.constant 16 : i32
        %mul3A_852 = arith.muli %scan3A_64, %mul3A_851 : i32
        %add3A_853 = arith.constant 3 : i32
        %add3A_854 = arith.addi %mul3A_852, %add3A_853 : i32
        %get3A_855 = arith.index_cast %add3A_854 : i32 to index
        %get3A_856 = arith.constant 64 : index
        %get3A_857 = tpu.vector_load %arg8[%get3A_855, %get3A_856] {strides = array<i32>} : memref<112x192xf32, #tpu.memory_space<vmem>>, vector<1x16xf32>,
        %get3A_858 = vector.shape_cast %get3A_857 : vector<1x16xf32> to vector<16xf32>
        %mul3A_859 = vector.broadcast %squeeze3A_77 : f32 to vector<16xf32>
        %mul3A_860 = arith.mulf %mul3A_859, %get3A_858 : vector<16xf32>
        %add3A_861 = arith.addf %add3A_850, %mul3A_860 : vector<16xf32>
        %mul3A_862 = arith.constant 16 : i32
        %mul3A_863 = arith.muli %scan3A_64, %mul3A_862 : i32
        %add3A_864 = arith.constant 4 : i32
        %add3A_865 = arith.addi %mul3A_863, %add3A_864 : i32
        %get3A_866 = arith.index_cast %add3A_865 : i32 to index
        %get3A_867 = arith.constant 64 : index
        %get3A_868 = tpu.vector_load %arg8[%get3A_866, %get3A_867] {strides = array<i32>} : memref<112x192xf32, #tpu.memory_space<vmem>>, vector<1x16xf32>,
        %get3A_869 = vector.shape_cast %get3A_868 : vector<1x16xf32> to vector<16xf32>
        %mul3A_870 = vector.broadcast %squeeze3A_79 : f32 to vector<16xf32>
        %mul3A_871 = arith.mulf %mul3A_870, %get3A_869 : vector<16xf32>
        %add3A_872 = arith.addf %add3A_861, %mul3A_871 : vector<16xf32>
        %mul3A_873 = arith.constant 16 : i32
        %mul3A_874 = arith.muli %scan3A_64, %mul3A_873 : i32
        %add3A_875 = arith.constant 5 : i32
        %add3A_876 = arith.addi %mul3A_874, %add3A_875 : i32
        %get3A_877 = arith.index_cast %add3A_876 : i32 to index
        %get3A_878 = arith.constant 64 : index
        %get3A_879 = tpu.vector_load %arg8[%get3A_877, %get3A_878] {strides = array<i32>} : memref<112x192xf32, #tpu.memory_space<vmem>>, vector<1x16xf32>,
        %get3A_880 = vector.shape_cast %get3A_879 : vector<1x16xf32> to vector<16xf32>
        %mul3A_881 = vector.broadcast %squeeze3A_81 : f32 to vector<16xf32>
        %mul3A_882 = arith.mulf %mul3A_881, %get3A_880 : vector<16xf32>
        %add3A_883 = arith.addf %add3A_872, %mul3A_882 : vector<16xf32>
        %mul3A_884 = arith.constant 16 : i32
        %mul3A_885 = arith.muli %scan3A_64, %mul3A_884 : i32
        %add3A_886 = arith.constant 6 : i32
        %add3A_887 = arith.addi %mul3A_885, %add3A_886 : i32
        %get3A_888 = arith.index_cast %add3A_887 : i32 to index
        %get3A_889 = arith.constant 64 : index
        %get3A_890 = tpu.vector_load %arg8[%get3A_888, %get3A_889] {strides = array<i32>} : memref<112x192xf32, #tpu.memory_space<vmem>>, vector<1x16xf32>,
        %get3A_891 = vector.shape_cast %get3A_890 : vector<1x16xf32> to vector<16xf32>
        %mul3A_892 = vector.broadcast %squeeze3A_83 : f32 to vector<16xf32>
        %mul3A_893 = arith.mulf %mul3A_892, %get3A_891 : vector<16xf32>
        %add3A_894 = arith.addf %add3A_883, %mul3A_893 : vector<16xf32>
        %mul3A_895 = arith.constant 16 : i32
        %mul3A_896 = arith.muli %scan3A_64, %mul3A_895 : i32
        %add3A_897 = arith.constant 7 : i32
        %add3A_898 = arith.addi %mul3A_896, %add3A_897 : i32
        %get3A_899 = arith.index_cast %add3A_898 : i32 to index
        %get3A_900 = arith.constant 64 : index
        %get3A_901 = tpu.vector_load %arg8[%get3A_899, %get3A_900] {strides = array<i32>} : memref<112x192xf32, #tpu.memory_space<vmem>>, vector<1x16xf32>,
        %get3A_902 = vector.shape_cast %get3A_901 : vector<1x16xf32> to vector<16xf32>
        %mul3A_903 = vector.broadcast %squeeze3A_85 : f32 to vector<16xf32>
        %mul3A_904 = arith.mulf %mul3A_903, %get3A_902 : vector<16xf32>
        %add3A_905 = arith.addf %add3A_894, %mul3A_904 : vector<16xf32>
        %mul3A_906 = arith.constant 16 : i32
        %mul3A_907 = arith.muli %scan3A_64, %mul3A_906 : i32
        %add3A_908 = arith.constant 8 : i32
        %add3A_909 = arith.addi %mul3A_907, %add3A_908 : i32
        %get3A_910 = arith.index_cast %add3A_909 : i32 to index
        %get3A_911 = arith.constant 64 : index
        %get3A_912 = tpu.vector_load %arg8[%get3A_910, %get3A_911] {strides = array<i32>} : memref<112x192xf32, #tpu.memory_space<vmem>>, vector<1x16xf32>,
        %get3A_913 = vector.shape_cast %get3A_912 : vector<1x16xf32> to vector<16xf32>
        %mul3A_914 = vector.broadcast %squeeze3A_87 : f32 to vector<16xf32>
        %mul3A_915 = arith.mulf %mul3A_914, %get3A_913 : vector<16xf32>
        %add3A_916 = arith.addf %add3A_905, %mul3A_915 : vector<16xf32>
        %mul3A_917 = arith.constant 16 : i32
        %mul3A_918 = arith.muli %scan3A_64, %mul3A_917 : i32
        %add3A_919 = arith.constant 9 : i32
        %add3A_920 = arith.addi %mul3A_918, %add3A_919 : i32
        %get3A_921 = arith.index_cast %add3A_920 : i32 to index
        %get3A_922 = arith.constant 64 : index
        %get3A_923 = tpu.vector_load %arg8[%get3A_921, %get3A_922] {strides = array<i32>} : memref<112x192xf32, #tpu.memory_space<vmem>>, vector<1x16xf32>,
        %get3A_924 = vector.shape_cast %get3A_923 : vector<1x16xf32> to vector<16xf32>
        %mul3A_925 = vector.broadcast %squeeze3A_89 : f32 to vector<16xf32>
        %mul3A_926 = arith.mulf %mul3A_925, %get3A_924 : vector<16xf32>
        %add3A_927 = arith.addf %add3A_916, %mul3A_926 : vector<16xf32>
        %mul3A_928 = arith.constant 16 : i32
        %mul3A_929 = arith.muli %scan3A_64, %mul3A_928 : i32
        %add3A_930 = arith.constant 10 : i32
        %add3A_931 = arith.addi %mul3A_929, %add3A_930 : i32
        %get3A_932 = arith.index_cast %add3A_931 : i32 to index
        %get3A_933 = arith.constant 64 : index
        %get3A_934 = tpu.vector_load %arg8[%get3A_932, %get3A_933] {strides = array<i32>} : memref<112x192xf32, #tpu.memory_space<vmem>>, vector<1x16xf32>,
        %get3A_935 = vector.shape_cast %get3A_934 : vector<1x16xf32> to vector<16xf32>
        %mul3A_936 = vector.broadcast %squeeze3A_91 : f32 to vector<16xf32>
        %mul3A_937 = arith.mulf %mul3A_936, %get3A_935 : vector<16xf32>
        %add3A_938 = arith.addf %add3A_927, %mul3A_937 : vector<16xf32>
        %mul3A_939 = arith.constant 16 : i32
        %mul3A_940 = arith.muli %scan3A_64, %mul3A_939 : i32
        %add3A_941 = arith.constant 11 : i32
        %add3A_942 = arith.addi %mul3A_940, %add3A_941 : i32
        %get3A_943 = arith.index_cast %add3A_942 : i32 to index
        %get3A_944 = arith.constant 64 : index
        %get3A_945 = tpu.vector_load %arg8[%get3A_943, %get3A_944] {strides = array<i32>} : memref<112x192xf32, #tpu.memory_space<vmem>>, vector<1x16xf32>,
        %get3A_946 = vector.shape_cast %get3A_945 : vector<1x16xf32> to vector<16xf32>
        %mul3A_947 = vector.broadcast %squeeze3A_93 : f32 to vector<16xf32>
        %mul3A_948 = arith.mulf %mul3A_947, %get3A_946 : vector<16xf32>
        %add3A_949 = arith.addf %add3A_938, %mul3A_948 : vector<16xf32>
        %mul3A_950 = arith.constant 16 : i32
        %mul3A_951 = arith.muli %scan3A_64, %mul3A_950 : i32
        %add3A_952 = arith.constant 12 : i32
        %add3A_953 = arith.addi %mul3A_951, %add3A_952 : i32
        %get3A_954 = arith.index_cast %add3A_953 : i32 to index
        %get3A_955 = arith.constant 64 : index
        %get3A_956 = tpu.vector_load %arg8[%get3A_954, %get3A_955] {strides = array<i32>} : memref<112x192xf32, #tpu.memory_space<vmem>>, vector<1x16xf32>,
        %get3A_957 = vector.shape_cast %get3A_956 : vector<1x16xf32> to vector<16xf32>
        %mul3A_958 = vector.broadcast %squeeze3A_95 : f32 to vector<16xf32>
        %mul3A_959 = arith.mulf %mul3A_958, %get3A_957 : vector<16xf32>
        %add3A_960 = arith.addf %add3A_949, %mul3A_959 : vector<16xf32>
        %mul3A_961 = arith.constant 16 : i32
        %mul3A_962 = arith.muli %scan3A_64, %mul3A_961 : i32
        %add3A_963 = arith.constant 13 : i32
        %add3A_964 = arith.addi %mul3A_962, %add3A_963 : i32
        %get3A_965 = arith.index_cast %add3A_964 : i32 to index
        %get3A_966 = arith.constant 64 : index
        %get3A_967 = tpu.vector_load %arg8[%get3A_965, %get3A_966] {strides = array<i32>} : memref<112x192xf32, #tpu.memory_space<vmem>>, vector<1x16xf32>,
        %get3A_968 = vector.shape_cast %get3A_967 : vector<1x16xf32> to vector<16xf32>
        %mul3A_969 = vector.broadcast %squeeze3A_97 : f32 to vector<16xf32>
        %mul3A_970 = arith.mulf %mul3A_969, %get3A_968 : vector<16xf32>
        %add3A_971 = arith.addf %add3A_960, %mul3A_970 : vector<16xf32>
        %mul3A_972 = arith.constant 16 : i32
        %mul3A_973 = arith.muli %scan3A_64, %mul3A_972 : i32
        %add3A_974 = arith.constant 14 : i32
        %add3A_975 = arith.addi %mul3A_973, %add3A_974 : i32
        %get3A_976 = arith.index_cast %add3A_975 : i32 to index
        %get3A_977 = arith.constant 64 : index
        %get3A_978 = tpu.vector_load %arg8[%get3A_976, %get3A_977] {strides = array<i32>} : memref<112x192xf32, #tpu.memory_space<vmem>>, vector<1x16xf32>,
        %get3A_979 = vector.shape_cast %get3A_978 : vector<1x16xf32> to vector<16xf32>
        %mul3A_980 = vector.broadcast %squeeze3A_99 : f32 to vector<16xf32>
        %mul3A_981 = arith.mulf %mul3A_980, %get3A_979 : vector<16xf32>
        %add3A_982 = arith.addf %add3A_971, %mul3A_981 : vector<16xf32>
        %mul3A_983 = arith.constant 16 : i32
        %mul3A_984 = arith.muli %scan3A_64, %mul3A_983 : i32
        %add3A_985 = arith.constant 15 : i32
        %add3A_986 = arith.addi %mul3A_984, %add3A_985 : i32
        %get3A_987 = arith.index_cast %add3A_986 : i32 to index
        %get3A_988 = arith.constant 64 : index
        %get3A_989 = tpu.vector_load %arg8[%get3A_987, %get3A_988] {strides = array<i32>} : memref<112x192xf32, #tpu.memory_space<vmem>>, vector<1x16xf32>,
        %get3A_990 = vector.shape_cast %get3A_989 : vector<1x16xf32> to vector<16xf32>
        %mul3A_991 = vector.broadcast %squeeze3A_101 : f32 to vector<16xf32>
        %mul3A_992 = arith.mulf %mul3A_991, %get3A_990 : vector<16xf32>
        %add3A_993 = arith.addf %add3A_982, %mul3A_992 : vector<16xf32>
        %rem3A_994 = arith.constant 49 : i32
        %rem3A_995 = arith.remsi %add3A_67, %rem3A_994 : i32
        %swap3A_996 = arith.index_cast %rem3A_995 : i32 to index
        %swap3A_997 = arith.constant 64 : index
        %swap3A_998 = tpu.vector_load %arg10[%swap3A_996, %swap3A_997] {strides = array<i32>} : memref<49x192xf32, #tpu.memory_space<vmem>>, vector<1x16xf32>,
        %swap3A_999 = vector.shape_cast %swap3A_998 : vector<1x16xf32> to vector<16xf32>
        %swap3A_1000 = vector.shape_cast %add3A_993 : vector<16xf32> to vector<1x16xf32>
        tpu.vector_store %arg10[%swap3A_996, %swap3A_997], %swap3A_1000 {strides = array<i32>} : memref<49x192xf32, #tpu.memory_space<vmem>>, vector<1x16xf32>,
        %mul3A_1001 = arith.constant 16 : i32
        %mul3A_1002 = arith.muli %scan3A_64, %mul3A_1001 : i32
        %get3A_1003 = arith.index_cast %mul3A_1002 : i32 to index
        %get3A_1004 = arith.constant 80 : index
        %get3A_1005 = tpu.vector_load %arg8[%get3A_1003, %get3A_1004] {strides = array<i32>} : memref<112x192xf32, #tpu.memory_space<vmem>>, vector<1x16xf32>,
        %get3A_1006 = vector.shape_cast %get3A_1005 : vector<1x16xf32> to vector<16xf32>
        %mul3A_1007 = vector.broadcast %squeeze3A : f32 to vector<16xf32>
        %mul3A_1008 = arith.mulf %mul3A_1007, %get3A_1006 : vector<16xf32>
        %mul3A_1009 = arith.constant 16 : i32
        %mul3A_1010 = arith.muli %scan3A_64, %mul3A_1009 : i32
        %add3A_1011 = arith.constant 1 : i32
        %add3A_1012 = arith.addi %mul3A_1010, %add3A_1011 : i32
        %get3A_1013 = arith.index_cast %add3A_1012 : i32 to index
        %get3A_1014 = arith.constant 80 : index
        %get3A_1015 = tpu.vector_load %arg8[%get3A_1013, %get3A_1014] {strides = array<i32>} : memref<112x192xf32, #tpu.memory_space<vmem>>, vector<1x16xf32>,
        %get3A_1016 = vector.shape_cast %get3A_1015 : vector<1x16xf32> to vector<16xf32>
        %mul3A_1017 = vector.broadcast %squeeze3A_73 : f32 to vector<16xf32>
        %mul3A_1018 = arith.mulf %mul3A_1017, %get3A_1016 : vector<16xf32>
        %add3A_1019 = arith.addf %mul3A_1008, %mul3A_1018 : vector<16xf32>
        %mul3A_1020 = arith.constant 16 : i32
        %mul3A_1021 = arith.muli %scan3A_64, %mul3A_1020 : i32
        %add3A_1022 = arith.constant 2 : i32
        %add3A_1023 = arith.addi %mul3A_1021, %add3A_1022 : i32
        %get3A_1024 = arith.index_cast %add3A_1023 : i32 to index
        %get3A_1025 = arith.constant 80 : index
        %get3A_1026 = tpu.vector_load %arg8[%get3A_1024, %get3A_1025] {strides = array<i32>} : memref<112x192xf32, #tpu.memory_space<vmem>>, vector<1x16xf32>,
        %get3A_1027 = vector.shape_cast %get3A_1026 : vector<1x16xf32> to vector<16xf32>
        %mul3A_1028 = vector.broadcast %squeeze3A_75 : f32 to vector<16xf32>
        %mul3A_1029 = arith.mulf %mul3A_1028, %get3A_1027 : vector<16xf32>
        %add3A_1030 = arith.addf %add3A_1019, %mul3A_1029 : vector<16xf32>
        %mul3A_1031 = arith.constant 16 : i32
        %mul3A_1032 = arith.muli %scan3A_64, %mul3A_1031 : i32
        %add3A_1033 = arith.constant 3 : i32
        %add3A_1034 = arith.addi %mul3A_1032, %add3A_1033 : i32
        %get3A_1035 = arith.index_cast %add3A_1034 : i32 to index
        %get3A_1036 = arith.constant 80 : index
        %get3A_1037 = tpu.vector_load %arg8[%get3A_1035, %get3A_1036] {strides = array<i32>} : memref<112x192xf32, #tpu.memory_space<vmem>>, vector<1x16xf32>,
        %get3A_1038 = vector.shape_cast %get3A_1037 : vector<1x16xf32> to vector<16xf32>
        %mul3A_1039 = vector.broadcast %squeeze3A_77 : f32 to vector<16xf32>
        %mul3A_1040 = arith.mulf %mul3A_1039, %get3A_1038 : vector<16xf32>
        %add3A_1041 = arith.addf %add3A_1030, %mul3A_1040 : vector<16xf32>
        %mul3A_1042 = arith.constant 16 : i32
        %mul3A_1043 = arith.muli %scan3A_64, %mul3A_1042 : i32
        %add3A_1044 = arith.constant 4 : i32
        %add3A_1045 = arith.addi %mul3A_1043, %add3A_1044 : i32
        %get3A_1046 = arith.index_cast %add3A_1045 : i32 to index
        %get3A_1047 = arith.constant 80 : index
        %get3A_1048 = tpu.vector_load %arg8[%get3A_1046, %get3A_1047] {strides = array<i32>} : memref<112x192xf32, #tpu.memory_space<vmem>>, vector<1x16xf32>,
        %get3A_1049 = vector.shape_cast %get3A_1048 : vector<1x16xf32> to vector<16xf32>
        %mul3A_1050 = vector.broadcast %squeeze3A_79 : f32 to vector<16xf32>
        %mul3A_1051 = arith.mulf %mul3A_1050, %get3A_1049 : vector<16xf32>
        %add3A_1052 = arith.addf %add3A_1041, %mul3A_1051 : vector<16xf32>
        %mul3A_1053 = arith.constant 16 : i32
        %mul3A_1054 = arith.muli %scan3A_64, %mul3A_1053 : i32
        %add3A_1055 = arith.constant 5 : i32
        %add3A_1056 = arith.addi %mul3A_1054, %add3A_1055 : i32
        %get3A_1057 = arith.index_cast %add3A_1056 : i32 to index
        %get3A_1058 = arith.constant 80 : index
        %get3A_1059 = tpu.vector_load %arg8[%get3A_1057, %get3A_1058] {strides = array<i32>} : memref<112x192xf32, #tpu.memory_space<vmem>>, vector<1x16xf32>,
        %get3A_1060 = vector.shape_cast %get3A_1059 : vector<1x16xf32> to vector<16xf32>
        %mul3A_1061 = vector.broadcast %squeeze3A_81 : f32 to vector<16xf32>
        %mul3A_1062 = arith.mulf %mul3A_1061, %get3A_1060 : vector<16xf32>
        %add3A_1063 = arith.addf %add3A_1052, %mul3A_1062 : vector<16xf32>
        %mul3A_1064 = arith.constant 16 : i32
        %mul3A_1065 = arith.muli %scan3A_64, %mul3A_1064 : i32
        %add3A_1066 = arith.constant 6 : i32
        %add3A_1067 = arith.addi %mul3A_1065, %add3A_1066 : i32
        %get3A_1068 = arith.index_cast %add3A_1067 : i32 to index
        %get3A_1069 = arith.constant 80 : index
        %get3A_1070 = tpu.vector_load %arg8[%get3A_1068, %get3A_1069] {strides = array<i32>} : memref<112x192xf32, #tpu.memory_space<vmem>>, vector<1x16xf32>,
        %get3A_1071 = vector.shape_cast %get3A_1070 : vector<1x16xf32> to vector<16xf32>
        %mul3A_1072 = vector.broadcast %squeeze3A_83 : f32 to vector<16xf32>
        %mul3A_1073 = arith.mulf %mul3A_1072, %get3A_1071 : vector<16xf32>
        %add3A_1074 = arith.addf %add3A_1063, %mul3A_1073 : vector<16xf32>
        %mul3A_1075 = arith.constant 16 : i32
        %mul3A_1076 = arith.muli %scan3A_64, %mul3A_1075 : i32
        %add3A_1077 = arith.constant 7 : i32
        %add3A_1078 = arith.addi %mul3A_1076, %add3A_1077 : i32
        %get3A_1079 = arith.index_cast %add3A_1078 : i32 to index
        %get3A_1080 = arith.constant 80 : index
        %get3A_1081 = tpu.vector_load %arg8[%get3A_1079, %get3A_1080] {strides = array<i32>} : memref<112x192xf32, #tpu.memory_space<vmem>>, vector<1x16xf32>,
        %get3A_1082 = vector.shape_cast %get3A_1081 : vector<1x16xf32> to vector<16xf32>
        %mul3A_1083 = vector.broadcast %squeeze3A_85 : f32 to vector<16xf32>
        %mul3A_1084 = arith.mulf %mul3A_1083, %get3A_1082 : vector<16xf32>
        %add3A_1085 = arith.addf %add3A_1074, %mul3A_1084 : vector<16xf32>
        %mul3A_1086 = arith.constant 16 : i32
        %mul3A_1087 = arith.muli %scan3A_64, %mul3A_1086 : i32
        %add3A_1088 = arith.constant 8 : i32
        %add3A_1089 = arith.addi %mul3A_1087, %add3A_1088 : i32
        %get3A_1090 = arith.index_cast %add3A_1089 : i32 to index
        %get3A_1091 = arith.constant 80 : index
        %get3A_1092 = tpu.vector_load %arg8[%get3A_1090, %get3A_1091] {strides = array<i32>} : memref<112x192xf32, #tpu.memory_space<vmem>>, vector<1x16xf32>,
        %get3A_1093 = vector.shape_cast %get3A_1092 : vector<1x16xf32> to vector<16xf32>
        %mul3A_1094 = vector.broadcast %squeeze3A_87 : f32 to vector<16xf32>
        %mul3A_1095 = arith.mulf %mul3A_1094, %get3A_1093 : vector<16xf32>
        %add3A_1096 = arith.addf %add3A_1085, %mul3A_1095 : vector<16xf32>
        %mul3A_1097 = arith.constant 16 : i32
        %mul3A_1098 = arith.muli %scan3A_64, %mul3A_1097 : i32
        %add3A_1099 = arith.constant 9 : i32
        %add3A_1100 = arith.addi %mul3A_1098, %add3A_1099 : i32
        %get3A_1101 = arith.index_cast %add3A_1100 : i32 to index
        %get3A_1102 = arith.constant 80 : index
        %get3A_1103 = tpu.vector_load %arg8[%get3A_1101, %get3A_1102] {strides = array<i32>} : memref<112x192xf32, #tpu.memory_space<vmem>>, vector<1x16xf32>,
        %get3A_1104 = vector.shape_cast %get3A_1103 : vector<1x16xf32> to vector<16xf32>
        %mul3A_1105 = vector.broadcast %squeeze3A_89 : f32 to vector<16xf32>
        %mul3A_1106 = arith.mulf %mul3A_1105, %get3A_1104 : vector<16xf32>
        %add3A_1107 = arith.addf %add3A_1096, %mul3A_1106 : vector<16xf32>
        %mul3A_1108 = arith.constant 16 : i32
        %mul3A_1109 = arith.muli %scan3A_64, %mul3A_1108 : i32
        %add3A_1110 = arith.constant 10 : i32
        %add3A_1111 = arith.addi %mul3A_1109, %add3A_1110 : i32
        %get3A_1112 = arith.index_cast %add3A_1111 : i32 to index
        %get3A_1113 = arith.constant 80 : index
        %get3A_1114 = tpu.vector_load %arg8[%get3A_1112, %get3A_1113] {strides = array<i32>} : memref<112x192xf32, #tpu.memory_space<vmem>>, vector<1x16xf32>,
        %get3A_1115 = vector.shape_cast %get3A_1114 : vector<1x16xf32> to vector<16xf32>
        %mul3A_1116 = vector.broadcast %squeeze3A_91 : f32 to vector<16xf32>
        %mul3A_1117 = arith.mulf %mul3A_1116, %get3A_1115 : vector<16xf32>
        %add3A_1118 = arith.addf %add3A_1107, %mul3A_1117 : vector<16xf32>
        %mul3A_1119 = arith.constant 16 : i32
        %mul3A_1120 = arith.muli %scan3A_64, %mul3A_1119 : i32
        %add3A_1121 = arith.constant 11 : i32
        %add3A_1122 = arith.addi %mul3A_1120, %add3A_1121 : i32
        %get3A_1123 = arith.index_cast %add3A_1122 : i32 to index
        %get3A_1124 = arith.constant 80 : index
        %get3A_1125 = tpu.vector_load %arg8[%get3A_1123, %get3A_1124] {strides = array<i32>} : memref<112x192xf32, #tpu.memory_space<vmem>>, vector<1x16xf32>,
        %get3A_1126 = vector.shape_cast %get3A_1125 : vector<1x16xf32> to vector<16xf32>
        %mul3A_1127 = vector.broadcast %squeeze3A_93 : f32 to vector<16xf32>
        %mul3A_1128 = arith.mulf %mul3A_1127, %get3A_1126 : vector<16xf32>
        %add3A_1129 = arith.addf %add3A_1118, %mul3A_1128 : vector<16xf32>
        %mul3A_1130 = arith.constant 16 : i32
        %mul3A_1131 = arith.muli %scan3A_64, %mul3A_1130 : i32
        %add3A_1132 = arith.constant 12 : i32
        %add3A_1133 = arith.addi %mul3A_1131, %add3A_1132 : i32
        %get3A_1134 = arith.index_cast %add3A_1133 : i32 to index
        %get3A_1135 = arith.constant 80 : index
        %get3A_1136 = tpu.vector_load %arg8[%get3A_1134, %get3A_1135] {strides = array<i32>} : memref<112x192xf32, #tpu.memory_space<vmem>>, vector<1x16xf32>,
        %get3A_1137 = vector.shape_cast %get3A_1136 : vector<1x16xf32> to vector<16xf32>
        %mul3A_1138 = vector.broadcast %squeeze3A_95 : f32 to vector<16xf32>
        %mul3A_1139 = arith.mulf %mul3A_1138, %get3A_1137 : vector<16xf32>
        %add3A_1140 = arith.addf %add3A_1129, %mul3A_1139 : vector<16xf32>
        %mul3A_1141 = arith.constant 16 : i32
        %mul3A_1142 = arith.muli %scan3A_64, %mul3A_1141 : i32
        %add3A_1143 = arith.constant 13 : i32
        %add3A_1144 = arith.addi %mul3A_1142, %add3A_1143 : i32
        %get3A_1145 = arith.index_cast %add3A_1144 : i32 to index
        %get3A_1146 = arith.constant 80 : index
        %get3A_1147 = tpu.vector_load %arg8[%get3A_1145, %get3A_1146] {strides = array<i32>} : memref<112x192xf32, #tpu.memory_space<vmem>>, vector<1x16xf32>,
        %get3A_1148 = vector.shape_cast %get3A_1147 : vector<1x16xf32> to vector<16xf32>
        %mul3A_1149 = vector.broadcast %squeeze3A_97 : f32 to vector<16xf32>
        %mul3A_1150 = arith.mulf %mul3A_1149, %get3A_1148 : vector<16xf32>
        %add3A_1151 = arith.addf %add3A_1140, %mul3A_1150 : vector<16xf32>
        %mul3A_1152 = arith.constant 16 : i32
        %mul3A_1153 = arith.muli %scan3A_64, %mul3A_1152 : i32
        %add3A_1154 = arith.constant 14 : i32
        %add3A_1155 = arith.addi %mul3A_1153, %add3A_1154 : i32
        %get3A_1156 = arith.index_cast %add3A_1155 : i32 to index
        %get3A_1157 = arith.constant 80 : index
        %get3A_1158 = tpu.vector_load %arg8[%get3A_1156, %get3A_1157] {strides = array<i32>} : memref<112x192xf32, #tpu.memory_space<vmem>>, vector<1x16xf32>,
        %get3A_1159 = vector.shape_cast %get3A_1158 : vector<1x16xf32> to vector<16xf32>
        %mul3A_1160 = vector.broadcast %squeeze3A_99 : f32 to vector<16xf32>
        %mul3A_1161 = arith.mulf %mul3A_1160, %get3A_1159 : vector<16xf32>
        %add3A_1162 = arith.addf %add3A_1151, %mul3A_1161 : vector<16xf32>
        %mul3A_1163 = arith.constant 16 : i32
        %mul3A_1164 = arith.muli %scan3A_64, %mul3A_1163 : i32
        %add3A_1165 = arith.constant 15 : i32
        %add3A_1166 = arith.addi %mul3A_1164, %add3A_1165 : i32
        %get3A_1167 = arith.index_cast %add3A_1166 : i32 to index
        %get3A_1168 = arith.constant 80 : index
        %get3A_1169 = tpu.vector_load %arg8[%get3A_1167, %get3A_1168] {strides = array<i32>} : memref<112x192xf32, #tpu.memory_space<vmem>>, vector<1x16xf32>,
        %get3A_1170 = vector.shape_cast %get3A_1169 : vector<1x16xf32> to vector<16xf32>
        %mul3A_1171 = vector.broadcast %squeeze3A_101 : f32 to vector<16xf32>
        %mul3A_1172 = arith.mulf %mul3A_1171, %get3A_1170 : vector<16xf32>
        %add3A_1173 = arith.addf %add3A_1162, %mul3A_1172 : vector<16xf32>
        %rem3A_1174 = arith.constant 49 : i32
        %rem3A_1175 = arith.remsi %add3A_67, %rem3A_1174 : i32
        %swap3A_1176 = arith.index_cast %rem3A_1175 : i32 to index
        %swap3A_1177 = arith.constant 80 : index
        %swap3A_1178 = tpu.vector_load %arg10[%swap3A_1176, %swap3A_1177] {strides = array<i32>} : memref<49x192xf32, #tpu.memory_space<vmem>>, vector<1x16xf32>,
        %swap3A_1179 = vector.shape_cast %swap3A_1178 : vector<1x16xf32> to vector<16xf32>
        %swap3A_1180 = vector.shape_cast %add3A_1173 : vector<16xf32> to vector<1x16xf32>
        tpu.vector_store %arg10[%swap3A_1176, %swap3A_1177], %swap3A_1180 {strides = array<i32>} : memref<49x192xf32, #tpu.memory_space<vmem>>, vector<1x16xf32>,
        %mul3A_1181 = arith.constant 16 : i32
        %mul3A_1182 = arith.muli %scan3A_64, %mul3A_1181 : i32
        %get3A_1183 = arith.index_cast %mul3A_1182 : i32 to index
        %get3A_1184 = arith.constant 96 : index
        %get3A_1185 = tpu.vector_load %arg8[%get3A_1183, %get3A_1184] {strides = array<i32>} : memref<112x192xf32, #tpu.memory_space<vmem>>, vector<1x16xf32>,
        %get3A_1186 = vector.shape_cast %get3A_1185 : vector<1x16xf32> to vector<16xf32>
        %mul3A_1187 = vector.broadcast %squeeze3A : f32 to vector<16xf32>
        %mul3A_1188 = arith.mulf %mul3A_1187, %get3A_1186 : vector<16xf32>
        %mul3A_1189 = arith.constant 16 : i32
        %mul3A_1190 = arith.muli %scan3A_64, %mul3A_1189 : i32
        %add3A_1191 = arith.constant 1 : i32
        %add3A_1192 = arith.addi %mul3A_1190, %add3A_1191 : i32
        %get3A_1193 = arith.index_cast %add3A_1192 : i32 to index
        %get3A_1194 = arith.constant 96 : index
        %get3A_1195 = tpu.vector_load %arg8[%get3A_1193, %get3A_1194] {strides = array<i32>} : memref<112x192xf32, #tpu.memory_space<vmem>>, vector<1x16xf32>,
        %get3A_1196 = vector.shape_cast %get3A_1195 : vector<1x16xf32> to vector<16xf32>
        %mul3A_1197 = vector.broadcast %squeeze3A_73 : f32 to vector<16xf32>
        %mul3A_1198 = arith.mulf %mul3A_1197, %get3A_1196 : vector<16xf32>
        %add3A_1199 = arith.addf %mul3A_1188, %mul3A_1198 : vector<16xf32>
        %mul3A_1200 = arith.constant 16 : i32
        %mul3A_1201 = arith.muli %scan3A_64, %mul3A_1200 : i32
        %add3A_1202 = arith.constant 2 : i32
        %add3A_1203 = arith.addi %mul3A_1201, %add3A_1202 : i32
        %get3A_1204 = arith.index_cast %add3A_1203 : i32 to index
        %get3A_1205 = arith.constant 96 : index
        %get3A_1206 = tpu.vector_load %arg8[%get3A_1204, %get3A_1205] {strides = array<i32>} : memref<112x192xf32, #tpu.memory_space<vmem>>, vector<1x16xf32>,
        %get3A_1207 = vector.shape_cast %get3A_1206 : vector<1x16xf32> to vector<16xf32>
        %mul3A_1208 = vector.broadcast %squeeze3A_75 : f32 to vector<16xf32>
        %mul3A_1209 = arith.mulf %mul3A_1208, %get3A_1207 : vector<16xf32>
        %add3A_1210 = arith.addf %add3A_1199, %mul3A_1209 : vector<16xf32>
        %mul3A_1211 = arith.constant 16 : i32
        %mul3A_1212 = arith.muli %scan3A_64, %mul3A_1211 : i32
        %add3A_1213 = arith.constant 3 : i32
        %add3A_1214 = arith.addi %mul3A_1212, %add3A_1213 : i32
        %get3A_1215 = arith.index_cast %add3A_1214 : i32 to index
        %get3A_1216 = arith.constant 96 : index
        %get3A_1217 = tpu.vector_load %arg8[%get3A_1215, %get3A_1216] {strides = array<i32>} : memref<112x192xf32, #tpu.memory_space<vmem>>, vector<1x16xf32>,
        %get3A_1218 = vector.shape_cast %get3A_1217 : vector<1x16xf32> to vector<16xf32>
        %mul3A_1219 = vector.broadcast %squeeze3A_77 : f32 to vector<16xf32>
        %mul3A_1220 = arith.mulf %mul3A_1219, %get3A_1218 : vector<16xf32>
        %add3A_1221 = arith.addf %add3A_1210, %mul3A_1220 : vector<16xf32>
        %mul3A_1222 = arith.constant 16 : i32
        %mul3A_1223 = arith.muli %scan3A_64, %mul3A_1222 : i32
        %add3A_1224 = arith.constant 4 : i32
        %add3A_1225 = arith.addi %mul3A_1223, %add3A_1224 : i32
        %get3A_1226 = arith.index_cast %add3A_1225 : i32 to index
        %get3A_1227 = arith.constant 96 : index
        %get3A_1228 = tpu.vector_load %arg8[%get3A_1226, %get3A_1227] {strides = array<i32>} : memref<112x192xf32, #tpu.memory_space<vmem>>, vector<1x16xf32>,
        %get3A_1229 = vector.shape_cast %get3A_1228 : vector<1x16xf32> to vector<16xf32>
        %mul3A_1230 = vector.broadcast %squeeze3A_79 : f32 to vector<16xf32>
        %mul3A_1231 = arith.mulf %mul3A_1230, %get3A_1229 : vector<16xf32>
        %add3A_1232 = arith.addf %add3A_1221, %mul3A_1231 : vector<16xf32>
        %mul3A_1233 = arith.constant 16 : i32
        %mul3A_1234 = arith.muli %scan3A_64, %mul3A_1233 : i32
        %add3A_1235 = arith.constant 5 : i32
        %add3A_1236 = arith.addi %mul3A_1234, %add3A_1235 : i32
        %get3A_1237 = arith.index_cast %add3A_1236 : i32 to index
        %get3A_1238 = arith.constant 96 : index
        %get3A_1239 = tpu.vector_load %arg8[%get3A_1237, %get3A_1238] {strides = array<i32>} : memref<112x192xf32, #tpu.memory_space<vmem>>, vector<1x16xf32>,
        %get3A_1240 = vector.shape_cast %get3A_1239 : vector<1x16xf32> to vector<16xf32>
        %mul3A_1241 = vector.broadcast %squeeze3A_81 : f32 to vector<16xf32>
        %mul3A_1242 = arith.mulf %mul3A_1241, %get3A_1240 : vector<16xf32>
        %add3A_1243 = arith.addf %add3A_1232, %mul3A_1242 : vector<16xf32>
        %mul3A_1244 = arith.constant 16 : i32
        %mul3A_1245 = arith.muli %scan3A_64, %mul3A_1244 : i32
        %add3A_1246 = arith.constant 6 : i32
        %add3A_1247 = arith.addi %mul3A_1245, %add3A_1246 : i32
        %get3A_1248 = arith.index_cast %add3A_1247 : i32 to index
        %get3A_1249 = arith.constant 96 : index
        %get3A_1250 = tpu.vector_load %arg8[%get3A_1248, %get3A_1249] {strides = array<i32>} : memref<112x192xf32, #tpu.memory_space<vmem>>, vector<1x16xf32>,
        %get3A_1251 = vector.shape_cast %get3A_1250 : vector<1x16xf32> to vector<16xf32>
        %mul3A_1252 = vector.broadcast %squeeze3A_83 : f32 to vector<16xf32>
        %mul3A_1253 = arith.mulf %mul3A_1252, %get3A_1251 : vector<16xf32>
        %add3A_1254 = arith.addf %add3A_1243, %mul3A_1253 : vector<16xf32>
        %mul3A_1255 = arith.constant 16 : i32
        %mul3A_1256 = arith.muli %scan3A_64, %mul3A_1255 : i32
        %add3A_1257 = arith.constant 7 : i32
        %add3A_1258 = arith.addi %mul3A_1256, %add3A_1257 : i32
        %get3A_1259 = arith.index_cast %add3A_1258 : i32 to index
        %get3A_1260 = arith.constant 96 : index
        %get3A_1261 = tpu.vector_load %arg8[%get3A_1259, %get3A_1260] {strides = array<i32>} : memref<112x192xf32, #tpu.memory_space<vmem>>, vector<1x16xf32>,
        %get3A_1262 = vector.shape_cast %get3A_1261 : vector<1x16xf32> to vector<16xf32>
        %mul3A_1263 = vector.broadcast %squeeze3A_85 : f32 to vector<16xf32>
        %mul3A_1264 = arith.mulf %mul3A_1263, %get3A_1262 : vector<16xf32>
        %add3A_1265 = arith.addf %add3A_1254, %mul3A_1264 : vector<16xf32>
        %mul3A_1266 = arith.constant 16 : i32
        %mul3A_1267 = arith.muli %scan3A_64, %mul3A_1266 : i32
        %add3A_1268 = arith.constant 8 : i32
        %add3A_1269 = arith.addi %mul3A_1267, %add3A_1268 : i32
        %get3A_1270 = arith.index_cast %add3A_1269 : i32 to index
        %get3A_1271 = arith.constant 96 : index
        %get3A_1272 = tpu.vector_load %arg8[%get3A_1270, %get3A_1271] {strides = array<i32>} : memref<112x192xf32, #tpu.memory_space<vmem>>, vector<1x16xf32>,
        %get3A_1273 = vector.shape_cast %get3A_1272 : vector<1x16xf32> to vector<16xf32>
        %mul3A_1274 = vector.broadcast %squeeze3A_87 : f32 to vector<16xf32>
        %mul3A_1275 = arith.mulf %mul3A_1274, %get3A_1273 : vector<16xf32>
        %add3A_1276 = arith.addf %add3A_1265, %mul3A_1275 : vector<16xf32>
        %mul3A_1277 = arith.constant 16 : i32
        %mul3A_1278 = arith.muli %scan3A_64, %mul3A_1277 : i32
        %add3A_1279 = arith.constant 9 : i32
        %add3A_1280 = arith.addi %mul3A_1278, %add3A_1279 : i32
        %get3A_1281 = arith.index_cast %add3A_1280 : i32 to index
        %get3A_1282 = arith.constant 96 : index
        %get3A_1283 = tpu.vector_load %arg8[%get3A_1281, %get3A_1282] {strides = array<i32>} : memref<112x192xf32, #tpu.memory_space<vmem>>, vector<1x16xf32>,
        %get3A_1284 = vector.shape_cast %get3A_1283 : vector<1x16xf32> to vector<16xf32>
        %mul3A_1285 = vector.broadcast %squeeze3A_89 : f32 to vector<16xf32>
        %mul3A_1286 = arith.mulf %mul3A_1285, %get3A_1284 : vector<16xf32>
        %add3A_1287 = arith.addf %add3A_1276, %mul3A_1286 : vector<16xf32>
        %mul3A_1288 = arith.constant 16 : i32
        %mul3A_1289 = arith.muli %scan3A_64, %mul3A_1288 : i32
        %add3A_1290 = arith.constant 10 : i32
        %add3A_1291 = arith.addi %mul3A_1289, %add3A_1290 : i32
        %get3A_1292 = arith.index_cast %add3A_1291 : i32 to index
        %get3A_1293 = arith.constant 96 : index
        %get3A_1294 = tpu.vector_load %arg8[%get3A_1292, %get3A_1293] {strides = array<i32>} : memref<112x192xf32, #tpu.memory_space<vmem>>, vector<1x16xf32>,
        %get3A_1295 = vector.shape_cast %get3A_1294 : vector<1x16xf32> to vector<16xf32>
        %mul3A_1296 = vector.broadcast %squeeze3A_91 : f32 to vector<16xf32>
        %mul3A_1297 = arith.mulf %mul3A_1296, %get3A_1295 : vector<16xf32>
        %add3A_1298 = arith.addf %add3A_1287, %mul3A_1297 : vector<16xf32>
        %mul3A_1299 = arith.constant 16 : i32
        %mul3A_1300 = arith.muli %scan3A_64, %mul3A_1299 : i32
        %add3A_1301 = arith.constant 11 : i32
        %add3A_1302 = arith.addi %mul3A_1300, %add3A_1301 : i32
        %get3A_1303 = arith.index_cast %add3A_1302 : i32 to index
        %get3A_1304 = arith.constant 96 : index
        %get3A_1305 = tpu.vector_load %arg8[%get3A_1303, %get3A_1304] {strides = array<i32>} : memref<112x192xf32, #tpu.memory_space<vmem>>, vector<1x16xf32>,
        %get3A_1306 = vector.shape_cast %get3A_1305 : vector<1x16xf32> to vector<16xf32>
        %mul3A_1307 = vector.broadcast %squeeze3A_93 : f32 to vector<16xf32>
        %mul3A_1308 = arith.mulf %mul3A_1307, %get3A_1306 : vector<16xf32>
        %add3A_1309 = arith.addf %add3A_1298, %mul3A_1308 : vector<16xf32>
        %mul3A_1310 = arith.constant 16 : i32
        %mul3A_1311 = arith.muli %scan3A_64, %mul3A_1310 : i32
        %add3A_1312 = arith.constant 12 : i32
        %add3A_1313 = arith.addi %mul3A_1311, %add3A_1312 : i32
        %get3A_1314 = arith.index_cast %add3A_1313 : i32 to index
        %get3A_1315 = arith.constant 96 : index
        %get3A_1316 = tpu.vector_load %arg8[%get3A_1314, %get3A_1315] {strides = array<i32>} : memref<112x192xf32, #tpu.memory_space<vmem>>, vector<1x16xf32>,
        %get3A_1317 = vector.shape_cast %get3A_1316 : vector<1x16xf32> to vector<16xf32>
        %mul3A_1318 = vector.broadcast %squeeze3A_95 : f32 to vector<16xf32>
        %mul3A_1319 = arith.mulf %mul3A_1318, %get3A_1317 : vector<16xf32>
        %add3A_1320 = arith.addf %add3A_1309, %mul3A_1319 : vector<16xf32>
        %mul3A_1321 = arith.constant 16 : i32
        %mul3A_1322 = arith.muli %scan3A_64, %mul3A_1321 : i32
        %add3A_1323 = arith.constant 13 : i32
        %add3A_1324 = arith.addi %mul3A_1322, %add3A_1323 : i32
        %get3A_1325 = arith.index_cast %add3A_1324 : i32 to index
        %get3A_1326 = arith.constant 96 : index
        %get3A_1327 = tpu.vector_load %arg8[%get3A_1325, %get3A_1326] {strides = array<i32>} : memref<112x192xf32, #tpu.memory_space<vmem>>, vector<1x16xf32>,
        %get3A_1328 = vector.shape_cast %get3A_1327 : vector<1x16xf32> to vector<16xf32>
        %mul3A_1329 = vector.broadcast %squeeze3A_97 : f32 to vector<16xf32>
        %mul3A_1330 = arith.mulf %mul3A_1329, %get3A_1328 : vector<16xf32>
        %add3A_1331 = arith.addf %add3A_1320, %mul3A_1330 : vector<16xf32>
        %mul3A_1332 = arith.constant 16 : i32
        %mul3A_1333 = arith.muli %scan3A_64, %mul3A_1332 : i32
        %add3A_1334 = arith.constant 14 : i32
        %add3A_1335 = arith.addi %mul3A_1333, %add3A_1334 : i32
        %get3A_1336 = arith.index_cast %add3A_1335 : i32 to index
        %get3A_1337 = arith.constant 96 : index
        %get3A_1338 = tpu.vector_load %arg8[%get3A_1336, %get3A_1337] {strides = array<i32>} : memref<112x192xf32, #tpu.memory_space<vmem>>, vector<1x16xf32>,
        %get3A_1339 = vector.shape_cast %get3A_1338 : vector<1x16xf32> to vector<16xf32>
        %mul3A_1340 = vector.broadcast %squeeze3A_99 : f32 to vector<16xf32>
        %mul3A_1341 = arith.mulf %mul3A_1340, %get3A_1339 : vector<16xf32>
        %add3A_1342 = arith.addf %add3A_1331, %mul3A_1341 : vector<16xf32>
        %mul3A_1343 = arith.constant 16 : i32
        %mul3A_1344 = arith.muli %scan3A_64, %mul3A_1343 : i32
        %add3A_1345 = arith.constant 15 : i32
        %add3A_1346 = arith.addi %mul3A_1344, %add3A_1345 : i32
        %get3A_1347 = arith.index_cast %add3A_1346 : i32 to index
        %get3A_1348 = arith.constant 96 : index
        %get3A_1349 = tpu.vector_load %arg8[%get3A_1347, %get3A_1348] {strides = array<i32>} : memref<112x192xf32, #tpu.memory_space<vmem>>, vector<1x16xf32>,
        %get3A_1350 = vector.shape_cast %get3A_1349 : vector<1x16xf32> to vector<16xf32>
        %mul3A_1351 = vector.broadcast %squeeze3A_101 : f32 to vector<16xf32>
        %mul3A_1352 = arith.mulf %mul3A_1351, %get3A_1350 : vector<16xf32>
        %add3A_1353 = arith.addf %add3A_1342, %mul3A_1352 : vector<16xf32>
        %rem3A_1354 = arith.constant 49 : i32
        %rem3A_1355 = arith.remsi %add3A_67, %rem3A_1354 : i32
        %swap3A_1356 = arith.index_cast %rem3A_1355 : i32 to index
        %swap3A_1357 = arith.constant 96 : index
        %swap3A_1358 = tpu.vector_load %arg10[%swap3A_1356, %swap3A_1357] {strides = array<i32>} : memref<49x192xf32, #tpu.memory_space<vmem>>, vector<1x16xf32>,
        %swap3A_1359 = vector.shape_cast %swap3A_1358 : vector<1x16xf32> to vector<16xf32>
        %swap3A_1360 = vector.shape_cast %add3A_1353 : vector<16xf32> to vector<1x16xf32>
        tpu.vector_store %arg10[%swap3A_1356, %swap3A_1357], %swap3A_1360 {strides = array<i32>} : memref<49x192xf32, #tpu.memory_space<vmem>>, vector<1x16xf32>,
        %mul3A_1361 = arith.constant 16 : i32
        %mul3A_1362 = arith.muli %scan3A_64, %mul3A_1361 : i32
        %get3A_1363 = arith.index_cast %mul3A_1362 : i32 to index
        %get3A_1364 = arith.constant 112 : index
        %get3A_1365 = tpu.vector_load %arg8[%get3A_1363, %get3A_1364] {strides = array<i32>} : memref<112x192xf32, #tpu.memory_space<vmem>>, vector<1x16xf32>,
        %get3A_1366 = vector.shape_cast %get3A_1365 : vector<1x16xf32> to vector<16xf32>
        %mul3A_1367 = vector.broadcast %squeeze3A : f32 to vector<16xf32>
        %mul3A_1368 = arith.mulf %mul3A_1367, %get3A_1366 : vector<16xf32>
        %mul3A_1369 = arith.constant 16 : i32
        %mul3A_1370 = arith.muli %scan3A_64, %mul3A_1369 : i32
        %add3A_1371 = arith.constant 1 : i32
        %add3A_1372 = arith.addi %mul3A_1370, %add3A_1371 : i32
        %get3A_1373 = arith.index_cast %add3A_1372 : i32 to index
        %get3A_1374 = arith.constant 112 : index
        %get3A_1375 = tpu.vector_load %arg8[%get3A_1373, %get3A_1374] {strides = array<i32>} : memref<112x192xf32, #tpu.memory_space<vmem>>, vector<1x16xf32>,
        %get3A_1376 = vector.shape_cast %get3A_1375 : vector<1x16xf32> to vector<16xf32>
        %mul3A_1377 = vector.broadcast %squeeze3A_73 : f32 to vector<16xf32>
        %mul3A_1378 = arith.mulf %mul3A_1377, %get3A_1376 : vector<16xf32>
        %add3A_1379 = arith.addf %mul3A_1368, %mul3A_1378 : vector<16xf32>
        %mul3A_1380 = arith.constant 16 : i32
        %mul3A_1381 = arith.muli %scan3A_64, %mul3A_1380 : i32
        %add3A_1382 = arith.constant 2 : i32
        %add3A_1383 = arith.addi %mul3A_1381, %add3A_1382 : i32
        %get3A_1384 = arith.index_cast %add3A_1383 : i32 to index
        %get3A_1385 = arith.constant 112 : index
        %get3A_1386 = tpu.vector_load %arg8[%get3A_1384, %get3A_1385] {strides = array<i32>} : memref<112x192xf32, #tpu.memory_space<vmem>>, vector<1x16xf32>,
        %get3A_1387 = vector.shape_cast %get3A_1386 : vector<1x16xf32> to vector<16xf32>
        %mul3A_1388 = vector.broadcast %squeeze3A_75 : f32 to vector<16xf32>
        %mul3A_1389 = arith.mulf %mul3A_1388, %get3A_1387 : vector<16xf32>
        %add3A_1390 = arith.addf %add3A_1379, %mul3A_1389 : vector<16xf32>
        %mul3A_1391 = arith.constant 16 : i32
        %mul3A_1392 = arith.muli %scan3A_64, %mul3A_1391 : i32
        %add3A_1393 = arith.constant 3 : i32
        %add3A_1394 = arith.addi %mul3A_1392, %add3A_1393 : i32
        %get3A_1395 = arith.index_cast %add3A_1394 : i32 to index
        %get3A_1396 = arith.constant 112 : index
        %get3A_1397 = tpu.vector_load %arg8[%get3A_1395, %get3A_1396] {strides = array<i32>} : memref<112x192xf32, #tpu.memory_space<vmem>>, vector<1x16xf32>,
        %get3A_1398 = vector.shape_cast %get3A_1397 : vector<1x16xf32> to vector<16xf32>
        %mul3A_1399 = vector.broadcast %squeeze3A_77 : f32 to vector<16xf32>
        %mul3A_1400 = arith.mulf %mul3A_1399, %get3A_1398 : vector<16xf32>
        %add3A_1401 = arith.addf %add3A_1390, %mul3A_1400 : vector<16xf32>
        %mul3A_1402 = arith.constant 16 : i32
        %mul3A_1403 = arith.muli %scan3A_64, %mul3A_1402 : i32
        %add3A_1404 = arith.constant 4 : i32
        %add3A_1405 = arith.addi %mul3A_1403, %add3A_1404 : i32
        %get3A_1406 = arith.index_cast %add3A_1405 : i32 to index
        %get3A_1407 = arith.constant 112 : index
        %get3A_1408 = tpu.vector_load %arg8[%get3A_1406, %get3A_1407] {strides = array<i32>} : memref<112x192xf32, #tpu.memory_space<vmem>>, vector<1x16xf32>,
        %get3A_1409 = vector.shape_cast %get3A_1408 : vector<1x16xf32> to vector<16xf32>
        %mul3A_1410 = vector.broadcast %squeeze3A_79 : f32 to vector<16xf32>
        %mul3A_1411 = arith.mulf %mul3A_1410, %get3A_1409 : vector<16xf32>
        %add3A_1412 = arith.addf %add3A_1401, %mul3A_1411 : vector<16xf32>
        %mul3A_1413 = arith.constant 16 : i32
        %mul3A_1414 = arith.muli %scan3A_64, %mul3A_1413 : i32
        %add3A_1415 = arith.constant 5 : i32
        %add3A_1416 = arith.addi %mul3A_1414, %add3A_1415 : i32
        %get3A_1417 = arith.index_cast %add3A_1416 : i32 to index
        %get3A_1418 = arith.constant 112 : index
        %get3A_1419 = tpu.vector_load %arg8[%get3A_1417, %get3A_1418] {strides = array<i32>} : memref<112x192xf32, #tpu.memory_space<vmem>>, vector<1x16xf32>,
        %get3A_1420 = vector.shape_cast %get3A_1419 : vector<1x16xf32> to vector<16xf32>
        %mul3A_1421 = vector.broadcast %squeeze3A_81 : f32 to vector<16xf32>
        %mul3A_1422 = arith.mulf %mul3A_1421, %get3A_1420 : vector<16xf32>
        %add3A_1423 = arith.addf %add3A_1412, %mul3A_1422 : vector<16xf32>
        %mul3A_1424 = arith.constant 16 : i32
        %mul3A_1425 = arith.muli %scan3A_64, %mul3A_1424 : i32
        %add3A_1426 = arith.constant 6 : i32
        %add3A_1427 = arith.addi %mul3A_1425, %add3A_1426 : i32
        %get3A_1428 = arith.index_cast %add3A_1427 : i32 to index
        %get3A_1429 = arith.constant 112 : index
        %get3A_1430 = tpu.vector_load %arg8[%get3A_1428, %get3A_1429] {strides = array<i32>} : memref<112x192xf32, #tpu.memory_space<vmem>>, vector<1x16xf32>,
        %get3A_1431 = vector.shape_cast %get3A_1430 : vector<1x16xf32> to vector<16xf32>
        %mul3A_1432 = vector.broadcast %squeeze3A_83 : f32 to vector<16xf32>
        %mul3A_1433 = arith.mulf %mul3A_1432, %get3A_1431 : vector<16xf32>
        %add3A_1434 = arith.addf %add3A_1423, %mul3A_1433 : vector<16xf32>
        %mul3A_1435 = arith.constant 16 : i32
        %mul3A_1436 = arith.muli %scan3A_64, %mul3A_1435 : i32
        %add3A_1437 = arith.constant 7 : i32
        %add3A_1438 = arith.addi %mul3A_1436, %add3A_1437 : i32
        %get3A_1439 = arith.index_cast %add3A_1438 : i32 to index
        %get3A_1440 = arith.constant 112 : index
        %get3A_1441 = tpu.vector_load %arg8[%get3A_1439, %get3A_1440] {strides = array<i32>} : memref<112x192xf32, #tpu.memory_space<vmem>>, vector<1x16xf32>,
        %get3A_1442 = vector.shape_cast %get3A_1441 : vector<1x16xf32> to vector<16xf32>
        %mul3A_1443 = vector.broadcast %squeeze3A_85 : f32 to vector<16xf32>
        %mul3A_1444 = arith.mulf %mul3A_1443, %get3A_1442 : vector<16xf32>
        %add3A_1445 = arith.addf %add3A_1434, %mul3A_1444 : vector<16xf32>
        %mul3A_1446 = arith.constant 16 : i32
        %mul3A_1447 = arith.muli %scan3A_64, %mul3A_1446 : i32
        %add3A_1448 = arith.constant 8 : i32
        %add3A_1449 = arith.addi %mul3A_1447, %add3A_1448 : i32
        %get3A_1450 = arith.index_cast %add3A_1449 : i32 to index
        %get3A_1451 = arith.constant 112 : index
        %get3A_1452 = tpu.vector_load %arg8[%get3A_1450, %get3A_1451] {strides = array<i32>} : memref<112x192xf32, #tpu.memory_space<vmem>>, vector<1x16xf32>,
        %get3A_1453 = vector.shape_cast %get3A_1452 : vector<1x16xf32> to vector<16xf32>
        %mul3A_1454 = vector.broadcast %squeeze3A_87 : f32 to vector<16xf32>
        %mul3A_1455 = arith.mulf %mul3A_1454, %get3A_1453 : vector<16xf32>
        %add3A_1456 = arith.addf %add3A_1445, %mul3A_1455 : vector<16xf32>
        %mul3A_1457 = arith.constant 16 : i32
        %mul3A_1458 = arith.muli %scan3A_64, %mul3A_1457 : i32
        %add3A_1459 = arith.constant 9 : i32
        %add3A_1460 = arith.addi %mul3A_1458, %add3A_1459 : i32
        %get3A_1461 = arith.index_cast %add3A_1460 : i32 to index
        %get3A_1462 = arith.constant 112 : index
        %get3A_1463 = tpu.vector_load %arg8[%get3A_1461, %get3A_1462] {strides = array<i32>} : memref<112x192xf32, #tpu.memory_space<vmem>>, vector<1x16xf32>,
        %get3A_1464 = vector.shape_cast %get3A_1463 : vector<1x16xf32> to vector<16xf32>
        %mul3A_1465 = vector.broadcast %squeeze3A_89 : f32 to vector<16xf32>
        %mul3A_1466 = arith.mulf %mul3A_1465, %get3A_1464 : vector<16xf32>
        %add3A_1467 = arith.addf %add3A_1456, %mul3A_1466 : vector<16xf32>
        %mul3A_1468 = arith.constant 16 : i32
        %mul3A_1469 = arith.muli %scan3A_64, %mul3A_1468 : i32
        %add3A_1470 = arith.constant 10 : i32
        %add3A_1471 = arith.addi %mul3A_1469, %add3A_1470 : i32
        %get3A_1472 = arith.index_cast %add3A_1471 : i32 to index
        %get3A_1473 = arith.constant 112 : index
        %get3A_1474 = tpu.vector_load %arg8[%get3A_1472, %get3A_1473] {strides = array<i32>} : memref<112x192xf32, #tpu.memory_space<vmem>>, vector<1x16xf32>,
        %get3A_1475 = vector.shape_cast %get3A_1474 : vector<1x16xf32> to vector<16xf32>
        %mul3A_1476 = vector.broadcast %squeeze3A_91 : f32 to vector<16xf32>
        %mul3A_1477 = arith.mulf %mul3A_1476, %get3A_1475 : vector<16xf32>
        %add3A_1478 = arith.addf %add3A_1467, %mul3A_1477 : vector<16xf32>
        %mul3A_1479 = arith.constant 16 : i32
        %mul3A_1480 = arith.muli %scan3A_64, %mul3A_1479 : i32
        %add3A_1481 = arith.constant 11 : i32
        %add3A_1482 = arith.addi %mul3A_1480, %add3A_1481 : i32
        %get3A_1483 = arith.index_cast %add3A_1482 : i32 to index
        %get3A_1484 = arith.constant 112 : index
        %get3A_1485 = tpu.vector_load %arg8[%get3A_1483, %get3A_1484] {strides = array<i32>} : memref<112x192xf32, #tpu.memory_space<vmem>>, vector<1x16xf32>,
        %get3A_1486 = vector.shape_cast %get3A_1485 : vector<1x16xf32> to vector<16xf32>
        %mul3A_1487 = vector.broadcast %squeeze3A_93 : f32 to vector<16xf32>
        %mul3A_1488 = arith.mulf %mul3A_1487, %get3A_1486 : vector<16xf32>
        %add3A_1489 = arith.addf %add3A_1478, %mul3A_1488 : vector<16xf32>
        %mul3A_1490 = arith.constant 16 : i32
        %mul3A_1491 = arith.muli %scan3A_64, %mul3A_1490 : i32
        %add3A_1492 = arith.constant 12 : i32
        %add3A_1493 = arith.addi %mul3A_1491, %add3A_1492 : i32
        %get3A_1494 = arith.index_cast %add3A_1493 : i32 to index
        %get3A_1495 = arith.constant 112 : index
        %get3A_1496 = tpu.vector_load %arg8[%get3A_1494, %get3A_1495] {strides = array<i32>} : memref<112x192xf32, #tpu.memory_space<vmem>>, vector<1x16xf32>,
        %get3A_1497 = vector.shape_cast %get3A_1496 : vector<1x16xf32> to vector<16xf32>
        %mul3A_1498 = vector.broadcast %squeeze3A_95 : f32 to vector<16xf32>
        %mul3A_1499 = arith.mulf %mul3A_1498, %get3A_1497 : vector<16xf32>
        %add3A_1500 = arith.addf %add3A_1489, %mul3A_1499 : vector<16xf32>
        %mul3A_1501 = arith.constant 16 : i32
        %mul3A_1502 = arith.muli %scan3A_64, %mul3A_1501 : i32
        %add3A_1503 = arith.constant 13 : i32
        %add3A_1504 = arith.addi %mul3A_1502, %add3A_1503 : i32
        %get3A_1505 = arith.index_cast %add3A_1504 : i32 to index
        %get3A_1506 = arith.constant 112 : index
        %get3A_1507 = tpu.vector_load %arg8[%get3A_1505, %get3A_1506] {strides = array<i32>} : memref<112x192xf32, #tpu.memory_space<vmem>>, vector<1x16xf32>,
        %get3A_1508 = vector.shape_cast %get3A_1507 : vector<1x16xf32> to vector<16xf32>
        %mul3A_1509 = vector.broadcast %squeeze3A_97 : f32 to vector<16xf32>
        %mul3A_1510 = arith.mulf %mul3A_1509, %get3A_1508 : vector<16xf32>
        %add3A_1511 = arith.addf %add3A_1500, %mul3A_1510 : vector<16xf32>
        %mul3A_1512 = arith.constant 16 : i32
        %mul3A_1513 = arith.muli %scan3A_64, %mul3A_1512 : i32
        %add3A_1514 = arith.constant 14 : i32
        %add3A_1515 = arith.addi %mul3A_1513, %add3A_1514 : i32
        %get3A_1516 = arith.index_cast %add3A_1515 : i32 to index
        %get3A_1517 = arith.constant 112 : index
        %get3A_1518 = tpu.vector_load %arg8[%get3A_1516, %get3A_1517] {strides = array<i32>} : memref<112x192xf32, #tpu.memory_space<vmem>>, vector<1x16xf32>,
        %get3A_1519 = vector.shape_cast %get3A_1518 : vector<1x16xf32> to vector<16xf32>
        %mul3A_1520 = vector.broadcast %squeeze3A_99 : f32 to vector<16xf32>
        %mul3A_1521 = arith.mulf %mul3A_1520, %get3A_1519 : vector<16xf32>
        %add3A_1522 = arith.addf %add3A_1511, %mul3A_1521 : vector<16xf32>
        %mul3A_1523 = arith.constant 16 : i32
        %mul3A_1524 = arith.muli %scan3A_64, %mul3A_1523 : i32
        %add3A_1525 = arith.constant 15 : i32
        %add3A_1526 = arith.addi %mul3A_1524, %add3A_1525 : i32
        %get3A_1527 = arith.index_cast %add3A_1526 : i32 to index
        %get3A_1528 = arith.constant 112 : index
        %get3A_1529 = tpu.vector_load %arg8[%get3A_1527, %get3A_1528] {strides = array<i32>} : memref<112x192xf32, #tpu.memory_space<vmem>>, vector<1x16xf32>,
        %get3A_1530 = vector.shape_cast %get3A_1529 : vector<1x16xf32> to vector<16xf32>
        %mul3A_1531 = vector.broadcast %squeeze3A_101 : f32 to vector<16xf32>
        %mul3A_1532 = arith.mulf %mul3A_1531, %get3A_1530 : vector<16xf32>
        %add3A_1533 = arith.addf %add3A_1522, %mul3A_1532 : vector<16xf32>
        %rem3A_1534 = arith.constant 49 : i32
        %rem3A_1535 = arith.remsi %add3A_67, %rem3A_1534 : i32
        %swap3A_1536 = arith.index_cast %rem3A_1535 : i32 to index
        %swap3A_1537 = arith.constant 112 : index
        %swap3A_1538 = tpu.vector_load %arg10[%swap3A_1536, %swap3A_1537] {strides = array<i32>} : memref<49x192xf32, #tpu.memory_space<vmem>>, vector<1x16xf32>,
        %swap3A_1539 = vector.shape_cast %swap3A_1538 : vector<1x16xf32> to vector<16xf32>
        %swap3A_1540 = vector.shape_cast %add3A_1533 : vector<16xf32> to vector<1x16xf32>
        tpu.vector_store %arg10[%swap3A_1536, %swap3A_1537], %swap3A_1540 {strides = array<i32>} : memref<49x192xf32, #tpu.memory_space<vmem>>, vector<1x16xf32>,
        %mul3A_1541 = arith.constant 16 : i32
        %mul3A_1542 = arith.muli %scan3A_64, %mul3A_1541 : i32
        %get3A_1543 = arith.index_cast %mul3A_1542 : i32 to index
        %get3A_1544 = arith.constant 128 : index
        %get3A_1545 = tpu.vector_load %arg8[%get3A_1543, %get3A_1544] {strides = array<i32>} : memref<112x192xf32, #tpu.memory_space<vmem>>, vector<1x16xf32>,
        %get3A_1546 = vector.shape_cast %get3A_1545 : vector<1x16xf32> to vector<16xf32>
        %mul3A_1547 = vector.broadcast %squeeze3A : f32 to vector<16xf32>
        %mul3A_1548 = arith.mulf %mul3A_1547, %get3A_1546 : vector<16xf32>
        %mul3A_1549 = arith.constant 16 : i32
        %mul3A_1550 = arith.muli %scan3A_64, %mul3A_1549 : i32
        %add3A_1551 = arith.constant 1 : i32
        %add3A_1552 = arith.addi %mul3A_1550, %add3A_1551 : i32
        %get3A_1553 = arith.index_cast %add3A_1552 : i32 to index
        %get3A_1554 = arith.constant 128 : index
        %get3A_1555 = tpu.vector_load %arg8[%get3A_1553, %get3A_1554] {strides = array<i32>} : memref<112x192xf32, #tpu.memory_space<vmem>>, vector<1x16xf32>,
        %get3A_1556 = vector.shape_cast %get3A_1555 : vector<1x16xf32> to vector<16xf32>
        %mul3A_1557 = vector.broadcast %squeeze3A_73 : f32 to vector<16xf32>
        %mul3A_1558 = arith.mulf %mul3A_1557, %get3A_1556 : vector<16xf32>
        %add3A_1559 = arith.addf %mul3A_1548, %mul3A_1558 : vector<16xf32>
        %mul3A_1560 = arith.constant 16 : i32
        %mul3A_1561 = arith.muli %scan3A_64, %mul3A_1560 : i32
        %add3A_1562 = arith.constant 2 : i32
        %add3A_1563 = arith.addi %mul3A_1561, %add3A_1562 : i32
        %get3A_1564 = arith.index_cast %add3A_1563 : i32 to index
        %get3A_1565 = arith.constant 128 : index
        %get3A_1566 = tpu.vector_load %arg8[%get3A_1564, %get3A_1565] {strides = array<i32>} : memref<112x192xf32, #tpu.memory_space<vmem>>, vector<1x16xf32>,
        %get3A_1567 = vector.shape_cast %get3A_1566 : vector<1x16xf32> to vector<16xf32>
        %mul3A_1568 = vector.broadcast %squeeze3A_75 : f32 to vector<16xf32>
        %mul3A_1569 = arith.mulf %mul3A_1568, %get3A_1567 : vector<16xf32>
        %add3A_1570 = arith.addf %add3A_1559, %mul3A_1569 : vector<16xf32>
        %mul3A_1571 = arith.constant 16 : i32
        %mul3A_1572 = arith.muli %scan3A_64, %mul3A_1571 : i32
        %add3A_1573 = arith.constant 3 : i32
        %add3A_1574 = arith.addi %mul3A_1572, %add3A_1573 : i32
        %get3A_1575 = arith.index_cast %add3A_1574 : i32 to index
        %get3A_1576 = arith.constant 128 : index
        %get3A_1577 = tpu.vector_load %arg8[%get3A_1575, %get3A_1576] {strides = array<i32>} : memref<112x192xf32, #tpu.memory_space<vmem>>, vector<1x16xf32>,
        %get3A_1578 = vector.shape_cast %get3A_1577 : vector<1x16xf32> to vector<16xf32>
        %mul3A_1579 = vector.broadcast %squeeze3A_77 : f32 to vector<16xf32>
        %mul3A_1580 = arith.mulf %mul3A_1579, %get3A_1578 : vector<16xf32>
        %add3A_1581 = arith.addf %add3A_1570, %mul3A_1580 : vector<16xf32>
        %mul3A_1582 = arith.constant 16 : i32
        %mul3A_1583 = arith.muli %scan3A_64, %mul3A_1582 : i32
        %add3A_1584 = arith.constant 4 : i32
        %add3A_1585 = arith.addi %mul3A_1583, %add3A_1584 : i32
        %get3A_1586 = arith.index_cast %add3A_1585 : i32 to index
        %get3A_1587 = arith.constant 128 : index
        %get3A_1588 = tpu.vector_load %arg8[%get3A_1586, %get3A_1587] {strides = array<i32>} : memref<112x192xf32, #tpu.memory_space<vmem>>, vector<1x16xf32>,
        %get3A_1589 = vector.shape_cast %get3A_1588 : vector<1x16xf32> to vector<16xf32>
        %mul3A_1590 = vector.broadcast %squeeze3A_79 : f32 to vector<16xf32>
        %mul3A_1591 = arith.mulf %mul3A_1590, %get3A_1589 : vector<16xf32>
        %add3A_1592 = arith.addf %add3A_1581, %mul3A_1591 : vector<16xf32>
        %mul3A_1593 = arith.constant 16 : i32
        %mul3A_1594 = arith.muli %scan3A_64, %mul3A_1593 : i32
        %add3A_1595 = arith.constant 5 : i32
        %add3A_1596 = arith.addi %mul3A_1594, %add3A_1595 : i32
        %get3A_1597 = arith.index_cast %add3A_1596 : i32 to index
        %get3A_1598 = arith.constant 128 : index
        %get3A_1599 = tpu.vector_load %arg8[%get3A_1597, %get3A_1598] {strides = array<i32>} : memref<112x192xf32, #tpu.memory_space<vmem>>, vector<1x16xf32>,
        %get3A_1600 = vector.shape_cast %get3A_1599 : vector<1x16xf32> to vector<16xf32>
        %mul3A_1601 = vector.broadcast %squeeze3A_81 : f32 to vector<16xf32>
        %mul3A_1602 = arith.mulf %mul3A_1601, %get3A_1600 : vector<16xf32>
        %add3A_1603 = arith.addf %add3A_1592, %mul3A_1602 : vector<16xf32>
        %mul3A_1604 = arith.constant 16 : i32
        %mul3A_1605 = arith.muli %scan3A_64, %mul3A_1604 : i32
        %add3A_1606 = arith.constant 6 : i32
        %add3A_1607 = arith.addi %mul3A_1605, %add3A_1606 : i32
        %get3A_1608 = arith.index_cast %add3A_1607 : i32 to index
        %get3A_1609 = arith.constant 128 : index
        %get3A_1610 = tpu.vector_load %arg8[%get3A_1608, %get3A_1609] {strides = array<i32>} : memref<112x192xf32, #tpu.memory_space<vmem>>, vector<1x16xf32>,
        %get3A_1611 = vector.shape_cast %get3A_1610 : vector<1x16xf32> to vector<16xf32>
        %mul3A_1612 = vector.broadcast %squeeze3A_83 : f32 to vector<16xf32>
        %mul3A_1613 = arith.mulf %mul3A_1612, %get3A_1611 : vector<16xf32>
        %add3A_1614 = arith.addf %add3A_1603, %mul3A_1613 : vector<16xf32>
        %mul3A_1615 = arith.constant 16 : i32
        %mul3A_1616 = arith.muli %scan3A_64, %mul3A_1615 : i32
        %add3A_1617 = arith.constant 7 : i32
        %add3A_1618 = arith.addi %mul3A_1616, %add3A_1617 : i32
        %get3A_1619 = arith.index_cast %add3A_1618 : i32 to index
        %get3A_1620 = arith.constant 128 : index
        %get3A_1621 = tpu.vector_load %arg8[%get3A_1619, %get3A_1620] {strides = array<i32>} : memref<112x192xf32, #tpu.memory_space<vmem>>, vector<1x16xf32>,
        %get3A_1622 = vector.shape_cast %get3A_1621 : vector<1x16xf32> to vector<16xf32>
        %mul3A_1623 = vector.broadcast %squeeze3A_85 : f32 to vector<16xf32>
        %mul3A_1624 = arith.mulf %mul3A_1623, %get3A_1622 : vector<16xf32>
        %add3A_1625 = arith.addf %add3A_1614, %mul3A_1624 : vector<16xf32>
        %mul3A_1626 = arith.constant 16 : i32
        %mul3A_1627 = arith.muli %scan3A_64, %mul3A_1626 : i32
        %add3A_1628 = arith.constant 8 : i32
        %add3A_1629 = arith.addi %mul3A_1627, %add3A_1628 : i32
        %get3A_1630 = arith.index_cast %add3A_1629 : i32 to index
        %get3A_1631 = arith.constant 128 : index
        %get3A_1632 = tpu.vector_load %arg8[%get3A_1630, %get3A_1631] {strides = array<i32>} : memref<112x192xf32, #tpu.memory_space<vmem>>, vector<1x16xf32>,
        %get3A_1633 = vector.shape_cast %get3A_1632 : vector<1x16xf32> to vector<16xf32>
        %mul3A_1634 = vector.broadcast %squeeze3A_87 : f32 to vector<16xf32>
        %mul3A_1635 = arith.mulf %mul3A_1634, %get3A_1633 : vector<16xf32>
        %add3A_1636 = arith.addf %add3A_1625, %mul3A_1635 : vector<16xf32>
        %mul3A_1637 = arith.constant 16 : i32
        %mul3A_1638 = arith.muli %scan3A_64, %mul3A_1637 : i32
        %add3A_1639 = arith.constant 9 : i32
        %add3A_1640 = arith.addi %mul3A_1638, %add3A_1639 : i32
        %get3A_1641 = arith.index_cast %add3A_1640 : i32 to index
        %get3A_1642 = arith.constant 128 : index
        %get3A_1643 = tpu.vector_load %arg8[%get3A_1641, %get3A_1642] {strides = array<i32>} : memref<112x192xf32, #tpu.memory_space<vmem>>, vector<1x16xf32>,
        %get3A_1644 = vector.shape_cast %get3A_1643 : vector<1x16xf32> to vector<16xf32>
        %mul3A_1645 = vector.broadcast %squeeze3A_89 : f32 to vector<16xf32>
        %mul3A_1646 = arith.mulf %mul3A_1645, %get3A_1644 : vector<16xf32>
        %add3A_1647 = arith.addf %add3A_1636, %mul3A_1646 : vector<16xf32>
        %mul3A_1648 = arith.constant 16 : i32
        %mul3A_1649 = arith.muli %scan3A_64, %mul3A_1648 : i32
        %add3A_1650 = arith.constant 10 : i32
        %add3A_1651 = arith.addi %mul3A_1649, %add3A_1650 : i32
        %get3A_1652 = arith.index_cast %add3A_1651 : i32 to index
        %get3A_1653 = arith.constant 128 : index
        %get3A_1654 = tpu.vector_load %arg8[%get3A_1652, %get3A_1653] {strides = array<i32>} : memref<112x192xf32, #tpu.memory_space<vmem>>, vector<1x16xf32>,
        %get3A_1655 = vector.shape_cast %get3A_1654 : vector<1x16xf32> to vector<16xf32>
        %mul3A_1656 = vector.broadcast %squeeze3A_91 : f32 to vector<16xf32>
        %mul3A_1657 = arith.mulf %mul3A_1656, %get3A_1655 : vector<16xf32>
        %add3A_1658 = arith.addf %add3A_1647, %mul3A_1657 : vector<16xf32>
        %mul3A_1659 = arith.constant 16 : i32
        %mul3A_1660 = arith.muli %scan3A_64, %mul3A_1659 : i32
        %add3A_1661 = arith.constant 11 : i32
        %add3A_1662 = arith.addi %mul3A_1660, %add3A_1661 : i32
        %get3A_1663 = arith.index_cast %add3A_1662 : i32 to index
        %get3A_1664 = arith.constant 128 : index
        %get3A_1665 = tpu.vector_load %arg8[%get3A_1663, %get3A_1664] {strides = array<i32>} : memref<112x192xf32, #tpu.memory_space<vmem>>, vector<1x16xf32>,
        %get3A_1666 = vector.shape_cast %get3A_1665 : vector<1x16xf32> to vector<16xf32>
        %mul3A_1667 = vector.broadcast %squeeze3A_93 : f32 to vector<16xf32>
        %mul3A_1668 = arith.mulf %mul3A_1667, %get3A_1666 : vector<16xf32>
        %add3A_1669 = arith.addf %add3A_1658, %mul3A_1668 : vector<16xf32>
        %mul3A_1670 = arith.constant 16 : i32
        %mul3A_1671 = arith.muli %scan3A_64, %mul3A_1670 : i32
        %add3A_1672 = arith.constant 12 : i32
        %add3A_1673 = arith.addi %mul3A_1671, %add3A_1672 : i32
        %get3A_1674 = arith.index_cast %add3A_1673 : i32 to index
        %get3A_1675 = arith.constant 128 : index
        %get3A_1676 = tpu.vector_load %arg8[%get3A_1674, %get3A_1675] {strides = array<i32>} : memref<112x192xf32, #tpu.memory_space<vmem>>, vector<1x16xf32>,
        %get3A_1677 = vector.shape_cast %get3A_1676 : vector<1x16xf32> to vector<16xf32>
        %mul3A_1678 = vector.broadcast %squeeze3A_95 : f32 to vector<16xf32>
        %mul3A_1679 = arith.mulf %mul3A_1678, %get3A_1677 : vector<16xf32>
        %add3A_1680 = arith.addf %add3A_1669, %mul3A_1679 : vector<16xf32>
        %mul3A_1681 = arith.constant 16 : i32
        %mul3A_1682 = arith.muli %scan3A_64, %mul3A_1681 : i32
        %add3A_1683 = arith.constant 13 : i32
        %add3A_1684 = arith.addi %mul3A_1682, %add3A_1683 : i32
        %get3A_1685 = arith.index_cast %add3A_1684 : i32 to index
        %get3A_1686 = arith.constant 128 : index
        %get3A_1687 = tpu.vector_load %arg8[%get3A_1685, %get3A_1686] {strides = array<i32>} : memref<112x192xf32, #tpu.memory_space<vmem>>, vector<1x16xf32>,
        %get3A_1688 = vector.shape_cast %get3A_1687 : vector<1x16xf32> to vector<16xf32>
        %mul3A_1689 = vector.broadcast %squeeze3A_97 : f32 to vector<16xf32>
        %mul3A_1690 = arith.mulf %mul3A_1689, %get3A_1688 : vector<16xf32>
        %add3A_1691 = arith.addf %add3A_1680, %mul3A_1690 : vector<16xf32>
        %mul3A_1692 = arith.constant 16 : i32
        %mul3A_1693 = arith.muli %scan3A_64, %mul3A_1692 : i32
        %add3A_1694 = arith.constant 14 : i32
        %add3A_1695 = arith.addi %mul3A_1693, %add3A_1694 : i32
        %get3A_1696 = arith.index_cast %add3A_1695 : i32 to index
        %get3A_1697 = arith.constant 128 : index
        %get3A_1698 = tpu.vector_load %arg8[%get3A_1696, %get3A_1697] {strides = array<i32>} : memref<112x192xf32, #tpu.memory_space<vmem>>, vector<1x16xf32>,
        %get3A_1699 = vector.shape_cast %get3A_1698 : vector<1x16xf32> to vector<16xf32>
        %mul3A_1700 = vector.broadcast %squeeze3A_99 : f32 to vector<16xf32>
        %mul3A_1701 = arith.mulf %mul3A_1700, %get3A_1699 : vector<16xf32>
        %add3A_1702 = arith.addf %add3A_1691, %mul3A_1701 : vector<16xf32>
        %mul3A_1703 = arith.constant 16 : i32
        %mul3A_1704 = arith.muli %scan3A_64, %mul3A_1703 : i32
        %add3A_1705 = arith.constant 15 : i32
        %add3A_1706 = arith.addi %mul3A_1704, %add3A_1705 : i32
        %get3A_1707 = arith.index_cast %add3A_1706 : i32 to index
        %get3A_1708 = arith.constant 128 : index
        %get3A_1709 = tpu.vector_load %arg8[%get3A_1707, %get3A_1708] {strides = array<i32>} : memref<112x192xf32, #tpu.memory_space<vmem>>, vector<1x16xf32>,
        %get3A_1710 = vector.shape_cast %get3A_1709 : vector<1x16xf32> to vector<16xf32>
        %mul3A_1711 = vector.broadcast %squeeze3A_101 : f32 to vector<16xf32>
        %mul3A_1712 = arith.mulf %mul3A_1711, %get3A_1710 : vector<16xf32>
        %add3A_1713 = arith.addf %add3A_1702, %mul3A_1712 : vector<16xf32>
        %rem3A_1714 = arith.constant 49 : i32
        %rem3A_1715 = arith.remsi %add3A_67, %rem3A_1714 : i32
        %swap3A_1716 = arith.index_cast %rem3A_1715 : i32 to index
        %swap3A_1717 = arith.constant 128 : index
        %swap3A_1718 = tpu.vector_load %arg10[%swap3A_1716, %swap3A_1717] {strides = array<i32>} : memref<49x192xf32, #tpu.memory_space<vmem>>, vector<1x16xf32>,
        %swap3A_1719 = vector.shape_cast %swap3A_1718 : vector<1x16xf32> to vector<16xf32>
        %swap3A_1720 = vector.shape_cast %add3A_1713 : vector<16xf32> to vector<1x16xf32>
        tpu.vector_store %arg10[%swap3A_1716, %swap3A_1717], %swap3A_1720 {strides = array<i32>} : memref<49x192xf32, #tpu.memory_space<vmem>>, vector<1x16xf32>,
        %mul3A_1721 = arith.constant 16 : i32
        %mul3A_1722 = arith.muli %scan3A_64, %mul3A_1721 : i32
        %get3A_1723 = arith.index_cast %mul3A_1722 : i32 to index
        %get3A_1724 = arith.constant 144 : index
        %get3A_1725 = tpu.vector_load %arg8[%get3A_1723, %get3A_1724] {strides = array<i32>} : memref<112x192xf32, #tpu.memory_space<vmem>>, vector<1x16xf32>,
        %get3A_1726 = vector.shape_cast %get3A_1725 : vector<1x16xf32> to vector<16xf32>
        %mul3A_1727 = vector.broadcast %squeeze3A : f32 to vector<16xf32>
        %mul3A_1728 = arith.mulf %mul3A_1727, %get3A_1726 : vector<16xf32>
        %mul3A_1729 = arith.constant 16 : i32
        %mul3A_1730 = arith.muli %scan3A_64, %mul3A_1729 : i32
        %add3A_1731 = arith.constant 1 : i32
        %add3A_1732 = arith.addi %mul3A_1730, %add3A_1731 : i32
        %get3A_1733 = arith.index_cast %add3A_1732 : i32 to index
        %get3A_1734 = arith.constant 144 : index
        %get3A_1735 = tpu.vector_load %arg8[%get3A_1733, %get3A_1734] {strides = array<i32>} : memref<112x192xf32, #tpu.memory_space<vmem>>, vector<1x16xf32>,
        %get3A_1736 = vector.shape_cast %get3A_1735 : vector<1x16xf32> to vector<16xf32>
        %mul3A_1737 = vector.broadcast %squeeze3A_73 : f32 to vector<16xf32>
        %mul3A_1738 = arith.mulf %mul3A_1737, %get3A_1736 : vector<16xf32>
        %add3A_1739 = arith.addf %mul3A_1728, %mul3A_1738 : vector<16xf32>
        %mul3A_1740 = arith.constant 16 : i32
        %mul3A_1741 = arith.muli %scan3A_64, %mul3A_1740 : i32
        %add3A_1742 = arith.constant 2 : i32
        %add3A_1743 = arith.addi %mul3A_1741, %add3A_1742 : i32
        %get3A_1744 = arith.index_cast %add3A_1743 : i32 to index
        %get3A_1745 = arith.constant 144 : index
        %get3A_1746 = tpu.vector_load %arg8[%get3A_1744, %get3A_1745] {strides = array<i32>} : memref<112x192xf32, #tpu.memory_space<vmem>>, vector<1x16xf32>,
        %get3A_1747 = vector.shape_cast %get3A_1746 : vector<1x16xf32> to vector<16xf32>
        %mul3A_1748 = vector.broadcast %squeeze3A_75 : f32 to vector<16xf32>
        %mul3A_1749 = arith.mulf %mul3A_1748, %get3A_1747 : vector<16xf32>
        %add3A_1750 = arith.addf %add3A_1739, %mul3A_1749 : vector<16xf32>
        %mul3A_1751 = arith.constant 16 : i32
        %mul3A_1752 = arith.muli %scan3A_64, %mul3A_1751 : i32
        %add3A_1753 = arith.constant 3 : i32
        %add3A_1754 = arith.addi %mul3A_1752, %add3A_1753 : i32
        %get3A_1755 = arith.index_cast %add3A_1754 : i32 to index
        %get3A_1756 = arith.constant 144 : index
        %get3A_1757 = tpu.vector_load %arg8[%get3A_1755, %get3A_1756] {strides = array<i32>} : memref<112x192xf32, #tpu.memory_space<vmem>>, vector<1x16xf32>,
        %get3A_1758 = vector.shape_cast %get3A_1757 : vector<1x16xf32> to vector<16xf32>
        %mul3A_1759 = vector.broadcast %squeeze3A_77 : f32 to vector<16xf32>
        %mul3A_1760 = arith.mulf %mul3A_1759, %get3A_1758 : vector<16xf32>
        %add3A_1761 = arith.addf %add3A_1750, %mul3A_1760 : vector<16xf32>
        %mul3A_1762 = arith.constant 16 : i32
        %mul3A_1763 = arith.muli %scan3A_64, %mul3A_1762 : i32
        %add3A_1764 = arith.constant 4 : i32
        %add3A_1765 = arith.addi %mul3A_1763, %add3A_1764 : i32
        %get3A_1766 = arith.index_cast %add3A_1765 : i32 to index
        %get3A_1767 = arith.constant 144 : index
        %get3A_1768 = tpu.vector_load %arg8[%get3A_1766, %get3A_1767] {strides = array<i32>} : memref<112x192xf32, #tpu.memory_space<vmem>>, vector<1x16xf32>,
        %get3A_1769 = vector.shape_cast %get3A_1768 : vector<1x16xf32> to vector<16xf32>
        %mul3A_1770 = vector.broadcast %squeeze3A_79 : f32 to vector<16xf32>
        %mul3A_1771 = arith.mulf %mul3A_1770, %get3A_1769 : vector<16xf32>
        %add3A_1772 = arith.addf %add3A_1761, %mul3A_1771 : vector<16xf32>
        %mul3A_1773 = arith.constant 16 : i32
        %mul3A_1774 = arith.muli %scan3A_64, %mul3A_1773 : i32
        %add3A_1775 = arith.constant 5 : i32
        %add3A_1776 = arith.addi %mul3A_1774, %add3A_1775 : i32
        %get3A_1777 = arith.index_cast %add3A_1776 : i32 to index
        %get3A_1778 = arith.constant 144 : index
        %get3A_1779 = tpu.vector_load %arg8[%get3A_1777, %get3A_1778] {strides = array<i32>} : memref<112x192xf32, #tpu.memory_space<vmem>>, vector<1x16xf32>,
        %get3A_1780 = vector.shape_cast %get3A_1779 : vector<1x16xf32> to vector<16xf32>
        %mul3A_1781 = vector.broadcast %squeeze3A_81 : f32 to vector<16xf32>
        %mul3A_1782 = arith.mulf %mul3A_1781, %get3A_1780 : vector<16xf32>
        %add3A_1783 = arith.addf %add3A_1772, %mul3A_1782 : vector<16xf32>
        %mul3A_1784 = arith.constant 16 : i32
        %mul3A_1785 = arith.muli %scan3A_64, %mul3A_1784 : i32
        %add3A_1786 = arith.constant 6 : i32
        %add3A_1787 = arith.addi %mul3A_1785, %add3A_1786 : i32
        %get3A_1788 = arith.index_cast %add3A_1787 : i32 to index
        %get3A_1789 = arith.constant 144 : index
        %get3A_1790 = tpu.vector_load %arg8[%get3A_1788, %get3A_1789] {strides = array<i32>} : memref<112x192xf32, #tpu.memory_space<vmem>>, vector<1x16xf32>,
        %get3A_1791 = vector.shape_cast %get3A_1790 : vector<1x16xf32> to vector<16xf32>
        %mul3A_1792 = vector.broadcast %squeeze3A_83 : f32 to vector<16xf32>
        %mul3A_1793 = arith.mulf %mul3A_1792, %get3A_1791 : vector<16xf32>
        %add3A_1794 = arith.addf %add3A_1783, %mul3A_1793 : vector<16xf32>
        %mul3A_1795 = arith.constant 16 : i32
        %mul3A_1796 = arith.muli %scan3A_64, %mul3A_1795 : i32
        %add3A_1797 = arith.constant 7 : i32
        %add3A_1798 = arith.addi %mul3A_1796, %add3A_1797 : i32
        %get3A_1799 = arith.index_cast %add3A_1798 : i32 to index
        %get3A_1800 = arith.constant 144 : index
        %get3A_1801 = tpu.vector_load %arg8[%get3A_1799, %get3A_1800] {strides = array<i32>} : memref<112x192xf32, #tpu.memory_space<vmem>>, vector<1x16xf32>,
        %get3A_1802 = vector.shape_cast %get3A_1801 : vector<1x16xf32> to vector<16xf32>
        %mul3A_1803 = vector.broadcast %squeeze3A_85 : f32 to vector<16xf32>
        %mul3A_1804 = arith.mulf %mul3A_1803, %get3A_1802 : vector<16xf32>
        %add3A_1805 = arith.addf %add3A_1794, %mul3A_1804 : vector<16xf32>
        %mul3A_1806 = arith.constant 16 : i32
        %mul3A_1807 = arith.muli %scan3A_64, %mul3A_1806 : i32
        %add3A_1808 = arith.constant 8 : i32
        %add3A_1809 = arith.addi %mul3A_1807, %add3A_1808 : i32
        %get3A_1810 = arith.index_cast %add3A_1809 : i32 to index
        %get3A_1811 = arith.constant 144 : index
        %get3A_1812 = tpu.vector_load %arg8[%get3A_1810, %get3A_1811] {strides = array<i32>} : memref<112x192xf32, #tpu.memory_space<vmem>>, vector<1x16xf32>,
        %get3A_1813 = vector.shape_cast %get3A_1812 : vector<1x16xf32> to vector<16xf32>
        %mul3A_1814 = vector.broadcast %squeeze3A_87 : f32 to vector<16xf32>
        %mul3A_1815 = arith.mulf %mul3A_1814, %get3A_1813 : vector<16xf32>
        %add3A_1816 = arith.addf %add3A_1805, %mul3A_1815 : vector<16xf32>
        %mul3A_1817 = arith.constant 16 : i32
        %mul3A_1818 = arith.muli %scan3A_64, %mul3A_1817 : i32
        %add3A_1819 = arith.constant 9 : i32
        %add3A_1820 = arith.addi %mul3A_1818, %add3A_1819 : i32
        %get3A_1821 = arith.index_cast %add3A_1820 : i32 to index
        %get3A_1822 = arith.constant 144 : index
        %get3A_1823 = tpu.vector_load %arg8[%get3A_1821, %get3A_1822] {strides = array<i32>} : memref<112x192xf32, #tpu.memory_space<vmem>>, vector<1x16xf32>,
        %get3A_1824 = vector.shape_cast %get3A_1823 : vector<1x16xf32> to vector<16xf32>
        %mul3A_1825 = vector.broadcast %squeeze3A_89 : f32 to vector<16xf32>
        %mul3A_1826 = arith.mulf %mul3A_1825, %get3A_1824 : vector<16xf32>
        %add3A_1827 = arith.addf %add3A_1816, %mul3A_1826 : vector<16xf32>
        %mul3A_1828 = arith.constant 16 : i32
        %mul3A_1829 = arith.muli %scan3A_64, %mul3A_1828 : i32
        %add3A_1830 = arith.constant 10 : i32
        %add3A_1831 = arith.addi %mul3A_1829, %add3A_1830 : i32
        %get3A_1832 = arith.index_cast %add3A_1831 : i32 to index
        %get3A_1833 = arith.constant 144 : index
        %get3A_1834 = tpu.vector_load %arg8[%get3A_1832, %get3A_1833] {strides = array<i32>} : memref<112x192xf32, #tpu.memory_space<vmem>>, vector<1x16xf32>,
        %get3A_1835 = vector.shape_cast %get3A_1834 : vector<1x16xf32> to vector<16xf32>
        %mul3A_1836 = vector.broadcast %squeeze3A_91 : f32 to vector<16xf32>
        %mul3A_1837 = arith.mulf %mul3A_1836, %get3A_1835 : vector<16xf32>
        %add3A_1838 = arith.addf %add3A_1827, %mul3A_1837 : vector<16xf32>
        %mul3A_1839 = arith.constant 16 : i32
        %mul3A_1840 = arith.muli %scan3A_64, %mul3A_1839 : i32
        %add3A_1841 = arith.constant 11 : i32
        %add3A_1842 = arith.addi %mul3A_1840, %add3A_1841 : i32
        %get3A_1843 = arith.index_cast %add3A_1842 : i32 to index
        %get3A_1844 = arith.constant 144 : index
        %get3A_1845 = tpu.vector_load %arg8[%get3A_1843, %get3A_1844] {strides = array<i32>} : memref<112x192xf32, #tpu.memory_space<vmem>>, vector<1x16xf32>,
        %get3A_1846 = vector.shape_cast %get3A_1845 : vector<1x16xf32> to vector<16xf32>
        %mul3A_1847 = vector.broadcast %squeeze3A_93 : f32 to vector<16xf32>
        %mul3A_1848 = arith.mulf %mul3A_1847, %get3A_1846 : vector<16xf32>
        %add3A_1849 = arith.addf %add3A_1838, %mul3A_1848 : vector<16xf32>
        %mul3A_1850 = arith.constant 16 : i32
        %mul3A_1851 = arith.muli %scan3A_64, %mul3A_1850 : i32
        %add3A_1852 = arith.constant 12 : i32
        %add3A_1853 = arith.addi %mul3A_1851, %add3A_1852 : i32
        %get3A_1854 = arith.index_cast %add3A_1853 : i32 to index
        %get3A_1855 = arith.constant 144 : index
        %get3A_1856 = tpu.vector_load %arg8[%get3A_1854, %get3A_1855] {strides = array<i32>} : memref<112x192xf32, #tpu.memory_space<vmem>>, vector<1x16xf32>,
        %get3A_1857 = vector.shape_cast %get3A_1856 : vector<1x16xf32> to vector<16xf32>
        %mul3A_1858 = vector.broadcast %squeeze3A_95 : f32 to vector<16xf32>
        %mul3A_1859 = arith.mulf %mul3A_1858, %get3A_1857 : vector<16xf32>
        %add3A_1860 = arith.addf %add3A_1849, %mul3A_1859 : vector<16xf32>
        %mul3A_1861 = arith.constant 16 : i32
        %mul3A_1862 = arith.muli %scan3A_64, %mul3A_1861 : i32
        %add3A_1863 = arith.constant 13 : i32
        %add3A_1864 = arith.addi %mul3A_1862, %add3A_1863 : i32
        %get3A_1865 = arith.index_cast %add3A_1864 : i32 to index
        %get3A_1866 = arith.constant 144 : index
        %get3A_1867 = tpu.vector_load %arg8[%get3A_1865, %get3A_1866] {strides = array<i32>} : memref<112x192xf32, #tpu.memory_space<vmem>>, vector<1x16xf32>,
        %get3A_1868 = vector.shape_cast %get3A_1867 : vector<1x16xf32> to vector<16xf32>
        %mul3A_1869 = vector.broadcast %squeeze3A_97 : f32 to vector<16xf32>
        %mul3A_1870 = arith.mulf %mul3A_1869, %get3A_1868 : vector<16xf32>
        %add3A_1871 = arith.addf %add3A_1860, %mul3A_1870 : vector<16xf32>
        %mul3A_1872 = arith.constant 16 : i32
        %mul3A_1873 = arith.muli %scan3A_64, %mul3A_1872 : i32
        %add3A_1874 = arith.constant 14 : i32
        %add3A_1875 = arith.addi %mul3A_1873, %add3A_1874 : i32
        %get3A_1876 = arith.index_cast %add3A_1875 : i32 to index
        %get3A_1877 = arith.constant 144 : index
        %get3A_1878 = tpu.vector_load %arg8[%get3A_1876, %get3A_1877] {strides = array<i32>} : memref<112x192xf32, #tpu.memory_space<vmem>>, vector<1x16xf32>,
        %get3A_1879 = vector.shape_cast %get3A_1878 : vector<1x16xf32> to vector<16xf32>
        %mul3A_1880 = vector.broadcast %squeeze3A_99 : f32 to vector<16xf32>
        %mul3A_1881 = arith.mulf %mul3A_1880, %get3A_1879 : vector<16xf32>
        %add3A_1882 = arith.addf %add3A_1871, %mul3A_1881 : vector<16xf32>
        %mul3A_1883 = arith.constant 16 : i32
        %mul3A_1884 = arith.muli %scan3A_64, %mul3A_1883 : i32
        %add3A_1885 = arith.constant 15 : i32
        %add3A_1886 = arith.addi %mul3A_1884, %add3A_1885 : i32
        %get3A_1887 = arith.index_cast %add3A_1886 : i32 to index
        %get3A_1888 = arith.constant 144 : index
        %get3A_1889 = tpu.vector_load %arg8[%get3A_1887, %get3A_1888] {strides = array<i32>} : memref<112x192xf32, #tpu.memory_space<vmem>>, vector<1x16xf32>,
        %get3A_1890 = vector.shape_cast %get3A_1889 : vector<1x16xf32> to vector<16xf32>
        %mul3A_1891 = vector.broadcast %squeeze3A_101 : f32 to vector<16xf32>
        %mul3A_1892 = arith.mulf %mul3A_1891, %get3A_1890 : vector<16xf32>
        %add3A_1893 = arith.addf %add3A_1882, %mul3A_1892 : vector<16xf32>
        %rem3A_1894 = arith.constant 49 : i32
        %rem3A_1895 = arith.remsi %add3A_67, %rem3A_1894 : i32
        %swap3A_1896 = arith.index_cast %rem3A_1895 : i32 to index
        %swap3A_1897 = arith.constant 144 : index
        %swap3A_1898 = tpu.vector_load %arg10[%swap3A_1896, %swap3A_1897] {strides = array<i32>} : memref<49x192xf32, #tpu.memory_space<vmem>>, vector<1x16xf32>,
        %swap3A_1899 = vector.shape_cast %swap3A_1898 : vector<1x16xf32> to vector<16xf32>
        %swap3A_1900 = vector.shape_cast %add3A_1893 : vector<16xf32> to vector<1x16xf32>
        tpu.vector_store %arg10[%swap3A_1896, %swap3A_1897], %swap3A_1900 {strides = array<i32>} : memref<49x192xf32, #tpu.memory_space<vmem>>, vector<1x16xf32>,
        %mul3A_1901 = arith.constant 16 : i32
        %mul3A_1902 = arith.muli %scan3A_64, %mul3A_1901 : i32
        %get3A_1903 = arith.index_cast %mul3A_1902 : i32 to index
        %get3A_1904 = arith.constant 160 : index
        %get3A_1905 = tpu.vector_load %arg8[%get3A_1903, %get3A_1904] {strides = array<i32>} : memref<112x192xf32, #tpu.memory_space<vmem>>, vector<1x16xf32>,
        %get3A_1906 = vector.shape_cast %get3A_1905 : vector<1x16xf32> to vector<16xf32>
        %mul3A_1907 = vector.broadcast %squeeze3A : f32 to vector<16xf32>
        %mul3A_1908 = arith.mulf %mul3A_1907, %get3A_1906 : vector<16xf32>
        %mul3A_1909 = arith.constant 16 : i32
        %mul3A_1910 = arith.muli %scan3A_64, %mul3A_1909 : i32
        %add3A_1911 = arith.constant 1 : i32
        %add3A_1912 = arith.addi %mul3A_1910, %add3A_1911 : i32
        %get3A_1913 = arith.index_cast %add3A_1912 : i32 to index
        %get3A_1914 = arith.constant 160 : index
        %get3A_1915 = tpu.vector_load %arg8[%get3A_1913, %get3A_1914] {strides = array<i32>} : memref<112x192xf32, #tpu.memory_space<vmem>>, vector<1x16xf32>,
        %get3A_1916 = vector.shape_cast %get3A_1915 : vector<1x16xf32> to vector<16xf32>
        %mul3A_1917 = vector.broadcast %squeeze3A_73 : f32 to vector<16xf32>
        %mul3A_1918 = arith.mulf %mul3A_1917, %get3A_1916 : vector<16xf32>
        %add3A_1919 = arith.addf %mul3A_1908, %mul3A_1918 : vector<16xf32>
        %mul3A_1920 = arith.constant 16 : i32
        %mul3A_1921 = arith.muli %scan3A_64, %mul3A_1920 : i32
        %add3A_1922 = arith.constant 2 : i32
        %add3A_1923 = arith.addi %mul3A_1921, %add3A_1922 : i32
        %get3A_1924 = arith.index_cast %add3A_1923 : i32 to index
        %get3A_1925 = arith.constant 160 : index
        %get3A_1926 = tpu.vector_load %arg8[%get3A_1924, %get3A_1925] {strides = array<i32>} : memref<112x192xf32, #tpu.memory_space<vmem>>, vector<1x16xf32>,
        %get3A_1927 = vector.shape_cast %get3A_1926 : vector<1x16xf32> to vector<16xf32>
        %mul3A_1928 = vector.broadcast %squeeze3A_75 : f32 to vector<16xf32>
        %mul3A_1929 = arith.mulf %mul3A_1928, %get3A_1927 : vector<16xf32>
        %add3A_1930 = arith.addf %add3A_1919, %mul3A_1929 : vector<16xf32>
        %mul3A_1931 = arith.constant 16 : i32
        %mul3A_1932 = arith.muli %scan3A_64, %mul3A_1931 : i32
        %add3A_1933 = arith.constant 3 : i32
        %add3A_1934 = arith.addi %mul3A_1932, %add3A_1933 : i32
        %get3A_1935 = arith.index_cast %add3A_1934 : i32 to index
        %get3A_1936 = arith.constant 160 : index
        %get3A_1937 = tpu.vector_load %arg8[%get3A_1935, %get3A_1936] {strides = array<i32>} : memref<112x192xf32, #tpu.memory_space<vmem>>, vector<1x16xf32>,
        %get3A_1938 = vector.shape_cast %get3A_1937 : vector<1x16xf32> to vector<16xf32>
        %mul3A_1939 = vector.broadcast %squeeze3A_77 : f32 to vector<16xf32>
        %mul3A_1940 = arith.mulf %mul3A_1939, %get3A_1938 : vector<16xf32>
        %add3A_1941 = arith.addf %add3A_1930, %mul3A_1940 : vector<16xf32>
        %mul3A_1942 = arith.constant 16 : i32
        %mul3A_1943 = arith.muli %scan3A_64, %mul3A_1942 : i32
        %add3A_1944 = arith.constant 4 : i32
        %add3A_1945 = arith.addi %mul3A_1943, %add3A_1944 : i32
        %get3A_1946 = arith.index_cast %add3A_1945 : i32 to index
        %get3A_1947 = arith.constant 160 : index
        %get3A_1948 = tpu.vector_load %arg8[%get3A_1946, %get3A_1947] {strides = array<i32>} : memref<112x192xf32, #tpu.memory_space<vmem>>, vector<1x16xf32>,
        %get3A_1949 = vector.shape_cast %get3A_1948 : vector<1x16xf32> to vector<16xf32>
        %mul3A_1950 = vector.broadcast %squeeze3A_79 : f32 to vector<16xf32>
        %mul3A_1951 = arith.mulf %mul3A_1950, %get3A_1949 : vector<16xf32>
        %add3A_1952 = arith.addf %add3A_1941, %mul3A_1951 : vector<16xf32>
        %mul3A_1953 = arith.constant 16 : i32
        %mul3A_1954 = arith.muli %scan3A_64, %mul3A_1953 : i32
        %add3A_1955 = arith.constant 5 : i32
        %add3A_1956 = arith.addi %mul3A_1954, %add3A_1955 : i32
        %get3A_1957 = arith.index_cast %add3A_1956 : i32 to index
        %get3A_1958 = arith.constant 160 : index
        %get3A_1959 = tpu.vector_load %arg8[%get3A_1957, %get3A_1958] {strides = array<i32>} : memref<112x192xf32, #tpu.memory_space<vmem>>, vector<1x16xf32>,
        %get3A_1960 = vector.shape_cast %get3A_1959 : vector<1x16xf32> to vector<16xf32>
        %mul3A_1961 = vector.broadcast %squeeze3A_81 : f32 to vector<16xf32>
        %mul3A_1962 = arith.mulf %mul3A_1961, %get3A_1960 : vector<16xf32>
        %add3A_1963 = arith.addf %add3A_1952, %mul3A_1962 : vector<16xf32>
        %mul3A_1964 = arith.constant 16 : i32
        %mul3A_1965 = arith.muli %scan3A_64, %mul3A_1964 : i32
        %add3A_1966 = arith.constant 6 : i32
        %add3A_1967 = arith.addi %mul3A_1965, %add3A_1966 : i32
        %get3A_1968 = arith.index_cast %add3A_1967 : i32 to index
        %get3A_1969 = arith.constant 160 : index
        %get3A_1970 = tpu.vector_load %arg8[%get3A_1968, %get3A_1969] {strides = array<i32>} : memref<112x192xf32, #tpu.memory_space<vmem>>, vector<1x16xf32>,
        %get3A_1971 = vector.shape_cast %get3A_1970 : vector<1x16xf32> to vector<16xf32>
        %mul3A_1972 = vector.broadcast %squeeze3A_83 : f32 to vector<16xf32>
        %mul3A_1973 = arith.mulf %mul3A_1972, %get3A_1971 : vector<16xf32>
        %add3A_1974 = arith.addf %add3A_1963, %mul3A_1973 : vector<16xf32>
        %mul3A_1975 = arith.constant 16 : i32
        %mul3A_1976 = arith.muli %scan3A_64, %mul3A_1975 : i32
        %add3A_1977 = arith.constant 7 : i32
        %add3A_1978 = arith.addi %mul3A_1976, %add3A_1977 : i32
        %get3A_1979 = arith.index_cast %add3A_1978 : i32 to index
        %get3A_1980 = arith.constant 160 : index
        %get3A_1981 = tpu.vector_load %arg8[%get3A_1979, %get3A_1980] {strides = array<i32>} : memref<112x192xf32, #tpu.memory_space<vmem>>, vector<1x16xf32>,
        %get3A_1982 = vector.shape_cast %get3A_1981 : vector<1x16xf32> to vector<16xf32>
        %mul3A_1983 = vector.broadcast %squeeze3A_85 : f32 to vector<16xf32>
        %mul3A_1984 = arith.mulf %mul3A_1983, %get3A_1982 : vector<16xf32>
        %add3A_1985 = arith.addf %add3A_1974, %mul3A_1984 : vector<16xf32>
        %mul3A_1986 = arith.constant 16 : i32
        %mul3A_1987 = arith.muli %scan3A_64, %mul3A_1986 : i32
        %add3A_1988 = arith.constant 8 : i32
        %add3A_1989 = arith.addi %mul3A_1987, %add3A_1988 : i32
        %get3A_1990 = arith.index_cast %add3A_1989 : i32 to index
        %get3A_1991 = arith.constant 160 : index
        %get3A_1992 = tpu.vector_load %arg8[%get3A_1990, %get3A_1991] {strides = array<i32>} : memref<112x192xf32, #tpu.memory_space<vmem>>, vector<1x16xf32>,
        %get3A_1993 = vector.shape_cast %get3A_1992 : vector<1x16xf32> to vector<16xf32>
        %mul3A_1994 = vector.broadcast %squeeze3A_87 : f32 to vector<16xf32>
        %mul3A_1995 = arith.mulf %mul3A_1994, %get3A_1993 : vector<16xf32>
        %add3A_1996 = arith.addf %add3A_1985, %mul3A_1995 : vector<16xf32>
        %mul3A_1997 = arith.constant 16 : i32
        %mul3A_1998 = arith.muli %scan3A_64, %mul3A_1997 : i32
        %add3A_1999 = arith.constant 9 : i32
        %add3A_2000 = arith.addi %mul3A_1998, %add3A_1999 : i32
        %get3A_2001 = arith.index_cast %add3A_2000 : i32 to index
        %get3A_2002 = arith.constant 160 : index
        %get3A_2003 = tpu.vector_load %arg8[%get3A_2001, %get3A_2002] {strides = array<i32>} : memref<112x192xf32, #tpu.memory_space<vmem>>, vector<1x16xf32>,
        %get3A_2004 = vector.shape_cast %get3A_2003 : vector<1x16xf32> to vector<16xf32>
        %mul3A_2005 = vector.broadcast %squeeze3A_89 : f32 to vector<16xf32>
        %mul3A_2006 = arith.mulf %mul3A_2005, %get3A_2004 : vector<16xf32>
        %add3A_2007 = arith.addf %add3A_1996, %mul3A_2006 : vector<16xf32>
        %mul3A_2008 = arith.constant 16 : i32
        %mul3A_2009 = arith.muli %scan3A_64, %mul3A_2008 : i32
        %add3A_2010 = arith.constant 10 : i32
        %add3A_2011 = arith.addi %mul3A_2009, %add3A_2010 : i32
        %get3A_2012 = arith.index_cast %add3A_2011 : i32 to index
        %get3A_2013 = arith.constant 160 : index
        %get3A_2014 = tpu.vector_load %arg8[%get3A_2012, %get3A_2013] {strides = array<i32>} : memref<112x192xf32, #tpu.memory_space<vmem>>, vector<1x16xf32>,
        %get3A_2015 = vector.shape_cast %get3A_2014 : vector<1x16xf32> to vector<16xf32>
        %mul3A_2016 = vector.broadcast %squeeze3A_91 : f32 to vector<16xf32>
        %mul3A_2017 = arith.mulf %mul3A_2016, %get3A_2015 : vector<16xf32>
        %add3A_2018 = arith.addf %add3A_2007, %mul3A_2017 : vector<16xf32>
        %mul3A_2019 = arith.constant 16 : i32
        %mul3A_2020 = arith.muli %scan3A_64, %mul3A_2019 : i32
        %add3A_2021 = arith.constant 11 : i32
        %add3A_2022 = arith.addi %mul3A_2020, %add3A_2021 : i32
        %get3A_2023 = arith.index_cast %add3A_2022 : i32 to index
        %get3A_2024 = arith.constant 160 : index
        %get3A_2025 = tpu.vector_load %arg8[%get3A_2023, %get3A_2024] {strides = array<i32>} : memref<112x192xf32, #tpu.memory_space<vmem>>, vector<1x16xf32>,
        %get3A_2026 = vector.shape_cast %get3A_2025 : vector<1x16xf32> to vector<16xf32>
        %mul3A_2027 = vector.broadcast %squeeze3A_93 : f32 to vector<16xf32>
        %mul3A_2028 = arith.mulf %mul3A_2027, %get3A_2026 : vector<16xf32>
        %add3A_2029 = arith.addf %add3A_2018, %mul3A_2028 : vector<16xf32>
        %mul3A_2030 = arith.constant 16 : i32
        %mul3A_2031 = arith.muli %scan3A_64, %mul3A_2030 : i32
        %add3A_2032 = arith.constant 12 : i32
        %add3A_2033 = arith.addi %mul3A_2031, %add3A_2032 : i32
        %get3A_2034 = arith.index_cast %add3A_2033 : i32 to index
        %get3A_2035 = arith.constant 160 : index
        %get3A_2036 = tpu.vector_load %arg8[%get3A_2034, %get3A_2035] {strides = array<i32>} : memref<112x192xf32, #tpu.memory_space<vmem>>, vector<1x16xf32>,
        %get3A_2037 = vector.shape_cast %get3A_2036 : vector<1x16xf32> to vector<16xf32>
        %mul3A_2038 = vector.broadcast %squeeze3A_95 : f32 to vector<16xf32>
        %mul3A_2039 = arith.mulf %mul3A_2038, %get3A_2037 : vector<16xf32>
        %add3A_2040 = arith.addf %add3A_2029, %mul3A_2039 : vector<16xf32>
        %mul3A_2041 = arith.constant 16 : i32
        %mul3A_2042 = arith.muli %scan3A_64, %mul3A_2041 : i32
        %add3A_2043 = arith.constant 13 : i32
        %add3A_2044 = arith.addi %mul3A_2042, %add3A_2043 : i32
        %get3A_2045 = arith.index_cast %add3A_2044 : i32 to index
        %get3A_2046 = arith.constant 160 : index
        %get3A_2047 = tpu.vector_load %arg8[%get3A_2045, %get3A_2046] {strides = array<i32>} : memref<112x192xf32, #tpu.memory_space<vmem>>, vector<1x16xf32>,
        %get3A_2048 = vector.shape_cast %get3A_2047 : vector<1x16xf32> to vector<16xf32>
        %mul3A_2049 = vector.broadcast %squeeze3A_97 : f32 to vector<16xf32>
        %mul3A_2050 = arith.mulf %mul3A_2049, %get3A_2048 : vector<16xf32>
        %add3A_2051 = arith.addf %add3A_2040, %mul3A_2050 : vector<16xf32>
        %mul3A_2052 = arith.constant 16 : i32
        %mul3A_2053 = arith.muli %scan3A_64, %mul3A_2052 : i32
        %add3A_2054 = arith.constant 14 : i32
        %add3A_2055 = arith.addi %mul3A_2053, %add3A_2054 : i32
        %get3A_2056 = arith.index_cast %add3A_2055 : i32 to index
        %get3A_2057 = arith.constant 160 : index
        %get3A_2058 = tpu.vector_load %arg8[%get3A_2056, %get3A_2057] {strides = array<i32>} : memref<112x192xf32, #tpu.memory_space<vmem>>, vector<1x16xf32>,
        %get3A_2059 = vector.shape_cast %get3A_2058 : vector<1x16xf32> to vector<16xf32>
        %mul3A_2060 = vector.broadcast %squeeze3A_99 : f32 to vector<16xf32>
        %mul3A_2061 = arith.mulf %mul3A_2060, %get3A_2059 : vector<16xf32>
        %add3A_2062 = arith.addf %add3A_2051, %mul3A_2061 : vector<16xf32>
        %mul3A_2063 = arith.constant 16 : i32
        %mul3A_2064 = arith.muli %scan3A_64, %mul3A_2063 : i32
        %add3A_2065 = arith.constant 15 : i32
        %add3A_2066 = arith.addi %mul3A_2064, %add3A_2065 : i32
        %get3A_2067 = arith.index_cast %add3A_2066 : i32 to index
        %get3A_2068 = arith.constant 160 : index
        %get3A_2069 = tpu.vector_load %arg8[%get3A_2067, %get3A_2068] {strides = array<i32>} : memref<112x192xf32, #tpu.memory_space<vmem>>, vector<1x16xf32>,
        %get3A_2070 = vector.shape_cast %get3A_2069 : vector<1x16xf32> to vector<16xf32>
        %mul3A_2071 = vector.broadcast %squeeze3A_101 : f32 to vector<16xf32>
        %mul3A_2072 = arith.mulf %mul3A_2071, %get3A_2070 : vector<16xf32>
        %add3A_2073 = arith.addf %add3A_2062, %mul3A_2072 : vector<16xf32>
        %rem3A_2074 = arith.constant 49 : i32
        %rem3A_2075 = arith.remsi %add3A_67, %rem3A_2074 : i32
        %swap3A_2076 = arith.index_cast %rem3A_2075 : i32 to index
        %swap3A_2077 = arith.constant 160 : index
        %swap3A_2078 = tpu.vector_load %arg10[%swap3A_2076, %swap3A_2077] {strides = array<i32>} : memref<49x192xf32, #tpu.memory_space<vmem>>, vector<1x16xf32>,
        %swap3A_2079 = vector.shape_cast %swap3A_2078 : vector<1x16xf32> to vector<16xf32>
        %swap3A_2080 = vector.shape_cast %add3A_2073 : vector<16xf32> to vector<1x16xf32>
        tpu.vector_store %arg10[%swap3A_2076, %swap3A_2077], %swap3A_2080 {strides = array<i32>} : memref<49x192xf32, #tpu.memory_space<vmem>>, vector<1x16xf32>,
        %mul3A_2081 = arith.constant 16 : i32
        %mul3A_2082 = arith.muli %scan3A_64, %mul3A_2081 : i32
        %get3A_2083 = arith.index_cast %mul3A_2082 : i32 to index
        %get3A_2084 = arith.constant 176 : index
        %get3A_2085 = tpu.vector_load %arg8[%get3A_2083, %get3A_2084] {strides = array<i32>} : memref<112x192xf32, #tpu.memory_space<vmem>>, vector<1x16xf32>,
        %get3A_2086 = vector.shape_cast %get3A_2085 : vector<1x16xf32> to vector<16xf32>
        %mul3A_2087 = vector.broadcast %squeeze3A : f32 to vector<16xf32>
        %mul3A_2088 = arith.mulf %mul3A_2087, %get3A_2086 : vector<16xf32>
        %mul3A_2089 = arith.constant 16 : i32
        %mul3A_2090 = arith.muli %scan3A_64, %mul3A_2089 : i32
        %add3A_2091 = arith.constant 1 : i32
        %add3A_2092 = arith.addi %mul3A_2090, %add3A_2091 : i32
        %get3A_2093 = arith.index_cast %add3A_2092 : i32 to index
        %get3A_2094 = arith.constant 176 : index
        %get3A_2095 = tpu.vector_load %arg8[%get3A_2093, %get3A_2094] {strides = array<i32>} : memref<112x192xf32, #tpu.memory_space<vmem>>, vector<1x16xf32>,
        %get3A_2096 = vector.shape_cast %get3A_2095 : vector<1x16xf32> to vector<16xf32>
        %mul3A_2097 = vector.broadcast %squeeze3A_73 : f32 to vector<16xf32>
        %mul3A_2098 = arith.mulf %mul3A_2097, %get3A_2096 : vector<16xf32>
        %add3A_2099 = arith.addf %mul3A_2088, %mul3A_2098 : vector<16xf32>
        %mul3A_2100 = arith.constant 16 : i32
        %mul3A_2101 = arith.muli %scan3A_64, %mul3A_2100 : i32
        %add3A_2102 = arith.constant 2 : i32
        %add3A_2103 = arith.addi %mul3A_2101, %add3A_2102 : i32
        %get3A_2104 = arith.index_cast %add3A_2103 : i32 to index
        %get3A_2105 = arith.constant 176 : index
        %get3A_2106 = tpu.vector_load %arg8[%get3A_2104, %get3A_2105] {strides = array<i32>} : memref<112x192xf32, #tpu.memory_space<vmem>>, vector<1x16xf32>,
        %get3A_2107 = vector.shape_cast %get3A_2106 : vector<1x16xf32> to vector<16xf32>
        %mul3A_2108 = vector.broadcast %squeeze3A_75 : f32 to vector<16xf32>
        %mul3A_2109 = arith.mulf %mul3A_2108, %get3A_2107 : vector<16xf32>
        %add3A_2110 = arith.addf %add3A_2099, %mul3A_2109 : vector<16xf32>
        %mul3A_2111 = arith.constant 16 : i32
        %mul3A_2112 = arith.muli %scan3A_64, %mul3A_2111 : i32
        %add3A_2113 = arith.constant 3 : i32
        %add3A_2114 = arith.addi %mul3A_2112, %add3A_2113 : i32
        %get3A_2115 = arith.index_cast %add3A_2114 : i32 to index
        %get3A_2116 = arith.constant 176 : index
        %get3A_2117 = tpu.vector_load %arg8[%get3A_2115, %get3A_2116] {strides = array<i32>} : memref<112x192xf32, #tpu.memory_space<vmem>>, vector<1x16xf32>,
        %get3A_2118 = vector.shape_cast %get3A_2117 : vector<1x16xf32> to vector<16xf32>
        %mul3A_2119 = vector.broadcast %squeeze3A_77 : f32 to vector<16xf32>
        %mul3A_2120 = arith.mulf %mul3A_2119, %get3A_2118 : vector<16xf32>
        %add3A_2121 = arith.addf %add3A_2110, %mul3A_2120 : vector<16xf32>
        %mul3A_2122 = arith.constant 16 : i32
        %mul3A_2123 = arith.muli %scan3A_64, %mul3A_2122 : i32
        %add3A_2124 = arith.constant 4 : i32
        %add3A_2125 = arith.addi %mul3A_2123, %add3A_2124 : i32
        %get3A_2126 = arith.index_cast %add3A_2125 : i32 to index
        %get3A_2127 = arith.constant 176 : index
        %get3A_2128 = tpu.vector_load %arg8[%get3A_2126, %get3A_2127] {strides = array<i32>} : memref<112x192xf32, #tpu.memory_space<vmem>>, vector<1x16xf32>,
        %get3A_2129 = vector.shape_cast %get3A_2128 : vector<1x16xf32> to vector<16xf32>
        %mul3A_2130 = vector.broadcast %squeeze3A_79 : f32 to vector<16xf32>
        %mul3A_2131 = arith.mulf %mul3A_2130, %get3A_2129 : vector<16xf32>
        %add3A_2132 = arith.addf %add3A_2121, %mul3A_2131 : vector<16xf32>
        %mul3A_2133 = arith.constant 16 : i32
        %mul3A_2134 = arith.muli %scan3A_64, %mul3A_2133 : i32
        %add3A_2135 = arith.constant 5 : i32
        %add3A_2136 = arith.addi %mul3A_2134, %add3A_2135 : i32
        %get3A_2137 = arith.index_cast %add3A_2136 : i32 to index
        %get3A_2138 = arith.constant 176 : index
        %get3A_2139 = tpu.vector_load %arg8[%get3A_2137, %get3A_2138] {strides = array<i32>} : memref<112x192xf32, #tpu.memory_space<vmem>>, vector<1x16xf32>,
        %get3A_2140 = vector.shape_cast %get3A_2139 : vector<1x16xf32> to vector<16xf32>
        %mul3A_2141 = vector.broadcast %squeeze3A_81 : f32 to vector<16xf32>
        %mul3A_2142 = arith.mulf %mul3A_2141, %get3A_2140 : vector<16xf32>
        %add3A_2143 = arith.addf %add3A_2132, %mul3A_2142 : vector<16xf32>
        %mul3A_2144 = arith.constant 16 : i32
        %mul3A_2145 = arith.muli %scan3A_64, %mul3A_2144 : i32
        %add3A_2146 = arith.constant 6 : i32
        %add3A_2147 = arith.addi %mul3A_2145, %add3A_2146 : i32
        %get3A_2148 = arith.index_cast %add3A_2147 : i32 to index
        %get3A_2149 = arith.constant 176 : index
        %get3A_2150 = tpu.vector_load %arg8[%get3A_2148, %get3A_2149] {strides = array<i32>} : memref<112x192xf32, #tpu.memory_space<vmem>>, vector<1x16xf32>,
        %get3A_2151 = vector.shape_cast %get3A_2150 : vector<1x16xf32> to vector<16xf32>
        %mul3A_2152 = vector.broadcast %squeeze3A_83 : f32 to vector<16xf32>
        %mul3A_2153 = arith.mulf %mul3A_2152, %get3A_2151 : vector<16xf32>
        %add3A_2154 = arith.addf %add3A_2143, %mul3A_2153 : vector<16xf32>
        %mul3A_2155 = arith.constant 16 : i32
        %mul3A_2156 = arith.muli %scan3A_64, %mul3A_2155 : i32
        %add3A_2157 = arith.constant 7 : i32
        %add3A_2158 = arith.addi %mul3A_2156, %add3A_2157 : i32
        %get3A_2159 = arith.index_cast %add3A_2158 : i32 to index
        %get3A_2160 = arith.constant 176 : index
        %get3A_2161 = tpu.vector_load %arg8[%get3A_2159, %get3A_2160] {strides = array<i32>} : memref<112x192xf32, #tpu.memory_space<vmem>>, vector<1x16xf32>,
        %get3A_2162 = vector.shape_cast %get3A_2161 : vector<1x16xf32> to vector<16xf32>
        %mul3A_2163 = vector.broadcast %squeeze3A_85 : f32 to vector<16xf32>
        %mul3A_2164 = arith.mulf %mul3A_2163, %get3A_2162 : vector<16xf32>
        %add3A_2165 = arith.addf %add3A_2154, %mul3A_2164 : vector<16xf32>
        %mul3A_2166 = arith.constant 16 : i32
        %mul3A_2167 = arith.muli %scan3A_64, %mul3A_2166 : i32
        %add3A_2168 = arith.constant 8 : i32
        %add3A_2169 = arith.addi %mul3A_2167, %add3A_2168 : i32
        %get3A_2170 = arith.index_cast %add3A_2169 : i32 to index
        %get3A_2171 = arith.constant 176 : index
        %get3A_2172 = tpu.vector_load %arg8[%get3A_2170, %get3A_2171] {strides = array<i32>} : memref<112x192xf32, #tpu.memory_space<vmem>>, vector<1x16xf32>,
        %get3A_2173 = vector.shape_cast %get3A_2172 : vector<1x16xf32> to vector<16xf32>
        %mul3A_2174 = vector.broadcast %squeeze3A_87 : f32 to vector<16xf32>
        %mul3A_2175 = arith.mulf %mul3A_2174, %get3A_2173 : vector<16xf32>
        %add3A_2176 = arith.addf %add3A_2165, %mul3A_2175 : vector<16xf32>
        %mul3A_2177 = arith.constant 16 : i32
        %mul3A_2178 = arith.muli %scan3A_64, %mul3A_2177 : i32
        %add3A_2179 = arith.constant 9 : i32
        %add3A_2180 = arith.addi %mul3A_2178, %add3A_2179 : i32
        %get3A_2181 = arith.index_cast %add3A_2180 : i32 to index
        %get3A_2182 = arith.constant 176 : index
        %get3A_2183 = tpu.vector_load %arg8[%get3A_2181, %get3A_2182] {strides = array<i32>} : memref<112x192xf32, #tpu.memory_space<vmem>>, vector<1x16xf32>,
        %get3A_2184 = vector.shape_cast %get3A_2183 : vector<1x16xf32> to vector<16xf32>
        %mul3A_2185 = vector.broadcast %squeeze3A_89 : f32 to vector<16xf32>
        %mul3A_2186 = arith.mulf %mul3A_2185, %get3A_2184 : vector<16xf32>
        %add3A_2187 = arith.addf %add3A_2176, %mul3A_2186 : vector<16xf32>
        %mul3A_2188 = arith.constant 16 : i32
        %mul3A_2189 = arith.muli %scan3A_64, %mul3A_2188 : i32
        %add3A_2190 = arith.constant 10 : i32
        %add3A_2191 = arith.addi %mul3A_2189, %add3A_2190 : i32
        %get3A_2192 = arith.index_cast %add3A_2191 : i32 to index
        %get3A_2193 = arith.constant 176 : index
        %get3A_2194 = tpu.vector_load %arg8[%get3A_2192, %get3A_2193] {strides = array<i32>} : memref<112x192xf32, #tpu.memory_space<vmem>>, vector<1x16xf32>,
        %get3A_2195 = vector.shape_cast %get3A_2194 : vector<1x16xf32> to vector<16xf32>
        %mul3A_2196 = vector.broadcast %squeeze3A_91 : f32 to vector<16xf32>
        %mul3A_2197 = arith.mulf %mul3A_2196, %get3A_2195 : vector<16xf32>
        %add3A_2198 = arith.addf %add3A_2187, %mul3A_2197 : vector<16xf32>
        %mul3A_2199 = arith.constant 16 : i32
        %mul3A_2200 = arith.muli %scan3A_64, %mul3A_2199 : i32
        %add3A_2201 = arith.constant 11 : i32
        %add3A_2202 = arith.addi %mul3A_2200, %add3A_2201 : i32
        %get3A_2203 = arith.index_cast %add3A_2202 : i32 to index
        %get3A_2204 = arith.constant 176 : index
        %get3A_2205 = tpu.vector_load %arg8[%get3A_2203, %get3A_2204] {strides = array<i32>} : memref<112x192xf32, #tpu.memory_space<vmem>>, vector<1x16xf32>,
        %get3A_2206 = vector.shape_cast %get3A_2205 : vector<1x16xf32> to vector<16xf32>
        %mul3A_2207 = vector.broadcast %squeeze3A_93 : f32 to vector<16xf32>
        %mul3A_2208 = arith.mulf %mul3A_2207, %get3A_2206 : vector<16xf32>
        %add3A_2209 = arith.addf %add3A_2198, %mul3A_2208 : vector<16xf32>
        %mul3A_2210 = arith.constant 16 : i32
        %mul3A_2211 = arith.muli %scan3A_64, %mul3A_2210 : i32
        %add3A_2212 = arith.constant 12 : i32
        %add3A_2213 = arith.addi %mul3A_2211, %add3A_2212 : i32
        %get3A_2214 = arith.index_cast %add3A_2213 : i32 to index
        %get3A_2215 = arith.constant 176 : index
        %get3A_2216 = tpu.vector_load %arg8[%get3A_2214, %get3A_2215] {strides = array<i32>} : memref<112x192xf32, #tpu.memory_space<vmem>>, vector<1x16xf32>,
        %get3A_2217 = vector.shape_cast %get3A_2216 : vector<1x16xf32> to vector<16xf32>
        %mul3A_2218 = vector.broadcast %squeeze3A_95 : f32 to vector<16xf32>
        %mul3A_2219 = arith.mulf %mul3A_2218, %get3A_2217 : vector<16xf32>
        %add3A_2220 = arith.addf %add3A_2209, %mul3A_2219 : vector<16xf32>
        %mul3A_2221 = arith.constant 16 : i32
        %mul3A_2222 = arith.muli %scan3A_64, %mul3A_2221 : i32
        %add3A_2223 = arith.constant 13 : i32
        %add3A_2224 = arith.addi %mul3A_2222, %add3A_2223 : i32
        %get3A_2225 = arith.index_cast %add3A_2224 : i32 to index
        %get3A_2226 = arith.constant 176 : index
        %get3A_2227 = tpu.vector_load %arg8[%get3A_2225, %get3A_2226] {strides = array<i32>} : memref<112x192xf32, #tpu.memory_space<vmem>>, vector<1x16xf32>,
        %get3A_2228 = vector.shape_cast %get3A_2227 : vector<1x16xf32> to vector<16xf32>
        %mul3A_2229 = vector.broadcast %squeeze3A_97 : f32 to vector<16xf32>
        %mul3A_2230 = arith.mulf %mul3A_2229, %get3A_2228 : vector<16xf32>
        %add3A_2231 = arith.addf %add3A_2220, %mul3A_2230 : vector<16xf32>
        %mul3A_2232 = arith.constant 16 : i32
        %mul3A_2233 = arith.muli %scan3A_64, %mul3A_2232 : i32
        %add3A_2234 = arith.constant 14 : i32
        %add3A_2235 = arith.addi %mul3A_2233, %add3A_2234 : i32
        %get3A_2236 = arith.index_cast %add3A_2235 : i32 to index
        %get3A_2237 = arith.constant 176 : index
        %get3A_2238 = tpu.vector_load %arg8[%get3A_2236, %get3A_2237] {strides = array<i32>} : memref<112x192xf32, #tpu.memory_space<vmem>>, vector<1x16xf32>,
        %get3A_2239 = vector.shape_cast %get3A_2238 : vector<1x16xf32> to vector<16xf32>
        %mul3A_2240 = vector.broadcast %squeeze3A_99 : f32 to vector<16xf32>
        %mul3A_2241 = arith.mulf %mul3A_2240, %get3A_2239 : vector<16xf32>
        %add3A_2242 = arith.addf %add3A_2231, %mul3A_2241 : vector<16xf32>
        %mul3A_2243 = arith.constant 16 : i32
        %mul3A_2244 = arith.muli %scan3A_64, %mul3A_2243 : i32
        %add3A_2245 = arith.constant 15 : i32
        %add3A_2246 = arith.addi %mul3A_2244, %add3A_2245 : i32
        %get3A_2247 = arith.index_cast %add3A_2246 : i32 to index
        %get3A_2248 = arith.constant 176 : index
        %get3A_2249 = tpu.vector_load %arg8[%get3A_2247, %get3A_2248] {strides = array<i32>} : memref<112x192xf32, #tpu.memory_space<vmem>>, vector<1x16xf32>,
        %get3A_2250 = vector.shape_cast %get3A_2249 : vector<1x16xf32> to vector<16xf32>
        %mul3A_2251 = vector.broadcast %squeeze3A_101 : f32 to vector<16xf32>
        %mul3A_2252 = arith.mulf %mul3A_2251, %get3A_2250 : vector<16xf32>
        %add3A_2253 = arith.addf %add3A_2242, %mul3A_2252 : vector<16xf32>
        %rem3A_2254 = arith.constant 49 : i32
        %rem3A_2255 = arith.remsi %add3A_67, %rem3A_2254 : i32
        %swap3A_2256 = arith.index_cast %rem3A_2255 : i32 to index
        %swap3A_2257 = arith.constant 176 : index
        %swap3A_2258 = tpu.vector_load %arg10[%swap3A_2256, %swap3A_2257] {strides = array<i32>} : memref<49x192xf32, #tpu.memory_space<vmem>>, vector<1x16xf32>,
        %swap3A_2259 = vector.shape_cast %swap3A_2258 : vector<1x16xf32> to vector<16xf32>
        %swap3A_2260 = vector.shape_cast %add3A_2253 : vector<16xf32> to vector<1x16xf32>
        tpu.vector_store %arg10[%swap3A_2256, %swap3A_2257], %swap3A_2260 {strides = array<i32>} : memref<49x192xf32, #tpu.memory_space<vmem>>, vector<1x16xf32>,
      }
      %scan3A_33 = arith.constant 7 : i32
      %rem3A = arith.constant 7 : i32
      %rem3A_34 = arith.remsi %mul3A_14, %rem3A : i32
      %eq3A = arith.constant 6 : i32
      %eq3A_35 = arith.cmpi eq, %rem3A_34, %eq3A : i32
      %convert_element_type3A = arith.extui %eq3A_35 : i1 to i32
      %cond3A = arith.constant 0 : i32
      %cond3A_36 = arith.cmpi ne, %convert_element_type3A, %cond3A : i32
      scf.if %cond3A_36 {
        %mul3A_64 = arith.constant 16 : i32
        %mul3A_65 = arith.muli %add3A, %mul3A_64 : i32
        %div3A = arith.constant 7 : i32
        %div3A_66 = arith.divsi %mul3A_14, %div3A : i32
        %add3A_67 = arith.addi %mul3A_65, %div3A_66 : i32
        "tpu.region"() ({
          %run_scoped3A = tpu.sem_alloc : memref<!tpu.dma_semaphore, #tpu.memory_space<semaphore_mem>>
          %dma_start3A_68 = arith.constant 0 : i32
          %dma_start3A_69 = arith.constant 0 : i32
          %dma_start3A_70 = tpu.memref_slice %arg5[%add3A_67, %dma_start3A_68, %dma_start3A_69] : memref<512x49x192xf32, #tpu.memory_space<hbm>> -> memref<1x49x192xf32, #tpu.memory_space<hbm>>
          %dma_start3A_71 = tpu.memref_squeeze %dma_start3A_70 : memref<1x49x192xf32, #tpu.memory_space<hbm>> -> memref<49x192xf32, #tpu.memory_space<hbm>>
          %dma_start3A_72 = arith.constant 0 : i32
          %dma_start3A_73 = arith.constant 0 : i32
          %dma_start3A_74 = tpu.memref_slice %arg5[%add3A_67, %dma_start3A_72, %dma_start3A_73] : memref<512x49x192xf32, #tpu.memory_space<hbm>> -> memref<1x49x192xf32, #tpu.memory_space<hbm>>
          %dma_start3A_75 = tpu.memref_squeeze %dma_start3A_74 : memref<1x49x192xf32, #tpu.memory_space<hbm>> -> memref<49x192xf32, #tpu.memory_space<hbm>>
          tpu.enqueue_dma source(%arg10 : memref<49x192xf32, #tpu.memory_space<vmem>>) target(%dma_start3A_75 : memref<49x192xf32, #tpu.memory_space<hbm>>) target_semaphore(%run_scoped3A : memref<!tpu.dma_semaphore, #tpu.memory_space<semaphore_mem>>)
          %dma_wait3A_76 = arith.constant 0 : i32
          %dma_wait3A_77 = arith.constant 0 : i32
          %dma_wait3A_78 = tpu.memref_slice %arg5[%add3A_67, %dma_wait3A_76, %dma_wait3A_77] : memref<512x49x192xf32, #tpu.memory_space<hbm>> -> memref<1x49x192xf32, #tpu.memory_space<hbm>>
          %dma_wait3A_79 = tpu.memref_squeeze %dma_wait3A_78 : memref<1x49x192xf32, #tpu.memory_space<hbm>> -> memref<49x192xf32, #tpu.memory_space<hbm>>
          %dma_wait3A_80 = arith.constant 0 : i32
          %dma_wait3A_81 = arith.constant 0 : i32
          %dma_wait3A_82 = tpu.memref_slice %arg5[%add3A_67, %dma_wait3A_80, %dma_wait3A_81] : memref<512x49x192xf32, #tpu.memory_space<hbm>> -> memref<1x49x192xf32, #tpu.memory_space<hbm>>
          %dma_wait3A_83 = tpu.memref_squeeze %dma_wait3A_82 : memref<1x49x192xf32, #tpu.memory_space<hbm>> -> memref<49x192xf32, #tpu.memory_space<hbm>>
          tpu.wait_dma2 semaphore(%run_scoped3A : memref<!tpu.dma_semaphore, #tpu.memory_space<semaphore_mem>>) src(%arg10 : memref<49x192xf32, #tpu.memory_space<vmem>>) dst(%dma_wait3A_83 : memref<49x192xf32, #tpu.memory_space<hbm>>)
          tpu.yield
        }) : () -> ()
      } else {
      }
      %lt3A = arith.constant 55 : i32
      %lt3A_37 = arith.cmpi slt, %scan3A_12, %lt3A : i32
      %convert_element_type3A_38 = arith.extui %lt3A_37 : i1 to i32
      %cond3A_39 = arith.constant 0 : i32
      %cond3A_40 = arith.cmpi ne, %convert_element_type3A_38, %cond3A_39 : i32
      scf.if %cond3A_40 {
        %add3A_64 = arith.constant 2 : i32
        %add3A_65 = arith.addi %mul3A_14, %add3A_64 : i32
        %dma_start3A_66 = arith.constant 0 : i32
        %dma_start3A_67 = tpu.memref_slice %arg6[%add3A_65, %dma_start3A_66] : memref<112x112xi32, #tpu.memory_space<vmem>> -> memref<1x112xi32, #tpu.memory_space<vmem>>
        %dma_start3A_68 = tpu.memref_squeeze %dma_start3A_67 : memref<1x112xi32, #tpu.memory_space<vmem>> -> memref<112xi32, #tpu.memory_space<vmem>>
        %dma_start3A_69 = arith.constant 0 : i32
        %dma_start3A_70 = arith.constant 0 : i32
        %dma_start3A_71 = tpu.memref_slice %arg4[%dma_start3A_69, %dma_start3A_70] : memref<43520x192xf32, #tpu.memory_space<hbm>> -> memref<43520x192xf32, #tpu.memory_space<hbm>>
        tpu.enqueue_indirect_dma source(%dma_start3A_71 : memref<43520x192xf32, #tpu.memory_space<hbm>>) target(%arg8 : memref<112x192xf32, #tpu.memory_space<vmem>>) offsets(%dma_start3A_68 : memref<112xi32, #tpu.memory_space<vmem>>) semaphore(%arg11 : memref<!tpu.dma_semaphore, #tpu.memory_space<semaphore_mem>>)
      } else {
      }
      %add3A_41 = arith.constant 1 : i32
      %add3A_42 = arith.addi %mul3A_14, %add3A_41 : i32
      %dma_wait3A_43 = arith.constant 0 : i32
      %dma_wait3A_44 = tpu.memref_slice %arg6[%add3A_42, %dma_wait3A_43] : memref<112x112xi32, #tpu.memory_space<vmem>> -> memref<1x112xi32, #tpu.memory_space<vmem>>
      %dma_wait3A_45 = tpu.memref_squeeze %dma_wait3A_44 : memref<1x112xi32, #tpu.memory_space<vmem>> -> memref<112xi32, #tpu.memory_space<vmem>>
      %dma_wait3A_46 = arith.constant 0 : i32
      %dma_wait3A_47 = arith.constant 0 : i32
      %dma_wait3A_48 = tpu.memref_slice %arg4[%dma_wait3A_46, %dma_wait3A_47] : memref<43520x192xf32, #tpu.memory_space<hbm>> -> memref<43520x192xf32, #tpu.memory_space<hbm>>
      tpu.wait_indirect_dma semaphore(%arg12 : memref<!tpu.dma_semaphore, #tpu.memory_space<semaphore_mem>>) src(%dma_wait3A_48 : memref<43520x192xf32, #tpu.memory_space<hbm>>) dst(%arg9 : memref<112x192xf32, #tpu.memory_space<vmem>>)
      %add3A_49 = arith.constant 1 : i32
      %add3A_50 = arith.addi %mul3A_14, %add3A_49 : i32
      %scan3A_51 = arith.constant 0 : i32
      %scan3A_52 = arith.constant 0 : i32
      %scan3A_53 = arith.constant 7 : i32
      %scan3A_54 = arith.addi %scan3A_52, %scan3A_53 : i32
      %scan3A_55 = arith.constant 1 : i32
      scf.for %scan3A_64 = %scan3A_52 to %scan3A_54 step %scan3A_55  : i32 {
        %mul3A_65 = arith.constant 7 : i32
        %mul3A_66 = arith.muli %add3A_50, %mul3A_65 : i32
        %add3A_67 = arith.addi %mul3A_66, %scan3A_64 : i32
        %mul3A_68 = arith.constant 16 : i32
        %mul3A_69 = arith.muli %add3A_67, %mul3A_68 : i32
        %get3A = arith.index_cast %mul3A_69 : i32 to index
        %get3A_70 = tpu.vector_load %arg7[%get3A] {strides = array<i32>} : memref<12544xf32, #tpu.memory_space<vmem>>, vector<16xf32>,
        %get3A_71 = vector.shape_cast %get3A_70 : vector<16xf32> to vector<16xf32>
        %slice3A = vector.extract_strided_slice %get3A_71 {offsets = [0], sizes = [1], strides = [1]} : vector<16xf32> to vector<1xf32>
        %squeeze3A = vector.extract %slice3A[0] : f32 from vector<1xf32>
        %slice3A_72 = vector.extract_strided_slice %get3A_71 {offsets = [1], sizes = [1], strides = [1]} : vector<16xf32> to vector<1xf32>
        %squeeze3A_73 = vector.extract %slice3A_72[0] : f32 from vector<1xf32>
        %slice3A_74 = vector.extract_strided_slice %get3A_71 {offsets = [2], sizes = [1], strides = [1]} : vector<16xf32> to vector<1xf32>
        %squeeze3A_75 = vector.extract %slice3A_74[0] : f32 from vector<1xf32>
        %slice3A_76 = vector.extract_strided_slice %get3A_71 {offsets = [3], sizes = [1], strides = [1]} : vector<16xf32> to vector<1xf32>
        %squeeze3A_77 = vector.extract %slice3A_76[0] : f32 from vector<1xf32>
        %slice3A_78 = vector.extract_strided_slice %get3A_71 {offsets = [4], sizes = [1], strides = [1]} : vector<16xf32> to vector<1xf32>
        %squeeze3A_79 = vector.extract %slice3A_78[0] : f32 from vector<1xf32>
        %slice3A_80 = vector.extract_strided_slice %get3A_71 {offsets = [5], sizes = [1], strides = [1]} : vector<16xf32> to vector<1xf32>
        %squeeze3A_81 = vector.extract %slice3A_80[0] : f32 from vector<1xf32>
        %slice3A_82 = vector.extract_strided_slice %get3A_71 {offsets = [6], sizes = [1], strides = [1]} : vector<16xf32> to vector<1xf32>
        %squeeze3A_83 = vector.extract %slice3A_82[0] : f32 from vector<1xf32>
        %slice3A_84 = vector.extract_strided_slice %get3A_71 {offsets = [7], sizes = [1], strides = [1]} : vector<16xf32> to vector<1xf32>
        %squeeze3A_85 = vector.extract %slice3A_84[0] : f32 from vector<1xf32>
        %slice3A_86 = vector.extract_strided_slice %get3A_71 {offsets = [8], sizes = [1], strides = [1]} : vector<16xf32> to vector<1xf32>
        %squeeze3A_87 = vector.extract %slice3A_86[0] : f32 from vector<1xf32>
        %slice3A_88 = vector.extract_strided_slice %get3A_71 {offsets = [9], sizes = [1], strides = [1]} : vector<16xf32> to vector<1xf32>
        %squeeze3A_89 = vector.extract %slice3A_88[0] : f32 from vector<1xf32>
        %slice3A_90 = vector.extract_strided_slice %get3A_71 {offsets = [10], sizes = [1], strides = [1]} : vector<16xf32> to vector<1xf32>
        %squeeze3A_91 = vector.extract %slice3A_90[0] : f32 from vector<1xf32>
        %slice3A_92 = vector.extract_strided_slice %get3A_71 {offsets = [11], sizes = [1], strides = [1]} : vector<16xf32> to vector<1xf32>
        %squeeze3A_93 = vector.extract %slice3A_92[0] : f32 from vector<1xf32>
        %slice3A_94 = vector.extract_strided_slice %get3A_71 {offsets = [12], sizes = [1], strides = [1]} : vector<16xf32> to vector<1xf32>
        %squeeze3A_95 = vector.extract %slice3A_94[0] : f32 from vector<1xf32>
        %slice3A_96 = vector.extract_strided_slice %get3A_71 {offsets = [13], sizes = [1], strides = [1]} : vector<16xf32> to vector<1xf32>
        %squeeze3A_97 = vector.extract %slice3A_96[0] : f32 from vector<1xf32>
        %slice3A_98 = vector.extract_strided_slice %get3A_71 {offsets = [14], sizes = [1], strides = [1]} : vector<16xf32> to vector<1xf32>
        %squeeze3A_99 = vector.extract %slice3A_98[0] : f32 from vector<1xf32>
        %slice3A_100 = vector.extract_strided_slice %get3A_71 {offsets = [15], sizes = [1], strides = [1]} : vector<16xf32> to vector<1xf32>
        %squeeze3A_101 = vector.extract %slice3A_100[0] : f32 from vector<1xf32>
        %mul3A_102 = arith.constant 16 : i32
        %mul3A_103 = arith.muli %scan3A_64, %mul3A_102 : i32
        %get3A_104 = arith.index_cast %mul3A_103 : i32 to index
        %get3A_105 = arith.constant 0 : index
        %get3A_106 = tpu.vector_load %arg9[%get3A_104, %get3A_105] {strides = array<i32>} : memref<112x192xf32, #tpu.memory_space<vmem>>, vector<1x16xf32>,
        %get3A_107 = vector.shape_cast %get3A_106 : vector<1x16xf32> to vector<16xf32>
        %mul3A_108 = vector.broadcast %squeeze3A : f32 to vector<16xf32>
        %mul3A_109 = arith.mulf %mul3A_108, %get3A_107 : vector<16xf32>
        %mul3A_110 = arith.constant 16 : i32
        %mul3A_111 = arith.muli %scan3A_64, %mul3A_110 : i32
        %add3A_112 = arith.constant 1 : i32
        %add3A_113 = arith.addi %mul3A_111, %add3A_112 : i32
        %get3A_114 = arith.index_cast %add3A_113 : i32 to index
        %get3A_115 = arith.constant 0 : index
        %get3A_116 = tpu.vector_load %arg9[%get3A_114, %get3A_115] {strides = array<i32>} : memref<112x192xf32, #tpu.memory_space<vmem>>, vector<1x16xf32>,
        %get3A_117 = vector.shape_cast %get3A_116 : vector<1x16xf32> to vector<16xf32>
        %mul3A_118 = vector.broadcast %squeeze3A_73 : f32 to vector<16xf32>
        %mul3A_119 = arith.mulf %mul3A_118, %get3A_117 : vector<16xf32>
        %add3A_120 = arith.addf %mul3A_109, %mul3A_119 : vector<16xf32>
        %mul3A_121 = arith.constant 16 : i32
        %mul3A_122 = arith.muli %scan3A_64, %mul3A_121 : i32
        %add3A_123 = arith.constant 2 : i32
        %add3A_124 = arith.addi %mul3A_122, %add3A_123 : i32
        %get3A_125 = arith.index_cast %add3A_124 : i32 to index
        %get3A_126 = arith.constant 0 : index
        %get3A_127 = tpu.vector_load %arg9[%get3A_125, %get3A_126] {strides = array<i32>} : memref<112x192xf32, #tpu.memory_space<vmem>>, vector<1x16xf32>,
        %get3A_128 = vector.shape_cast %get3A_127 : vector<1x16xf32> to vector<16xf32>
        %mul3A_129 = vector.broadcast %squeeze3A_75 : f32 to vector<16xf32>
        %mul3A_130 = arith.mulf %mul3A_129, %get3A_128 : vector<16xf32>
        %add3A_131 = arith.addf %add3A_120, %mul3A_130 : vector<16xf32>
        %mul3A_132 = arith.constant 16 : i32
        %mul3A_133 = arith.muli %scan3A_64, %mul3A_132 : i32
        %add3A_134 = arith.constant 3 : i32
        %add3A_135 = arith.addi %mul3A_133, %add3A_134 : i32
        %get3A_136 = arith.index_cast %add3A_135 : i32 to index
        %get3A_137 = arith.constant 0 : index
        %get3A_138 = tpu.vector_load %arg9[%get3A_136, %get3A_137] {strides = array<i32>} : memref<112x192xf32, #tpu.memory_space<vmem>>, vector<1x16xf32>,
        %get3A_139 = vector.shape_cast %get3A_138 : vector<1x16xf32> to vector<16xf32>
        %mul3A_140 = vector.broadcast %squeeze3A_77 : f32 to vector<16xf32>
        %mul3A_141 = arith.mulf %mul3A_140, %get3A_139 : vector<16xf32>
        %add3A_142 = arith.addf %add3A_131, %mul3A_141 : vector<16xf32>
        %mul3A_143 = arith.constant 16 : i32
        %mul3A_144 = arith.muli %scan3A_64, %mul3A_143 : i32
        %add3A_145 = arith.constant 4 : i32
        %add3A_146 = arith.addi %mul3A_144, %add3A_145 : i32
        %get3A_147 = arith.index_cast %add3A_146 : i32 to index
        %get3A_148 = arith.constant 0 : index
        %get3A_149 = tpu.vector_load %arg9[%get3A_147, %get3A_148] {strides = array<i32>} : memref<112x192xf32, #tpu.memory_space<vmem>>, vector<1x16xf32>,
        %get3A_150 = vector.shape_cast %get3A_149 : vector<1x16xf32> to vector<16xf32>
        %mul3A_151 = vector.broadcast %squeeze3A_79 : f32 to vector<16xf32>
        %mul3A_152 = arith.mulf %mul3A_151, %get3A_150 : vector<16xf32>
        %add3A_153 = arith.addf %add3A_142, %mul3A_152 : vector<16xf32>
        %mul3A_154 = arith.constant 16 : i32
        %mul3A_155 = arith.muli %scan3A_64, %mul3A_154 : i32
        %add3A_156 = arith.constant 5 : i32
        %add3A_157 = arith.addi %mul3A_155, %add3A_156 : i32
        %get3A_158 = arith.index_cast %add3A_157 : i32 to index
        %get3A_159 = arith.constant 0 : index
        %get3A_160 = tpu.vector_load %arg9[%get3A_158, %get3A_159] {strides = array<i32>} : memref<112x192xf32, #tpu.memory_space<vmem>>, vector<1x16xf32>,
        %get3A_161 = vector.shape_cast %get3A_160 : vector<1x16xf32> to vector<16xf32>
        %mul3A_162 = vector.broadcast %squeeze3A_81 : f32 to vector<16xf32>
        %mul3A_163 = arith.mulf %mul3A_162, %get3A_161 : vector<16xf32>
        %add3A_164 = arith.addf %add3A_153, %mul3A_163 : vector<16xf32>
        %mul3A_165 = arith.constant 16 : i32
        %mul3A_166 = arith.muli %scan3A_64, %mul3A_165 : i32
        %add3A_167 = arith.constant 6 : i32
        %add3A_168 = arith.addi %mul3A_166, %add3A_167 : i32
        %get3A_169 = arith.index_cast %add3A_168 : i32 to index
        %get3A_170 = arith.constant 0 : index
        %get3A_171 = tpu.vector_load %arg9[%get3A_169, %get3A_170] {strides = array<i32>} : memref<112x192xf32, #tpu.memory_space<vmem>>, vector<1x16xf32>,
        %get3A_172 = vector.shape_cast %get3A_171 : vector<1x16xf32> to vector<16xf32>
        %mul3A_173 = vector.broadcast %squeeze3A_83 : f32 to vector<16xf32>
        %mul3A_174 = arith.mulf %mul3A_173, %get3A_172 : vector<16xf32>
        %add3A_175 = arith.addf %add3A_164, %mul3A_174 : vector<16xf32>
        %mul3A_176 = arith.constant 16 : i32
        %mul3A_177 = arith.muli %scan3A_64, %mul3A_176 : i32
        %add3A_178 = arith.constant 7 : i32
        %add3A_179 = arith.addi %mul3A_177, %add3A_178 : i32
        %get3A_180 = arith.index_cast %add3A_179 : i32 to index
        %get3A_181 = arith.constant 0 : index
        %get3A_182 = tpu.vector_load %arg9[%get3A_180, %get3A_181] {strides = array<i32>} : memref<112x192xf32, #tpu.memory_space<vmem>>, vector<1x16xf32>,
        %get3A_183 = vector.shape_cast %get3A_182 : vector<1x16xf32> to vector<16xf32>
        %mul3A_184 = vector.broadcast %squeeze3A_85 : f32 to vector<16xf32>
        %mul3A_185 = arith.mulf %mul3A_184, %get3A_183 : vector<16xf32>
        %add3A_186 = arith.addf %add3A_175, %mul3A_185 : vector<16xf32>
        %mul3A_187 = arith.constant 16 : i32
        %mul3A_188 = arith.muli %scan3A_64, %mul3A_187 : i32
        %add3A_189 = arith.constant 8 : i32
        %add3A_190 = arith.addi %mul3A_188, %add3A_189 : i32
        %get3A_191 = arith.index_cast %add3A_190 : i32 to index
        %get3A_192 = arith.constant 0 : index
        %get3A_193 = tpu.vector_load %arg9[%get3A_191, %get3A_192] {strides = array<i32>} : memref<112x192xf32, #tpu.memory_space<vmem>>, vector<1x16xf32>,
        %get3A_194 = vector.shape_cast %get3A_193 : vector<1x16xf32> to vector<16xf32>
        %mul3A_195 = vector.broadcast %squeeze3A_87 : f32 to vector<16xf32>
        %mul3A_196 = arith.mulf %mul3A_195, %get3A_194 : vector<16xf32>
        %add3A_197 = arith.addf %add3A_186, %mul3A_196 : vector<16xf32>
        %mul3A_198 = arith.constant 16 : i32
        %mul3A_199 = arith.muli %scan3A_64, %mul3A_198 : i32
        %add3A_200 = arith.constant 9 : i32
        %add3A_201 = arith.addi %mul3A_199, %add3A_200 : i32
        %get3A_202 = arith.index_cast %add3A_201 : i32 to index
        %get3A_203 = arith.constant 0 : index
        %get3A_204 = tpu.vector_load %arg9[%get3A_202, %get3A_203] {strides = array<i32>} : memref<112x192xf32, #tpu.memory_space<vmem>>, vector<1x16xf32>,
        %get3A_205 = vector.shape_cast %get3A_204 : vector<1x16xf32> to vector<16xf32>
        %mul3A_206 = vector.broadcast %squeeze3A_89 : f32 to vector<16xf32>
        %mul3A_207 = arith.mulf %mul3A_206, %get3A_205 : vector<16xf32>
        %add3A_208 = arith.addf %add3A_197, %mul3A_207 : vector<16xf32>
        %mul3A_209 = arith.constant 16 : i32
        %mul3A_210 = arith.muli %scan3A_64, %mul3A_209 : i32
        %add3A_211 = arith.constant 10 : i32
        %add3A_212 = arith.addi %mul3A_210, %add3A_211 : i32
        %get3A_213 = arith.index_cast %add3A_212 : i32 to index
        %get3A_214 = arith.constant 0 : index
        %get3A_215 = tpu.vector_load %arg9[%get3A_213, %get3A_214] {strides = array<i32>} : memref<112x192xf32, #tpu.memory_space<vmem>>, vector<1x16xf32>,
        %get3A_216 = vector.shape_cast %get3A_215 : vector<1x16xf32> to vector<16xf32>
        %mul3A_217 = vector.broadcast %squeeze3A_91 : f32 to vector<16xf32>
        %mul3A_218 = arith.mulf %mul3A_217, %get3A_216 : vector<16xf32>
        %add3A_219 = arith.addf %add3A_208, %mul3A_218 : vector<16xf32>
        %mul3A_220 = arith.constant 16 : i32
        %mul3A_221 = arith.muli %scan3A_64, %mul3A_220 : i32
        %add3A_222 = arith.constant 11 : i32
        %add3A_223 = arith.addi %mul3A_221, %add3A_222 : i32
        %get3A_224 = arith.index_cast %add3A_223 : i32 to index
        %get3A_225 = arith.constant 0 : index
        %get3A_226 = tpu.vector_load %arg9[%get3A_224, %get3A_225] {strides = array<i32>} : memref<112x192xf32, #tpu.memory_space<vmem>>, vector<1x16xf32>,
        %get3A_227 = vector.shape_cast %get3A_226 : vector<1x16xf32> to vector<16xf32>
        %mul3A_228 = vector.broadcast %squeeze3A_93 : f32 to vector<16xf32>
        %mul3A_229 = arith.mulf %mul3A_228, %get3A_227 : vector<16xf32>
        %add3A_230 = arith.addf %add3A_219, %mul3A_229 : vector<16xf32>
        %mul3A_231 = arith.constant 16 : i32
        %mul3A_232 = arith.muli %scan3A_64, %mul3A_231 : i32
        %add3A_233 = arith.constant 12 : i32
        %add3A_234 = arith.addi %mul3A_232, %add3A_233 : i32
        %get3A_235 = arith.index_cast %add3A_234 : i32 to index
        %get3A_236 = arith.constant 0 : index
        %get3A_237 = tpu.vector_load %arg9[%get3A_235, %get3A_236] {strides = array<i32>} : memref<112x192xf32, #tpu.memory_space<vmem>>, vector<1x16xf32>,
        %get3A_238 = vector.shape_cast %get3A_237 : vector<1x16xf32> to vector<16xf32>
        %mul3A_239 = vector.broadcast %squeeze3A_95 : f32 to vector<16xf32>
        %mul3A_240 = arith.mulf %mul3A_239, %get3A_238 : vector<16xf32>
        %add3A_241 = arith.addf %add3A_230, %mul3A_240 : vector<16xf32>
        %mul3A_242 = arith.constant 16 : i32
        %mul3A_243 = arith.muli %scan3A_64, %mul3A_242 : i32
        %add3A_244 = arith.constant 13 : i32
        %add3A_245 = arith.addi %mul3A_243, %add3A_244 : i32
        %get3A_246 = arith.index_cast %add3A_245 : i32 to index
        %get3A_247 = arith.constant 0 : index
        %get3A_248 = tpu.vector_load %arg9[%get3A_246, %get3A_247] {strides = array<i32>} : memref<112x192xf32, #tpu.memory_space<vmem>>, vector<1x16xf32>,
        %get3A_249 = vector.shape_cast %get3A_248 : vector<1x16xf32> to vector<16xf32>
        %mul3A_250 = vector.broadcast %squeeze3A_97 : f32 to vector<16xf32>
        %mul3A_251 = arith.mulf %mul3A_250, %get3A_249 : vector<16xf32>
        %add3A_252 = arith.addf %add3A_241, %mul3A_251 : vector<16xf32>
        %mul3A_253 = arith.constant 16 : i32
        %mul3A_254 = arith.muli %scan3A_64, %mul3A_253 : i32
        %add3A_255 = arith.constant 14 : i32
        %add3A_256 = arith.addi %mul3A_254, %add3A_255 : i32
        %get3A_257 = arith.index_cast %add3A_256 : i32 to index
        %get3A_258 = arith.constant 0 : index
        %get3A_259 = tpu.vector_load %arg9[%get3A_257, %get3A_258] {strides = array<i32>} : memref<112x192xf32, #tpu.memory_space<vmem>>, vector<1x16xf32>,
        %get3A_260 = vector.shape_cast %get3A_259 : vector<1x16xf32> to vector<16xf32>
        %mul3A_261 = vector.broadcast %squeeze3A_99 : f32 to vector<16xf32>
        %mul3A_262 = arith.mulf %mul3A_261, %get3A_260 : vector<16xf32>
        %add3A_263 = arith.addf %add3A_252, %mul3A_262 : vector<16xf32>
        %mul3A_264 = arith.constant 16 : i32
        %mul3A_265 = arith.muli %scan3A_64, %mul3A_264 : i32
        %add3A_266 = arith.constant 15 : i32
        %add3A_267 = arith.addi %mul3A_265, %add3A_266 : i32
        %get3A_268 = arith.index_cast %add3A_267 : i32 to index
        %get3A_269 = arith.constant 0 : index
        %get3A_270 = tpu.vector_load %arg9[%get3A_268, %get3A_269] {strides = array<i32>} : memref<112x192xf32, #tpu.memory_space<vmem>>, vector<1x16xf32>,
        %get3A_271 = vector.shape_cast %get3A_270 : vector<1x16xf32> to vector<16xf32>
        %mul3A_272 = vector.broadcast %squeeze3A_101 : f32 to vector<16xf32>
        %mul3A_273 = arith.mulf %mul3A_272, %get3A_271 : vector<16xf32>
        %add3A_274 = arith.addf %add3A_263, %mul3A_273 : vector<16xf32>
        %rem3A_275 = arith.constant 49 : i32
        %rem3A_276 = arith.remsi %add3A_67, %rem3A_275 : i32
        %swap3A = arith.index_cast %rem3A_276 : i32 to index
        %swap3A_277 = arith.constant 0 : index
        %swap3A_278 = tpu.vector_load %arg10[%swap3A, %swap3A_277] {strides = array<i32>} : memref<49x192xf32, #tpu.memory_space<vmem>>, vector<1x16xf32>,
        %swap3A_279 = vector.shape_cast %swap3A_278 : vector<1x16xf32> to vector<16xf32>
        %swap3A_280 = vector.shape_cast %add3A_274 : vector<16xf32> to vector<1x16xf32>
        tpu.vector_store %arg10[%swap3A, %swap3A_277], %swap3A_280 {strides = array<i32>} : memref<49x192xf32, #tpu.memory_space<vmem>>, vector<1x16xf32>,
        %mul3A_281 = arith.constant 16 : i32
        %mul3A_282 = arith.muli %scan3A_64, %mul3A_281 : i32
        %get3A_283 = arith.index_cast %mul3A_282 : i32 to index
        %get3A_284 = arith.constant 16 : index
        %get3A_285 = tpu.vector_load %arg9[%get3A_283, %get3A_284] {strides = array<i32>} : memref<112x192xf32, #tpu.memory_space<vmem>>, vector<1x16xf32>,
        %get3A_286 = vector.shape_cast %get3A_285 : vector<1x16xf32> to vector<16xf32>
        %mul3A_287 = vector.broadcast %squeeze3A : f32 to vector<16xf32>
        %mul3A_288 = arith.mulf %mul3A_287, %get3A_286 : vector<16xf32>
        %mul3A_289 = arith.constant 16 : i32
        %mul3A_290 = arith.muli %scan3A_64, %mul3A_289 : i32
        %add3A_291 = arith.constant 1 : i32
        %add3A_292 = arith.addi %mul3A_290, %add3A_291 : i32
        %get3A_293 = arith.index_cast %add3A_292 : i32 to index
        %get3A_294 = arith.constant 16 : index
        %get3A_295 = tpu.vector_load %arg9[%get3A_293, %get3A_294] {strides = array<i32>} : memref<112x192xf32, #tpu.memory_space<vmem>>, vector<1x16xf32>,
        %get3A_296 = vector.shape_cast %get3A_295 : vector<1x16xf32> to vector<16xf32>
        %mul3A_297 = vector.broadcast %squeeze3A_73 : f32 to vector<16xf32>
        %mul3A_298 = arith.mulf %mul3A_297, %get3A_296 : vector<16xf32>
        %add3A_299 = arith.addf %mul3A_288, %mul3A_298 : vector<16xf32>
        %mul3A_300 = arith.constant 16 : i32
        %mul3A_301 = arith.muli %scan3A_64, %mul3A_300 : i32
        %add3A_302 = arith.constant 2 : i32
        %add3A_303 = arith.addi %mul3A_301, %add3A_302 : i32
        %get3A_304 = arith.index_cast %add3A_303 : i32 to index
        %get3A_305 = arith.constant 16 : index
        %get3A_306 = tpu.vector_load %arg9[%get3A_304, %get3A_305] {strides = array<i32>} : memref<112x192xf32, #tpu.memory_space<vmem>>, vector<1x16xf32>,
        %get3A_307 = vector.shape_cast %get3A_306 : vector<1x16xf32> to vector<16xf32>
        %mul3A_308 = vector.broadcast %squeeze3A_75 : f32 to vector<16xf32>
        %mul3A_309 = arith.mulf %mul3A_308, %get3A_307 : vector<16xf32>
        %add3A_310 = arith.addf %add3A_299, %mul3A_309 : vector<16xf32>
        %mul3A_311 = arith.constant 16 : i32
        %mul3A_312 = arith.muli %scan3A_64, %mul3A_311 : i32
        %add3A_313 = arith.constant 3 : i32
        %add3A_314 = arith.addi %mul3A_312, %add3A_313 : i32
        %get3A_315 = arith.index_cast %add3A_314 : i32 to index
        %get3A_316 = arith.constant 16 : index
        %get3A_317 = tpu.vector_load %arg9[%get3A_315, %get3A_316] {strides = array<i32>} : memref<112x192xf32, #tpu.memory_space<vmem>>, vector<1x16xf32>,
        %get3A_318 = vector.shape_cast %get3A_317 : vector<1x16xf32> to vector<16xf32>
        %mul3A_319 = vector.broadcast %squeeze3A_77 : f32 to vector<16xf32>
        %mul3A_320 = arith.mulf %mul3A_319, %get3A_318 : vector<16xf32>
        %add3A_321 = arith.addf %add3A_310, %mul3A_320 : vector<16xf32>
        %mul3A_322 = arith.constant 16 : i32
        %mul3A_323 = arith.muli %scan3A_64, %mul3A_322 : i32
        %add3A_324 = arith.constant 4 : i32
        %add3A_325 = arith.addi %mul3A_323, %add3A_324 : i32
        %get3A_326 = arith.index_cast %add3A_325 : i32 to index
        %get3A_327 = arith.constant 16 : index
        %get3A_328 = tpu.vector_load %arg9[%get3A_326, %get3A_327] {strides = array<i32>} : memref<112x192xf32, #tpu.memory_space<vmem>>, vector<1x16xf32>,
        %get3A_329 = vector.shape_cast %get3A_328 : vector<1x16xf32> to vector<16xf32>
        %mul3A_330 = vector.broadcast %squeeze3A_79 : f32 to vector<16xf32>
        %mul3A_331 = arith.mulf %mul3A_330, %get3A_329 : vector<16xf32>
        %add3A_332 = arith.addf %add3A_321, %mul3A_331 : vector<16xf32>
        %mul3A_333 = arith.constant 16 : i32
        %mul3A_334 = arith.muli %scan3A_64, %mul3A_333 : i32
        %add3A_335 = arith.constant 5 : i32
        %add3A_336 = arith.addi %mul3A_334, %add3A_335 : i32
        %get3A_337 = arith.index_cast %add3A_336 : i32 to index
        %get3A_338 = arith.constant 16 : index
        %get3A_339 = tpu.vector_load %arg9[%get3A_337, %get3A_338] {strides = array<i32>} : memref<112x192xf32, #tpu.memory_space<vmem>>, vector<1x16xf32>,
        %get3A_340 = vector.shape_cast %get3A_339 : vector<1x16xf32> to vector<16xf32>
        %mul3A_341 = vector.broadcast %squeeze3A_81 : f32 to vector<16xf32>
        %mul3A_342 = arith.mulf %mul3A_341, %get3A_340 : vector<16xf32>
        %add3A_343 = arith.addf %add3A_332, %mul3A_342 : vector<16xf32>
        %mul3A_344 = arith.constant 16 : i32
        %mul3A_345 = arith.muli %scan3A_64, %mul3A_344 : i32
        %add3A_346 = arith.constant 6 : i32
        %add3A_347 = arith.addi %mul3A_345, %add3A_346 : i32
        %get3A_348 = arith.index_cast %add3A_347 : i32 to index
        %get3A_349 = arith.constant 16 : index
        %get3A_350 = tpu.vector_load %arg9[%get3A_348, %get3A_349] {strides = array<i32>} : memref<112x192xf32, #tpu.memory_space<vmem>>, vector<1x16xf32>,
        %get3A_351 = vector.shape_cast %get3A_350 : vector<1x16xf32> to vector<16xf32>
        %mul3A_352 = vector.broadcast %squeeze3A_83 : f32 to vector<16xf32>
        %mul3A_353 = arith.mulf %mul3A_352, %get3A_351 : vector<16xf32>
        %add3A_354 = arith.addf %add3A_343, %mul3A_353 : vector<16xf32>
        %mul3A_355 = arith.constant 16 : i32
        %mul3A_356 = arith.muli %scan3A_64, %mul3A_355 : i32
        %add3A_357 = arith.constant 7 : i32
        %add3A_358 = arith.addi %mul3A_356, %add3A_357 : i32
        %get3A_359 = arith.index_cast %add3A_358 : i32 to index
        %get3A_360 = arith.constant 16 : index
        %get3A_361 = tpu.vector_load %arg9[%get3A_359, %get3A_360] {strides = array<i32>} : memref<112x192xf32, #tpu.memory_space<vmem>>, vector<1x16xf32>,
        %get3A_362 = vector.shape_cast %get3A_361 : vector<1x16xf32> to vector<16xf32>
        %mul3A_363 = vector.broadcast %squeeze3A_85 : f32 to vector<16xf32>
        %mul3A_364 = arith.mulf %mul3A_363, %get3A_362 : vector<16xf32>
        %add3A_365 = arith.addf %add3A_354, %mul3A_364 : vector<16xf32>
        %mul3A_366 = arith.constant 16 : i32
        %mul3A_367 = arith.muli %scan3A_64, %mul3A_366 : i32
        %add3A_368 = arith.constant 8 : i32
        %add3A_369 = arith.addi %mul3A_367, %add3A_368 : i32
        %get3A_370 = arith.index_cast %add3A_369 : i32 to index
        %get3A_371 = arith.constant 16 : index
        %get3A_372 = tpu.vector_load %arg9[%get3A_370, %get3A_371] {strides = array<i32>} : memref<112x192xf32, #tpu.memory_space<vmem>>, vector<1x16xf32>,
        %get3A_373 = vector.shape_cast %get3A_372 : vector<1x16xf32> to vector<16xf32>
        %mul3A_374 = vector.broadcast %squeeze3A_87 : f32 to vector<16xf32>
        %mul3A_375 = arith.mulf %mul3A_374, %get3A_373 : vector<16xf32>
        %add3A_376 = arith.addf %add3A_365, %mul3A_375 : vector<16xf32>
        %mul3A_377 = arith.constant 16 : i32
        %mul3A_378 = arith.muli %scan3A_64, %mul3A_377 : i32
        %add3A_379 = arith.constant 9 : i32
        %add3A_380 = arith.addi %mul3A_378, %add3A_379 : i32
        %get3A_381 = arith.index_cast %add3A_380 : i32 to index
        %get3A_382 = arith.constant 16 : index
        %get3A_383 = tpu.vector_load %arg9[%get3A_381, %get3A_382] {strides = array<i32>} : memref<112x192xf32, #tpu.memory_space<vmem>>, vector<1x16xf32>,
        %get3A_384 = vector.shape_cast %get3A_383 : vector<1x16xf32> to vector<16xf32>
        %mul3A_385 = vector.broadcast %squeeze3A_89 : f32 to vector<16xf32>
        %mul3A_386 = arith.mulf %mul3A_385, %get3A_384 : vector<16xf32>
        %add3A_387 = arith.addf %add3A_376, %mul3A_386 : vector<16xf32>
        %mul3A_388 = arith.constant 16 : i32
        %mul3A_389 = arith.muli %scan3A_64, %mul3A_388 : i32
        %add3A_390 = arith.constant 10 : i32
        %add3A_391 = arith.addi %mul3A_389, %add3A_390 : i32
        %get3A_392 = arith.index_cast %add3A_391 : i32 to index
        %get3A_393 = arith.constant 16 : index
        %get3A_394 = tpu.vector_load %arg9[%get3A_392, %get3A_393] {strides = array<i32>} : memref<112x192xf32, #tpu.memory_space<vmem>>, vector<1x16xf32>,
        %get3A_395 = vector.shape_cast %get3A_394 : vector<1x16xf32> to vector<16xf32>
        %mul3A_396 = vector.broadcast %squeeze3A_91 : f32 to vector<16xf32>
        %mul3A_397 = arith.mulf %mul3A_396, %get3A_395 : vector<16xf32>
        %add3A_398 = arith.addf %add3A_387, %mul3A_397 : vector<16xf32>
        %mul3A_399 = arith.constant 16 : i32
        %mul3A_400 = arith.muli %scan3A_64, %mul3A_399 : i32
        %add3A_401 = arith.constant 11 : i32
        %add3A_402 = arith.addi %mul3A_400, %add3A_401 : i32
        %get3A_403 = arith.index_cast %add3A_402 : i32 to index
        %get3A_404 = arith.constant 16 : index
        %get3A_405 = tpu.vector_load %arg9[%get3A_403, %get3A_404] {strides = array<i32>} : memref<112x192xf32, #tpu.memory_space<vmem>>, vector<1x16xf32>,
        %get3A_406 = vector.shape_cast %get3A_405 : vector<1x16xf32> to vector<16xf32>
        %mul3A_407 = vector.broadcast %squeeze3A_93 : f32 to vector<16xf32>
        %mul3A_408 = arith.mulf %mul3A_407, %get3A_406 : vector<16xf32>
        %add3A_409 = arith.addf %add3A_398, %mul3A_408 : vector<16xf32>
        %mul3A_410 = arith.constant 16 : i32
        %mul3A_411 = arith.muli %scan3A_64, %mul3A_410 : i32
        %add3A_412 = arith.constant 12 : i32
        %add3A_413 = arith.addi %mul3A_411, %add3A_412 : i32
        %get3A_414 = arith.index_cast %add3A_413 : i32 to index
        %get3A_415 = arith.constant 16 : index
        %get3A_416 = tpu.vector_load %arg9[%get3A_414, %get3A_415] {strides = array<i32>} : memref<112x192xf32, #tpu.memory_space<vmem>>, vector<1x16xf32>,
        %get3A_417 = vector.shape_cast %get3A_416 : vector<1x16xf32> to vector<16xf32>
        %mul3A_418 = vector.broadcast %squeeze3A_95 : f32 to vector<16xf32>
        %mul3A_419 = arith.mulf %mul3A_418, %get3A_417 : vector<16xf32>
        %add3A_420 = arith.addf %add3A_409, %mul3A_419 : vector<16xf32>
        %mul3A_421 = arith.constant 16 : i32
        %mul3A_422 = arith.muli %scan3A_64, %mul3A_421 : i32
        %add3A_423 = arith.constant 13 : i32
        %add3A_424 = arith.addi %mul3A_422, %add3A_423 : i32
        %get3A_425 = arith.index_cast %add3A_424 : i32 to index
        %get3A_426 = arith.constant 16 : index
        %get3A_427 = tpu.vector_load %arg9[%get3A_425, %get3A_426] {strides = array<i32>} : memref<112x192xf32, #tpu.memory_space<vmem>>, vector<1x16xf32>,
        %get3A_428 = vector.shape_cast %get3A_427 : vector<1x16xf32> to vector<16xf32>
        %mul3A_429 = vector.broadcast %squeeze3A_97 : f32 to vector<16xf32>
        %mul3A_430 = arith.mulf %mul3A_429, %get3A_428 : vector<16xf32>
        %add3A_431 = arith.addf %add3A_420, %mul3A_430 : vector<16xf32>
        %mul3A_432 = arith.constant 16 : i32
        %mul3A_433 = arith.muli %scan3A_64, %mul3A_432 : i32
        %add3A_434 = arith.constant 14 : i32
        %add3A_435 = arith.addi %mul3A_433, %add3A_434 : i32
        %get3A_436 = arith.index_cast %add3A_435 : i32 to index
        %get3A_437 = arith.constant 16 : index
        %get3A_438 = tpu.vector_load %arg9[%get3A_436, %get3A_437] {strides = array<i32>} : memref<112x192xf32, #tpu.memory_space<vmem>>, vector<1x16xf32>,
        %get3A_439 = vector.shape_cast %get3A_438 : vector<1x16xf32> to vector<16xf32>
        %mul3A_440 = vector.broadcast %squeeze3A_99 : f32 to vector<16xf32>
        %mul3A_441 = arith.mulf %mul3A_440, %get3A_439 : vector<16xf32>
        %add3A_442 = arith.addf %add3A_431, %mul3A_441 : vector<16xf32>
        %mul3A_443 = arith.constant 16 : i32
        %mul3A_444 = arith.muli %scan3A_64, %mul3A_443 : i32
        %add3A_445 = arith.constant 15 : i32
        %add3A_446 = arith.addi %mul3A_444, %add3A_445 : i32
        %get3A_447 = arith.index_cast %add3A_446 : i32 to index
        %get3A_448 = arith.constant 16 : index
        %get3A_449 = tpu.vector_load %arg9[%get3A_447, %get3A_448] {strides = array<i32>} : memref<112x192xf32, #tpu.memory_space<vmem>>, vector<1x16xf32>,
        %get3A_450 = vector.shape_cast %get3A_449 : vector<1x16xf32> to vector<16xf32>
        %mul3A_451 = vector.broadcast %squeeze3A_101 : f32 to vector<16xf32>
        %mul3A_452 = arith.mulf %mul3A_451, %get3A_450 : vector<16xf32>
        %add3A_453 = arith.addf %add3A_442, %mul3A_452 : vector<16xf32>
        %rem3A_454 = arith.constant 49 : i32
        %rem3A_455 = arith.remsi %add3A_67, %rem3A_454 : i32
        %swap3A_456 = arith.index_cast %rem3A_455 : i32 to index
        %swap3A_457 = arith.constant 16 : index
        %swap3A_458 = tpu.vector_load %arg10[%swap3A_456, %swap3A_457] {strides = array<i32>} : memref<49x192xf32, #tpu.memory_space<vmem>>, vector<1x16xf32>,
        %swap3A_459 = vector.shape_cast %swap3A_458 : vector<1x16xf32> to vector<16xf32>
        %swap3A_460 = vector.shape_cast %add3A_453 : vector<16xf32> to vector<1x16xf32>
        tpu.vector_store %arg10[%swap3A_456, %swap3A_457], %swap3A_460 {strides = array<i32>} : memref<49x192xf32, #tpu.memory_space<vmem>>, vector<1x16xf32>,
        %mul3A_461 = arith.constant 16 : i32
        %mul3A_462 = arith.muli %scan3A_64, %mul3A_461 : i32
        %get3A_463 = arith.index_cast %mul3A_462 : i32 to index
        %get3A_464 = arith.constant 32 : index
        %get3A_465 = tpu.vector_load %arg9[%get3A_463, %get3A_464] {strides = array<i32>} : memref<112x192xf32, #tpu.memory_space<vmem>>, vector<1x16xf32>,
        %get3A_466 = vector.shape_cast %get3A_465 : vector<1x16xf32> to vector<16xf32>
        %mul3A_467 = vector.broadcast %squeeze3A : f32 to vector<16xf32>
        %mul3A_468 = arith.mulf %mul3A_467, %get3A_466 : vector<16xf32>
        %mul3A_469 = arith.constant 16 : i32
        %mul3A_470 = arith.muli %scan3A_64, %mul3A_469 : i32
        %add3A_471 = arith.constant 1 : i32
        %add3A_472 = arith.addi %mul3A_470, %add3A_471 : i32
        %get3A_473 = arith.index_cast %add3A_472 : i32 to index
        %get3A_474 = arith.constant 32 : index
        %get3A_475 = tpu.vector_load %arg9[%get3A_473, %get3A_474] {strides = array<i32>} : memref<112x192xf32, #tpu.memory_space<vmem>>, vector<1x16xf32>,
        %get3A_476 = vector.shape_cast %get3A_475 : vector<1x16xf32> to vector<16xf32>
        %mul3A_477 = vector.broadcast %squeeze3A_73 : f32 to vector<16xf32>
        %mul3A_478 = arith.mulf %mul3A_477, %get3A_476 : vector<16xf32>
        %add3A_479 = arith.addf %mul3A_468, %mul3A_478 : vector<16xf32>
        %mul3A_480 = arith.constant 16 : i32
        %mul3A_481 = arith.muli %scan3A_64, %mul3A_480 : i32
        %add3A_482 = arith.constant 2 : i32
        %add3A_483 = arith.addi %mul3A_481, %add3A_482 : i32
        %get3A_484 = arith.index_cast %add3A_483 : i32 to index
        %get3A_485 = arith.constant 32 : index
        %get3A_486 = tpu.vector_load %arg9[%get3A_484, %get3A_485] {strides = array<i32>} : memref<112x192xf32, #tpu.memory_space<vmem>>, vector<1x16xf32>,
        %get3A_487 = vector.shape_cast %get3A_486 : vector<1x16xf32> to vector<16xf32>
        %mul3A_488 = vector.broadcast %squeeze3A_75 : f32 to vector<16xf32>
        %mul3A_489 = arith.mulf %mul3A_488, %get3A_487 : vector<16xf32>
        %add3A_490 = arith.addf %add3A_479, %mul3A_489 : vector<16xf32>
        %mul3A_491 = arith.constant 16 : i32
        %mul3A_492 = arith.muli %scan3A_64, %mul3A_491 : i32
        %add3A_493 = arith.constant 3 : i32
        %add3A_494 = arith.addi %mul3A_492, %add3A_493 : i32
        %get3A_495 = arith.index_cast %add3A_494 : i32 to index
        %get3A_496 = arith.constant 32 : index
        %get3A_497 = tpu.vector_load %arg9[%get3A_495, %get3A_496] {strides = array<i32>} : memref<112x192xf32, #tpu.memory_space<vmem>>, vector<1x16xf32>,
        %get3A_498 = vector.shape_cast %get3A_497 : vector<1x16xf32> to vector<16xf32>
        %mul3A_499 = vector.broadcast %squeeze3A_77 : f32 to vector<16xf32>
        %mul3A_500 = arith.mulf %mul3A_499, %get3A_498 : vector<16xf32>
        %add3A_501 = arith.addf %add3A_490, %mul3A_500 : vector<16xf32>
        %mul3A_502 = arith.constant 16 : i32
        %mul3A_503 = arith.muli %scan3A_64, %mul3A_502 : i32
        %add3A_504 = arith.constant 4 : i32
        %add3A_505 = arith.addi %mul3A_503, %add3A_504 : i32
        %get3A_506 = arith.index_cast %add3A_505 : i32 to index
        %get3A_507 = arith.constant 32 : index
        %get3A_508 = tpu.vector_load %arg9[%get3A_506, %get3A_507] {strides = array<i32>} : memref<112x192xf32, #tpu.memory_space<vmem>>, vector<1x16xf32>,
        %get3A_509 = vector.shape_cast %get3A_508 : vector<1x16xf32> to vector<16xf32>
        %mul3A_510 = vector.broadcast %squeeze3A_79 : f32 to vector<16xf32>
        %mul3A_511 = arith.mulf %mul3A_510, %get3A_509 : vector<16xf32>
        %add3A_512 = arith.addf %add3A_501, %mul3A_511 : vector<16xf32>
        %mul3A_513 = arith.constant 16 : i32
        %mul3A_514 = arith.muli %scan3A_64, %mul3A_513 : i32
        %add3A_515 = arith.constant 5 : i32
        %add3A_516 = arith.addi %mul3A_514, %add3A_515 : i32
        %get3A_517 = arith.index_cast %add3A_516 : i32 to index
        %get3A_518 = arith.constant 32 : index
        %get3A_519 = tpu.vector_load %arg9[%get3A_517, %get3A_518] {strides = array<i32>} : memref<112x192xf32, #tpu.memory_space<vmem>>, vector<1x16xf32>,
        %get3A_520 = vector.shape_cast %get3A_519 : vector<1x16xf32> to vector<16xf32>
        %mul3A_521 = vector.broadcast %squeeze3A_81 : f32 to vector<16xf32>
        %mul3A_522 = arith.mulf %mul3A_521, %get3A_520 : vector<16xf32>
        %add3A_523 = arith.addf %add3A_512, %mul3A_522 : vector<16xf32>
        %mul3A_524 = arith.constant 16 : i32
        %mul3A_525 = arith.muli %scan3A_64, %mul3A_524 : i32
        %add3A_526 = arith.constant 6 : i32
        %add3A_527 = arith.addi %mul3A_525, %add3A_526 : i32
        %get3A_528 = arith.index_cast %add3A_527 : i32 to index
        %get3A_529 = arith.constant 32 : index
        %get3A_530 = tpu.vector_load %arg9[%get3A_528, %get3A_529] {strides = array<i32>} : memref<112x192xf32, #tpu.memory_space<vmem>>, vector<1x16xf32>,
        %get3A_531 = vector.shape_cast %get3A_530 : vector<1x16xf32> to vector<16xf32>
        %mul3A_532 = vector.broadcast %squeeze3A_83 : f32 to vector<16xf32>
        %mul3A_533 = arith.mulf %mul3A_532, %get3A_531 : vector<16xf32>
        %add3A_534 = arith.addf %add3A_523, %mul3A_533 : vector<16xf32>
        %mul3A_535 = arith.constant 16 : i32
        %mul3A_536 = arith.muli %scan3A_64, %mul3A_535 : i32
        %add3A_537 = arith.constant 7 : i32
        %add3A_538 = arith.addi %mul3A_536, %add3A_537 : i32
        %get3A_539 = arith.index_cast %add3A_538 : i32 to index
        %get3A_540 = arith.constant 32 : index
        %get3A_541 = tpu.vector_load %arg9[%get3A_539, %get3A_540] {strides = array<i32>} : memref<112x192xf32, #tpu.memory_space<vmem>>, vector<1x16xf32>,
        %get3A_542 = vector.shape_cast %get3A_541 : vector<1x16xf32> to vector<16xf32>
        %mul3A_543 = vector.broadcast %squeeze3A_85 : f32 to vector<16xf32>
        %mul3A_544 = arith.mulf %mul3A_543, %get3A_542 : vector<16xf32>
        %add3A_545 = arith.addf %add3A_534, %mul3A_544 : vector<16xf32>
        %mul3A_546 = arith.constant 16 : i32
        %mul3A_547 = arith.muli %scan3A_64, %mul3A_546 : i32
        %add3A_548 = arith.constant 8 : i32
        %add3A_549 = arith.addi %mul3A_547, %add3A_548 : i32
        %get3A_550 = arith.index_cast %add3A_549 : i32 to index
        %get3A_551 = arith.constant 32 : index
        %get3A_552 = tpu.vector_load %arg9[%get3A_550, %get3A_551] {strides = array<i32>} : memref<112x192xf32, #tpu.memory_space<vmem>>, vector<1x16xf32>,
        %get3A_553 = vector.shape_cast %get3A_552 : vector<1x16xf32> to vector<16xf32>
        %mul3A_554 = vector.broadcast %squeeze3A_87 : f32 to vector<16xf32>
        %mul3A_555 = arith.mulf %mul3A_554, %get3A_553 : vector<16xf32>
        %add3A_556 = arith.addf %add3A_545, %mul3A_555 : vector<16xf32>
        %mul3A_557 = arith.constant 16 : i32
        %mul3A_558 = arith.muli %scan3A_64, %mul3A_557 : i32
        %add3A_559 = arith.constant 9 : i32
        %add3A_560 = arith.addi %mul3A_558, %add3A_559 : i32
        %get3A_561 = arith.index_cast %add3A_560 : i32 to index
        %get3A_562 = arith.constant 32 : index
        %get3A_563 = tpu.vector_load %arg9[%get3A_561, %get3A_562] {strides = array<i32>} : memref<112x192xf32, #tpu.memory_space<vmem>>, vector<1x16xf32>,
        %get3A_564 = vector.shape_cast %get3A_563 : vector<1x16xf32> to vector<16xf32>
        %mul3A_565 = vector.broadcast %squeeze3A_89 : f32 to vector<16xf32>
        %mul3A_566 = arith.mulf %mul3A_565, %get3A_564 : vector<16xf32>
        %add3A_567 = arith.addf %add3A_556, %mul3A_566 : vector<16xf32>
        %mul3A_568 = arith.constant 16 : i32
        %mul3A_569 = arith.muli %scan3A_64, %mul3A_568 : i32
        %add3A_570 = arith.constant 10 : i32
        %add3A_571 = arith.addi %mul3A_569, %add3A_570 : i32
        %get3A_572 = arith.index_cast %add3A_571 : i32 to index
        %get3A_573 = arith.constant 32 : index
        %get3A_574 = tpu.vector_load %arg9[%get3A_572, %get3A_573] {strides = array<i32>} : memref<112x192xf32, #tpu.memory_space<vmem>>, vector<1x16xf32>,
        %get3A_575 = vector.shape_cast %get3A_574 : vector<1x16xf32> to vector<16xf32>
        %mul3A_576 = vector.broadcast %squeeze3A_91 : f32 to vector<16xf32>
        %mul3A_577 = arith.mulf %mul3A_576, %get3A_575 : vector<16xf32>
        %add3A_578 = arith.addf %add3A_567, %mul3A_577 : vector<16xf32>
        %mul3A_579 = arith.constant 16 : i32
        %mul3A_580 = arith.muli %scan3A_64, %mul3A_579 : i32
        %add3A_581 = arith.constant 11 : i32
        %add3A_582 = arith.addi %mul3A_580, %add3A_581 : i32
        %get3A_583 = arith.index_cast %add3A_582 : i32 to index
        %get3A_584 = arith.constant 32 : index
        %get3A_585 = tpu.vector_load %arg9[%get3A_583, %get3A_584] {strides = array<i32>} : memref<112x192xf32, #tpu.memory_space<vmem>>, vector<1x16xf32>,
        %get3A_586 = vector.shape_cast %get3A_585 : vector<1x16xf32> to vector<16xf32>
        %mul3A_587 = vector.broadcast %squeeze3A_93 : f32 to vector<16xf32>
        %mul3A_588 = arith.mulf %mul3A_587, %get3A_586 : vector<16xf32>
        %add3A_589 = arith.addf %add3A_578, %mul3A_588 : vector<16xf32>
        %mul3A_590 = arith.constant 16 : i32
        %mul3A_591 = arith.muli %scan3A_64, %mul3A_590 : i32
        %add3A_592 = arith.constant 12 : i32
        %add3A_593 = arith.addi %mul3A_591, %add3A_592 : i32
        %get3A_594 = arith.index_cast %add3A_593 : i32 to index
        %get3A_595 = arith.constant 32 : index
        %get3A_596 = tpu.vector_load %arg9[%get3A_594, %get3A_595] {strides = array<i32>} : memref<112x192xf32, #tpu.memory_space<vmem>>, vector<1x16xf32>,
        %get3A_597 = vector.shape_cast %get3A_596 : vector<1x16xf32> to vector<16xf32>
        %mul3A_598 = vector.broadcast %squeeze3A_95 : f32 to vector<16xf32>
        %mul3A_599 = arith.mulf %mul3A_598, %get3A_597 : vector<16xf32>
        %add3A_600 = arith.addf %add3A_589, %mul3A_599 : vector<16xf32>
        %mul3A_601 = arith.constant 16 : i32
        %mul3A_602 = arith.muli %scan3A_64, %mul3A_601 : i32
        %add3A_603 = arith.constant 13 : i32
        %add3A_604 = arith.addi %mul3A_602, %add3A_603 : i32
        %get3A_605 = arith.index_cast %add3A_604 : i32 to index
        %get3A_606 = arith.constant 32 : index
        %get3A_607 = tpu.vector_load %arg9[%get3A_605, %get3A_606] {strides = array<i32>} : memref<112x192xf32, #tpu.memory_space<vmem>>, vector<1x16xf32>,
        %get3A_608 = vector.shape_cast %get3A_607 : vector<1x16xf32> to vector<16xf32>
        %mul3A_609 = vector.broadcast %squeeze3A_97 : f32 to vector<16xf32>
        %mul3A_610 = arith.mulf %mul3A_609, %get3A_608 : vector<16xf32>
        %add3A_611 = arith.addf %add3A_600, %mul3A_610 : vector<16xf32>
        %mul3A_612 = arith.constant 16 : i32
        %mul3A_613 = arith.muli %scan3A_64, %mul3A_612 : i32
        %add3A_614 = arith.constant 14 : i32
        %add3A_615 = arith.addi %mul3A_613, %add3A_614 : i32
        %get3A_616 = arith.index_cast %add3A_615 : i32 to index
        %get3A_617 = arith.constant 32 : index
        %get3A_618 = tpu.vector_load %arg9[%get3A_616, %get3A_617] {strides = array<i32>} : memref<112x192xf32, #tpu.memory_space<vmem>>, vector<1x16xf32>,
        %get3A_619 = vector.shape_cast %get3A_618 : vector<1x16xf32> to vector<16xf32>
        %mul3A_620 = vector.broadcast %squeeze3A_99 : f32 to vector<16xf32>
        %mul3A_621 = arith.mulf %mul3A_620, %get3A_619 : vector<16xf32>
        %add3A_622 = arith.addf %add3A_611, %mul3A_621 : vector<16xf32>
        %mul3A_623 = arith.constant 16 : i32
        %mul3A_624 = arith.muli %scan3A_64, %mul3A_623 : i32
        %add3A_625 = arith.constant 15 : i32
        %add3A_626 = arith.addi %mul3A_624, %add3A_625 : i32
        %get3A_627 = arith.index_cast %add3A_626 : i32 to index
        %get3A_628 = arith.constant 32 : index
        %get3A_629 = tpu.vector_load %arg9[%get3A_627, %get3A_628] {strides = array<i32>} : memref<112x192xf32, #tpu.memory_space<vmem>>, vector<1x16xf32>,
        %get3A_630 = vector.shape_cast %get3A_629 : vector<1x16xf32> to vector<16xf32>
        %mul3A_631 = vector.broadcast %squeeze3A_101 : f32 to vector<16xf32>
        %mul3A_632 = arith.mulf %mul3A_631, %get3A_630 : vector<16xf32>
        %add3A_633 = arith.addf %add3A_622, %mul3A_632 : vector<16xf32>
        %rem3A_634 = arith.constant 49 : i32
        %rem3A_635 = arith.remsi %add3A_67, %rem3A_634 : i32
        %swap3A_636 = arith.index_cast %rem3A_635 : i32 to index
        %swap3A_637 = arith.constant 32 : index
        %swap3A_638 = tpu.vector_load %arg10[%swap3A_636, %swap3A_637] {strides = array<i32>} : memref<49x192xf32, #tpu.memory_space<vmem>>, vector<1x16xf32>,
        %swap3A_639 = vector.shape_cast %swap3A_638 : vector<1x16xf32> to vector<16xf32>
        %swap3A_640 = vector.shape_cast %add3A_633 : vector<16xf32> to vector<1x16xf32>
        tpu.vector_store %arg10[%swap3A_636, %swap3A_637], %swap3A_640 {strides = array<i32>} : memref<49x192xf32, #tpu.memory_space<vmem>>, vector<1x16xf32>,
        %mul3A_641 = arith.constant 16 : i32
        %mul3A_642 = arith.muli %scan3A_64, %mul3A_641 : i32
        %get3A_643 = arith.index_cast %mul3A_642 : i32 to index
        %get3A_644 = arith.constant 48 : index
        %get3A_645 = tpu.vector_load %arg9[%get3A_643, %get3A_644] {strides = array<i32>} : memref<112x192xf32, #tpu.memory_space<vmem>>, vector<1x16xf32>,
        %get3A_646 = vector.shape_cast %get3A_645 : vector<1x16xf32> to vector<16xf32>
        %mul3A_647 = vector.broadcast %squeeze3A : f32 to vector<16xf32>
        %mul3A_648 = arith.mulf %mul3A_647, %get3A_646 : vector<16xf32>
        %mul3A_649 = arith.constant 16 : i32
        %mul3A_650 = arith.muli %scan3A_64, %mul3A_649 : i32
        %add3A_651 = arith.constant 1 : i32
        %add3A_652 = arith.addi %mul3A_650, %add3A_651 : i32
        %get3A_653 = arith.index_cast %add3A_652 : i32 to index
        %get3A_654 = arith.constant 48 : index
        %get3A_655 = tpu.vector_load %arg9[%get3A_653, %get3A_654] {strides = array<i32>} : memref<112x192xf32, #tpu.memory_space<vmem>>, vector<1x16xf32>,
        %get3A_656 = vector.shape_cast %get3A_655 : vector<1x16xf32> to vector<16xf32>
        %mul3A_657 = vector.broadcast %squeeze3A_73 : f32 to vector<16xf32>
        %mul3A_658 = arith.mulf %mul3A_657, %get3A_656 : vector<16xf32>
        %add3A_659 = arith.addf %mul3A_648, %mul3A_658 : vector<16xf32>
        %mul3A_660 = arith.constant 16 : i32
        %mul3A_661 = arith.muli %scan3A_64, %mul3A_660 : i32
        %add3A_662 = arith.constant 2 : i32
        %add3A_663 = arith.addi %mul3A_661, %add3A_662 : i32
        %get3A_664 = arith.index_cast %add3A_663 : i32 to index
        %get3A_665 = arith.constant 48 : index
        %get3A_666 = tpu.vector_load %arg9[%get3A_664, %get3A_665] {strides = array<i32>} : memref<112x192xf32, #tpu.memory_space<vmem>>, vector<1x16xf32>,
        %get3A_667 = vector.shape_cast %get3A_666 : vector<1x16xf32> to vector<16xf32>
        %mul3A_668 = vector.broadcast %squeeze3A_75 : f32 to vector<16xf32>
        %mul3A_669 = arith.mulf %mul3A_668, %get3A_667 : vector<16xf32>
        %add3A_670 = arith.addf %add3A_659, %mul3A_669 : vector<16xf32>
        %mul3A_671 = arith.constant 16 : i32
        %mul3A_672 = arith.muli %scan3A_64, %mul3A_671 : i32
        %add3A_673 = arith.constant 3 : i32
        %add3A_674 = arith.addi %mul3A_672, %add3A_673 : i32
        %get3A_675 = arith.index_cast %add3A_674 : i32 to index
        %get3A_676 = arith.constant 48 : index
        %get3A_677 = tpu.vector_load %arg9[%get3A_675, %get3A_676] {strides = array<i32>} : memref<112x192xf32, #tpu.memory_space<vmem>>, vector<1x16xf32>,
        %get3A_678 = vector.shape_cast %get3A_677 : vector<1x16xf32> to vector<16xf32>
        %mul3A_679 = vector.broadcast %squeeze3A_77 : f32 to vector<16xf32>
        %mul3A_680 = arith.mulf %mul3A_679, %get3A_678 : vector<16xf32>
        %add3A_681 = arith.addf %add3A_670, %mul3A_680 : vector<16xf32>
        %mul3A_682 = arith.constant 16 : i32
        %mul3A_683 = arith.muli %scan3A_64, %mul3A_682 : i32
        %add3A_684 = arith.constant 4 : i32
        %add3A_685 = arith.addi %mul3A_683, %add3A_684 : i32
        %get3A_686 = arith.index_cast %add3A_685 : i32 to index
        %get3A_687 = arith.constant 48 : index
        %get3A_688 = tpu.vector_load %arg9[%get3A_686, %get3A_687] {strides = array<i32>} : memref<112x192xf32, #tpu.memory_space<vmem>>, vector<1x16xf32>,
        %get3A_689 = vector.shape_cast %get3A_688 : vector<1x16xf32> to vector<16xf32>
        %mul3A_690 = vector.broadcast %squeeze3A_79 : f32 to vector<16xf32>
        %mul3A_691 = arith.mulf %mul3A_690, %get3A_689 : vector<16xf32>
        %add3A_692 = arith.addf %add3A_681, %mul3A_691 : vector<16xf32>
        %mul3A_693 = arith.constant 16 : i32
        %mul3A_694 = arith.muli %scan3A_64, %mul3A_693 : i32
        %add3A_695 = arith.constant 5 : i32
        %add3A_696 = arith.addi %mul3A_694, %add3A_695 : i32
        %get3A_697 = arith.index_cast %add3A_696 : i32 to index
        %get3A_698 = arith.constant 48 : index
        %get3A_699 = tpu.vector_load %arg9[%get3A_697, %get3A_698] {strides = array<i32>} : memref<112x192xf32, #tpu.memory_space<vmem>>, vector<1x16xf32>,
        %get3A_700 = vector.shape_cast %get3A_699 : vector<1x16xf32> to vector<16xf32>
        %mul3A_701 = vector.broadcast %squeeze3A_81 : f32 to vector<16xf32>
        %mul3A_702 = arith.mulf %mul3A_701, %get3A_700 : vector<16xf32>
        %add3A_703 = arith.addf %add3A_692, %mul3A_702 : vector<16xf32>
        %mul3A_704 = arith.constant 16 : i32
        %mul3A_705 = arith.muli %scan3A_64, %mul3A_704 : i32
        %add3A_706 = arith.constant 6 : i32
        %add3A_707 = arith.addi %mul3A_705, %add3A_706 : i32
        %get3A_708 = arith.index_cast %add3A_707 : i32 to index
        %get3A_709 = arith.constant 48 : index
        %get3A_710 = tpu.vector_load %arg9[%get3A_708, %get3A_709] {strides = array<i32>} : memref<112x192xf32, #tpu.memory_space<vmem>>, vector<1x16xf32>,
        %get3A_711 = vector.shape_cast %get3A_710 : vector<1x16xf32> to vector<16xf32>
        %mul3A_712 = vector.broadcast %squeeze3A_83 : f32 to vector<16xf32>
        %mul3A_713 = arith.mulf %mul3A_712, %get3A_711 : vector<16xf32>
        %add3A_714 = arith.addf %add3A_703, %mul3A_713 : vector<16xf32>
        %mul3A_715 = arith.constant 16 : i32
        %mul3A_716 = arith.muli %scan3A_64, %mul3A_715 : i32
        %add3A_717 = arith.constant 7 : i32
        %add3A_718 = arith.addi %mul3A_716, %add3A_717 : i32
        %get3A_719 = arith.index_cast %add3A_718 : i32 to index
        %get3A_720 = arith.constant 48 : index
        %get3A_721 = tpu.vector_load %arg9[%get3A_719, %get3A_720] {strides = array<i32>} : memref<112x192xf32, #tpu.memory_space<vmem>>, vector<1x16xf32>,
        %get3A_722 = vector.shape_cast %get3A_721 : vector<1x16xf32> to vector<16xf32>
        %mul3A_723 = vector.broadcast %squeeze3A_85 : f32 to vector<16xf32>
        %mul3A_724 = arith.mulf %mul3A_723, %get3A_722 : vector<16xf32>
        %add3A_725 = arith.addf %add3A_714, %mul3A_724 : vector<16xf32>
        %mul3A_726 = arith.constant 16 : i32
        %mul3A_727 = arith.muli %scan3A_64, %mul3A_726 : i32
        %add3A_728 = arith.constant 8 : i32
        %add3A_729 = arith.addi %mul3A_727, %add3A_728 : i32
        %get3A_730 = arith.index_cast %add3A_729 : i32 to index
        %get3A_731 = arith.constant 48 : index
        %get3A_732 = tpu.vector_load %arg9[%get3A_730, %get3A_731] {strides = array<i32>} : memref<112x192xf32, #tpu.memory_space<vmem>>, vector<1x16xf32>,
        %get3A_733 = vector.shape_cast %get3A_732 : vector<1x16xf32> to vector<16xf32>
        %mul3A_734 = vector.broadcast %squeeze3A_87 : f32 to vector<16xf32>
        %mul3A_735 = arith.mulf %mul3A_734, %get3A_733 : vector<16xf32>
        %add3A_736 = arith.addf %add3A_725, %mul3A_735 : vector<16xf32>
        %mul3A_737 = arith.constant 16 : i32
        %mul3A_738 = arith.muli %scan3A_64, %mul3A_737 : i32
        %add3A_739 = arith.constant 9 : i32
        %add3A_740 = arith.addi %mul3A_738, %add3A_739 : i32
        %get3A_741 = arith.index_cast %add3A_740 : i32 to index
        %get3A_742 = arith.constant 48 : index
        %get3A_743 = tpu.vector_load %arg9[%get3A_741, %get3A_742] {strides = array<i32>} : memref<112x192xf32, #tpu.memory_space<vmem>>, vector<1x16xf32>,
        %get3A_744 = vector.shape_cast %get3A_743 : vector<1x16xf32> to vector<16xf32>
        %mul3A_745 = vector.broadcast %squeeze3A_89 : f32 to vector<16xf32>
        %mul3A_746 = arith.mulf %mul3A_745, %get3A_744 : vector<16xf32>
        %add3A_747 = arith.addf %add3A_736, %mul3A_746 : vector<16xf32>
        %mul3A_748 = arith.constant 16 : i32
        %mul3A_749 = arith.muli %scan3A_64, %mul3A_748 : i32
        %add3A_750 = arith.constant 10 : i32
        %add3A_751 = arith.addi %mul3A_749, %add3A_750 : i32
        %get3A_752 = arith.index_cast %add3A_751 : i32 to index
        %get3A_753 = arith.constant 48 : index
        %get3A_754 = tpu.vector_load %arg9[%get3A_752, %get3A_753] {strides = array<i32>} : memref<112x192xf32, #tpu.memory_space<vmem>>, vector<1x16xf32>,
        %get3A_755 = vector.shape_cast %get3A_754 : vector<1x16xf32> to vector<16xf32>
        %mul3A_756 = vector.broadcast %squeeze3A_91 : f32 to vector<16xf32>
        %mul3A_757 = arith.mulf %mul3A_756, %get3A_755 : vector<16xf32>
        %add3A_758 = arith.addf %add3A_747, %mul3A_757 : vector<16xf32>
        %mul3A_759 = arith.constant 16 : i32
        %mul3A_760 = arith.muli %scan3A_64, %mul3A_759 : i32
        %add3A_761 = arith.constant 11 : i32
        %add3A_762 = arith.addi %mul3A_760, %add3A_761 : i32
        %get3A_763 = arith.index_cast %add3A_762 : i32 to index
        %get3A_764 = arith.constant 48 : index
        %get3A_765 = tpu.vector_load %arg9[%get3A_763, %get3A_764] {strides = array<i32>} : memref<112x192xf32, #tpu.memory_space<vmem>>, vector<1x16xf32>,
        %get3A_766 = vector.shape_cast %get3A_765 : vector<1x16xf32> to vector<16xf32>
        %mul3A_767 = vector.broadcast %squeeze3A_93 : f32 to vector<16xf32>
        %mul3A_768 = arith.mulf %mul3A_767, %get3A_766 : vector<16xf32>
        %add3A_769 = arith.addf %add3A_758, %mul3A_768 : vector<16xf32>
        %mul3A_770 = arith.constant 16 : i32
        %mul3A_771 = arith.muli %scan3A_64, %mul3A_770 : i32
        %add3A_772 = arith.constant 12 : i32
        %add3A_773 = arith.addi %mul3A_771, %add3A_772 : i32
        %get3A_774 = arith.index_cast %add3A_773 : i32 to index
        %get3A_775 = arith.constant 48 : index
        %get3A_776 = tpu.vector_load %arg9[%get3A_774, %get3A_775] {strides = array<i32>} : memref<112x192xf32, #tpu.memory_space<vmem>>, vector<1x16xf32>,
        %get3A_777 = vector.shape_cast %get3A_776 : vector<1x16xf32> to vector<16xf32>
        %mul3A_778 = vector.broadcast %squeeze3A_95 : f32 to vector<16xf32>
        %mul3A_779 = arith.mulf %mul3A_778, %get3A_777 : vector<16xf32>
        %add3A_780 = arith.addf %add3A_769, %mul3A_779 : vector<16xf32>
        %mul3A_781 = arith.constant 16 : i32
        %mul3A_782 = arith.muli %scan3A_64, %mul3A_781 : i32
        %add3A_783 = arith.constant 13 : i32
        %add3A_784 = arith.addi %mul3A_782, %add3A_783 : i32
        %get3A_785 = arith.index_cast %add3A_784 : i32 to index
        %get3A_786 = arith.constant 48 : index
        %get3A_787 = tpu.vector_load %arg9[%get3A_785, %get3A_786] {strides = array<i32>} : memref<112x192xf32, #tpu.memory_space<vmem>>, vector<1x16xf32>,
        %get3A_788 = vector.shape_cast %get3A_787 : vector<1x16xf32> to vector<16xf32>
        %mul3A_789 = vector.broadcast %squeeze3A_97 : f32 to vector<16xf32>
        %mul3A_790 = arith.mulf %mul3A_789, %get3A_788 : vector<16xf32>
        %add3A_791 = arith.addf %add3A_780, %mul3A_790 : vector<16xf32>
        %mul3A_792 = arith.constant 16 : i32
        %mul3A_793 = arith.muli %scan3A_64, %mul3A_792 : i32
        %add3A_794 = arith.constant 14 : i32
        %add3A_795 = arith.addi %mul3A_793, %add3A_794 : i32
        %get3A_796 = arith.index_cast %add3A_795 : i32 to index
        %get3A_797 = arith.constant 48 : index
        %get3A_798 = tpu.vector_load %arg9[%get3A_796, %get3A_797] {strides = array<i32>} : memref<112x192xf32, #tpu.memory_space<vmem>>, vector<1x16xf32>,
        %get3A_799 = vector.shape_cast %get3A_798 : vector<1x16xf32> to vector<16xf32>
        %mul3A_800 = vector.broadcast %squeeze3A_99 : f32 to vector<16xf32>
        %mul3A_801 = arith.mulf %mul3A_800, %get3A_799 : vector<16xf32>
        %add3A_802 = arith.addf %add3A_791, %mul3A_801 : vector<16xf32>
        %mul3A_803 = arith.constant 16 : i32
        %mul3A_804 = arith.muli %scan3A_64, %mul3A_803 : i32
        %add3A_805 = arith.constant 15 : i32
        %add3A_806 = arith.addi %mul3A_804, %add3A_805 : i32
        %get3A_807 = arith.index_cast %add3A_806 : i32 to index
        %get3A_808 = arith.constant 48 : index
        %get3A_809 = tpu.vector_load %arg9[%get3A_807, %get3A_808] {strides = array<i32>} : memref<112x192xf32, #tpu.memory_space<vmem>>, vector<1x16xf32>,
        %get3A_810 = vector.shape_cast %get3A_809 : vector<1x16xf32> to vector<16xf32>
        %mul3A_811 = vector.broadcast %squeeze3A_101 : f32 to vector<16xf32>
        %mul3A_812 = arith.mulf %mul3A_811, %get3A_810 : vector<16xf32>
        %add3A_813 = arith.addf %add3A_802, %mul3A_812 : vector<16xf32>
        %rem3A_814 = arith.constant 49 : i32
        %rem3A_815 = arith.remsi %add3A_67, %rem3A_814 : i32
        %swap3A_816 = arith.index_cast %rem3A_815 : i32 to index
        %swap3A_817 = arith.constant 48 : index
        %swap3A_818 = tpu.vector_load %arg10[%swap3A_816, %swap3A_817] {strides = array<i32>} : memref<49x192xf32, #tpu.memory_space<vmem>>, vector<1x16xf32>,
        %swap3A_819 = vector.shape_cast %swap3A_818 : vector<1x16xf32> to vector<16xf32>
        %swap3A_820 = vector.shape_cast %add3A_813 : vector<16xf32> to vector<1x16xf32>
        tpu.vector_store %arg10[%swap3A_816, %swap3A_817], %swap3A_820 {strides = array<i32>} : memref<49x192xf32, #tpu.memory_space<vmem>>, vector<1x16xf32>,
        %mul3A_821 = arith.constant 16 : i32
        %mul3A_822 = arith.muli %scan3A_64, %mul3A_821 : i32
        %get3A_823 = arith.index_cast %mul3A_822 : i32 to index
        %get3A_824 = arith.constant 64 : index
        %get3A_825 = tpu.vector_load %arg9[%get3A_823, %get3A_824] {strides = array<i32>} : memref<112x192xf32, #tpu.memory_space<vmem>>, vector<1x16xf32>,
        %get3A_826 = vector.shape_cast %get3A_825 : vector<1x16xf32> to vector<16xf32>
        %mul3A_827 = vector.broadcast %squeeze3A : f32 to vector<16xf32>
        %mul3A_828 = arith.mulf %mul3A_827, %get3A_826 : vector<16xf32>
        %mul3A_829 = arith.constant 16 : i32
        %mul3A_830 = arith.muli %scan3A_64, %mul3A_829 : i32
        %add3A_831 = arith.constant 1 : i32
        %add3A_832 = arith.addi %mul3A_830, %add3A_831 : i32
        %get3A_833 = arith.index_cast %add3A_832 : i32 to index
        %get3A_834 = arith.constant 64 : index
        %get3A_835 = tpu.vector_load %arg9[%get3A_833, %get3A_834] {strides = array<i32>} : memref<112x192xf32, #tpu.memory_space<vmem>>, vector<1x16xf32>,
        %get3A_836 = vector.shape_cast %get3A_835 : vector<1x16xf32> to vector<16xf32>
        %mul3A_837 = vector.broadcast %squeeze3A_73 : f32 to vector<16xf32>
        %mul3A_838 = arith.mulf %mul3A_837, %get3A_836 : vector<16xf32>
        %add3A_839 = arith.addf %mul3A_828, %mul3A_838 : vector<16xf32>
        %mul3A_840 = arith.constant 16 : i32
        %mul3A_841 = arith.muli %scan3A_64, %mul3A_840 : i32
        %add3A_842 = arith.constant 2 : i32
        %add3A_843 = arith.addi %mul3A_841, %add3A_842 : i32
        %get3A_844 = arith.index_cast %add3A_843 : i32 to index
        %get3A_845 = arith.constant 64 : index
        %get3A_846 = tpu.vector_load %arg9[%get3A_844, %get3A_845] {strides = array<i32>} : memref<112x192xf32, #tpu.memory_space<vmem>>, vector<1x16xf32>,
        %get3A_847 = vector.shape_cast %get3A_846 : vector<1x16xf32> to vector<16xf32>
        %mul3A_848 = vector.broadcast %squeeze3A_75 : f32 to vector<16xf32>
        %mul3A_849 = arith.mulf %mul3A_848, %get3A_847 : vector<16xf32>
        %add3A_850 = arith.addf %add3A_839, %mul3A_849 : vector<16xf32>
        %mul3A_851 = arith.constant 16 : i32
        %mul3A_852 = arith.muli %scan3A_64, %mul3A_851 : i32
        %add3A_853 = arith.constant 3 : i32
        %add3A_854 = arith.addi %mul3A_852, %add3A_853 : i32
        %get3A_855 = arith.index_cast %add3A_854 : i32 to index
        %get3A_856 = arith.constant 64 : index
        %get3A_857 = tpu.vector_load %arg9[%get3A_855, %get3A_856] {strides = array<i32>} : memref<112x192xf32, #tpu.memory_space<vmem>>, vector<1x16xf32>,
        %get3A_858 = vector.shape_cast %get3A_857 : vector<1x16xf32> to vector<16xf32>
        %mul3A_859 = vector.broadcast %squeeze3A_77 : f32 to vector<16xf32>
        %mul3A_860 = arith.mulf %mul3A_859, %get3A_858 : vector<16xf32>
        %add3A_861 = arith.addf %add3A_850, %mul3A_860 : vector<16xf32>
        %mul3A_862 = arith.constant 16 : i32
        %mul3A_863 = arith.muli %scan3A_64, %mul3A_862 : i32
        %add3A_864 = arith.constant 4 : i32
        %add3A_865 = arith.addi %mul3A_863, %add3A_864 : i32
        %get3A_866 = arith.index_cast %add3A_865 : i32 to index
        %get3A_867 = arith.constant 64 : index
        %get3A_868 = tpu.vector_load %arg9[%get3A_866, %get3A_867] {strides = array<i32>} : memref<112x192xf32, #tpu.memory_space<vmem>>, vector<1x16xf32>,
        %get3A_869 = vector.shape_cast %get3A_868 : vector<1x16xf32> to vector<16xf32>
        %mul3A_870 = vector.broadcast %squeeze3A_79 : f32 to vector<16xf32>
        %mul3A_871 = arith.mulf %mul3A_870, %get3A_869 : vector<16xf32>
        %add3A_872 = arith.addf %add3A_861, %mul3A_871 : vector<16xf32>
        %mul3A_873 = arith.constant 16 : i32
        %mul3A_874 = arith.muli %scan3A_64, %mul3A_873 : i32
        %add3A_875 = arith.constant 5 : i32
        %add3A_876 = arith.addi %mul3A_874, %add3A_875 : i32
        %get3A_877 = arith.index_cast %add3A_876 : i32 to index
        %get3A_878 = arith.constant 64 : index
        %get3A_879 = tpu.vector_load %arg9[%get3A_877, %get3A_878] {strides = array<i32>} : memref<112x192xf32, #tpu.memory_space<vmem>>, vector<1x16xf32>,
        %get3A_880 = vector.shape_cast %get3A_879 : vector<1x16xf32> to vector<16xf32>
        %mul3A_881 = vector.broadcast %squeeze3A_81 : f32 to vector<16xf32>
        %mul3A_882 = arith.mulf %mul3A_881, %get3A_880 : vector<16xf32>
        %add3A_883 = arith.addf %add3A_872, %mul3A_882 : vector<16xf32>
        %mul3A_884 = arith.constant 16 : i32
        %mul3A_885 = arith.muli %scan3A_64, %mul3A_884 : i32
        %add3A_886 = arith.constant 6 : i32
        %add3A_887 = arith.addi %mul3A_885, %add3A_886 : i32
        %get3A_888 = arith.index_cast %add3A_887 : i32 to index
        %get3A_889 = arith.constant 64 : index
        %get3A_890 = tpu.vector_load %arg9[%get3A_888, %get3A_889] {strides = array<i32>} : memref<112x192xf32, #tpu.memory_space<vmem>>, vector<1x16xf32>,
        %get3A_891 = vector.shape_cast %get3A_890 : vector<1x16xf32> to vector<16xf32>
        %mul3A_892 = vector.broadcast %squeeze3A_83 : f32 to vector<16xf32>
        %mul3A_893 = arith.mulf %mul3A_892, %get3A_891 : vector<16xf32>
        %add3A_894 = arith.addf %add3A_883, %mul3A_893 : vector<16xf32>
        %mul3A_895 = arith.constant 16 : i32
        %mul3A_896 = arith.muli %scan3A_64, %mul3A_895 : i32
        %add3A_897 = arith.constant 7 : i32
        %add3A_898 = arith.addi %mul3A_896, %add3A_897 : i32
        %get3A_899 = arith.index_cast %add3A_898 : i32 to index
        %get3A_900 = arith.constant 64 : index
        %get3A_901 = tpu.vector_load %arg9[%get3A_899, %get3A_900] {strides = array<i32>} : memref<112x192xf32, #tpu.memory_space<vmem>>, vector<1x16xf32>,
        %get3A_902 = vector.shape_cast %get3A_901 : vector<1x16xf32> to vector<16xf32>
        %mul3A_903 = vector.broadcast %squeeze3A_85 : f32 to vector<16xf32>
        %mul3A_904 = arith.mulf %mul3A_903, %get3A_902 : vector<16xf32>
        %add3A_905 = arith.addf %add3A_894, %mul3A_904 : vector<16xf32>
        %mul3A_906 = arith.constant 16 : i32
        %mul3A_907 = arith.muli %scan3A_64, %mul3A_906 : i32
        %add3A_908 = arith.constant 8 : i32
        %add3A_909 = arith.addi %mul3A_907, %add3A_908 : i32
        %get3A_910 = arith.index_cast %add3A_909 : i32 to index
        %get3A_911 = arith.constant 64 : index
        %get3A_912 = tpu.vector_load %arg9[%get3A_910, %get3A_911] {strides = array<i32>} : memref<112x192xf32, #tpu.memory_space<vmem>>, vector<1x16xf32>,
        %get3A_913 = vector.shape_cast %get3A_912 : vector<1x16xf32> to vector<16xf32>
        %mul3A_914 = vector.broadcast %squeeze3A_87 : f32 to vector<16xf32>
        %mul3A_915 = arith.mulf %mul3A_914, %get3A_913 : vector<16xf32>
        %add3A_916 = arith.addf %add3A_905, %mul3A_915 : vector<16xf32>
        %mul3A_917 = arith.constant 16 : i32
        %mul3A_918 = arith.muli %scan3A_64, %mul3A_917 : i32
        %add3A_919 = arith.constant 9 : i32
        %add3A_920 = arith.addi %mul3A_918, %add3A_919 : i32
        %get3A_921 = arith.index_cast %add3A_920 : i32 to index
        %get3A_922 = arith.constant 64 : index
        %get3A_923 = tpu.vector_load %arg9[%get3A_921, %get3A_922] {strides = array<i32>} : memref<112x192xf32, #tpu.memory_space<vmem>>, vector<1x16xf32>,
        %get3A_924 = vector.shape_cast %get3A_923 : vector<1x16xf32> to vector<16xf32>
        %mul3A_925 = vector.broadcast %squeeze3A_89 : f32 to vector<16xf32>
        %mul3A_926 = arith.mulf %mul3A_925, %get3A_924 : vector<16xf32>
        %add3A_927 = arith.addf %add3A_916, %mul3A_926 : vector<16xf32>
        %mul3A_928 = arith.constant 16 : i32
        %mul3A_929 = arith.muli %scan3A_64, %mul3A_928 : i32
        %add3A_930 = arith.constant 10 : i32
        %add3A_931 = arith.addi %mul3A_929, %add3A_930 : i32
        %get3A_932 = arith.index_cast %add3A_931 : i32 to index
        %get3A_933 = arith.constant 64 : index
        %get3A_934 = tpu.vector_load %arg9[%get3A_932, %get3A_933] {strides = array<i32>} : memref<112x192xf32, #tpu.memory_space<vmem>>, vector<1x16xf32>,
        %get3A_935 = vector.shape_cast %get3A_934 : vector<1x16xf32> to vector<16xf32>
        %mul3A_936 = vector.broadcast %squeeze3A_91 : f32 to vector<16xf32>
        %mul3A_937 = arith.mulf %mul3A_936, %get3A_935 : vector<16xf32>
        %add3A_938 = arith.addf %add3A_927, %mul3A_937 : vector<16xf32>
        %mul3A_939 = arith.constant 16 : i32
        %mul3A_940 = arith.muli %scan3A_64, %mul3A_939 : i32
        %add3A_941 = arith.constant 11 : i32
        %add3A_942 = arith.addi %mul3A_940, %add3A_941 : i32
        %get3A_943 = arith.index_cast %add3A_942 : i32 to index
        %get3A_944 = arith.constant 64 : index
        %get3A_945 = tpu.vector_load %arg9[%get3A_943, %get3A_944] {strides = array<i32>} : memref<112x192xf32, #tpu.memory_space<vmem>>, vector<1x16xf32>,
        %get3A_946 = vector.shape_cast %get3A_945 : vector<1x16xf32> to vector<16xf32>
        %mul3A_947 = vector.broadcast %squeeze3A_93 : f32 to vector<16xf32>
        %mul3A_948 = arith.mulf %mul3A_947, %get3A_946 : vector<16xf32>
        %add3A_949 = arith.addf %add3A_938, %mul3A_948 : vector<16xf32>
        %mul3A_950 = arith.constant 16 : i32
        %mul3A_951 = arith.muli %scan3A_64, %mul3A_950 : i32
        %add3A_952 = arith.constant 12 : i32
        %add3A_953 = arith.addi %mul3A_951, %add3A_952 : i32
        %get3A_954 = arith.index_cast %add3A_953 : i32 to index
        %get3A_955 = arith.constant 64 : index
        %get3A_956 = tpu.vector_load %arg9[%get3A_954, %get3A_955] {strides = array<i32>} : memref<112x192xf32, #tpu.memory_space<vmem>>, vector<1x16xf32>,
        %get3A_957 = vector.shape_cast %get3A_956 : vector<1x16xf32> to vector<16xf32>
        %mul3A_958 = vector.broadcast %squeeze3A_95 : f32 to vector<16xf32>
        %mul3A_959 = arith.mulf %mul3A_958, %get3A_957 : vector<16xf32>
        %add3A_960 = arith.addf %add3A_949, %mul3A_959 : vector<16xf32>
        %mul3A_961 = arith.constant 16 : i32
        %mul3A_962 = arith.muli %scan3A_64, %mul3A_961 : i32
        %add3A_963 = arith.constant 13 : i32
        %add3A_964 = arith.addi %mul3A_962, %add3A_963 : i32
        %get3A_965 = arith.index_cast %add3A_964 : i32 to index
        %get3A_966 = arith.constant 64 : index
        %get3A_967 = tpu.vector_load %arg9[%get3A_965, %get3A_966] {strides = array<i32>} : memref<112x192xf32, #tpu.memory_space<vmem>>, vector<1x16xf32>,
        %get3A_968 = vector.shape_cast %get3A_967 : vector<1x16xf32> to vector<16xf32>
        %mul3A_969 = vector.broadcast %squeeze3A_97 : f32 to vector<16xf32>
        %mul3A_970 = arith.mulf %mul3A_969, %get3A_968 : vector<16xf32>
        %add3A_971 = arith.addf %add3A_960, %mul3A_970 : vector<16xf32>
        %mul3A_972 = arith.constant 16 : i32
        %mul3A_973 = arith.muli %scan3A_64, %mul3A_972 : i32
        %add3A_974 = arith.constant 14 : i32
        %add3A_975 = arith.addi %mul3A_973, %add3A_974 : i32
        %get3A_976 = arith.index_cast %add3A_975 : i32 to index
        %get3A_977 = arith.constant 64 : index
        %get3A_978 = tpu.vector_load %arg9[%get3A_976, %get3A_977] {strides = array<i32>} : memref<112x192xf32, #tpu.memory_space<vmem>>, vector<1x16xf32>,
        %get3A_979 = vector.shape_cast %get3A_978 : vector<1x16xf32> to vector<16xf32>
        %mul3A_980 = vector.broadcast %squeeze3A_99 : f32 to vector<16xf32>
        %mul3A_981 = arith.mulf %mul3A_980, %get3A_979 : vector<16xf32>
        %add3A_982 = arith.addf %add3A_971, %mul3A_981 : vector<16xf32>
        %mul3A_983 = arith.constant 16 : i32
        %mul3A_984 = arith.muli %scan3A_64, %mul3A_983 : i32
        %add3A_985 = arith.constant 15 : i32
        %add3A_986 = arith.addi %mul3A_984, %add3A_985 : i32
        %get3A_987 = arith.index_cast %add3A_986 : i32 to index
        %get3A_988 = arith.constant 64 : index
        %get3A_989 = tpu.vector_load %arg9[%get3A_987, %get3A_988] {strides = array<i32>} : memref<112x192xf32, #tpu.memory_space<vmem>>, vector<1x16xf32>,
        %get3A_990 = vector.shape_cast %get3A_989 : vector<1x16xf32> to vector<16xf32>
        %mul3A_991 = vector.broadcast %squeeze3A_101 : f32 to vector<16xf32>
        %mul3A_992 = arith.mulf %mul3A_991, %get3A_990 : vector<16xf32>
        %add3A_993 = arith.addf %add3A_982, %mul3A_992 : vector<16xf32>
        %rem3A_994 = arith.constant 49 : i32
        %rem3A_995 = arith.remsi %add3A_67, %rem3A_994 : i32
        %swap3A_996 = arith.index_cast %rem3A_995 : i32 to index
        %swap3A_997 = arith.constant 64 : index
        %swap3A_998 = tpu.vector_load %arg10[%swap3A_996, %swap3A_997] {strides = array<i32>} : memref<49x192xf32, #tpu.memory_space<vmem>>, vector<1x16xf32>,
        %swap3A_999 = vector.shape_cast %swap3A_998 : vector<1x16xf32> to vector<16xf32>
        %swap3A_1000 = vector.shape_cast %add3A_993 : vector<16xf32> to vector<1x16xf32>
        tpu.vector_store %arg10[%swap3A_996, %swap3A_997], %swap3A_1000 {strides = array<i32>} : memref<49x192xf32, #tpu.memory_space<vmem>>, vector<1x16xf32>,
        %mul3A_1001 = arith.constant 16 : i32
        %mul3A_1002 = arith.muli %scan3A_64, %mul3A_1001 : i32
        %get3A_1003 = arith.index_cast %mul3A_1002 : i32 to index
        %get3A_1004 = arith.constant 80 : index
        %get3A_1005 = tpu.vector_load %arg9[%get3A_1003, %get3A_1004] {strides = array<i32>} : memref<112x192xf32, #tpu.memory_space<vmem>>, vector<1x16xf32>,
        %get3A_1006 = vector.shape_cast %get3A_1005 : vector<1x16xf32> to vector<16xf32>
        %mul3A_1007 = vector.broadcast %squeeze3A : f32 to vector<16xf32>
        %mul3A_1008 = arith.mulf %mul3A_1007, %get3A_1006 : vector<16xf32>
        %mul3A_1009 = arith.constant 16 : i32
        %mul3A_1010 = arith.muli %scan3A_64, %mul3A_1009 : i32
        %add3A_1011 = arith.constant 1 : i32
        %add3A_1012 = arith.addi %mul3A_1010, %add3A_1011 : i32
        %get3A_1013 = arith.index_cast %add3A_1012 : i32 to index
        %get3A_1014 = arith.constant 80 : index
        %get3A_1015 = tpu.vector_load %arg9[%get3A_1013, %get3A_1014] {strides = array<i32>} : memref<112x192xf32, #tpu.memory_space<vmem>>, vector<1x16xf32>,
        %get3A_1016 = vector.shape_cast %get3A_1015 : vector<1x16xf32> to vector<16xf32>
        %mul3A_1017 = vector.broadcast %squeeze3A_73 : f32 to vector<16xf32>
        %mul3A_1018 = arith.mulf %mul3A_1017, %get3A_1016 : vector<16xf32>
        %add3A_1019 = arith.addf %mul3A_1008, %mul3A_1018 : vector<16xf32>
        %mul3A_1020 = arith.constant 16 : i32
        %mul3A_1021 = arith.muli %scan3A_64, %mul3A_1020 : i32
        %add3A_1022 = arith.constant 2 : i32
        %add3A_1023 = arith.addi %mul3A_1021, %add3A_1022 : i32
        %get3A_1024 = arith.index_cast %add3A_1023 : i32 to index
        %get3A_1025 = arith.constant 80 : index
        %get3A_1026 = tpu.vector_load %arg9[%get3A_1024, %get3A_1025] {strides = array<i32>} : memref<112x192xf32, #tpu.memory_space<vmem>>, vector<1x16xf32>,
        %get3A_1027 = vector.shape_cast %get3A_1026 : vector<1x16xf32> to vector<16xf32>
        %mul3A_1028 = vector.broadcast %squeeze3A_75 : f32 to vector<16xf32>
        %mul3A_1029 = arith.mulf %mul3A_1028, %get3A_1027 : vector<16xf32>
        %add3A_1030 = arith.addf %add3A_1019, %mul3A_1029 : vector<16xf32>
        %mul3A_1031 = arith.constant 16 : i32
        %mul3A_1032 = arith.muli %scan3A_64, %mul3A_1031 : i32
        %add3A_1033 = arith.constant 3 : i32
        %add3A_1034 = arith.addi %mul3A_1032, %add3A_1033 : i32
        %get3A_1035 = arith.index_cast %add3A_1034 : i32 to index
        %get3A_1036 = arith.constant 80 : index
        %get3A_1037 = tpu.vector_load %arg9[%get3A_1035, %get3A_1036] {strides = array<i32>} : memref<112x192xf32, #tpu.memory_space<vmem>>, vector<1x16xf32>,
        %get3A_1038 = vector.shape_cast %get3A_1037 : vector<1x16xf32> to vector<16xf32>
        %mul3A_1039 = vector.broadcast %squeeze3A_77 : f32 to vector<16xf32>
        %mul3A_1040 = arith.mulf %mul3A_1039, %get3A_1038 : vector<16xf32>
        %add3A_1041 = arith.addf %add3A_1030, %mul3A_1040 : vector<16xf32>
        %mul3A_1042 = arith.constant 16 : i32
        %mul3A_1043 = arith.muli %scan3A_64, %mul3A_1042 : i32
        %add3A_1044 = arith.constant 4 : i32
        %add3A_1045 = arith.addi %mul3A_1043, %add3A_1044 : i32
        %get3A_1046 = arith.index_cast %add3A_1045 : i32 to index
        %get3A_1047 = arith.constant 80 : index
        %get3A_1048 = tpu.vector_load %arg9[%get3A_1046, %get3A_1047] {strides = array<i32>} : memref<112x192xf32, #tpu.memory_space<vmem>>, vector<1x16xf32>,
        %get3A_1049 = vector.shape_cast %get3A_1048 : vector<1x16xf32> to vector<16xf32>
        %mul3A_1050 = vector.broadcast %squeeze3A_79 : f32 to vector<16xf32>
        %mul3A_1051 = arith.mulf %mul3A_1050, %get3A_1049 : vector<16xf32>
        %add3A_1052 = arith.addf %add3A_1041, %mul3A_1051 : vector<16xf32>
        %mul3A_1053 = arith.constant 16 : i32
        %mul3A_1054 = arith.muli %scan3A_64, %mul3A_1053 : i32
        %add3A_1055 = arith.constant 5 : i32
        %add3A_1056 = arith.addi %mul3A_1054, %add3A_1055 : i32
        %get3A_1057 = arith.index_cast %add3A_1056 : i32 to index
        %get3A_1058 = arith.constant 80 : index
        %get3A_1059 = tpu.vector_load %arg9[%get3A_1057, %get3A_1058] {strides = array<i32>} : memref<112x192xf32, #tpu.memory_space<vmem>>, vector<1x16xf32>,
        %get3A_1060 = vector.shape_cast %get3A_1059 : vector<1x16xf32> to vector<16xf32>
        %mul3A_1061 = vector.broadcast %squeeze3A_81 : f32 to vector<16xf32>
        %mul3A_1062 = arith.mulf %mul3A_1061, %get3A_1060 : vector<16xf32>
        %add3A_1063 = arith.addf %add3A_1052, %mul3A_1062 : vector<16xf32>
        %mul3A_1064 = arith.constant 16 : i32
        %mul3A_1065 = arith.muli %scan3A_64, %mul3A_1064 : i32
        %add3A_1066 = arith.constant 6 : i32
        %add3A_1067 = arith.addi %mul3A_1065, %add3A_1066 : i32
        %get3A_1068 = arith.index_cast %add3A_1067 : i32 to index
        %get3A_1069 = arith.constant 80 : index
        %get3A_1070 = tpu.vector_load %arg9[%get3A_1068, %get3A_1069] {strides = array<i32>} : memref<112x192xf32, #tpu.memory_space<vmem>>, vector<1x16xf32>,
        %get3A_1071 = vector.shape_cast %get3A_1070 : vector<1x16xf32> to vector<16xf32>
        %mul3A_1072 = vector.broadcast %squeeze3A_83 : f32 to vector<16xf32>
        %mul3A_1073 = arith.mulf %mul3A_1072, %get3A_1071 : vector<16xf32>
        %add3A_1074 = arith.addf %add3A_1063, %mul3A_1073 : vector<16xf32>
        %mul3A_1075 = arith.constant 16 : i32
        %mul3A_1076 = arith.muli %scan3A_64, %mul3A_1075 : i32
        %add3A_1077 = arith.constant 7 : i32
        %add3A_1078 = arith.addi %mul3A_1076, %add3A_1077 : i32
        %get3A_1079 = arith.index_cast %add3A_1078 : i32 to index
        %get3A_1080 = arith.constant 80 : index
        %get3A_1081 = tpu.vector_load %arg9[%get3A_1079, %get3A_1080] {strides = array<i32>} : memref<112x192xf32, #tpu.memory_space<vmem>>, vector<1x16xf32>,
        %get3A_1082 = vector.shape_cast %get3A_1081 : vector<1x16xf32> to vector<16xf32>
        %mul3A_1083 = vector.broadcast %squeeze3A_85 : f32 to vector<16xf32>
        %mul3A_1084 = arith.mulf %mul3A_1083, %get3A_1082 : vector<16xf32>
        %add3A_1085 = arith.addf %add3A_1074, %mul3A_1084 : vector<16xf32>
        %mul3A_1086 = arith.constant 16 : i32
        %mul3A_1087 = arith.muli %scan3A_64, %mul3A_1086 : i32
        %add3A_1088 = arith.constant 8 : i32
        %add3A_1089 = arith.addi %mul3A_1087, %add3A_1088 : i32
        %get3A_1090 = arith.index_cast %add3A_1089 : i32 to index
        %get3A_1091 = arith.constant 80 : index
        %get3A_1092 = tpu.vector_load %arg9[%get3A_1090, %get3A_1091] {strides = array<i32>} : memref<112x192xf32, #tpu.memory_space<vmem>>, vector<1x16xf32>,
        %get3A_1093 = vector.shape_cast %get3A_1092 : vector<1x16xf32> to vector<16xf32>
        %mul3A_1094 = vector.broadcast %squeeze3A_87 : f32 to vector<16xf32>
        %mul3A_1095 = arith.mulf %mul3A_1094, %get3A_1093 : vector<16xf32>
        %add3A_1096 = arith.addf %add3A_1085, %mul3A_1095 : vector<16xf32>
        %mul3A_1097 = arith.constant 16 : i32
        %mul3A_1098 = arith.muli %scan3A_64, %mul3A_1097 : i32
        %add3A_1099 = arith.constant 9 : i32
        %add3A_1100 = arith.addi %mul3A_1098, %add3A_1099 : i32
        %get3A_1101 = arith.index_cast %add3A_1100 : i32 to index
        %get3A_1102 = arith.constant 80 : index
        %get3A_1103 = tpu.vector_load %arg9[%get3A_1101, %get3A_1102] {strides = array<i32>} : memref<112x192xf32, #tpu.memory_space<vmem>>, vector<1x16xf32>,
        %get3A_1104 = vector.shape_cast %get3A_1103 : vector<1x16xf32> to vector<16xf32>
        %mul3A_1105 = vector.broadcast %squeeze3A_89 : f32 to vector<16xf32>
        %mul3A_1106 = arith.mulf %mul3A_1105, %get3A_1104 : vector<16xf32>
        %add3A_1107 = arith.addf %add3A_1096, %mul3A_1106 : vector<16xf32>
        %mul3A_1108 = arith.constant 16 : i32
        %mul3A_1109 = arith.muli %scan3A_64, %mul3A_1108 : i32
        %add3A_1110 = arith.constant 10 : i32
        %add3A_1111 = arith.addi %mul3A_1109, %add3A_1110 : i32
        %get3A_1112 = arith.index_cast %add3A_1111 : i32 to index
        %get3A_1113 = arith.constant 80 : index
        %get3A_1114 = tpu.vector_load %arg9[%get3A_1112, %get3A_1113] {strides = array<i32>} : memref<112x192xf32, #tpu.memory_space<vmem>>, vector<1x16xf32>,
        %get3A_1115 = vector.shape_cast %get3A_1114 : vector<1x16xf32> to vector<16xf32>
        %mul3A_1116 = vector.broadcast %squeeze3A_91 : f32 to vector<16xf32>
        %mul3A_1117 = arith.mulf %mul3A_1116, %get3A_1115 : vector<16xf32>
        %add3A_1118 = arith.addf %add3A_1107, %mul3A_1117 : vector<16xf32>
        %mul3A_1119 = arith.constant 16 : i32
        %mul3A_1120 = arith.muli %scan3A_64, %mul3A_1119 : i32
        %add3A_1121 = arith.constant 11 : i32
        %add3A_1122 = arith.addi %mul3A_1120, %add3A_1121 : i32
        %get3A_1123 = arith.index_cast %add3A_1122 : i32 to index
        %get3A_1124 = arith.constant 80 : index
        %get3A_1125 = tpu.vector_load %arg9[%get3A_1123, %get3A_1124] {strides = array<i32>} : memref<112x192xf32, #tpu.memory_space<vmem>>, vector<1x16xf32>,
        %get3A_1126 = vector.shape_cast %get3A_1125 : vector<1x16xf32> to vector<16xf32>
        %mul3A_1127 = vector.broadcast %squeeze3A_93 : f32 to vector<16xf32>
        %mul3A_1128 = arith.mulf %mul3A_1127, %get3A_1126 : vector<16xf32>
        %add3A_1129 = arith.addf %add3A_1118, %mul3A_1128 : vector<16xf32>
        %mul3A_1130 = arith.constant 16 : i32
        %mul3A_1131 = arith.muli %scan3A_64, %mul3A_1130 : i32
        %add3A_1132 = arith.constant 12 : i32
        %add3A_1133 = arith.addi %mul3A_1131, %add3A_1132 : i32
        %get3A_1134 = arith.index_cast %add3A_1133 : i32 to index
        %get3A_1135 = arith.constant 80 : index
        %get3A_1136 = tpu.vector_load %arg9[%get3A_1134, %get3A_1135] {strides = array<i32>} : memref<112x192xf32, #tpu.memory_space<vmem>>, vector<1x16xf32>,
        %get3A_1137 = vector.shape_cast %get3A_1136 : vector<1x16xf32> to vector<16xf32>
        %mul3A_1138 = vector.broadcast %squeeze3A_95 : f32 to vector<16xf32>
        %mul3A_1139 = arith.mulf %mul3A_1138, %get3A_1137 : vector<16xf32>
        %add3A_1140 = arith.addf %add3A_1129, %mul3A_1139 : vector<16xf32>
        %mul3A_1141 = arith.constant 16 : i32
        %mul3A_1142 = arith.muli %scan3A_64, %mul3A_1141 : i32
        %add3A_1143 = arith.constant 13 : i32
        %add3A_1144 = arith.addi %mul3A_1142, %add3A_1143 : i32
        %get3A_1145 = arith.index_cast %add3A_1144 : i32 to index
        %get3A_1146 = arith.constant 80 : index
        %get3A_1147 = tpu.vector_load %arg9[%get3A_1145, %get3A_1146] {strides = array<i32>} : memref<112x192xf32, #tpu.memory_space<vmem>>, vector<1x16xf32>,
        %get3A_1148 = vector.shape_cast %get3A_1147 : vector<1x16xf32> to vector<16xf32>
        %mul3A_1149 = vector.broadcast %squeeze3A_97 : f32 to vector<16xf32>
        %mul3A_1150 = arith.mulf %mul3A_1149, %get3A_1148 : vector<16xf32>
        %add3A_1151 = arith.addf %add3A_1140, %mul3A_1150 : vector<16xf32>
        %mul3A_1152 = arith.constant 16 : i32
        %mul3A_1153 = arith.muli %scan3A_64, %mul3A_1152 : i32
        %add3A_1154 = arith.constant 14 : i32
        %add3A_1155 = arith.addi %mul3A_1153, %add3A_1154 : i32
        %get3A_1156 = arith.index_cast %add3A_1155 : i32 to index
        %get3A_1157 = arith.constant 80 : index
        %get3A_1158 = tpu.vector_load %arg9[%get3A_1156, %get3A_1157] {strides = array<i32>} : memref<112x192xf32, #tpu.memory_space<vmem>>, vector<1x16xf32>,
        %get3A_1159 = vector.shape_cast %get3A_1158 : vector<1x16xf32> to vector<16xf32>
        %mul3A_1160 = vector.broadcast %squeeze3A_99 : f32 to vector<16xf32>
        %mul3A_1161 = arith.mulf %mul3A_1160, %get3A_1159 : vector<16xf32>
        %add3A_1162 = arith.addf %add3A_1151, %mul3A_1161 : vector<16xf32>
        %mul3A_1163 = arith.constant 16 : i32
        %mul3A_1164 = arith.muli %scan3A_64, %mul3A_1163 : i32
        %add3A_1165 = arith.constant 15 : i32
        %add3A_1166 = arith.addi %mul3A_1164, %add3A_1165 : i32
        %get3A_1167 = arith.index_cast %add3A_1166 : i32 to index
        %get3A_1168 = arith.constant 80 : index
        %get3A_1169 = tpu.vector_load %arg9[%get3A_1167, %get3A_1168] {strides = array<i32>} : memref<112x192xf32, #tpu.memory_space<vmem>>, vector<1x16xf32>,
        %get3A_1170 = vector.shape_cast %get3A_1169 : vector<1x16xf32> to vector<16xf32>
        %mul3A_1171 = vector.broadcast %squeeze3A_101 : f32 to vector<16xf32>
        %mul3A_1172 = arith.mulf %mul3A_1171, %get3A_1170 : vector<16xf32>
        %add3A_1173 = arith.addf %add3A_1162, %mul3A_1172 : vector<16xf32>
        %rem3A_1174 = arith.constant 49 : i32
        %rem3A_1175 = arith.remsi %add3A_67, %rem3A_1174 : i32
        %swap3A_1176 = arith.index_cast %rem3A_1175 : i32 to index
        %swap3A_1177 = arith.constant 80 : index
        %swap3A_1178 = tpu.vector_load %arg10[%swap3A_1176, %swap3A_1177] {strides = array<i32>} : memref<49x192xf32, #tpu.memory_space<vmem>>, vector<1x16xf32>,
        %swap3A_1179 = vector.shape_cast %swap3A_1178 : vector<1x16xf32> to vector<16xf32>
        %swap3A_1180 = vector.shape_cast %add3A_1173 : vector<16xf32> to vector<1x16xf32>
        tpu.vector_store %arg10[%swap3A_1176, %swap3A_1177], %swap3A_1180 {strides = array<i32>} : memref<49x192xf32, #tpu.memory_space<vmem>>, vector<1x16xf32>,
        %mul3A_1181 = arith.constant 16 : i32
        %mul3A_1182 = arith.muli %scan3A_64, %mul3A_1181 : i32
        %get3A_1183 = arith.index_cast %mul3A_1182 : i32 to index
        %get3A_1184 = arith.constant 96 : index
        %get3A_1185 = tpu.vector_load %arg9[%get3A_1183, %get3A_1184] {strides = array<i32>} : memref<112x192xf32, #tpu.memory_space<vmem>>, vector<1x16xf32>,
        %get3A_1186 = vector.shape_cast %get3A_1185 : vector<1x16xf32> to vector<16xf32>
        %mul3A_1187 = vector.broadcast %squeeze3A : f32 to vector<16xf32>
        %mul3A_1188 = arith.mulf %mul3A_1187, %get3A_1186 : vector<16xf32>
        %mul3A_1189 = arith.constant 16 : i32
        %mul3A_1190 = arith.muli %scan3A_64, %mul3A_1189 : i32
        %add3A_1191 = arith.constant 1 : i32
        %add3A_1192 = arith.addi %mul3A_1190, %add3A_1191 : i32
        %get3A_1193 = arith.index_cast %add3A_1192 : i32 to index
        %get3A_1194 = arith.constant 96 : index
        %get3A_1195 = tpu.vector_load %arg9[%get3A_1193, %get3A_1194] {strides = array<i32>} : memref<112x192xf32, #tpu.memory_space<vmem>>, vector<1x16xf32>,
        %get3A_1196 = vector.shape_cast %get3A_1195 : vector<1x16xf32> to vector<16xf32>
        %mul3A_1197 = vector.broadcast %squeeze3A_73 : f32 to vector<16xf32>
        %mul3A_1198 = arith.mulf %mul3A_1197, %get3A_1196 : vector<16xf32>
        %add3A_1199 = arith.addf %mul3A_1188, %mul3A_1198 : vector<16xf32>
        %mul3A_1200 = arith.constant 16 : i32
        %mul3A_1201 = arith.muli %scan3A_64, %mul3A_1200 : i32
        %add3A_1202 = arith.constant 2 : i32
        %add3A_1203 = arith.addi %mul3A_1201, %add3A_1202 : i32
        %get3A_1204 = arith.index_cast %add3A_1203 : i32 to index
        %get3A_1205 = arith.constant 96 : index
        %get3A_1206 = tpu.vector_load %arg9[%get3A_1204, %get3A_1205] {strides = array<i32>} : memref<112x192xf32, #tpu.memory_space<vmem>>, vector<1x16xf32>,
        %get3A_1207 = vector.shape_cast %get3A_1206 : vector<1x16xf32> to vector<16xf32>
        %mul3A_1208 = vector.broadcast %squeeze3A_75 : f32 to vector<16xf32>
        %mul3A_1209 = arith.mulf %mul3A_1208, %get3A_1207 : vector<16xf32>
        %add3A_1210 = arith.addf %add3A_1199, %mul3A_1209 : vector<16xf32>
        %mul3A_1211 = arith.constant 16 : i32
        %mul3A_1212 = arith.muli %scan3A_64, %mul3A_1211 : i32
        %add3A_1213 = arith.constant 3 : i32
        %add3A_1214 = arith.addi %mul3A_1212, %add3A_1213 : i32
        %get3A_1215 = arith.index_cast %add3A_1214 : i32 to index
        %get3A_1216 = arith.constant 96 : index
        %get3A_1217 = tpu.vector_load %arg9[%get3A_1215, %get3A_1216] {strides = array<i32>} : memref<112x192xf32, #tpu.memory_space<vmem>>, vector<1x16xf32>,
        %get3A_1218 = vector.shape_cast %get3A_1217 : vector<1x16xf32> to vector<16xf32>
        %mul3A_1219 = vector.broadcast %squeeze3A_77 : f32 to vector<16xf32>
        %mul3A_1220 = arith.mulf %mul3A_1219, %get3A_1218 : vector<16xf32>
        %add3A_1221 = arith.addf %add3A_1210, %mul3A_1220 : vector<16xf32>
        %mul3A_1222 = arith.constant 16 : i32
        %mul3A_1223 = arith.muli %scan3A_64, %mul3A_1222 : i32
        %add3A_1224 = arith.constant 4 : i32
        %add3A_1225 = arith.addi %mul3A_1223, %add3A_1224 : i32
        %get3A_1226 = arith.index_cast %add3A_1225 : i32 to index
        %get3A_1227 = arith.constant 96 : index
        %get3A_1228 = tpu.vector_load %arg9[%get3A_1226, %get3A_1227] {strides = array<i32>} : memref<112x192xf32, #tpu.memory_space<vmem>>, vector<1x16xf32>,
        %get3A_1229 = vector.shape_cast %get3A_1228 : vector<1x16xf32> to vector<16xf32>
        %mul3A_1230 = vector.broadcast %squeeze3A_79 : f32 to vector<16xf32>
        %mul3A_1231 = arith.mulf %mul3A_1230, %get3A_1229 : vector<16xf32>
        %add3A_1232 = arith.addf %add3A_1221, %mul3A_1231 : vector<16xf32>
        %mul3A_1233 = arith.constant 16 : i32
        %mul3A_1234 = arith.muli %scan3A_64, %mul3A_1233 : i32
        %add3A_1235 = arith.constant 5 : i32
        %add3A_1236 = arith.addi %mul3A_1234, %add3A_1235 : i32
        %get3A_1237 = arith.index_cast %add3A_1236 : i32 to index
        %get3A_1238 = arith.constant 96 : index
        %get3A_1239 = tpu.vector_load %arg9[%get3A_1237, %get3A_1238] {strides = array<i32>} : memref<112x192xf32, #tpu.memory_space<vmem>>, vector<1x16xf32>,
        %get3A_1240 = vector.shape_cast %get3A_1239 : vector<1x16xf32> to vector<16xf32>
        %mul3A_1241 = vector.broadcast %squeeze3A_81 : f32 to vector<16xf32>
        %mul3A_1242 = arith.mulf %mul3A_1241, %get3A_1240 : vector<16xf32>
        %add3A_1243 = arith.addf %add3A_1232, %mul3A_1242 : vector<16xf32>
        %mul3A_1244 = arith.constant 16 : i32
        %mul3A_1245 = arith.muli %scan3A_64, %mul3A_1244 : i32
        %add3A_1246 = arith.constant 6 : i32
        %add3A_1247 = arith.addi %mul3A_1245, %add3A_1246 : i32
        %get3A_1248 = arith.index_cast %add3A_1247 : i32 to index
        %get3A_1249 = arith.constant 96 : index
        %get3A_1250 = tpu.vector_load %arg9[%get3A_1248, %get3A_1249] {strides = array<i32>} : memref<112x192xf32, #tpu.memory_space<vmem>>, vector<1x16xf32>,
        %get3A_1251 = vector.shape_cast %get3A_1250 : vector<1x16xf32> to vector<16xf32>
        %mul3A_1252 = vector.broadcast %squeeze3A_83 : f32 to vector<16xf32>
        %mul3A_1253 = arith.mulf %mul3A_1252, %get3A_1251 : vector<16xf32>
        %add3A_1254 = arith.addf %add3A_1243, %mul3A_1253 : vector<16xf32>
        %mul3A_1255 = arith.constant 16 : i32
        %mul3A_1256 = arith.muli %scan3A_64, %mul3A_1255 : i32
        %add3A_1257 = arith.constant 7 : i32
        %add3A_1258 = arith.addi %mul3A_1256, %add3A_1257 : i32
        %get3A_1259 = arith.index_cast %add3A_1258 : i32 to index
        %get3A_1260 = arith.constant 96 : index
        %get3A_1261 = tpu.vector_load %arg9[%get3A_1259, %get3A_1260] {strides = array<i32>} : memref<112x192xf32, #tpu.memory_space<vmem>>, vector<1x16xf32>,
        %get3A_1262 = vector.shape_cast %get3A_1261 : vector<1x16xf32> to vector<16xf32>
        %mul3A_1263 = vector.broadcast %squeeze3A_85 : f32 to vector<16xf32>
        %mul3A_1264 = arith.mulf %mul3A_1263, %get3A_1262 : vector<16xf32>
        %add3A_1265 = arith.addf %add3A_1254, %mul3A_1264 : vector<16xf32>
        %mul3A_1266 = arith.constant 16 : i32
        %mul3A_1267 = arith.muli %scan3A_64, %mul3A_1266 : i32
        %add3A_1268 = arith.constant 8 : i32
        %add3A_1269 = arith.addi %mul3A_1267, %add3A_1268 : i32
        %get3A_1270 = arith.index_cast %add3A_1269 : i32 to index
        %get3A_1271 = arith.constant 96 : index
        %get3A_1272 = tpu.vector_load %arg9[%get3A_1270, %get3A_1271] {strides = array<i32>} : memref<112x192xf32, #tpu.memory_space<vmem>>, vector<1x16xf32>,
        %get3A_1273 = vector.shape_cast %get3A_1272 : vector<1x16xf32> to vector<16xf32>
        %mul3A_1274 = vector.broadcast %squeeze3A_87 : f32 to vector<16xf32>
        %mul3A_1275 = arith.mulf %mul3A_1274, %get3A_1273 : vector<16xf32>
        %add3A_1276 = arith.addf %add3A_1265, %mul3A_1275 : vector<16xf32>
        %mul3A_1277 = arith.constant 16 : i32
        %mul3A_1278 = arith.muli %scan3A_64, %mul3A_1277 : i32
        %add3A_1279 = arith.constant 9 : i32
        %add3A_1280 = arith.addi %mul3A_1278, %add3A_1279 : i32
        %get3A_1281 = arith.index_cast %add3A_1280 : i32 to index
        %get3A_1282 = arith.constant 96 : index
        %get3A_1283 = tpu.vector_load %arg9[%get3A_1281, %get3A_1282] {strides = array<i32>} : memref<112x192xf32, #tpu.memory_space<vmem>>, vector<1x16xf32>,
        %get3A_1284 = vector.shape_cast %get3A_1283 : vector<1x16xf32> to vector<16xf32>
        %mul3A_1285 = vector.broadcast %squeeze3A_89 : f32 to vector<16xf32>
        %mul3A_1286 = arith.mulf %mul3A_1285, %get3A_1284 : vector<16xf32>
        %add3A_1287 = arith.addf %add3A_1276, %mul3A_1286 : vector<16xf32>
        %mul3A_1288 = arith.constant 16 : i32
        %mul3A_1289 = arith.muli %scan3A_64, %mul3A_1288 : i32
        %add3A_1290 = arith.constant 10 : i32
        %add3A_1291 = arith.addi %mul3A_1289, %add3A_1290 : i32
        %get3A_1292 = arith.index_cast %add3A_1291 : i32 to index
        %get3A_1293 = arith.constant 96 : index
        %get3A_1294 = tpu.vector_load %arg9[%get3A_1292, %get3A_1293] {strides = array<i32>} : memref<112x192xf32, #tpu.memory_space<vmem>>, vector<1x16xf32>,
        %get3A_1295 = vector.shape_cast %get3A_1294 : vector<1x16xf32> to vector<16xf32>
        %mul3A_1296 = vector.broadcast %squeeze3A_91 : f32 to vector<16xf32>
        %mul3A_1297 = arith.mulf %mul3A_1296, %get3A_1295 : vector<16xf32>
        %add3A_1298 = arith.addf %add3A_1287, %mul3A_1297 : vector<16xf32>
        %mul3A_1299 = arith.constant 16 : i32
        %mul3A_1300 = arith.muli %scan3A_64, %mul3A_1299 : i32
        %add3A_1301 = arith.constant 11 : i32
        %add3A_1302 = arith.addi %mul3A_1300, %add3A_1301 : i32
        %get3A_1303 = arith.index_cast %add3A_1302 : i32 to index
        %get3A_1304 = arith.constant 96 : index
        %get3A_1305 = tpu.vector_load %arg9[%get3A_1303, %get3A_1304] {strides = array<i32>} : memref<112x192xf32, #tpu.memory_space<vmem>>, vector<1x16xf32>,
        %get3A_1306 = vector.shape_cast %get3A_1305 : vector<1x16xf32> to vector<16xf32>
        %mul3A_1307 = vector.broadcast %squeeze3A_93 : f32 to vector<16xf32>
        %mul3A_1308 = arith.mulf %mul3A_1307, %get3A_1306 : vector<16xf32>
        %add3A_1309 = arith.addf %add3A_1298, %mul3A_1308 : vector<16xf32>
        %mul3A_1310 = arith.constant 16 : i32
        %mul3A_1311 = arith.muli %scan3A_64, %mul3A_1310 : i32
        %add3A_1312 = arith.constant 12 : i32
        %add3A_1313 = arith.addi %mul3A_1311, %add3A_1312 : i32
        %get3A_1314 = arith.index_cast %add3A_1313 : i32 to index
        %get3A_1315 = arith.constant 96 : index
        %get3A_1316 = tpu.vector_load %arg9[%get3A_1314, %get3A_1315] {strides = array<i32>} : memref<112x192xf32, #tpu.memory_space<vmem>>, vector<1x16xf32>,
        %get3A_1317 = vector.shape_cast %get3A_1316 : vector<1x16xf32> to vector<16xf32>
        %mul3A_1318 = vector.broadcast %squeeze3A_95 : f32 to vector<16xf32>
        %mul3A_1319 = arith.mulf %mul3A_1318, %get3A_1317 : vector<16xf32>
        %add3A_1320 = arith.addf %add3A_1309, %mul3A_1319 : vector<16xf32>
        %mul3A_1321 = arith.constant 16 : i32
        %mul3A_1322 = arith.muli %scan3A_64, %mul3A_1321 : i32
        %add3A_1323 = arith.constant 13 : i32
        %add3A_1324 = arith.addi %mul3A_1322, %add3A_1323 : i32
        %get3A_1325 = arith.index_cast %add3A_1324 : i32 to index
        %get3A_1326 = arith.constant 96 : index
        %get3A_1327 = tpu.vector_load %arg9[%get3A_1325, %get3A_1326] {strides = array<i32>} : memref<112x192xf32, #tpu.memory_space<vmem>>, vector<1x16xf32>,
        %get3A_1328 = vector.shape_cast %get3A_1327 : vector<1x16xf32> to vector<16xf32>
        %mul3A_1329 = vector.broadcast %squeeze3A_97 : f32 to vector<16xf32>
        %mul3A_1330 = arith.mulf %mul3A_1329, %get3A_1328 : vector<16xf32>
        %add3A_1331 = arith.addf %add3A_1320, %mul3A_1330 : vector<16xf32>
        %mul3A_1332 = arith.constant 16 : i32
        %mul3A_1333 = arith.muli %scan3A_64, %mul3A_1332 : i32
        %add3A_1334 = arith.constant 14 : i32
        %add3A_1335 = arith.addi %mul3A_1333, %add3A_1334 : i32
        %get3A_1336 = arith.index_cast %add3A_1335 : i32 to index
        %get3A_1337 = arith.constant 96 : index
        %get3A_1338 = tpu.vector_load %arg9[%get3A_1336, %get3A_1337] {strides = array<i32>} : memref<112x192xf32, #tpu.memory_space<vmem>>, vector<1x16xf32>,
        %get3A_1339 = vector.shape_cast %get3A_1338 : vector<1x16xf32> to vector<16xf32>
        %mul3A_1340 = vector.broadcast %squeeze3A_99 : f32 to vector<16xf32>
        %mul3A_1341 = arith.mulf %mul3A_1340, %get3A_1339 : vector<16xf32>
        %add3A_1342 = arith.addf %add3A_1331, %mul3A_1341 : vector<16xf32>
        %mul3A_1343 = arith.constant 16 : i32
        %mul3A_1344 = arith.muli %scan3A_64, %mul3A_1343 : i32
        %add3A_1345 = arith.constant 15 : i32
        %add3A_1346 = arith.addi %mul3A_1344, %add3A_1345 : i32
        %get3A_1347 = arith.index_cast %add3A_1346 : i32 to index
        %get3A_1348 = arith.constant 96 : index
        %get3A_1349 = tpu.vector_load %arg9[%get3A_1347, %get3A_1348] {strides = array<i32>} : memref<112x192xf32, #tpu.memory_space<vmem>>, vector<1x16xf32>,
        %get3A_1350 = vector.shape_cast %get3A_1349 : vector<1x16xf32> to vector<16xf32>
        %mul3A_1351 = vector.broadcast %squeeze3A_101 : f32 to vector<16xf32>
        %mul3A_1352 = arith.mulf %mul3A_1351, %get3A_1350 : vector<16xf32>
        %add3A_1353 = arith.addf %add3A_1342, %mul3A_1352 : vector<16xf32>
        %rem3A_1354 = arith.constant 49 : i32
        %rem3A_1355 = arith.remsi %add3A_67, %rem3A_1354 : i32
        %swap3A_1356 = arith.index_cast %rem3A_1355 : i32 to index
        %swap3A_1357 = arith.constant 96 : index
        %swap3A_1358 = tpu.vector_load %arg10[%swap3A_1356, %swap3A_1357] {strides = array<i32>} : memref<49x192xf32, #tpu.memory_space<vmem>>, vector<1x16xf32>,
        %swap3A_1359 = vector.shape_cast %swap3A_1358 : vector<1x16xf32> to vector<16xf32>
        %swap3A_1360 = vector.shape_cast %add3A_1353 : vector<16xf32> to vector<1x16xf32>
        tpu.vector_store %arg10[%swap3A_1356, %swap3A_1357], %swap3A_1360 {strides = array<i32>} : memref<49x192xf32, #tpu.memory_space<vmem>>, vector<1x16xf32>,
        %mul3A_1361 = arith.constant 16 : i32
        %mul3A_1362 = arith.muli %scan3A_64, %mul3A_1361 : i32
        %get3A_1363 = arith.index_cast %mul3A_1362 : i32 to index
        %get3A_1364 = arith.constant 112 : index
        %get3A_1365 = tpu.vector_load %arg9[%get3A_1363, %get3A_1364] {strides = array<i32>} : memref<112x192xf32, #tpu.memory_space<vmem>>, vector<1x16xf32>,
        %get3A_1366 = vector.shape_cast %get3A_1365 : vector<1x16xf32> to vector<16xf32>
        %mul3A_1367 = vector.broadcast %squeeze3A : f32 to vector<16xf32>
        %mul3A_1368 = arith.mulf %mul3A_1367, %get3A_1366 : vector<16xf32>
        %mul3A_1369 = arith.constant 16 : i32
        %mul3A_1370 = arith.muli %scan3A_64, %mul3A_1369 : i32
        %add3A_1371 = arith.constant 1 : i32
        %add3A_1372 = arith.addi %mul3A_1370, %add3A_1371 : i32
        %get3A_1373 = arith.index_cast %add3A_1372 : i32 to index
        %get3A_1374 = arith.constant 112 : index
        %get3A_1375 = tpu.vector_load %arg9[%get3A_1373, %get3A_1374] {strides = array<i32>} : memref<112x192xf32, #tpu.memory_space<vmem>>, vector<1x16xf32>,
        %get3A_1376 = vector.shape_cast %get3A_1375 : vector<1x16xf32> to vector<16xf32>
        %mul3A_1377 = vector.broadcast %squeeze3A_73 : f32 to vector<16xf32>
        %mul3A_1378 = arith.mulf %mul3A_1377, %get3A_1376 : vector<16xf32>
        %add3A_1379 = arith.addf %mul3A_1368, %mul3A_1378 : vector<16xf32>
        %mul3A_1380 = arith.constant 16 : i32
        %mul3A_1381 = arith.muli %scan3A_64, %mul3A_1380 : i32
        %add3A_1382 = arith.constant 2 : i32
        %add3A_1383 = arith.addi %mul3A_1381, %add3A_1382 : i32
        %get3A_1384 = arith.index_cast %add3A_1383 : i32 to index
        %get3A_1385 = arith.constant 112 : index
        %get3A_1386 = tpu.vector_load %arg9[%get3A_1384, %get3A_1385] {strides = array<i32>} : memref<112x192xf32, #tpu.memory_space<vmem>>, vector<1x16xf32>,
        %get3A_1387 = vector.shape_cast %get3A_1386 : vector<1x16xf32> to vector<16xf32>
        %mul3A_1388 = vector.broadcast %squeeze3A_75 : f32 to vector<16xf32>
        %mul3A_1389 = arith.mulf %mul3A_1388, %get3A_1387 : vector<16xf32>
        %add3A_1390 = arith.addf %add3A_1379, %mul3A_1389 : vector<16xf32>
        %mul3A_1391 = arith.constant 16 : i32
        %mul3A_1392 = arith.muli %scan3A_64, %mul3A_1391 : i32
        %add3A_1393 = arith.constant 3 : i32
        %add3A_1394 = arith.addi %mul3A_1392, %add3A_1393 : i32
        %get3A_1395 = arith.index_cast %add3A_1394 : i32 to index
        %get3A_1396 = arith.constant 112 : index
        %get3A_1397 = tpu.vector_load %arg9[%get3A_1395, %get3A_1396] {strides = array<i32>} : memref<112x192xf32, #tpu.memory_space<vmem>>, vector<1x16xf32>,
        %get3A_1398 = vector.shape_cast %get3A_1397 : vector<1x16xf32> to vector<16xf32>
        %mul3A_1399 = vector.broadcast %squeeze3A_77 : f32 to vector<16xf32>
        %mul3A_1400 = arith.mulf %mul3A_1399, %get3A_1398 : vector<16xf32>
        %add3A_1401 = arith.addf %add3A_1390, %mul3A_1400 : vector<16xf32>
        %mul3A_1402 = arith.constant 16 : i32
        %mul3A_1403 = arith.muli %scan3A_64, %mul3A_1402 : i32
        %add3A_1404 = arith.constant 4 : i32
        %add3A_1405 = arith.addi %mul3A_1403, %add3A_1404 : i32
        %get3A_1406 = arith.index_cast %add3A_1405 : i32 to index
        %get3A_1407 = arith.constant 112 : index
        %get3A_1408 = tpu.vector_load %arg9[%get3A_1406, %get3A_1407] {strides = array<i32>} : memref<112x192xf32, #tpu.memory_space<vmem>>, vector<1x16xf32>,
        %get3A_1409 = vector.shape_cast %get3A_1408 : vector<1x16xf32> to vector<16xf32>
        %mul3A_1410 = vector.broadcast %squeeze3A_79 : f32 to vector<16xf32>
        %mul3A_1411 = arith.mulf %mul3A_1410, %get3A_1409 : vector<16xf32>
        %add3A_1412 = arith.addf %add3A_1401, %mul3A_1411 : vector<16xf32>
        %mul3A_1413 = arith.constant 16 : i32
        %mul3A_1414 = arith.muli %scan3A_64, %mul3A_1413 : i32
        %add3A_1415 = arith.constant 5 : i32
        %add3A_1416 = arith.addi %mul3A_1414, %add3A_1415 : i32
        %get3A_1417 = arith.index_cast %add3A_1416 : i32 to index
        %get3A_1418 = arith.constant 112 : index
        %get3A_1419 = tpu.vector_load %arg9[%get3A_1417, %get3A_1418] {strides = array<i32>} : memref<112x192xf32, #tpu.memory_space<vmem>>, vector<1x16xf32>,
        %get3A_1420 = vector.shape_cast %get3A_1419 : vector<1x16xf32> to vector<16xf32>
        %mul3A_1421 = vector.broadcast %squeeze3A_81 : f32 to vector<16xf32>
        %mul3A_1422 = arith.mulf %mul3A_1421, %get3A_1420 : vector<16xf32>
        %add3A_1423 = arith.addf %add3A_1412, %mul3A_1422 : vector<16xf32>
        %mul3A_1424 = arith.constant 16 : i32
        %mul3A_1425 = arith.muli %scan3A_64, %mul3A_1424 : i32
        %add3A_1426 = arith.constant 6 : i32
        %add3A_1427 = arith.addi %mul3A_1425, %add3A_1426 : i32
        %get3A_1428 = arith.index_cast %add3A_1427 : i32 to index
        %get3A_1429 = arith.constant 112 : index
        %get3A_1430 = tpu.vector_load %arg9[%get3A_1428, %get3A_1429] {strides = array<i32>} : memref<112x192xf32, #tpu.memory_space<vmem>>, vector<1x16xf32>,
        %get3A_1431 = vector.shape_cast %get3A_1430 : vector<1x16xf32> to vector<16xf32>
        %mul3A_1432 = vector.broadcast %squeeze3A_83 : f32 to vector<16xf32>
        %mul3A_1433 = arith.mulf %mul3A_1432, %get3A_1431 : vector<16xf32>
        %add3A_1434 = arith.addf %add3A_1423, %mul3A_1433 : vector<16xf32>
        %mul3A_1435 = arith.constant 16 : i32
        %mul3A_1436 = arith.muli %scan3A_64, %mul3A_1435 : i32
        %add3A_1437 = arith.constant 7 : i32
        %add3A_1438 = arith.addi %mul3A_1436, %add3A_1437 : i32
        %get3A_1439 = arith.index_cast %add3A_1438 : i32 to index
        %get3A_1440 = arith.constant 112 : index
        %get3A_1441 = tpu.vector_load %arg9[%get3A_1439, %get3A_1440] {strides = array<i32>} : memref<112x192xf32, #tpu.memory_space<vmem>>, vector<1x16xf32>,
        %get3A_1442 = vector.shape_cast %get3A_1441 : vector<1x16xf32> to vector<16xf32>
        %mul3A_1443 = vector.broadcast %squeeze3A_85 : f32 to vector<16xf32>
        %mul3A_1444 = arith.mulf %mul3A_1443, %get3A_1442 : vector<16xf32>
        %add3A_1445 = arith.addf %add3A_1434, %mul3A_1444 : vector<16xf32>
        %mul3A_1446 = arith.constant 16 : i32
        %mul3A_1447 = arith.muli %scan3A_64, %mul3A_1446 : i32
        %add3A_1448 = arith.constant 8 : i32
        %add3A_1449 = arith.addi %mul3A_1447, %add3A_1448 : i32
        %get3A_1450 = arith.index_cast %add3A_1449 : i32 to index
        %get3A_1451 = arith.constant 112 : index
        %get3A_1452 = tpu.vector_load %arg9[%get3A_1450, %get3A_1451] {strides = array<i32>} : memref<112x192xf32, #tpu.memory_space<vmem>>, vector<1x16xf32>,
        %get3A_1453 = vector.shape_cast %get3A_1452 : vector<1x16xf32> to vector<16xf32>
        %mul3A_1454 = vector.broadcast %squeeze3A_87 : f32 to vector<16xf32>
        %mul3A_1455 = arith.mulf %mul3A_1454, %get3A_1453 : vector<16xf32>
        %add3A_1456 = arith.addf %add3A_1445, %mul3A_1455 : vector<16xf32>
        %mul3A_1457 = arith.constant 16 : i32
        %mul3A_1458 = arith.muli %scan3A_64, %mul3A_1457 : i32
        %add3A_1459 = arith.constant 9 : i32
        %add3A_1460 = arith.addi %mul3A_1458, %add3A_1459 : i32
        %get3A_1461 = arith.index_cast %add3A_1460 : i32 to index
        %get3A_1462 = arith.constant 112 : index
        %get3A_1463 = tpu.vector_load %arg9[%get3A_1461, %get3A_1462] {strides = array<i32>} : memref<112x192xf32, #tpu.memory_space<vmem>>, vector<1x16xf32>,
        %get3A_1464 = vector.shape_cast %get3A_1463 : vector<1x16xf32> to vector<16xf32>
        %mul3A_1465 = vector.broadcast %squeeze3A_89 : f32 to vector<16xf32>
        %mul3A_1466 = arith.mulf %mul3A_1465, %get3A_1464 : vector<16xf32>
        %add3A_1467 = arith.addf %add3A_1456, %mul3A_1466 : vector<16xf32>
        %mul3A_1468 = arith.constant 16 : i32
        %mul3A_1469 = arith.muli %scan3A_64, %mul3A_1468 : i32
        %add3A_1470 = arith.constant 10 : i32
        %add3A_1471 = arith.addi %mul3A_1469, %add3A_1470 : i32
        %get3A_1472 = arith.index_cast %add3A_1471 : i32 to index
        %get3A_1473 = arith.constant 112 : index
        %get3A_1474 = tpu.vector_load %arg9[%get3A_1472, %get3A_1473] {strides = array<i32>} : memref<112x192xf32, #tpu.memory_space<vmem>>, vector<1x16xf32>,
        %get3A_1475 = vector.shape_cast %get3A_1474 : vector<1x16xf32> to vector<16xf32>
        %mul3A_1476 = vector.broadcast %squeeze3A_91 : f32 to vector<16xf32>
        %mul3A_1477 = arith.mulf %mul3A_1476, %get3A_1475 : vector<16xf32>
        %add3A_1478 = arith.addf %add3A_1467, %mul3A_1477 : vector<16xf32>
        %mul3A_1479 = arith.constant 16 : i32
        %mul3A_1480 = arith.muli %scan3A_64, %mul3A_1479 : i32
        %add3A_1481 = arith.constant 11 : i32
        %add3A_1482 = arith.addi %mul3A_1480, %add3A_1481 : i32
        %get3A_1483 = arith.index_cast %add3A_1482 : i32 to index
        %get3A_1484 = arith.constant 112 : index
        %get3A_1485 = tpu.vector_load %arg9[%get3A_1483, %get3A_1484] {strides = array<i32>} : memref<112x192xf32, #tpu.memory_space<vmem>>, vector<1x16xf32>,
        %get3A_1486 = vector.shape_cast %get3A_1485 : vector<1x16xf32> to vector<16xf32>
        %mul3A_1487 = vector.broadcast %squeeze3A_93 : f32 to vector<16xf32>
        %mul3A_1488 = arith.mulf %mul3A_1487, %get3A_1486 : vector<16xf32>
        %add3A_1489 = arith.addf %add3A_1478, %mul3A_1488 : vector<16xf32>
        %mul3A_1490 = arith.constant 16 : i32
        %mul3A_1491 = arith.muli %scan3A_64, %mul3A_1490 : i32
        %add3A_1492 = arith.constant 12 : i32
        %add3A_1493 = arith.addi %mul3A_1491, %add3A_1492 : i32
        %get3A_1494 = arith.index_cast %add3A_1493 : i32 to index
        %get3A_1495 = arith.constant 112 : index
        %get3A_1496 = tpu.vector_load %arg9[%get3A_1494, %get3A_1495] {strides = array<i32>} : memref<112x192xf32, #tpu.memory_space<vmem>>, vector<1x16xf32>,
        %get3A_1497 = vector.shape_cast %get3A_1496 : vector<1x16xf32> to vector<16xf32>
        %mul3A_1498 = vector.broadcast %squeeze3A_95 : f32 to vector<16xf32>
        %mul3A_1499 = arith.mulf %mul3A_1498, %get3A_1497 : vector<16xf32>
        %add3A_1500 = arith.addf %add3A_1489, %mul3A_1499 : vector<16xf32>
        %mul3A_1501 = arith.constant 16 : i32
        %mul3A_1502 = arith.muli %scan3A_64, %mul3A_1501 : i32
        %add3A_1503 = arith.constant 13 : i32
        %add3A_1504 = arith.addi %mul3A_1502, %add3A_1503 : i32
        %get3A_1505 = arith.index_cast %add3A_1504 : i32 to index
        %get3A_1506 = arith.constant 112 : index
        %get3A_1507 = tpu.vector_load %arg9[%get3A_1505, %get3A_1506] {strides = array<i32>} : memref<112x192xf32, #tpu.memory_space<vmem>>, vector<1x16xf32>,
        %get3A_1508 = vector.shape_cast %get3A_1507 : vector<1x16xf32> to vector<16xf32>
        %mul3A_1509 = vector.broadcast %squeeze3A_97 : f32 to vector<16xf32>
        %mul3A_1510 = arith.mulf %mul3A_1509, %get3A_1508 : vector<16xf32>
        %add3A_1511 = arith.addf %add3A_1500, %mul3A_1510 : vector<16xf32>
        %mul3A_1512 = arith.constant 16 : i32
        %mul3A_1513 = arith.muli %scan3A_64, %mul3A_1512 : i32
        %add3A_1514 = arith.constant 14 : i32
        %add3A_1515 = arith.addi %mul3A_1513, %add3A_1514 : i32
        %get3A_1516 = arith.index_cast %add3A_1515 : i32 to index
        %get3A_1517 = arith.constant 112 : index
        %get3A_1518 = tpu.vector_load %arg9[%get3A_1516, %get3A_1517] {strides = array<i32>} : memref<112x192xf32, #tpu.memory_space<vmem>>, vector<1x16xf32>,
        %get3A_1519 = vector.shape_cast %get3A_1518 : vector<1x16xf32> to vector<16xf32>
        %mul3A_1520 = vector.broadcast %squeeze3A_99 : f32 to vector<16xf32>
        %mul3A_1521 = arith.mulf %mul3A_1520, %get3A_1519 : vector<16xf32>
        %add3A_1522 = arith.addf %add3A_1511, %mul3A_1521 : vector<16xf32>
        %mul3A_1523 = arith.constant 16 : i32
        %mul3A_1524 = arith.muli %scan3A_64, %mul3A_1523 : i32
        %add3A_1525 = arith.constant 15 : i32
        %add3A_1526 = arith.addi %mul3A_1524, %add3A_1525 : i32
        %get3A_1527 = arith.index_cast %add3A_1526 : i32 to index
        %get3A_1528 = arith.constant 112 : index
        %get3A_1529 = tpu.vector_load %arg9[%get3A_1527, %get3A_1528] {strides = array<i32>} : memref<112x192xf32, #tpu.memory_space<vmem>>, vector<1x16xf32>,
        %get3A_1530 = vector.shape_cast %get3A_1529 : vector<1x16xf32> to vector<16xf32>
        %mul3A_1531 = vector.broadcast %squeeze3A_101 : f32 to vector<16xf32>
        %mul3A_1532 = arith.mulf %mul3A_1531, %get3A_1530 : vector<16xf32>
        %add3A_1533 = arith.addf %add3A_1522, %mul3A_1532 : vector<16xf32>
        %rem3A_1534 = arith.constant 49 : i32
        %rem3A_1535 = arith.remsi %add3A_67, %rem3A_1534 : i32
        %swap3A_1536 = arith.index_cast %rem3A_1535 : i32 to index
        %swap3A_1537 = arith.constant 112 : index
        %swap3A_1538 = tpu.vector_load %arg10[%swap3A_1536, %swap3A_1537] {strides = array<i32>} : memref<49x192xf32, #tpu.memory_space<vmem>>, vector<1x16xf32>,
        %swap3A_1539 = vector.shape_cast %swap3A_1538 : vector<1x16xf32> to vector<16xf32>
        %swap3A_1540 = vector.shape_cast %add3A_1533 : vector<16xf32> to vector<1x16xf32>
        tpu.vector_store %arg10[%swap3A_1536, %swap3A_1537], %swap3A_1540 {strides = array<i32>} : memref<49x192xf32, #tpu.memory_space<vmem>>, vector<1x16xf32>,
        %mul3A_1541 = arith.constant 16 : i32
        %mul3A_1542 = arith.muli %scan3A_64, %mul3A_1541 : i32
        %get3A_1543 = arith.index_cast %mul3A_1542 : i32 to index
        %get3A_1544 = arith.constant 128 : index
        %get3A_1545 = tpu.vector_load %arg9[%get3A_1543, %get3A_1544] {strides = array<i32>} : memref<112x192xf32, #tpu.memory_space<vmem>>, vector<1x16xf32>,
        %get3A_1546 = vector.shape_cast %get3A_1545 : vector<1x16xf32> to vector<16xf32>
        %mul3A_1547 = vector.broadcast %squeeze3A : f32 to vector<16xf32>
        %mul3A_1548 = arith.mulf %mul3A_1547, %get3A_1546 : vector<16xf32>
        %mul3A_1549 = arith.constant 16 : i32
        %mul3A_1550 = arith.muli %scan3A_64, %mul3A_1549 : i32
        %add3A_1551 = arith.constant 1 : i32
        %add3A_1552 = arith.addi %mul3A_1550, %add3A_1551 : i32
        %get3A_1553 = arith.index_cast %add3A_1552 : i32 to index
        %get3A_1554 = arith.constant 128 : index
        %get3A_1555 = tpu.vector_load %arg9[%get3A_1553, %get3A_1554] {strides = array<i32>} : memref<112x192xf32, #tpu.memory_space<vmem>>, vector<1x16xf32>,
        %get3A_1556 = vector.shape_cast %get3A_1555 : vector<1x16xf32> to vector<16xf32>
        %mul3A_1557 = vector.broadcast %squeeze3A_73 : f32 to vector<16xf32>
        %mul3A_1558 = arith.mulf %mul3A_1557, %get3A_1556 : vector<16xf32>
        %add3A_1559 = arith.addf %mul3A_1548, %mul3A_1558 : vector<16xf32>
        %mul3A_1560 = arith.constant 16 : i32
        %mul3A_1561 = arith.muli %scan3A_64, %mul3A_1560 : i32
        %add3A_1562 = arith.constant 2 : i32
        %add3A_1563 = arith.addi %mul3A_1561, %add3A_1562 : i32
        %get3A_1564 = arith.index_cast %add3A_1563 : i32 to index
        %get3A_1565 = arith.constant 128 : index
        %get3A_1566 = tpu.vector_load %arg9[%get3A_1564, %get3A_1565] {strides = array<i32>} : memref<112x192xf32, #tpu.memory_space<vmem>>, vector<1x16xf32>,
        %get3A_1567 = vector.shape_cast %get3A_1566 : vector<1x16xf32> to vector<16xf32>
        %mul3A_1568 = vector.broadcast %squeeze3A_75 : f32 to vector<16xf32>
        %mul3A_1569 = arith.mulf %mul3A_1568, %get3A_1567 : vector<16xf32>
        %add3A_1570 = arith.addf %add3A_1559, %mul3A_1569 : vector<16xf32>
        %mul3A_1571 = arith.constant 16 : i32
        %mul3A_1572 = arith.muli %scan3A_64, %mul3A_1571 : i32
        %add3A_1573 = arith.constant 3 : i32
        %add3A_1574 = arith.addi %mul3A_1572, %add3A_1573 : i32
        %get3A_1575 = arith.index_cast %add3A_1574 : i32 to index
        %get3A_1576 = arith.constant 128 : index
        %get3A_1577 = tpu.vector_load %arg9[%get3A_1575, %get3A_1576] {strides = array<i32>} : memref<112x192xf32, #tpu.memory_space<vmem>>, vector<1x16xf32>,
        %get3A_1578 = vector.shape_cast %get3A_1577 : vector<1x16xf32> to vector<16xf32>
        %mul3A_1579 = vector.broadcast %squeeze3A_77 : f32 to vector<16xf32>
        %mul3A_1580 = arith.mulf %mul3A_1579, %get3A_1578 : vector<16xf32>
        %add3A_1581 = arith.addf %add3A_1570, %mul3A_1580 : vector<16xf32>
        %mul3A_1582 = arith.constant 16 : i32
        %mul3A_1583 = arith.muli %scan3A_64, %mul3A_1582 : i32
        %add3A_1584 = arith.constant 4 : i32
        %add3A_1585 = arith.addi %mul3A_1583, %add3A_1584 : i32
        %get3A_1586 = arith.index_cast %add3A_1585 : i32 to index
        %get3A_1587 = arith.constant 128 : index
        %get3A_1588 = tpu.vector_load %arg9[%get3A_1586, %get3A_1587] {strides = array<i32>} : memref<112x192xf32, #tpu.memory_space<vmem>>, vector<1x16xf32>,
        %get3A_1589 = vector.shape_cast %get3A_1588 : vector<1x16xf32> to vector<16xf32>
        %mul3A_1590 = vector.broadcast %squeeze3A_79 : f32 to vector<16xf32>
        %mul3A_1591 = arith.mulf %mul3A_1590, %get3A_1589 : vector<16xf32>
        %add3A_1592 = arith.addf %add3A_1581, %mul3A_1591 : vector<16xf32>
        %mul3A_1593 = arith.constant 16 : i32
        %mul3A_1594 = arith.muli %scan3A_64, %mul3A_1593 : i32
        %add3A_1595 = arith.constant 5 : i32
        %add3A_1596 = arith.addi %mul3A_1594, %add3A_1595 : i32
        %get3A_1597 = arith.index_cast %add3A_1596 : i32 to index
        %get3A_1598 = arith.constant 128 : index
        %get3A_1599 = tpu.vector_load %arg9[%get3A_1597, %get3A_1598] {strides = array<i32>} : memref<112x192xf32, #tpu.memory_space<vmem>>, vector<1x16xf32>,
        %get3A_1600 = vector.shape_cast %get3A_1599 : vector<1x16xf32> to vector<16xf32>
        %mul3A_1601 = vector.broadcast %squeeze3A_81 : f32 to vector<16xf32>
        %mul3A_1602 = arith.mulf %mul3A_1601, %get3A_1600 : vector<16xf32>
        %add3A_1603 = arith.addf %add3A_1592, %mul3A_1602 : vector<16xf32>
        %mul3A_1604 = arith.constant 16 : i32
        %mul3A_1605 = arith.muli %scan3A_64, %mul3A_1604 : i32
        %add3A_1606 = arith.constant 6 : i32
        %add3A_1607 = arith.addi %mul3A_1605, %add3A_1606 : i32
        %get3A_1608 = arith.index_cast %add3A_1607 : i32 to index
        %get3A_1609 = arith.constant 128 : index
        %get3A_1610 = tpu.vector_load %arg9[%get3A_1608, %get3A_1609] {strides = array<i32>} : memref<112x192xf32, #tpu.memory_space<vmem>>, vector<1x16xf32>,
        %get3A_1611 = vector.shape_cast %get3A_1610 : vector<1x16xf32> to vector<16xf32>
        %mul3A_1612 = vector.broadcast %squeeze3A_83 : f32 to vector<16xf32>
        %mul3A_1613 = arith.mulf %mul3A_1612, %get3A_1611 : vector<16xf32>
        %add3A_1614 = arith.addf %add3A_1603, %mul3A_1613 : vector<16xf32>
        %mul3A_1615 = arith.constant 16 : i32
        %mul3A_1616 = arith.muli %scan3A_64, %mul3A_1615 : i32
        %add3A_1617 = arith.constant 7 : i32
        %add3A_1618 = arith.addi %mul3A_1616, %add3A_1617 : i32
        %get3A_1619 = arith.index_cast %add3A_1618 : i32 to index
        %get3A_1620 = arith.constant 128 : index
        %get3A_1621 = tpu.vector_load %arg9[%get3A_1619, %get3A_1620] {strides = array<i32>} : memref<112x192xf32, #tpu.memory_space<vmem>>, vector<1x16xf32>,
        %get3A_1622 = vector.shape_cast %get3A_1621 : vector<1x16xf32> to vector<16xf32>
        %mul3A_1623 = vector.broadcast %squeeze3A_85 : f32 to vector<16xf32>
        %mul3A_1624 = arith.mulf %mul3A_1623, %get3A_1622 : vector<16xf32>
        %add3A_1625 = arith.addf %add3A_1614, %mul3A_1624 : vector<16xf32>
        %mul3A_1626 = arith.constant 16 : i32
        %mul3A_1627 = arith.muli %scan3A_64, %mul3A_1626 : i32
        %add3A_1628 = arith.constant 8 : i32
        %add3A_1629 = arith.addi %mul3A_1627, %add3A_1628 : i32
        %get3A_1630 = arith.index_cast %add3A_1629 : i32 to index
        %get3A_1631 = arith.constant 128 : index
        %get3A_1632 = tpu.vector_load %arg9[%get3A_1630, %get3A_1631] {strides = array<i32>} : memref<112x192xf32, #tpu.memory_space<vmem>>, vector<1x16xf32>,
        %get3A_1633 = vector.shape_cast %get3A_1632 : vector<1x16xf32> to vector<16xf32>
        %mul3A_1634 = vector.broadcast %squeeze3A_87 : f32 to vector<16xf32>
        %mul3A_1635 = arith.mulf %mul3A_1634, %get3A_1633 : vector<16xf32>
        %add3A_1636 = arith.addf %add3A_1625, %mul3A_1635 : vector<16xf32>
        %mul3A_1637 = arith.constant 16 : i32
        %mul3A_1638 = arith.muli %scan3A_64, %mul3A_1637 : i32
        %add3A_1639 = arith.constant 9 : i32
        %add3A_1640 = arith.addi %mul3A_1638, %add3A_1639 : i32
        %get3A_1641 = arith.index_cast %add3A_1640 : i32 to index
        %get3A_1642 = arith.constant 128 : index
        %get3A_1643 = tpu.vector_load %arg9[%get3A_1641, %get3A_1642] {strides = array<i32>} : memref<112x192xf32, #tpu.memory_space<vmem>>, vector<1x16xf32>,
        %get3A_1644 = vector.shape_cast %get3A_1643 : vector<1x16xf32> to vector<16xf32>
        %mul3A_1645 = vector.broadcast %squeeze3A_89 : f32 to vector<16xf32>
        %mul3A_1646 = arith.mulf %mul3A_1645, %get3A_1644 : vector<16xf32>
        %add3A_1647 = arith.addf %add3A_1636, %mul3A_1646 : vector<16xf32>
        %mul3A_1648 = arith.constant 16 : i32
        %mul3A_1649 = arith.muli %scan3A_64, %mul3A_1648 : i32
        %add3A_1650 = arith.constant 10 : i32
        %add3A_1651 = arith.addi %mul3A_1649, %add3A_1650 : i32
        %get3A_1652 = arith.index_cast %add3A_1651 : i32 to index
        %get3A_1653 = arith.constant 128 : index
        %get3A_1654 = tpu.vector_load %arg9[%get3A_1652, %get3A_1653] {strides = array<i32>} : memref<112x192xf32, #tpu.memory_space<vmem>>, vector<1x16xf32>,
        %get3A_1655 = vector.shape_cast %get3A_1654 : vector<1x16xf32> to vector<16xf32>
        %mul3A_1656 = vector.broadcast %squeeze3A_91 : f32 to vector<16xf32>
        %mul3A_1657 = arith.mulf %mul3A_1656, %get3A_1655 : vector<16xf32>
        %add3A_1658 = arith.addf %add3A_1647, %mul3A_1657 : vector<16xf32>
        %mul3A_1659 = arith.constant 16 : i32
        %mul3A_1660 = arith.muli %scan3A_64, %mul3A_1659 : i32
        %add3A_1661 = arith.constant 11 : i32
        %add3A_1662 = arith.addi %mul3A_1660, %add3A_1661 : i32
        %get3A_1663 = arith.index_cast %add3A_1662 : i32 to index
        %get3A_1664 = arith.constant 128 : index
        %get3A_1665 = tpu.vector_load %arg9[%get3A_1663, %get3A_1664] {strides = array<i32>} : memref<112x192xf32, #tpu.memory_space<vmem>>, vector<1x16xf32>,
        %get3A_1666 = vector.shape_cast %get3A_1665 : vector<1x16xf32> to vector<16xf32>
        %mul3A_1667 = vector.broadcast %squeeze3A_93 : f32 to vector<16xf32>
        %mul3A_1668 = arith.mulf %mul3A_1667, %get3A_1666 : vector<16xf32>
        %add3A_1669 = arith.addf %add3A_1658, %mul3A_1668 : vector<16xf32>
        %mul3A_1670 = arith.constant 16 : i32
        %mul3A_1671 = arith.muli %scan3A_64, %mul3A_1670 : i32
        %add3A_1672 = arith.constant 12 : i32
        %add3A_1673 = arith.addi %mul3A_1671, %add3A_1672 : i32
        %get3A_1674 = arith.index_cast %add3A_1673 : i32 to index
        %get3A_1675 = arith.constant 128 : index
        %get3A_1676 = tpu.vector_load %arg9[%get3A_1674, %get3A_1675] {strides = array<i32>} : memref<112x192xf32, #tpu.memory_space<vmem>>, vector<1x16xf32>,
        %get3A_1677 = vector.shape_cast %get3A_1676 : vector<1x16xf32> to vector<16xf32>
        %mul3A_1678 = vector.broadcast %squeeze3A_95 : f32 to vector<16xf32>
        %mul3A_1679 = arith.mulf %mul3A_1678, %get3A_1677 : vector<16xf32>
        %add3A_1680 = arith.addf %add3A_1669, %mul3A_1679 : vector<16xf32>
        %mul3A_1681 = arith.constant 16 : i32
        %mul3A_1682 = arith.muli %scan3A_64, %mul3A_1681 : i32
        %add3A_1683 = arith.constant 13 : i32
        %add3A_1684 = arith.addi %mul3A_1682, %add3A_1683 : i32
        %get3A_1685 = arith.index_cast %add3A_1684 : i32 to index
        %get3A_1686 = arith.constant 128 : index
        %get3A_1687 = tpu.vector_load %arg9[%get3A_1685, %get3A_1686] {strides = array<i32>} : memref<112x192xf32, #tpu.memory_space<vmem>>, vector<1x16xf32>,
        %get3A_1688 = vector.shape_cast %get3A_1687 : vector<1x16xf32> to vector<16xf32>
        %mul3A_1689 = vector.broadcast %squeeze3A_97 : f32 to vector<16xf32>
        %mul3A_1690 = arith.mulf %mul3A_1689, %get3A_1688 : vector<16xf32>
        %add3A_1691 = arith.addf %add3A_1680, %mul3A_1690 : vector<16xf32>
        %mul3A_1692 = arith.constant 16 : i32
        %mul3A_1693 = arith.muli %scan3A_64, %mul3A_1692 : i32
        %add3A_1694 = arith.constant 14 : i32
        %add3A_1695 = arith.addi %mul3A_1693, %add3A_1694 : i32
        %get3A_1696 = arith.index_cast %add3A_1695 : i32 to index
        %get3A_1697 = arith.constant 128 : index
        %get3A_1698 = tpu.vector_load %arg9[%get3A_1696, %get3A_1697] {strides = array<i32>} : memref<112x192xf32, #tpu.memory_space<vmem>>, vector<1x16xf32>,
        %get3A_1699 = vector.shape_cast %get3A_1698 : vector<1x16xf32> to vector<16xf32>
        %mul3A_1700 = vector.broadcast %squeeze3A_99 : f32 to vector<16xf32>
        %mul3A_1701 = arith.mulf %mul3A_1700, %get3A_1699 : vector<16xf32>
        %add3A_1702 = arith.addf %add3A_1691, %mul3A_1701 : vector<16xf32>
        %mul3A_1703 = arith.constant 16 : i32
        %mul3A_1704 = arith.muli %scan3A_64, %mul3A_1703 : i32
        %add3A_1705 = arith.constant 15 : i32
        %add3A_1706 = arith.addi %mul3A_1704, %add3A_1705 : i32
        %get3A_1707 = arith.index_cast %add3A_1706 : i32 to index
        %get3A_1708 = arith.constant 128 : index
        %get3A_1709 = tpu.vector_load %arg9[%get3A_1707, %get3A_1708] {strides = array<i32>} : memref<112x192xf32, #tpu.memory_space<vmem>>, vector<1x16xf32>,
        %get3A_1710 = vector.shape_cast %get3A_1709 : vector<1x16xf32> to vector<16xf32>
        %mul3A_1711 = vector.broadcast %squeeze3A_101 : f32 to vector<16xf32>
        %mul3A_1712 = arith.mulf %mul3A_1711, %get3A_1710 : vector<16xf32>
        %add3A_1713 = arith.addf %add3A_1702, %mul3A_1712 : vector<16xf32>
        %rem3A_1714 = arith.constant 49 : i32
        %rem3A_1715 = arith.remsi %add3A_67, %rem3A_1714 : i32
        %swap3A_1716 = arith.index_cast %rem3A_1715 : i32 to index
        %swap3A_1717 = arith.constant 128 : index
        %swap3A_1718 = tpu.vector_load %arg10[%swap3A_1716, %swap3A_1717] {strides = array<i32>} : memref<49x192xf32, #tpu.memory_space<vmem>>, vector<1x16xf32>,
        %swap3A_1719 = vector.shape_cast %swap3A_1718 : vector<1x16xf32> to vector<16xf32>
        %swap3A_1720 = vector.shape_cast %add3A_1713 : vector<16xf32> to vector<1x16xf32>
        tpu.vector_store %arg10[%swap3A_1716, %swap3A_1717], %swap3A_1720 {strides = array<i32>} : memref<49x192xf32, #tpu.memory_space<vmem>>, vector<1x16xf32>,
        %mul3A_1721 = arith.constant 16 : i32
        %mul3A_1722 = arith.muli %scan3A_64, %mul3A_1721 : i32
        %get3A_1723 = arith.index_cast %mul3A_1722 : i32 to index
        %get3A_1724 = arith.constant 144 : index
        %get3A_1725 = tpu.vector_load %arg9[%get3A_1723, %get3A_1724] {strides = array<i32>} : memref<112x192xf32, #tpu.memory_space<vmem>>, vector<1x16xf32>,
        %get3A_1726 = vector.shape_cast %get3A_1725 : vector<1x16xf32> to vector<16xf32>
        %mul3A_1727 = vector.broadcast %squeeze3A : f32 to vector<16xf32>
        %mul3A_1728 = arith.mulf %mul3A_1727, %get3A_1726 : vector<16xf32>
        %mul3A_1729 = arith.constant 16 : i32
        %mul3A_1730 = arith.muli %scan3A_64, %mul3A_1729 : i32
        %add3A_1731 = arith.constant 1 : i32
        %add3A_1732 = arith.addi %mul3A_1730, %add3A_1731 : i32
        %get3A_1733 = arith.index_cast %add3A_1732 : i32 to index
        %get3A_1734 = arith.constant 144 : index
        %get3A_1735 = tpu.vector_load %arg9[%get3A_1733, %get3A_1734] {strides = array<i32>} : memref<112x192xf32, #tpu.memory_space<vmem>>, vector<1x16xf32>,
        %get3A_1736 = vector.shape_cast %get3A_1735 : vector<1x16xf32> to vector<16xf32>
        %mul3A_1737 = vector.broadcast %squeeze3A_73 : f32 to vector<16xf32>
        %mul3A_1738 = arith.mulf %mul3A_1737, %get3A_1736 : vector<16xf32>
        %add3A_1739 = arith.addf %mul3A_1728, %mul3A_1738 : vector<16xf32>
        %mul3A_1740 = arith.constant 16 : i32
        %mul3A_1741 = arith.muli %scan3A_64, %mul3A_1740 : i32
        %add3A_1742 = arith.constant 2 : i32
        %add3A_1743 = arith.addi %mul3A_1741, %add3A_1742 : i32
        %get3A_1744 = arith.index_cast %add3A_1743 : i32 to index
        %get3A_1745 = arith.constant 144 : index
        %get3A_1746 = tpu.vector_load %arg9[%get3A_1744, %get3A_1745] {strides = array<i32>} : memref<112x192xf32, #tpu.memory_space<vmem>>, vector<1x16xf32>,
        %get3A_1747 = vector.shape_cast %get3A_1746 : vector<1x16xf32> to vector<16xf32>
        %mul3A_1748 = vector.broadcast %squeeze3A_75 : f32 to vector<16xf32>
        %mul3A_1749 = arith.mulf %mul3A_1748, %get3A_1747 : vector<16xf32>
        %add3A_1750 = arith.addf %add3A_1739, %mul3A_1749 : vector<16xf32>
        %mul3A_1751 = arith.constant 16 : i32
        %mul3A_1752 = arith.muli %scan3A_64, %mul3A_1751 : i32
        %add3A_1753 = arith.constant 3 : i32
        %add3A_1754 = arith.addi %mul3A_1752, %add3A_1753 : i32
        %get3A_1755 = arith.index_cast %add3A_1754 : i32 to index
        %get3A_1756 = arith.constant 144 : index
        %get3A_1757 = tpu.vector_load %arg9[%get3A_1755, %get3A_1756] {strides = array<i32>} : memref<112x192xf32, #tpu.memory_space<vmem>>, vector<1x16xf32>,
        %get3A_1758 = vector.shape_cast %get3A_1757 : vector<1x16xf32> to vector<16xf32>
        %mul3A_1759 = vector.broadcast %squeeze3A_77 : f32 to vector<16xf32>
        %mul3A_1760 = arith.mulf %mul3A_1759, %get3A_1758 : vector<16xf32>
        %add3A_1761 = arith.addf %add3A_1750, %mul3A_1760 : vector<16xf32>
        %mul3A_1762 = arith.constant 16 : i32
        %mul3A_1763 = arith.muli %scan3A_64, %mul3A_1762 : i32
        %add3A_1764 = arith.constant 4 : i32
        %add3A_1765 = arith.addi %mul3A_1763, %add3A_1764 : i32
        %get3A_1766 = arith.index_cast %add3A_1765 : i32 to index
        %get3A_1767 = arith.constant 144 : index
        %get3A_1768 = tpu.vector_load %arg9[%get3A_1766, %get3A_1767] {strides = array<i32>} : memref<112x192xf32, #tpu.memory_space<vmem>>, vector<1x16xf32>,
        %get3A_1769 = vector.shape_cast %get3A_1768 : vector<1x16xf32> to vector<16xf32>
        %mul3A_1770 = vector.broadcast %squeeze3A_79 : f32 to vector<16xf32>
        %mul3A_1771 = arith.mulf %mul3A_1770, %get3A_1769 : vector<16xf32>
        %add3A_1772 = arith.addf %add3A_1761, %mul3A_1771 : vector<16xf32>
        %mul3A_1773 = arith.constant 16 : i32
        %mul3A_1774 = arith.muli %scan3A_64, %mul3A_1773 : i32
        %add3A_1775 = arith.constant 5 : i32
        %add3A_1776 = arith.addi %mul3A_1774, %add3A_1775 : i32
        %get3A_1777 = arith.index_cast %add3A_1776 : i32 to index
        %get3A_1778 = arith.constant 144 : index
        %get3A_1779 = tpu.vector_load %arg9[%get3A_1777, %get3A_1778] {strides = array<i32>} : memref<112x192xf32, #tpu.memory_space<vmem>>, vector<1x16xf32>,
        %get3A_1780 = vector.shape_cast %get3A_1779 : vector<1x16xf32> to vector<16xf32>
        %mul3A_1781 = vector.broadcast %squeeze3A_81 : f32 to vector<16xf32>
        %mul3A_1782 = arith.mulf %mul3A_1781, %get3A_1780 : vector<16xf32>
        %add3A_1783 = arith.addf %add3A_1772, %mul3A_1782 : vector<16xf32>
        %mul3A_1784 = arith.constant 16 : i32
        %mul3A_1785 = arith.muli %scan3A_64, %mul3A_1784 : i32
        %add3A_1786 = arith.constant 6 : i32
        %add3A_1787 = arith.addi %mul3A_1785, %add3A_1786 : i32
        %get3A_1788 = arith.index_cast %add3A_1787 : i32 to index
        %get3A_1789 = arith.constant 144 : index
        %get3A_1790 = tpu.vector_load %arg9[%get3A_1788, %get3A_1789] {strides = array<i32>} : memref<112x192xf32, #tpu.memory_space<vmem>>, vector<1x16xf32>,
        %get3A_1791 = vector.shape_cast %get3A_1790 : vector<1x16xf32> to vector<16xf32>
        %mul3A_1792 = vector.broadcast %squeeze3A_83 : f32 to vector<16xf32>
        %mul3A_1793 = arith.mulf %mul3A_1792, %get3A_1791 : vector<16xf32>
        %add3A_1794 = arith.addf %add3A_1783, %mul3A_1793 : vector<16xf32>
        %mul3A_1795 = arith.constant 16 : i32
        %mul3A_1796 = arith.muli %scan3A_64, %mul3A_1795 : i32
        %add3A_1797 = arith.constant 7 : i32
        %add3A_1798 = arith.addi %mul3A_1796, %add3A_1797 : i32
        %get3A_1799 = arith.index_cast %add3A_1798 : i32 to index
        %get3A_1800 = arith.constant 144 : index
        %get3A_1801 = tpu.vector_load %arg9[%get3A_1799, %get3A_1800] {strides = array<i32>} : memref<112x192xf32, #tpu.memory_space<vmem>>, vector<1x16xf32>,
        %get3A_1802 = vector.shape_cast %get3A_1801 : vector<1x16xf32> to vector<16xf32>
        %mul3A_1803 = vector.broadcast %squeeze3A_85 : f32 to vector<16xf32>
        %mul3A_1804 = arith.mulf %mul3A_1803, %get3A_1802 : vector<16xf32>
        %add3A_1805 = arith.addf %add3A_1794, %mul3A_1804 : vector<16xf32>
        %mul3A_1806 = arith.constant 16 : i32
        %mul3A_1807 = arith.muli %scan3A_64, %mul3A_1806 : i32
        %add3A_1808 = arith.constant 8 : i32
        %add3A_1809 = arith.addi %mul3A_1807, %add3A_1808 : i32
        %get3A_1810 = arith.index_cast %add3A_1809 : i32 to index
        %get3A_1811 = arith.constant 144 : index
        %get3A_1812 = tpu.vector_load %arg9[%get3A_1810, %get3A_1811] {strides = array<i32>} : memref<112x192xf32, #tpu.memory_space<vmem>>, vector<1x16xf32>,
        %get3A_1813 = vector.shape_cast %get3A_1812 : vector<1x16xf32> to vector<16xf32>
        %mul3A_1814 = vector.broadcast %squeeze3A_87 : f32 to vector<16xf32>
        %mul3A_1815 = arith.mulf %mul3A_1814, %get3A_1813 : vector<16xf32>
        %add3A_1816 = arith.addf %add3A_1805, %mul3A_1815 : vector<16xf32>
        %mul3A_1817 = arith.constant 16 : i32
        %mul3A_1818 = arith.muli %scan3A_64, %mul3A_1817 : i32
        %add3A_1819 = arith.constant 9 : i32
        %add3A_1820 = arith.addi %mul3A_1818, %add3A_1819 : i32
        %get3A_1821 = arith.index_cast %add3A_1820 : i32 to index
        %get3A_1822 = arith.constant 144 : index
        %get3A_1823 = tpu.vector_load %arg9[%get3A_1821, %get3A_1822] {strides = array<i32>} : memref<112x192xf32, #tpu.memory_space<vmem>>, vector<1x16xf32>,
        %get3A_1824 = vector.shape_cast %get3A_1823 : vector<1x16xf32> to vector<16xf32>
        %mul3A_1825 = vector.broadcast %squeeze3A_89 : f32 to vector<16xf32>
        %mul3A_1826 = arith.mulf %mul3A_1825, %get3A_1824 : vector<16xf32>
        %add3A_1827 = arith.addf %add3A_1816, %mul3A_1826 : vector<16xf32>
        %mul3A_1828 = arith.constant 16 : i32
        %mul3A_1829 = arith.muli %scan3A_64, %mul3A_1828 : i32
        %add3A_1830 = arith.constant 10 : i32
        %add3A_1831 = arith.addi %mul3A_1829, %add3A_1830 : i32
        %get3A_1832 = arith.index_cast %add3A_1831 : i32 to index
        %get3A_1833 = arith.constant 144 : index
        %get3A_1834 = tpu.vector_load %arg9[%get3A_1832, %get3A_1833] {strides = array<i32>} : memref<112x192xf32, #tpu.memory_space<vmem>>, vector<1x16xf32>,
        %get3A_1835 = vector.shape_cast %get3A_1834 : vector<1x16xf32> to vector<16xf32>
        %mul3A_1836 = vector.broadcast %squeeze3A_91 : f32 to vector<16xf32>
        %mul3A_1837 = arith.mulf %mul3A_1836, %get3A_1835 : vector<16xf32>
        %add3A_1838 = arith.addf %add3A_1827, %mul3A_1837 : vector<16xf32>
        %mul3A_1839 = arith.constant 16 : i32
        %mul3A_1840 = arith.muli %scan3A_64, %mul3A_1839 : i32
        %add3A_1841 = arith.constant 11 : i32
        %add3A_1842 = arith.addi %mul3A_1840, %add3A_1841 : i32
        %get3A_1843 = arith.index_cast %add3A_1842 : i32 to index
        %get3A_1844 = arith.constant 144 : index
        %get3A_1845 = tpu.vector_load %arg9[%get3A_1843, %get3A_1844] {strides = array<i32>} : memref<112x192xf32, #tpu.memory_space<vmem>>, vector<1x16xf32>,
        %get3A_1846 = vector.shape_cast %get3A_1845 : vector<1x16xf32> to vector<16xf32>
        %mul3A_1847 = vector.broadcast %squeeze3A_93 : f32 to vector<16xf32>
        %mul3A_1848 = arith.mulf %mul3A_1847, %get3A_1846 : vector<16xf32>
        %add3A_1849 = arith.addf %add3A_1838, %mul3A_1848 : vector<16xf32>
        %mul3A_1850 = arith.constant 16 : i32
        %mul3A_1851 = arith.muli %scan3A_64, %mul3A_1850 : i32
        %add3A_1852 = arith.constant 12 : i32
        %add3A_1853 = arith.addi %mul3A_1851, %add3A_1852 : i32
        %get3A_1854 = arith.index_cast %add3A_1853 : i32 to index
        %get3A_1855 = arith.constant 144 : index
        %get3A_1856 = tpu.vector_load %arg9[%get3A_1854, %get3A_1855] {strides = array<i32>} : memref<112x192xf32, #tpu.memory_space<vmem>>, vector<1x16xf32>,
        %get3A_1857 = vector.shape_cast %get3A_1856 : vector<1x16xf32> to vector<16xf32>
        %mul3A_1858 = vector.broadcast %squeeze3A_95 : f32 to vector<16xf32>
        %mul3A_1859 = arith.mulf %mul3A_1858, %get3A_1857 : vector<16xf32>
        %add3A_1860 = arith.addf %add3A_1849, %mul3A_1859 : vector<16xf32>
        %mul3A_1861 = arith.constant 16 : i32
        %mul3A_1862 = arith.muli %scan3A_64, %mul3A_1861 : i32
        %add3A_1863 = arith.constant 13 : i32
        %add3A_1864 = arith.addi %mul3A_1862, %add3A_1863 : i32
        %get3A_1865 = arith.index_cast %add3A_1864 : i32 to index
        %get3A_1866 = arith.constant 144 : index
        %get3A_1867 = tpu.vector_load %arg9[%get3A_1865, %get3A_1866] {strides = array<i32>} : memref<112x192xf32, #tpu.memory_space<vmem>>, vector<1x16xf32>,
        %get3A_1868 = vector.shape_cast %get3A_1867 : vector<1x16xf32> to vector<16xf32>
        %mul3A_1869 = vector.broadcast %squeeze3A_97 : f32 to vector<16xf32>
        %mul3A_1870 = arith.mulf %mul3A_1869, %get3A_1868 : vector<16xf32>
        %add3A_1871 = arith.addf %add3A_1860, %mul3A_1870 : vector<16xf32>
        %mul3A_1872 = arith.constant 16 : i32
        %mul3A_1873 = arith.muli %scan3A_64, %mul3A_1872 : i32
        %add3A_1874 = arith.constant 14 : i32
        %add3A_1875 = arith.addi %mul3A_1873, %add3A_1874 : i32
        %get3A_1876 = arith.index_cast %add3A_1875 : i32 to index
        %get3A_1877 = arith.constant 144 : index
        %get3A_1878 = tpu.vector_load %arg9[%get3A_1876, %get3A_1877] {strides = array<i32>} : memref<112x192xf32, #tpu.memory_space<vmem>>, vector<1x16xf32>,
        %get3A_1879 = vector.shape_cast %get3A_1878 : vector<1x16xf32> to vector<16xf32>
        %mul3A_1880 = vector.broadcast %squeeze3A_99 : f32 to vector<16xf32>
        %mul3A_1881 = arith.mulf %mul3A_1880, %get3A_1879 : vector<16xf32>
        %add3A_1882 = arith.addf %add3A_1871, %mul3A_1881 : vector<16xf32>
        %mul3A_1883 = arith.constant 16 : i32
        %mul3A_1884 = arith.muli %scan3A_64, %mul3A_1883 : i32
        %add3A_1885 = arith.constant 15 : i32
        %add3A_1886 = arith.addi %mul3A_1884, %add3A_1885 : i32
        %get3A_1887 = arith.index_cast %add3A_1886 : i32 to index
        %get3A_1888 = arith.constant 144 : index
        %get3A_1889 = tpu.vector_load %arg9[%get3A_1887, %get3A_1888] {strides = array<i32>} : memref<112x192xf32, #tpu.memory_space<vmem>>, vector<1x16xf32>,
        %get3A_1890 = vector.shape_cast %get3A_1889 : vector<1x16xf32> to vector<16xf32>
        %mul3A_1891 = vector.broadcast %squeeze3A_101 : f32 to vector<16xf32>
        %mul3A_1892 = arith.mulf %mul3A_1891, %get3A_1890 : vector<16xf32>
        %add3A_1893 = arith.addf %add3A_1882, %mul3A_1892 : vector<16xf32>
        %rem3A_1894 = arith.constant 49 : i32
        %rem3A_1895 = arith.remsi %add3A_67, %rem3A_1894 : i32
        %swap3A_1896 = arith.index_cast %rem3A_1895 : i32 to index
        %swap3A_1897 = arith.constant 144 : index
        %swap3A_1898 = tpu.vector_load %arg10[%swap3A_1896, %swap3A_1897] {strides = array<i32>} : memref<49x192xf32, #tpu.memory_space<vmem>>, vector<1x16xf32>,
        %swap3A_1899 = vector.shape_cast %swap3A_1898 : vector<1x16xf32> to vector<16xf32>
        %swap3A_1900 = vector.shape_cast %add3A_1893 : vector<16xf32> to vector<1x16xf32>
        tpu.vector_store %arg10[%swap3A_1896, %swap3A_1897], %swap3A_1900 {strides = array<i32>} : memref<49x192xf32, #tpu.memory_space<vmem>>, vector<1x16xf32>,
        %mul3A_1901 = arith.constant 16 : i32
        %mul3A_1902 = arith.muli %scan3A_64, %mul3A_1901 : i32
        %get3A_1903 = arith.index_cast %mul3A_1902 : i32 to index
        %get3A_1904 = arith.constant 160 : index
        %get3A_1905 = tpu.vector_load %arg9[%get3A_1903, %get3A_1904] {strides = array<i32>} : memref<112x192xf32, #tpu.memory_space<vmem>>, vector<1x16xf32>,
        %get3A_1906 = vector.shape_cast %get3A_1905 : vector<1x16xf32> to vector<16xf32>
        %mul3A_1907 = vector.broadcast %squeeze3A : f32 to vector<16xf32>
        %mul3A_1908 = arith.mulf %mul3A_1907, %get3A_1906 : vector<16xf32>
        %mul3A_1909 = arith.constant 16 : i32
        %mul3A_1910 = arith.muli %scan3A_64, %mul3A_1909 : i32
        %add3A_1911 = arith.constant 1 : i32
        %add3A_1912 = arith.addi %mul3A_1910, %add3A_1911 : i32
        %get3A_1913 = arith.index_cast %add3A_1912 : i32 to index
        %get3A_1914 = arith.constant 160 : index
        %get3A_1915 = tpu.vector_load %arg9[%get3A_1913, %get3A_1914] {strides = array<i32>} : memref<112x192xf32, #tpu.memory_space<vmem>>, vector<1x16xf32>,
        %get3A_1916 = vector.shape_cast %get3A_1915 : vector<1x16xf32> to vector<16xf32>
        %mul3A_1917 = vector.broadcast %squeeze3A_73 : f32 to vector<16xf32>
        %mul3A_1918 = arith.mulf %mul3A_1917, %get3A_1916 : vector<16xf32>
        %add3A_1919 = arith.addf %mul3A_1908, %mul3A_1918 : vector<16xf32>
        %mul3A_1920 = arith.constant 16 : i32
        %mul3A_1921 = arith.muli %scan3A_64, %mul3A_1920 : i32
        %add3A_1922 = arith.constant 2 : i32
        %add3A_1923 = arith.addi %mul3A_1921, %add3A_1922 : i32
        %get3A_1924 = arith.index_cast %add3A_1923 : i32 to index
        %get3A_1925 = arith.constant 160 : index
        %get3A_1926 = tpu.vector_load %arg9[%get3A_1924, %get3A_1925] {strides = array<i32>} : memref<112x192xf32, #tpu.memory_space<vmem>>, vector<1x16xf32>,
        %get3A_1927 = vector.shape_cast %get3A_1926 : vector<1x16xf32> to vector<16xf32>
        %mul3A_1928 = vector.broadcast %squeeze3A_75 : f32 to vector<16xf32>
        %mul3A_1929 = arith.mulf %mul3A_1928, %get3A_1927 : vector<16xf32>
        %add3A_1930 = arith.addf %add3A_1919, %mul3A_1929 : vector<16xf32>
        %mul3A_1931 = arith.constant 16 : i32
        %mul3A_1932 = arith.muli %scan3A_64, %mul3A_1931 : i32
        %add3A_1933 = arith.constant 3 : i32
        %add3A_1934 = arith.addi %mul3A_1932, %add3A_1933 : i32
        %get3A_1935 = arith.index_cast %add3A_1934 : i32 to index
        %get3A_1936 = arith.constant 160 : index
        %get3A_1937 = tpu.vector_load %arg9[%get3A_1935, %get3A_1936] {strides = array<i32>} : memref<112x192xf32, #tpu.memory_space<vmem>>, vector<1x16xf32>,
        %get3A_1938 = vector.shape_cast %get3A_1937 : vector<1x16xf32> to vector<16xf32>
        %mul3A_1939 = vector.broadcast %squeeze3A_77 : f32 to vector<16xf32>
        %mul3A_1940 = arith.mulf %mul3A_1939, %get3A_1938 : vector<16xf32>
        %add3A_1941 = arith.addf %add3A_1930, %mul3A_1940 : vector<16xf32>
        %mul3A_1942 = arith.constant 16 : i32
        %mul3A_1943 = arith.muli %scan3A_64, %mul3A_1942 : i32
        %add3A_1944 = arith.constant 4 : i32
        %add3A_1945 = arith.addi %mul3A_1943, %add3A_1944 : i32
        %get3A_1946 = arith.index_cast %add3A_1945 : i32 to index
        %get3A_1947 = arith.constant 160 : index
        %get3A_1948 = tpu.vector_load %arg9[%get3A_1946, %get3A_1947] {strides = array<i32>} : memref<112x192xf32, #tpu.memory_space<vmem>>, vector<1x16xf32>,
        %get3A_1949 = vector.shape_cast %get3A_1948 : vector<1x16xf32> to vector<16xf32>
        %mul3A_1950 = vector.broadcast %squeeze3A_79 : f32 to vector<16xf32>
        %mul3A_1951 = arith.mulf %mul3A_1950, %get3A_1949 : vector<16xf32>
        %add3A_1952 = arith.addf %add3A_1941, %mul3A_1951 : vector<16xf32>
        %mul3A_1953 = arith.constant 16 : i32
        %mul3A_1954 = arith.muli %scan3A_64, %mul3A_1953 : i32
        %add3A_1955 = arith.constant 5 : i32
        %add3A_1956 = arith.addi %mul3A_1954, %add3A_1955 : i32
        %get3A_1957 = arith.index_cast %add3A_1956 : i32 to index
        %get3A_1958 = arith.constant 160 : index
        %get3A_1959 = tpu.vector_load %arg9[%get3A_1957, %get3A_1958] {strides = array<i32>} : memref<112x192xf32, #tpu.memory_space<vmem>>, vector<1x16xf32>,
        %get3A_1960 = vector.shape_cast %get3A_1959 : vector<1x16xf32> to vector<16xf32>
        %mul3A_1961 = vector.broadcast %squeeze3A_81 : f32 to vector<16xf32>
        %mul3A_1962 = arith.mulf %mul3A_1961, %get3A_1960 : vector<16xf32>
        %add3A_1963 = arith.addf %add3A_1952, %mul3A_1962 : vector<16xf32>
        %mul3A_1964 = arith.constant 16 : i32
        %mul3A_1965 = arith.muli %scan3A_64, %mul3A_1964 : i32
        %add3A_1966 = arith.constant 6 : i32
        %add3A_1967 = arith.addi %mul3A_1965, %add3A_1966 : i32
        %get3A_1968 = arith.index_cast %add3A_1967 : i32 to index
        %get3A_1969 = arith.constant 160 : index
        %get3A_1970 = tpu.vector_load %arg9[%get3A_1968, %get3A_1969] {strides = array<i32>} : memref<112x192xf32, #tpu.memory_space<vmem>>, vector<1x16xf32>,
        %get3A_1971 = vector.shape_cast %get3A_1970 : vector<1x16xf32> to vector<16xf32>
        %mul3A_1972 = vector.broadcast %squeeze3A_83 : f32 to vector<16xf32>
        %mul3A_1973 = arith.mulf %mul3A_1972, %get3A_1971 : vector<16xf32>
        %add3A_1974 = arith.addf %add3A_1963, %mul3A_1973 : vector<16xf32>
        %mul3A_1975 = arith.constant 16 : i32
        %mul3A_1976 = arith.muli %scan3A_64, %mul3A_1975 : i32
        %add3A_1977 = arith.constant 7 : i32
        %add3A_1978 = arith.addi %mul3A_1976, %add3A_1977 : i32
        %get3A_1979 = arith.index_cast %add3A_1978 : i32 to index
        %get3A_1980 = arith.constant 160 : index
        %get3A_1981 = tpu.vector_load %arg9[%get3A_1979, %get3A_1980] {strides = array<i32>} : memref<112x192xf32, #tpu.memory_space<vmem>>, vector<1x16xf32>,
        %get3A_1982 = vector.shape_cast %get3A_1981 : vector<1x16xf32> to vector<16xf32>
        %mul3A_1983 = vector.broadcast %squeeze3A_85 : f32 to vector<16xf32>
        %mul3A_1984 = arith.mulf %mul3A_1983, %get3A_1982 : vector<16xf32>
        %add3A_1985 = arith.addf %add3A_1974, %mul3A_1984 : vector<16xf32>
        %mul3A_1986 = arith.constant 16 : i32
        %mul3A_1987 = arith.muli %scan3A_64, %mul3A_1986 : i32
        %add3A_1988 = arith.constant 8 : i32
        %add3A_1989 = arith.addi %mul3A_1987, %add3A_1988 : i32
        %get3A_1990 = arith.index_cast %add3A_1989 : i32 to index
        %get3A_1991 = arith.constant 160 : index
        %get3A_1992 = tpu.vector_load %arg9[%get3A_1990, %get3A_1991] {strides = array<i32>} : memref<112x192xf32, #tpu.memory_space<vmem>>, vector<1x16xf32>,
        %get3A_1993 = vector.shape_cast %get3A_1992 : vector<1x16xf32> to vector<16xf32>
        %mul3A_1994 = vector.broadcast %squeeze3A_87 : f32 to vector<16xf32>
        %mul3A_1995 = arith.mulf %mul3A_1994, %get3A_1993 : vector<16xf32>
        %add3A_1996 = arith.addf %add3A_1985, %mul3A_1995 : vector<16xf32>
        %mul3A_1997 = arith.constant 16 : i32
        %mul3A_1998 = arith.muli %scan3A_64, %mul3A_1997 : i32
        %add3A_1999 = arith.constant 9 : i32
        %add3A_2000 = arith.addi %mul3A_1998, %add3A_1999 : i32
        %get3A_2001 = arith.index_cast %add3A_2000 : i32 to index
        %get3A_2002 = arith.constant 160 : index
        %get3A_2003 = tpu.vector_load %arg9[%get3A_2001, %get3A_2002] {strides = array<i32>} : memref<112x192xf32, #tpu.memory_space<vmem>>, vector<1x16xf32>,
        %get3A_2004 = vector.shape_cast %get3A_2003 : vector<1x16xf32> to vector<16xf32>
        %mul3A_2005 = vector.broadcast %squeeze3A_89 : f32 to vector<16xf32>
        %mul3A_2006 = arith.mulf %mul3A_2005, %get3A_2004 : vector<16xf32>
        %add3A_2007 = arith.addf %add3A_1996, %mul3A_2006 : vector<16xf32>
        %mul3A_2008 = arith.constant 16 : i32
        %mul3A_2009 = arith.muli %scan3A_64, %mul3A_2008 : i32
        %add3A_2010 = arith.constant 10 : i32
        %add3A_2011 = arith.addi %mul3A_2009, %add3A_2010 : i32
        %get3A_2012 = arith.index_cast %add3A_2011 : i32 to index
        %get3A_2013 = arith.constant 160 : index
        %get3A_2014 = tpu.vector_load %arg9[%get3A_2012, %get3A_2013] {strides = array<i32>} : memref<112x192xf32, #tpu.memory_space<vmem>>, vector<1x16xf32>,
        %get3A_2015 = vector.shape_cast %get3A_2014 : vector<1x16xf32> to vector<16xf32>
        %mul3A_2016 = vector.broadcast %squeeze3A_91 : f32 to vector<16xf32>
        %mul3A_2017 = arith.mulf %mul3A_2016, %get3A_2015 : vector<16xf32>
        %add3A_2018 = arith.addf %add3A_2007, %mul3A_2017 : vector<16xf32>
        %mul3A_2019 = arith.constant 16 : i32
        %mul3A_2020 = arith.muli %scan3A_64, %mul3A_2019 : i32
        %add3A_2021 = arith.constant 11 : i32
        %add3A_2022 = arith.addi %mul3A_2020, %add3A_2021 : i32
        %get3A_2023 = arith.index_cast %add3A_2022 : i32 to index
        %get3A_2024 = arith.constant 160 : index
        %get3A_2025 = tpu.vector_load %arg9[%get3A_2023, %get3A_2024] {strides = array<i32>} : memref<112x192xf32, #tpu.memory_space<vmem>>, vector<1x16xf32>,
        %get3A_2026 = vector.shape_cast %get3A_2025 : vector<1x16xf32> to vector<16xf32>
        %mul3A_2027 = vector.broadcast %squeeze3A_93 : f32 to vector<16xf32>
        %mul3A_2028 = arith.mulf %mul3A_2027, %get3A_2026 : vector<16xf32>
        %add3A_2029 = arith.addf %add3A_2018, %mul3A_2028 : vector<16xf32>
        %mul3A_2030 = arith.constant 16 : i32
        %mul3A_2031 = arith.muli %scan3A_64, %mul3A_2030 : i32
        %add3A_2032 = arith.constant 12 : i32
        %add3A_2033 = arith.addi %mul3A_2031, %add3A_2032 : i32
        %get3A_2034 = arith.index_cast %add3A_2033 : i32 to index
        %get3A_2035 = arith.constant 160 : index
        %get3A_2036 = tpu.vector_load %arg9[%get3A_2034, %get3A_2035] {strides = array<i32>} : memref<112x192xf32, #tpu.memory_space<vmem>>, vector<1x16xf32>,
        %get3A_2037 = vector.shape_cast %get3A_2036 : vector<1x16xf32> to vector<16xf32>
        %mul3A_2038 = vector.broadcast %squeeze3A_95 : f32 to vector<16xf32>
        %mul3A_2039 = arith.mulf %mul3A_2038, %get3A_2037 : vector<16xf32>
        %add3A_2040 = arith.addf %add3A_2029, %mul3A_2039 : vector<16xf32>
        %mul3A_2041 = arith.constant 16 : i32
        %mul3A_2042 = arith.muli %scan3A_64, %mul3A_2041 : i32
        %add3A_2043 = arith.constant 13 : i32
        %add3A_2044 = arith.addi %mul3A_2042, %add3A_2043 : i32
        %get3A_2045 = arith.index_cast %add3A_2044 : i32 to index
        %get3A_2046 = arith.constant 160 : index
        %get3A_2047 = tpu.vector_load %arg9[%get3A_2045, %get3A_2046] {strides = array<i32>} : memref<112x192xf32, #tpu.memory_space<vmem>>, vector<1x16xf32>,
        %get3A_2048 = vector.shape_cast %get3A_2047 : vector<1x16xf32> to vector<16xf32>
        %mul3A_2049 = vector.broadcast %squeeze3A_97 : f32 to vector<16xf32>
        %mul3A_2050 = arith.mulf %mul3A_2049, %get3A_2048 : vector<16xf32>
        %add3A_2051 = arith.addf %add3A_2040, %mul3A_2050 : vector<16xf32>
        %mul3A_2052 = arith.constant 16 : i32
        %mul3A_2053 = arith.muli %scan3A_64, %mul3A_2052 : i32
        %add3A_2054 = arith.constant 14 : i32
        %add3A_2055 = arith.addi %mul3A_2053, %add3A_2054 : i32
        %get3A_2056 = arith.index_cast %add3A_2055 : i32 to index
        %get3A_2057 = arith.constant 160 : index
        %get3A_2058 = tpu.vector_load %arg9[%get3A_2056, %get3A_2057] {strides = array<i32>} : memref<112x192xf32, #tpu.memory_space<vmem>>, vector<1x16xf32>,
        %get3A_2059 = vector.shape_cast %get3A_2058 : vector<1x16xf32> to vector<16xf32>
        %mul3A_2060 = vector.broadcast %squeeze3A_99 : f32 to vector<16xf32>
        %mul3A_2061 = arith.mulf %mul3A_2060, %get3A_2059 : vector<16xf32>
        %add3A_2062 = arith.addf %add3A_2051, %mul3A_2061 : vector<16xf32>
        %mul3A_2063 = arith.constant 16 : i32
        %mul3A_2064 = arith.muli %scan3A_64, %mul3A_2063 : i32
        %add3A_2065 = arith.constant 15 : i32
        %add3A_2066 = arith.addi %mul3A_2064, %add3A_2065 : i32
        %get3A_2067 = arith.index_cast %add3A_2066 : i32 to index
        %get3A_2068 = arith.constant 160 : index
        %get3A_2069 = tpu.vector_load %arg9[%get3A_2067, %get3A_2068] {strides = array<i32>} : memref<112x192xf32, #tpu.memory_space<vmem>>, vector<1x16xf32>,
        %get3A_2070 = vector.shape_cast %get3A_2069 : vector<1x16xf32> to vector<16xf32>
        %mul3A_2071 = vector.broadcast %squeeze3A_101 : f32 to vector<16xf32>
        %mul3A_2072 = arith.mulf %mul3A_2071, %get3A_2070 : vector<16xf32>
        %add3A_2073 = arith.addf %add3A_2062, %mul3A_2072 : vector<16xf32>
        %rem3A_2074 = arith.constant 49 : i32
        %rem3A_2075 = arith.remsi %add3A_67, %rem3A_2074 : i32
        %swap3A_2076 = arith.index_cast %rem3A_2075 : i32 to index
        %swap3A_2077 = arith.constant 160 : index
        %swap3A_2078 = tpu.vector_load %arg10[%swap3A_2076, %swap3A_2077] {strides = array<i32>} : memref<49x192xf32, #tpu.memory_space<vmem>>, vector<1x16xf32>,
        %swap3A_2079 = vector.shape_cast %swap3A_2078 : vector<1x16xf32> to vector<16xf32>
        %swap3A_2080 = vector.shape_cast %add3A_2073 : vector<16xf32> to vector<1x16xf32>
        tpu.vector_store %arg10[%swap3A_2076, %swap3A_2077], %swap3A_2080 {strides = array<i32>} : memref<49x192xf32, #tpu.memory_space<vmem>>, vector<1x16xf32>,
        %mul3A_2081 = arith.constant 16 : i32
        %mul3A_2082 = arith.muli %scan3A_64, %mul3A_2081 : i32
        %get3A_2083 = arith.index_cast %mul3A_2082 : i32 to index
        %get3A_2084 = arith.constant 176 : index
        %get3A_2085 = tpu.vector_load %arg9[%get3A_2083, %get3A_2084] {strides = array<i32>} : memref<112x192xf32, #tpu.memory_space<vmem>>, vector<1x16xf32>,
        %get3A_2086 = vector.shape_cast %get3A_2085 : vector<1x16xf32> to vector<16xf32>
        %mul3A_2087 = vector.broadcast %squeeze3A : f32 to vector<16xf32>
        %mul3A_2088 = arith.mulf %mul3A_2087, %get3A_2086 : vector<16xf32>
        %mul3A_2089 = arith.constant 16 : i32
        %mul3A_2090 = arith.muli %scan3A_64, %mul3A_2089 : i32
        %add3A_2091 = arith.constant 1 : i32
        %add3A_2092 = arith.addi %mul3A_2090, %add3A_2091 : i32
        %get3A_2093 = arith.index_cast %add3A_2092 : i32 to index
        %get3A_2094 = arith.constant 176 : index
        %get3A_2095 = tpu.vector_load %arg9[%get3A_2093, %get3A_2094] {strides = array<i32>} : memref<112x192xf32, #tpu.memory_space<vmem>>, vector<1x16xf32>,
        %get3A_2096 = vector.shape_cast %get3A_2095 : vector<1x16xf32> to vector<16xf32>
        %mul3A_2097 = vector.broadcast %squeeze3A_73 : f32 to vector<16xf32>
        %mul3A_2098 = arith.mulf %mul3A_2097, %get3A_2096 : vector<16xf32>
        %add3A_2099 = arith.addf %mul3A_2088, %mul3A_2098 : vector<16xf32>
        %mul3A_2100 = arith.constant 16 : i32
        %mul3A_2101 = arith.muli %scan3A_64, %mul3A_2100 : i32
        %add3A_2102 = arith.constant 2 : i32
        %add3A_2103 = arith.addi %mul3A_2101, %add3A_2102 : i32
        %get3A_2104 = arith.index_cast %add3A_2103 : i32 to index
        %get3A_2105 = arith.constant 176 : index
        %get3A_2106 = tpu.vector_load %arg9[%get3A_2104, %get3A_2105] {strides = array<i32>} : memref<112x192xf32, #tpu.memory_space<vmem>>, vector<1x16xf32>,
        %get3A_2107 = vector.shape_cast %get3A_2106 : vector<1x16xf32> to vector<16xf32>
        %mul3A_2108 = vector.broadcast %squeeze3A_75 : f32 to vector<16xf32>
        %mul3A_2109 = arith.mulf %mul3A_2108, %get3A_2107 : vector<16xf32>
        %add3A_2110 = arith.addf %add3A_2099, %mul3A_2109 : vector<16xf32>
        %mul3A_2111 = arith.constant 16 : i32
        %mul3A_2112 = arith.muli %scan3A_64, %mul3A_2111 : i32
        %add3A_2113 = arith.constant 3 : i32
        %add3A_2114 = arith.addi %mul3A_2112, %add3A_2113 : i32
        %get3A_2115 = arith.index_cast %add3A_2114 : i32 to index
        %get3A_2116 = arith.constant 176 : index
        %get3A_2117 = tpu.vector_load %arg9[%get3A_2115, %get3A_2116] {strides = array<i32>} : memref<112x192xf32, #tpu.memory_space<vmem>>, vector<1x16xf32>,
        %get3A_2118 = vector.shape_cast %get3A_2117 : vector<1x16xf32> to vector<16xf32>
        %mul3A_2119 = vector.broadcast %squeeze3A_77 : f32 to vector<16xf32>
        %mul3A_2120 = arith.mulf %mul3A_2119, %get3A_2118 : vector<16xf32>
        %add3A_2121 = arith.addf %add3A_2110, %mul3A_2120 : vector<16xf32>
        %mul3A_2122 = arith.constant 16 : i32
        %mul3A_2123 = arith.muli %scan3A_64, %mul3A_2122 : i32
        %add3A_2124 = arith.constant 4 : i32
        %add3A_2125 = arith.addi %mul3A_2123, %add3A_2124 : i32
        %get3A_2126 = arith.index_cast %add3A_2125 : i32 to index
        %get3A_2127 = arith.constant 176 : index
        %get3A_2128 = tpu.vector_load %arg9[%get3A_2126, %get3A_2127] {strides = array<i32>} : memref<112x192xf32, #tpu.memory_space<vmem>>, vector<1x16xf32>,
        %get3A_2129 = vector.shape_cast %get3A_2128 : vector<1x16xf32> to vector<16xf32>
        %mul3A_2130 = vector.broadcast %squeeze3A_79 : f32 to vector<16xf32>
        %mul3A_2131 = arith.mulf %mul3A_2130, %get3A_2129 : vector<16xf32>
        %add3A_2132 = arith.addf %add3A_2121, %mul3A_2131 : vector<16xf32>
        %mul3A_2133 = arith.constant 16 : i32
        %mul3A_2134 = arith.muli %scan3A_64, %mul3A_2133 : i32
        %add3A_2135 = arith.constant 5 : i32
        %add3A_2136 = arith.addi %mul3A_2134, %add3A_2135 : i32
        %get3A_2137 = arith.index_cast %add3A_2136 : i32 to index
        %get3A_2138 = arith.constant 176 : index
        %get3A_2139 = tpu.vector_load %arg9[%get3A_2137, %get3A_2138] {strides = array<i32>} : memref<112x192xf32, #tpu.memory_space<vmem>>, vector<1x16xf32>,
        %get3A_2140 = vector.shape_cast %get3A_2139 : vector<1x16xf32> to vector<16xf32>
        %mul3A_2141 = vector.broadcast %squeeze3A_81 : f32 to vector<16xf32>
        %mul3A_2142 = arith.mulf %mul3A_2141, %get3A_2140 : vector<16xf32>
        %add3A_2143 = arith.addf %add3A_2132, %mul3A_2142 : vector<16xf32>
        %mul3A_2144 = arith.constant 16 : i32
        %mul3A_2145 = arith.muli %scan3A_64, %mul3A_2144 : i32
        %add3A_2146 = arith.constant 6 : i32
        %add3A_2147 = arith.addi %mul3A_2145, %add3A_2146 : i32
        %get3A_2148 = arith.index_cast %add3A_2147 : i32 to index
        %get3A_2149 = arith.constant 176 : index
        %get3A_2150 = tpu.vector_load %arg9[%get3A_2148, %get3A_2149] {strides = array<i32>} : memref<112x192xf32, #tpu.memory_space<vmem>>, vector<1x16xf32>,
        %get3A_2151 = vector.shape_cast %get3A_2150 : vector<1x16xf32> to vector<16xf32>
        %mul3A_2152 = vector.broadcast %squeeze3A_83 : f32 to vector<16xf32>
        %mul3A_2153 = arith.mulf %mul3A_2152, %get3A_2151 : vector<16xf32>
        %add3A_2154 = arith.addf %add3A_2143, %mul3A_2153 : vector<16xf32>
        %mul3A_2155 = arith.constant 16 : i32
        %mul3A_2156 = arith.muli %scan3A_64, %mul3A_2155 : i32
        %add3A_2157 = arith.constant 7 : i32
        %add3A_2158 = arith.addi %mul3A_2156, %add3A_2157 : i32
        %get3A_2159 = arith.index_cast %add3A_2158 : i32 to index
        %get3A_2160 = arith.constant 176 : index
        %get3A_2161 = tpu.vector_load %arg9[%get3A_2159, %get3A_2160] {strides = array<i32>} : memref<112x192xf32, #tpu.memory_space<vmem>>, vector<1x16xf32>,
        %get3A_2162 = vector.shape_cast %get3A_2161 : vector<1x16xf32> to vector<16xf32>
        %mul3A_2163 = vector.broadcast %squeeze3A_85 : f32 to vector<16xf32>
        %mul3A_2164 = arith.mulf %mul3A_2163, %get3A_2162 : vector<16xf32>
        %add3A_2165 = arith.addf %add3A_2154, %mul3A_2164 : vector<16xf32>
        %mul3A_2166 = arith.constant 16 : i32
        %mul3A_2167 = arith.muli %scan3A_64, %mul3A_2166 : i32
        %add3A_2168 = arith.constant 8 : i32
        %add3A_2169 = arith.addi %mul3A_2167, %add3A_2168 : i32
        %get3A_2170 = arith.index_cast %add3A_2169 : i32 to index
        %get3A_2171 = arith.constant 176 : index
        %get3A_2172 = tpu.vector_load %arg9[%get3A_2170, %get3A_2171] {strides = array<i32>} : memref<112x192xf32, #tpu.memory_space<vmem>>, vector<1x16xf32>,
        %get3A_2173 = vector.shape_cast %get3A_2172 : vector<1x16xf32> to vector<16xf32>
        %mul3A_2174 = vector.broadcast %squeeze3A_87 : f32 to vector<16xf32>
        %mul3A_2175 = arith.mulf %mul3A_2174, %get3A_2173 : vector<16xf32>
        %add3A_2176 = arith.addf %add3A_2165, %mul3A_2175 : vector<16xf32>
        %mul3A_2177 = arith.constant 16 : i32
        %mul3A_2178 = arith.muli %scan3A_64, %mul3A_2177 : i32
        %add3A_2179 = arith.constant 9 : i32
        %add3A_2180 = arith.addi %mul3A_2178, %add3A_2179 : i32
        %get3A_2181 = arith.index_cast %add3A_2180 : i32 to index
        %get3A_2182 = arith.constant 176 : index
        %get3A_2183 = tpu.vector_load %arg9[%get3A_2181, %get3A_2182] {strides = array<i32>} : memref<112x192xf32, #tpu.memory_space<vmem>>, vector<1x16xf32>,
        %get3A_2184 = vector.shape_cast %get3A_2183 : vector<1x16xf32> to vector<16xf32>
        %mul3A_2185 = vector.broadcast %squeeze3A_89 : f32 to vector<16xf32>
        %mul3A_2186 = arith.mulf %mul3A_2185, %get3A_2184 : vector<16xf32>
        %add3A_2187 = arith.addf %add3A_2176, %mul3A_2186 : vector<16xf32>
        %mul3A_2188 = arith.constant 16 : i32
        %mul3A_2189 = arith.muli %scan3A_64, %mul3A_2188 : i32
        %add3A_2190 = arith.constant 10 : i32
        %add3A_2191 = arith.addi %mul3A_2189, %add3A_2190 : i32
        %get3A_2192 = arith.index_cast %add3A_2191 : i32 to index
        %get3A_2193 = arith.constant 176 : index
        %get3A_2194 = tpu.vector_load %arg9[%get3A_2192, %get3A_2193] {strides = array<i32>} : memref<112x192xf32, #tpu.memory_space<vmem>>, vector<1x16xf32>,
        %get3A_2195 = vector.shape_cast %get3A_2194 : vector<1x16xf32> to vector<16xf32>
        %mul3A_2196 = vector.broadcast %squeeze3A_91 : f32 to vector<16xf32>
        %mul3A_2197 = arith.mulf %mul3A_2196, %get3A_2195 : vector<16xf32>
        %add3A_2198 = arith.addf %add3A_2187, %mul3A_2197 : vector<16xf32>
        %mul3A_2199 = arith.constant 16 : i32
        %mul3A_2200 = arith.muli %scan3A_64, %mul3A_2199 : i32
        %add3A_2201 = arith.constant 11 : i32
        %add3A_2202 = arith.addi %mul3A_2200, %add3A_2201 : i32
        %get3A_2203 = arith.index_cast %add3A_2202 : i32 to index
        %get3A_2204 = arith.constant 176 : index
        %get3A_2205 = tpu.vector_load %arg9[%get3A_2203, %get3A_2204] {strides = array<i32>} : memref<112x192xf32, #tpu.memory_space<vmem>>, vector<1x16xf32>,
        %get3A_2206 = vector.shape_cast %get3A_2205 : vector<1x16xf32> to vector<16xf32>
        %mul3A_2207 = vector.broadcast %squeeze3A_93 : f32 to vector<16xf32>
        %mul3A_2208 = arith.mulf %mul3A_2207, %get3A_2206 : vector<16xf32>
        %add3A_2209 = arith.addf %add3A_2198, %mul3A_2208 : vector<16xf32>
        %mul3A_2210 = arith.constant 16 : i32
        %mul3A_2211 = arith.muli %scan3A_64, %mul3A_2210 : i32
        %add3A_2212 = arith.constant 12 : i32
        %add3A_2213 = arith.addi %mul3A_2211, %add3A_2212 : i32
        %get3A_2214 = arith.index_cast %add3A_2213 : i32 to index
        %get3A_2215 = arith.constant 176 : index
        %get3A_2216 = tpu.vector_load %arg9[%get3A_2214, %get3A_2215] {strides = array<i32>} : memref<112x192xf32, #tpu.memory_space<vmem>>, vector<1x16xf32>,
        %get3A_2217 = vector.shape_cast %get3A_2216 : vector<1x16xf32> to vector<16xf32>
        %mul3A_2218 = vector.broadcast %squeeze3A_95 : f32 to vector<16xf32>
        %mul3A_2219 = arith.mulf %mul3A_2218, %get3A_2217 : vector<16xf32>
        %add3A_2220 = arith.addf %add3A_2209, %mul3A_2219 : vector<16xf32>
        %mul3A_2221 = arith.constant 16 : i32
        %mul3A_2222 = arith.muli %scan3A_64, %mul3A_2221 : i32
        %add3A_2223 = arith.constant 13 : i32
        %add3A_2224 = arith.addi %mul3A_2222, %add3A_2223 : i32
        %get3A_2225 = arith.index_cast %add3A_2224 : i32 to index
        %get3A_2226 = arith.constant 176 : index
        %get3A_2227 = tpu.vector_load %arg9[%get3A_2225, %get3A_2226] {strides = array<i32>} : memref<112x192xf32, #tpu.memory_space<vmem>>, vector<1x16xf32>,
        %get3A_2228 = vector.shape_cast %get3A_2227 : vector<1x16xf32> to vector<16xf32>
        %mul3A_2229 = vector.broadcast %squeeze3A_97 : f32 to vector<16xf32>
        %mul3A_2230 = arith.mulf %mul3A_2229, %get3A_2228 : vector<16xf32>
        %add3A_2231 = arith.addf %add3A_2220, %mul3A_2230 : vector<16xf32>
        %mul3A_2232 = arith.constant 16 : i32
        %mul3A_2233 = arith.muli %scan3A_64, %mul3A_2232 : i32
        %add3A_2234 = arith.constant 14 : i32
        %add3A_2235 = arith.addi %mul3A_2233, %add3A_2234 : i32
        %get3A_2236 = arith.index_cast %add3A_2235 : i32 to index
        %get3A_2237 = arith.constant 176 : index
        %get3A_2238 = tpu.vector_load %arg9[%get3A_2236, %get3A_2237] {strides = array<i32>} : memref<112x192xf32, #tpu.memory_space<vmem>>, vector<1x16xf32>,
        %get3A_2239 = vector.shape_cast %get3A_2238 : vector<1x16xf32> to vector<16xf32>
        %mul3A_2240 = vector.broadcast %squeeze3A_99 : f32 to vector<16xf32>
        %mul3A_2241 = arith.mulf %mul3A_2240, %get3A_2239 : vector<16xf32>
        %add3A_2242 = arith.addf %add3A_2231, %mul3A_2241 : vector<16xf32>
        %mul3A_2243 = arith.constant 16 : i32
        %mul3A_2244 = arith.muli %scan3A_64, %mul3A_2243 : i32
        %add3A_2245 = arith.constant 15 : i32
        %add3A_2246 = arith.addi %mul3A_2244, %add3A_2245 : i32
        %get3A_2247 = arith.index_cast %add3A_2246 : i32 to index
        %get3A_2248 = arith.constant 176 : index
        %get3A_2249 = tpu.vector_load %arg9[%get3A_2247, %get3A_2248] {strides = array<i32>} : memref<112x192xf32, #tpu.memory_space<vmem>>, vector<1x16xf32>,
        %get3A_2250 = vector.shape_cast %get3A_2249 : vector<1x16xf32> to vector<16xf32>
        %mul3A_2251 = vector.broadcast %squeeze3A_101 : f32 to vector<16xf32>
        %mul3A_2252 = arith.mulf %mul3A_2251, %get3A_2250 : vector<16xf32>
        %add3A_2253 = arith.addf %add3A_2242, %mul3A_2252 : vector<16xf32>
        %rem3A_2254 = arith.constant 49 : i32
        %rem3A_2255 = arith.remsi %add3A_67, %rem3A_2254 : i32
        %swap3A_2256 = arith.index_cast %rem3A_2255 : i32 to index
        %swap3A_2257 = arith.constant 176 : index
        %swap3A_2258 = tpu.vector_load %arg10[%swap3A_2256, %swap3A_2257] {strides = array<i32>} : memref<49x192xf32, #tpu.memory_space<vmem>>, vector<1x16xf32>,
        %swap3A_2259 = vector.shape_cast %swap3A_2258 : vector<1x16xf32> to vector<16xf32>
        %swap3A_2260 = vector.shape_cast %add3A_2253 : vector<16xf32> to vector<1x16xf32>
        tpu.vector_store %arg10[%swap3A_2256, %swap3A_2257], %swap3A_2260 {strides = array<i32>} : memref<49x192xf32, #tpu.memory_space<vmem>>, vector<1x16xf32>,
      }
      %scan3A_56 = arith.constant 7 : i32
      %rem3A_57 = arith.constant 7 : i32
      %rem3A_58 = arith.remsi %add3A_50, %rem3A_57 : i32
      %eq3A_59 = arith.constant 6 : i32
      %eq3A_60 = arith.cmpi eq, %rem3A_58, %eq3A_59 : i32
      %convert_element_type3A_61 = arith.extui %eq3A_60 : i1 to i32
      %cond3A_62 = arith.constant 0 : i32
      %cond3A_63 = arith.cmpi ne, %convert_element_type3A_61, %cond3A_62 : i32
      scf.if %cond3A_63 {
        %mul3A_64 = arith.constant 16 : i32
        %mul3A_65 = arith.muli %add3A, %mul3A_64 : i32
        %div3A = arith.constant 7 : i32
        %div3A_66 = arith.divsi %add3A_50, %div3A : i32
        %add3A_67 = arith.addi %mul3A_65, %div3A_66 : i32
        "tpu.region"() ({
          %run_scoped3A = tpu.sem_alloc : memref<!tpu.dma_semaphore, #tpu.memory_space<semaphore_mem>>
          %dma_start3A_68 = arith.constant 0 : i32
          %dma_start3A_69 = arith.constant 0 : i32
          %dma_start3A_70 = tpu.memref_slice %arg5[%add3A_67, %dma_start3A_68, %dma_start3A_69] : memref<512x49x192xf32, #tpu.memory_space<hbm>> -> memref<1x49x192xf32, #tpu.memory_space<hbm>>
          %dma_start3A_71 = tpu.memref_squeeze %dma_start3A_70 : memref<1x49x192xf32, #tpu.memory_space<hbm>> -> memref<49x192xf32, #tpu.memory_space<hbm>>
          %dma_start3A_72 = arith.constant 0 : i32
          %dma_start3A_73 = arith.constant 0 : i32
          %dma_start3A_74 = tpu.memref_slice %arg5[%add3A_67, %dma_start3A_72, %dma_start3A_73] : memref<512x49x192xf32, #tpu.memory_space<hbm>> -> memref<1x49x192xf32, #tpu.memory_space<hbm>>
          %dma_start3A_75 = tpu.memref_squeeze %dma_start3A_74 : memref<1x49x192xf32, #tpu.memory_space<hbm>> -> memref<49x192xf32, #tpu.memory_space<hbm>>
          tpu.enqueue_dma source(%arg10 : memref<49x192xf32, #tpu.memory_space<vmem>>) target(%dma_start3A_75 : memref<49x192xf32, #tpu.memory_space<hbm>>) target_semaphore(%run_scoped3A : memref<!tpu.dma_semaphore, #tpu.memory_space<semaphore_mem>>)
          %dma_wait3A_76 = arith.constant 0 : i32
          %dma_wait3A_77 = arith.constant 0 : i32
          %dma_wait3A_78 = tpu.memref_slice %arg5[%add3A_67, %dma_wait3A_76, %dma_wait3A_77] : memref<512x49x192xf32, #tpu.memory_space<hbm>> -> memref<1x49x192xf32, #tpu.memory_space<hbm>>
          %dma_wait3A_79 = tpu.memref_squeeze %dma_wait3A_78 : memref<1x49x192xf32, #tpu.memory_space<hbm>> -> memref<49x192xf32, #tpu.memory_space<hbm>>
          %dma_wait3A_80 = arith.constant 0 : i32
          %dma_wait3A_81 = arith.constant 0 : i32
          %dma_wait3A_82 = tpu.memref_slice %arg5[%add3A_67, %dma_wait3A_80, %dma_wait3A_81] : memref<512x49x192xf32, #tpu.memory_space<hbm>> -> memref<1x49x192xf32, #tpu.memory_space<hbm>>
          %dma_wait3A_83 = tpu.memref_squeeze %dma_wait3A_82 : memref<1x49x192xf32, #tpu.memory_space<hbm>> -> memref<49x192xf32, #tpu.memory_space<hbm>>
          tpu.wait_dma2 semaphore(%run_scoped3A : memref<!tpu.dma_semaphore, #tpu.memory_space<semaphore_mem>>) src(%arg10 : memref<49x192xf32, #tpu.memory_space<vmem>>) dst(%dma_wait3A_83 : memref<49x192xf32, #tpu.memory_space<hbm>>)
          tpu.yield
        }) : () -> ()
      } else {
      }
    }
    %scan3A_11 = arith.constant 56 : i32
    return
  }
}

</mosaic_0001>

<sc_bundles>
// kernel: kernel.3.cloned.1.call-start
scs
__scs_entry_jumppad:
0x0: {  	(pc) =	sbr.rel $0x88, $3  }
0x1: {  	(tag) =	ssettag $0x0;
	lr =	simm.s32 $0x1  }
0x2: {  	[smem:$0x3F9B] =	sst lr;
	_ =	strace $0xD0000000  }
0x3: {  	_ = 	snop  }
0x4: {  	_ = 	snop  }
0x5: {  	_ = 	snop  }
0x6: {  	_ = 	snop  }
0x7: {  	_ = 	snop  }
__scs_overlays_trampoline_lowered:
0x8: {  	[smem:$0x3FAA] =	sst s0  }
0x9: {  	[smem:$0x3FAB] =	sst s1  }
0xa: {  	[smem:$0x3FAC] =	sst s2  }
0xb: {  	[smem:$0x3FAD] =	sst s3  }
0xc: {  	[smem:$0x3FAE] =	sst s4  }
0xd: {  	[smem:$0x3FAF] =	sst s5  }
0xe: {  	[smem:$0x3FB0] =	sst s6  }
0xf: {  	[smem:$0x3FB1] =	sst s7  }
0x10: {  	[smem:$0x3FB2] =	sst s8  }
0x11: {  	[smem:$0x3FB3] =	sst s9;
	s0 =	simm.s32 @!p0 $0x0  }
0x12: {  	s1 =	sld [smem:$0x3F99];
	s0 =	simm.s32 @p0 $0x1  }
0x13: {  	[smem:$0x3FB4] =	sst s0;
	s0 =	simm.s32 @!p1 $0x0  }
0x14: {  	s2 =	sld [smem:$0x3F98];
	s0 =	simm.s32 @p1 $0x1  }
0x15: {  	[smem:$0x3FB5] =	sst s0;
	s0 =	simm.s32 @!p2 $0x0  }
0x16: {  	s3 =	sld [smem:$0x3FDB];
	s0 =	simm.s32 @p2 $0x1  }
0x17: {  	s4 =	simm.s32 $0x1BF5;
	[smem:$0x3FB7] =	sst s0  }
0x18: {  	s0 =	sld [smem:$0x3F9A];
	_ =	swait.ge [sflag:s4], $0x0  }
0x19: {  	s7 =	sld [smem:$0x3F9B]  }
0x1a: {  	s8 =	sadd.s32 $0xFFFFE003, lr  }
0x1b: {  	s9 =	sadd.s32 $0xFFFFFEF7, lr;
	s5 =	simm.s32 $0xFFFFFFFF;
	p2 =	slt.u32 s8, $0xFFFFF086  }
0x1c: {  	p1 =	slt.u32 s9, $0xF7A;
	s5 =	simm.s32 @!p2 $0x0  }
0x1d: {  	s5 =	simm.s32 @p1 $0x1;
	p0 =	seq.s32 s7, s2  }
0x1e: {  	s7 =	smul.u32 @!p0 $0xF7A, s2;
	p2 =	seq.s32 @!p0 s5, $0x0  }
0x1f: {  	s9 =	smul.u32 $0xF7A, s1;
	s8 =	simm.s32 @!p0 $0x1BF5;
	p2 =	por !p2, p0  }
0x20: {  	[sflag:s8] =	ssyncset.s32 @!p0 $0xFFFFF086;
	s6 =	sadd.s32 @!p0 s3, s7;
	s7 =	simm.s32 @!p0 $0x108  }
0x21: {  	s3 =	sadd.s32 s3, s9;
	s6 =	sadd.s32 @!p0 $0x88, s6;
	s7 =	simm.s32 @p2 $0x1082  }
0x22: {  	[simem:s7], [sflag:s8] =	dma.local @!p0 [hbm:s6], $0xF7A  }
0x23: {  	s9 =	sor.u32 $0xD0000000, s2;
	s6 =	simm.s32 $0x108;
	_ =	swait.ge @!p0 [sflag:s8], $0x0  }
0x24: {  	s3 =	sadd.s32 $0x88, s3;
	s6 =	simm.s32 @!p1 $0x1082;
	[sflag:s4] =	ssyncset.s32 $0xFFFFF086  }
0x25: {  	[simem:s6], [sflag:s4] =	dma.local [hbm:s3], $0xF7A  }
0x26: {  	[smem:$0x3F9B] =	sst s1;
	(tag) =	ssettag s2;
	_ =	strace s9  }
0x27: {  	s1 =	sld [smem:$0x3FAB]  }
0x28: {  	s2 =	sld [smem:$0x3FAC]  }
0x29: {  	s4 =	sld [smem:$0x3FAE]  }
0x2a: {  	p0 =	seq.s32 s5, $0x0;
	s5 =	sld [smem:$0x3FAF]  }
0x2b: {  	s6 =	sld [smem:$0x3FB0]  }
0x2c: {  	s7 =	sld [smem:$0x3FB1]  }
0x2d: {  	s3 =	simm.s32 $0x108;
	s8 =	sld [smem:$0x3FB2]  }
0x2e: {  	s3 =	simm.s32 @!p0 $0x1082;
	s9 =	sld [smem:$0x3FB3]  }
0x2f: {  	lr =	sadd.s32 s0, s3;
	s0 =	sld [smem:$0x3FAA]  }
0x30: {  	s3 =	sld [smem:$0x3FAD]  }
0x31: {  	[smem:$0x3FB6] =	sst s10  }
0x32: {  	s10 =	sld [smem:$0x3FB4];
	_ =	sdelay $0x3  }
0x33: {  	p0 =	seq.s32 s10, $0x1;
	s10 =	sld [smem:$0x3FB6];
	_ =	sdelay $0x3  }
0x34: {  	[smem:$0x3FB6] =	sst s10  }
0x35: {  	s10 =	sld [smem:$0x3FB5];
	_ =	sdelay $0x3  }
0x36: {  	p1 =	seq.s32 s10, $0x1;
	s10 =	sld [smem:$0x3FB6];
	_ =	sdelay $0x3  }
0x37: {  	[smem:$0x3FB6] =	sst s10  }
0x38: {  	s10 =	sld [smem:$0x3FB7]  }
0x39: {  	_ = 	snop;
	(pc) =	sbr.ind lr, $3  }
0x3a: {  	_ = 	snop  }
0x3b: {  	_ = 	snop  }
0x3c: {  	p2 =	seq.s32 s10, $0x1;
	s10 =	sld [smem:$0x3FB6]  }
0x3d: {  	_ =	shalt  }
0x3e: {  	_ =	shalt  }
0x3f: {  	_ =	shalt  }
0x40: {  	_ =	shalt  }
0x41: {  	_ =	shalt  }
0x42: {  	_ =	shalt  }
0x43: {  	_ =	shalt  }
0x44: {  	_ =	shalt  }
0x45: {  	_ =	shalt  }
0x46: {  	_ =	shalt  }
0x47: {  	_ =	shalt  }
0x48: {  	_ =	shalt  }
0x49: {  	_ =	shalt  }
0x4a: {  	_ =	shalt  }
0x4b: {  	_ =	shalt  }
0x4c: {  	_ =	shalt  }
0x4d: {  	_ =	shalt  }
0x4e: {  	_ =	shalt  }
0x4f: {  	_ =	shalt  }
0x50: {  	_ =	shalt  }
0x51: {  	_ =	shalt  }
0x52: {  	_ =	shalt  }
0x53: {  	_ =	shalt  }
0x54: {  	_ =	shalt  }
0x55: {  	_ =	shalt  }
0x56: {  	_ =	shalt  }
0x57: {  	_ =	shalt  }
0x58: {  	_ =	shalt  }
0x59: {  	_ =	shalt  }
0x5a: {  	_ =	shalt  }
0x5b: {  	_ =	shalt  }
0x5c: {  	_ =	shalt  }
0x5d: {  	_ =	shalt  }
0x5e: {  	_ =	shalt  }
0x5f: {  	_ =	shalt  }
0x60: {  	_ =	shalt  }
0x61: {  	_ =	shalt  }
0x62: {  	_ =	shalt  }
0x63: {  	_ =	shalt  }
0x64: {  	_ =	shalt  }
0x65: {  	_ =	shalt  }
0x66: {  	_ =	shalt  }
0x67: {  	_ =	shalt  }
0x68: {  	_ =	shalt  }
0x69: {  	_ =	shalt  }
0x6a: {  	_ =	shalt  }
0x6b: {  	_ =	shalt  }
0x6c: {  	_ =	shalt  }
0x6d: {  	_ =	shalt  }
0x6e: {  	_ =	shalt  }
0x6f: {  	_ =	shalt  }
0x70: {  	_ =	shalt  }
0x71: {  	_ =	shalt  }
0x72: {  	_ =	shalt  }
0x73: {  	_ =	shalt  }
0x74: {  	_ =	shalt  }
0x75: {  	_ =	shalt  }
0x76: {  	_ =	shalt  }
0x77: {  	_ =	shalt  }
0x78: {  	_ =	shalt  }
0x79: {  	_ =	shalt  }
0x7a: {  	_ =	shalt  }
0x7b: {  	_ =	shalt  }
0x7c: {  	_ =	shalt  }
0x7d: {  	_ =	shalt  }
0x7e: {  	_ =	shalt  }
0x7f: {  	_ =	shalt  }
0x80: {  	_ =	shalt  }
0x81: {  	_ =	shalt  }
0x82: {  	_ =	shalt  }
0x83: {  	_ =	shalt  }
0x84: {  	_ =	shalt  }
0x85: {  	_ =	shalt  }
0x86: {  	_ =	shalt  }
0x87: {  	_ =	shalt  }
.Lfunc_end0:
.L_simem_size_0:
called_computation_lowered:
.L_overlay_start_0:
0x88: {  	s2 =	sld [smem:$0x3FD9]  }
0x89: {  	s3 =	sld [smem:$0x3FFE];
	_ =	sdelay $0x1  }
0x8a: {  	s1 =	srdreg.scid  }
0x8b: {  	s0 =	sand.u32 $0x1, s1  }
0x8c: {  	s17 =	sshll.u32 s0, $0xA;
	s2 =	sadd.s32 s3, s2  }
0x8d: {  	s2 =	sadd.s32 s2, s17  }
0x8e: {  	[smem:$0x3FC2] =	sst s2  }
0x8f: {  	_ = 	snop  }
0x90: {  	s2 =	sld [smem:$0x3FD0];
	(tm) =	ssettm $0x1  }
0x91: {  	s18 =	sld [smem:$0x3FFB];
	_ =	sdelay $0x3  }
0x92: {  	_ =	strace s18  }
0x93: {  	s3 =	sld [smem:$0x3FFC];
	_ =	sdelay $0x3  }
0x94: {  	_ =	strace s3  }
0x95: {  	s3 =	sld [smem:$0x3FFD];
	_ =	sdelay $0x3  }
0x96: {  	_ =	strace s3  }
0x97: {  	_ =	strace $0x8FFFFFFF  }
0x98: {  	s19 =	sld [smem:$0x3FDB];
	_ =	sdelay $0x1  }
0x99: {  	s4 =	simm.s32 $_scs_section_size  }
0x9a: {  	s5 =	simm.s32 $_size__tile_overlayer_lowered;
	s6 =	simm.s32 $_tile_overlayer_lowered  }
0x9b: {  	s22 =	simm.s32 $0x1BFF;
	s21 =	sshll.u32 s6, $0x1;
	s3 =	sadd.s32 s4, s19  }
0x9c: {  	s7 =	simm.s32 $0x0;
	s20 =	sshll.u32 s5, $0x1;
	s5 =	sadd.s32 s21, s3  }
0x9d: {  	[timem:s7], [sflag:s22] =	dma.local [hbm:s5], s20  }
0x9e: {  	_ =	swait.ge [sflag:s22], s20  }
0x9f: {  	s4 =	ssub.s32 $0x0, s20;
	[sflag:s22] =	ssyncset.done $0x0  }
0xa0: {  	[sflag:s22] =	ssyncadd.s32 s4;
	_ =	sdelay $0x1  }
0xa1: {  	s23 =	simm.s32 $0x1B8B  }
0xa2: {  	_ =	swait.ge [sflag:s23], $0x1  }
0xa3: {  	[sflag:s23] =	ssyncset.done $0x0  }
0xa4: {  	s25 =	simm.s32 $0x1B8E;
	s24 =	sld [smem:$0x3FFE];
	[sflag:s23] =	ssyncadd.s32 $0xFFFFFFFF  }
0xa5: {  	s26 =	simm.s32 $execute0_lowered;
	[smem:$0x3FD2] =	sst s25  }
0xa6: {  	s5 =	sshll.u32 s26, $0x1;
	_ =	strace $0x80000046;
	[dreg:$0x1] =	wrdreg $0xFFFFFFFF  }
0xa7: {  	s28 =	simm.s32 $_size_execute0_lowered;
	s3 =	sadd.s32 s3, s5;
	[dreg:$0x0] =	wrdreg $0x0  }
0xa8: {  	s5 =	sshll.u32 s28, $0x1;
	[dreg:$0x2] =	wrdreg s3  }
0xa9: {  	[dreg:$0x3] =	wrdreg s5  }
0xaa: {  	[dreg:$0x4] =	wrdreg $0xC0  }
0xab: {  	_ =	task [dreg:s7], $0x5FFFF  }
0xac: {  	[dreg:$0x1] =	wrdreg $0xFFFFFFFF  }
0xad: {  	[dreg:$0x0] =	wrdreg $0x60  }
0xae: {  	[dreg:$0x2] =	wrdreg s24  }
0xaf: {  	[dreg:$0x3] =	wrdreg s2  }
0xb0: {  	[dreg:$0x4] =	wrdreg $0x9  }
0xb1: {  	_ =	task.clear_ibuf [dreg:s7], $0x5FFFF;
	_ =	strace $0x90000046  }
0xb2: {  	s29 =	simm.s32 $0x9;
	_ =	strace $0x80000048  }
0xb3: {  	_ =	swait.ge [sflag:s29], $0x1  }
0xb4: {  	[sflag:s29] =	ssyncadd.s32 $0xFFFFFFFF  }
0xb5: {  	_ =	strace $0x90000048  }
0xb6: {  	_ =	sfence  }
0xb7: {  	s30 =	sld [smem:$0x0];
	_ =	sdelay $0x2  }
0xb8: {  	s31 =	sshll.u32 s1, $0xD;
	s1 =	sshrl.u32 s1, $0x2  }
0xb9: {  	s3 =	sand.u32 $0x4000, s31;
	s1 =	sadd.s32 s1, s30  }
0xba: {  	s0 =	sor.u32 s3, s0;
	s1 =	sshll.u32 s1, $0x11  }
0xbb: {  	s0 =	sor.u32 s1, s0  }
0xbc: {  	s0 =	sadd.s32 $0x8F2B, s0  }
0xbd: {  	[sflag:s0] =	ssyncadd.remote.s32 $0x1  }
0xbe: {  	_ =	sfence.sel $0xFFFF  }
0xbf: {  	[dreg:$0x0] =	wrdreg $0xFFFFFFFF;
	(pc) =	sbr.abs _section_cstart, $3  }
0xc0: {  	[dreg:$0x1] =	wrdreg $0xFFFFFFFF  }
0xc1: {  	_ =	task.clear_ibuf [dreg:s7], $0x2FFFF;
	_ =	strace $0x9FFFFFFF  }
0xc2: {  	(tm) =	ssettm $0x7FFFFFFF  }
0xc3: {  	_ =	shalt  }
tec
execute0_lowered:
.L_overlay_start_1:
0x0: {  	(tag) =	ssettag $0x1  }
0x1: {  	s4 =	rddreg [dreg:$0x0];
	s1 =	srdreg.scid  }
0x2: {  	s0 =	stileid.u32;
	s2 =	rddreg [dreg:$0x1];
	s3 =	simm.s32 $0x0  }
0x3: {  	s9 =	simm.s32 $0x3;
	s10 =	simm.s32 $0x3100;
	s11 =	simm.s32 $0x70  }
0x4: {  	s12 =	simm.s32 $0x6200;
	s13 =	simm.s32 $0xB600;
	s14 =	simm.s32 $0x1  }
0x5: {  	s15 =	simm.s32 $0x2;
	s5 =	sand.u32 $0x1, s1;
	s6 =	sshll.u32 s0, $0x1  }
0x6: {  	s16 =	simm.s32 $0x0;
	s1 =	rddreg [dreg:$0x2];
	s7 =	sor.u32 s5, s6  }
0x7: {  	[smem:$0x7FF] =	sst s3;
	s5 =	ssub.s32 $0x2, s5;
	s6 =	smul.u32 $0x620, s7  }
0x8: {  	_ =	strace $0x80000047;
	s8 =	sshrl.u32 s5, $0x1;
	s7 =	sshll.u32 s7, $0x4  }
0x9: {  	s8 =	ssub.s32 s5, s8;
	s6 =	sadd.s32 s6, s4;
	s4 =	sadd.s32 $0x1A800, s4  }
0xa: {  	s8 =	smax.u32 s8, $0x1;
	s5 =	sadd.s32 $0x2000, s6;
	s6 =	sadd.s32 $0xE400, s6  }
.LBB2_1:
0xb: {  	[tilespmem:s3], [sflag:$0x3] =	stream.linear.gather [hbm4b:s5+s3], $0x3100, $0x38;
	[tilespmem:$0x12EC0] =	vst v63  }
0xc: {  	_ =	swait.ge [sflag:s9], $0x3100  }
0xd: {  	[sflag:s9] =	ssyncset.done $0x0  }
0xe: {  	[sflag:s9] =	ssyncadd.s32 $0xFFFFCF00  }
0xf: {  	[tilespmem:s10], [sflag:$0x3] =	stream.linear.gather [hbm4b:s6+s3], $0x3100, $0x38;
	[tilespmem:$0x12EC0] =	vst v63  }
0x10: {  	_ =	swait.ge [sflag:s9], $0x3100  }
0x11: {  	[sflag:s9] =	ssyncset.done $0x0  }
0x12: {  	s17 =	simm.s32 $0x0;
	[sflag:s9] =	ssyncadd.s32 $0xFFFFCF00  }
0x13: {  	[tilespmem:s12], [sflag:$0x1] =	stream.indirect.gather [hbm4b:s4+s11], $0xC0, s3, s11, $0xb8;
	[tilespmem:$0x12EC0] =	vst v63  }
.LBB2_2:
0x14: {  	s18 =	sshllo.u32 s17, $0x1  }
0x15: {  	s19 =	smul.u32 $0x1C0, s18;
	_ =	sdelay $0x1  }
0x16: {  	s19 =	sshra.s32 s19, $0x2  }
0x17: {  	[tilespmem:s13], [sflag:$0x2] =	stream.indirect.gather [hbm4b:s4+s11], $0xC0, s19, s11, $0xb8;
	[tilespmem:$0x12EC0] =	vst v63  }
0x18: {  	_ =	swait.ge [sflag:s14], $0x5400  }
0x19: {  	s20 =	smul.u32 $0xE, s17;
	[sflag:s14] =	ssyncset.done $0x0  }
0x1a: {  	s21 =	simm.s32 $0x0;
	s19 =	sshll.u32 s17, $0x1;
	[sflag:s14] =	ssyncadd.s32 $0xFFFFAC00  }
.LBB2_3:
0x1b: {  	s23 =	sadd.s32 s20, s21  }
0x1c: {  	s22 =	sshll.u32 s23, $0x4  }
0x1d: {  	s24 =	smul.u32 $0x3000, s21;
	s22 =	sand.u32 $0x3FFFFFF0, s22  }
0x1e: {  	v15 =	vld [tilespmem:s22+$0x3100]  }
0x1f: {  	s30 =	sshra.s32 s24, $0x2  }
0x20: {  	v2 =	vld [tilespmem:s30+$0x6200]  }
0x21: {  	v3 =	vld [tilespmem:s30+$0x62C0];
	_ =	sdelay $0x1  }
0x22: {  	v4 =	vld [tilespmem:s30+$0x6380];
	v0 =	vbroadcast v15, $0x0  }
0x23: {  	v1 =	vbroadcast v15, $0x1  }
0x24: {  	v6 =	vld [tilespmem:s30+$0x6440];
	v5 =	vmul.f32 v2, v0  }
0x25: {  	v3 =	vmul.f32 v3, v1;
	v2 =	vbroadcast v15, $0x2  }
0x26: {  	v7 =	vld [tilespmem:s30+$0x6500]  }
0x27: {  	v5 =	vadd.f32 v3, v5;
	v4 =	vmul.f32 v4, v2;
	v3 =	vbroadcast v15, $0x3  }
0x28: {  	v8 =	vld [tilespmem:s30+$0x65C0]  }
0x29: {  	v5 =	vadd.f32 v4, v5;
	v6 =	vmul.f32 v6, v3;
	v4 =	vbroadcast v15, $0x4  }
0x2a: {  	v9 =	vld [tilespmem:s30+$0x6680]  }
0x2b: {  	v6 =	vadd.f32 v6, v5;
	v7 =	vmul.f32 v7, v4;
	v5 =	vbroadcast v15, $0x5  }
0x2c: {  	v10 =	vld [tilespmem:s30+$0x6740]  }
0x2d: {  	v7 =	vadd.f32 v7, v6;
	v8 =	vmul.f32 v8, v5;
	v6 =	vbroadcast v15, $0x6  }
0x2e: {  	v11 =	vld [tilespmem:s30+$0x6800]  }
0x2f: {  	v8 =	vadd.f32 v8, v7;
	v9 =	vmul.f32 v9, v6;
	v7 =	vbroadcast v15, $0x7  }
0x30: {  	v12 =	vld [tilespmem:s30+$0x68C0]  }
0x31: {  	v9 =	vadd.f32 v9, v8;
	v10 =	vmul.f32 v10, v7;
	v8 =	vbroadcast v15, $0x8  }
0x32: {  	v13 =	vld [tilespmem:s30+$0x6980]  }
0x33: {  	v10 =	vadd.f32 v10, v9;
	v11 =	vmul.f32 v11, v8;
	v9 =	vbroadcast v15, $0x9  }
0x34: {  	v14 =	vld [tilespmem:s30+$0x6A40]  }
0x35: {  	v11 =	vadd.f32 v11, v10;
	v12 =	vmul.f32 v12, v9;
	v10 =	vbroadcast v15, $0xA  }
0x36: {  	v16 =	vld [tilespmem:s30+$0x6B00]  }
0x37: {  	v12 =	vadd.f32 v12, v11;
	v13 =	vmul.f32 v13, v10;
	v11 =	vbroadcast v15, $0xB  }
0x38: {  	v17 =	vld [tilespmem:s30+$0x6BC0]  }
0x39: {  	v13 =	vadd.f32 v13, v12;
	v14 =	vmul.f32 v14, v11;
	v12 =	vbroadcast v15, $0xC  }
0x3a: {  	v18 =	vld [tilespmem:s30+$0x6C80]  }
0x3b: {  	v14 =	vadd.f32 v14, v13;
	v16 =	vmul.f32 v16, v12;
	v13 =	vbroadcast v15, $0xD  }
0x3c: {  	s31 =	smulhi.u32 $0x5397829D, s23;
	v19 =	vld [tilespmem:s30+$0x6D40]  }
0x3d: {  	v16 =	vadd.f32 v16, v14;
	v17 =	vmul.f32 v17, v13;
	v14 =	vbroadcast v15, $0xE  }
0x3e: {  	s24 =	sshrl.u32 s31, $0x4  }
0x3f: {  	s24 =	smul.u32 $0x31, s24;
	v15 =	vbroadcast v15, $0xF;
	v16 =	vadd.f32 v17, v16;
	v31 =	vmul.f32 v18, v14;
	_ =	sdelay $0x1  }
0x40: {  	s23 =	ssub.s32 s23, s24;
	v32 =	vmul.f32 v19, v15;
	v16 =	vadd.f32 v31, v16  }
0x41: {  	s23 =	smul.u32 $0x300, s23  }
0x42: {  	v16 =	vadd.f32 v32, v16  }
0x43: {  	s23 =	sshrl.u32 s23, $0x2  }
0x44: {  	[tilespmem:s23+$0x10A00] =	vst v16  }
0x45: {  	v16 =	vld [tilespmem:s30+$0x6210]  }
0x46: {  	v33 =	vld [tilespmem:s30+$0x62D0];
	_ =	sdelay $0x1  }
0x47: {  	v34 =	vld [tilespmem:s30+$0x6390];
	_ =	sdelay $0x1  }
0x48: {  	v35 =	vld [tilespmem:s30+$0x6450]  }
0x49: {  	v16 =	vmul.f32 v16, v0;
	v17 =	vmul.f32 v33, v1  }
0x4a: {  	v20 =	vld [tilespmem:s30+$0x6510]  }
0x4b: {  	v36 =	vmul.f32 v34, v2;
	v16 =	vadd.f32 v17, v16  }
0x4c: {  	v37 =	vld [tilespmem:s30+$0x65D0]  }
0x4d: {  	v38 =	vmul.f32 v35, v3;
	v16 =	vadd.f32 v36, v16  }
0x4e: {  	v39 =	vld [tilespmem:s30+$0x6690]  }
0x4f: {  	v40 =	vmul.f32 v20, v4;
	v16 =	vadd.f32 v38, v16  }
0x50: {  	v41 =	vld [tilespmem:s30+$0x6750]  }
0x51: {  	v42 =	vmul.f32 v37, v5;
	v16 =	vadd.f32 v40, v16  }
0x52: {  	v43 =	vld [tilespmem:s30+$0x6810]  }
0x53: {  	v44 =	vmul.f32 v39, v6;
	v16 =	vadd.f32 v42, v16  }
0x54: {  	v45 =	vld [tilespmem:s30+$0x68D0]  }
0x55: {  	v46 =	vmul.f32 v41, v7;
	v16 =	vadd.f32 v44, v16  }
0x56: {  	v47 =	vld [tilespmem:s30+$0x6990]  }
0x57: {  	v48 =	vmul.f32 v43, v8;
	v16 =	vadd.f32 v46, v16  }
0x58: {  	v49 =	vld [tilespmem:s30+$0x6A50]  }
0x59: {  	v50 =	vmul.f32 v45, v9;
	v16 =	vadd.f32 v48, v16  }
0x5a: {  	v51 =	vld [tilespmem:s30+$0x6B10]  }
0x5b: {  	v52 =	vmul.f32 v47, v10;
	v16 =	vadd.f32 v50, v16  }
0x5c: {  	v53 =	vld [tilespmem:s30+$0x6BD0]  }
0x5d: {  	v54 =	vmul.f32 v49, v11;
	v16 =	vadd.f32 v52, v16  }
0x5e: {  	v55 =	vld [tilespmem:s30+$0x6C90]  }
0x5f: {  	v56 =	vmul.f32 v51, v12;
	v16 =	vadd.f32 v54, v16  }
0x60: {  	v57 =	vld [tilespmem:s30+$0x6D50]  }
0x61: {  	v58 =	vmul.f32 v53, v13;
	v16 =	vadd.f32 v56, v16;
	_ =	sdelay $0x1  }
0x62: {  	v59 =	vmul.f32 v55, v14;
	v16 =	vadd.f32 v58, v16;
	_ =	sdelay $0x1  }
0x63: {  	v60 =	vmul.f32 v57, v15;
	v16 =	vadd.f32 v59, v16;
	_ =	sdelay $0x1  }
0x64: {  	v16 =	vadd.f32 v60, v16;
	_ =	sdelay $0x1  }
0x65: {  	[tilespmem:s23+$0x10A10] =	vst v16  }
0x66: {  	v16 =	vld [tilespmem:s30+$0x6220]  }
0x67: {  	v61 =	vld [tilespmem:s30+$0x62E0];
	_ =	sdelay $0x1  }
0x68: {  	v62 =	vld [tilespmem:s30+$0x63A0];
	_ =	sdelay $0x1  }
0x69: {  	v63 =	vld [tilespmem:s30+$0x6460]  }
0x6a: {  	v16 =	vmul.f32 v16, v0;
	v17 =	vmul.f32 v61, v1  }
0x6b: {  	v24 =	vld [tilespmem:s30+$0x6520]  }
0x6c: {  	v25 =	vmul.f32 v62, v2;
	v16 =	vadd.f32 v17, v16  }
0x6d: {  	v26 =	vld [tilespmem:s30+$0x65E0]  }
0x6e: {  	v27 =	vmul.f32 v63, v3;
	v16 =	vadd.f32 v25, v16  }
0x6f: {  	v28 =	vld [tilespmem:s30+$0x66A0]  }
0x70: {  	v29 =	vmul.f32 v24, v4;
	v16 =	vadd.f32 v27, v16  }
0x71: {  	v30 =	vld [tilespmem:s30+$0x6760]  }
0x72: {  	v31 =	vmul.f32 v26, v5;
	v16 =	vadd.f32 v29, v16  }
0x73: {  	v32 =	vld [tilespmem:s30+$0x6820]  }
0x74: {  	v33 =	vmul.f32 v28, v6;
	v16 =	vadd.f32 v31, v16  }
0x75: {  	v34 =	vld [tilespmem:s30+$0x68E0]  }
0x76: {  	v35 =	vmul.f32 v30, v7;
	v16 =	vadd.f32 v33, v16  }
0x77: {  	v36 =	vld [tilespmem:s30+$0x69A0]  }
0x78: {  	v37 =	vmul.f32 v32, v8;
	v16 =	vadd.f32 v35, v16  }
0x79: {  	v38 =	vld [tilespmem:s30+$0x6A60]  }
0x7a: {  	v39 =	vmul.f32 v34, v9;
	v16 =	vadd.f32 v37, v16  }
0x7b: {  	v40 =	vld [tilespmem:s30+$0x6B20]  }
0x7c: {  	v41 =	vmul.f32 v36, v10;
	v16 =	vadd.f32 v39, v16  }
0x7d: {  	v42 =	vld [tilespmem:s30+$0x6BE0]  }
0x7e: {  	v43 =	vmul.f32 v38, v11;
	v16 =	vadd.f32 v41, v16  }
0x7f: {  	v44 =	vld [tilespmem:s30+$0x6CA0]  }
0x80: {  	v45 =	vmul.f32 v40, v12;
	v16 =	vadd.f32 v43, v16  }
0x81: {  	v46 =	vld [tilespmem:s30+$0x6D60]  }
0x82: {  	v47 =	vmul.f32 v42, v13;
	v16 =	vadd.f32 v45, v16;
	_ =	sdelay $0x1  }
0x83: {  	v48 =	vmul.f32 v44, v14;
	v16 =	vadd.f32 v47, v16;
	_ =	sdelay $0x1  }
0x84: {  	v49 =	vmul.f32 v46, v15;
	v16 =	vadd.f32 v48, v16;
	_ =	sdelay $0x1  }
0x85: {  	v16 =	vadd.f32 v49, v16;
	_ =	sdelay $0x1  }
0x86: {  	[tilespmem:s23+$0x10A20] =	vst v16  }
0x87: {  	v16 =	vld [tilespmem:s30+$0x6230]  }
0x88: {  	v50 =	vld [tilespmem:s30+$0x62F0];
	_ =	sdelay $0x1  }
0x89: {  	v51 =	vld [tilespmem:s30+$0x63B0];
	_ =	sdelay $0x1  }
0x8a: {  	v52 =	vld [tilespmem:s30+$0x6470]  }
0x8b: {  	v16 =	vmul.f32 v16, v0;
	v17 =	vmul.f32 v50, v1  }
0x8c: {  	v53 =	vld [tilespmem:s30+$0x6530]  }
0x8d: {  	v54 =	vmul.f32 v51, v2;
	v16 =	vadd.f32 v17, v16  }
0x8e: {  	v55 =	vld [tilespmem:s30+$0x65F0]  }
0x8f: {  	v56 =	vmul.f32 v52, v3;
	v16 =	vadd.f32 v54, v16  }
0x90: {  	v57 =	vld [tilespmem:s30+$0x66B0]  }
0x91: {  	v58 =	vmul.f32 v53, v4;
	v16 =	vadd.f32 v56, v16  }
0x92: {  	v59 =	vld [tilespmem:s30+$0x6770]  }
0x93: {  	v60 =	vmul.f32 v55, v5;
	v16 =	vadd.f32 v58, v16  }
0x94: {  	v61 =	vld [tilespmem:s30+$0x6830]  }
0x95: {  	v62 =	vmul.f32 v57, v6;
	v16 =	vadd.f32 v60, v16  }
0x96: {  	v63 =	vld [tilespmem:s30+$0x68F0]  }
0x97: {  	v24 =	vmul.f32 v59, v7;
	v16 =	vadd.f32 v62, v16  }
0x98: {  	v25 =	vld [tilespmem:s30+$0x69B0]  }
0x99: {  	v26 =	vmul.f32 v61, v8;
	v16 =	vadd.f32 v24, v16  }
0x9a: {  	v27 =	vld [tilespmem:s30+$0x6A70]  }
0x9b: {  	v28 =	vmul.f32 v63, v9;
	v16 =	vadd.f32 v26, v16  }
0x9c: {  	v29 =	vld [tilespmem:s30+$0x6B30]  }
0x9d: {  	v30 =	vmul.f32 v25, v10;
	v16 =	vadd.f32 v28, v16  }
0x9e: {  	v31 =	vld [tilespmem:s30+$0x6BF0]  }
0x9f: {  	v32 =	vmul.f32 v27, v11;
	v16 =	vadd.f32 v30, v16  }
0xa0: {  	v33 =	vld [tilespmem:s30+$0x6CB0]  }
0xa1: {  	v34 =	vmul.f32 v29, v12;
	v16 =	vadd.f32 v32, v16  }
0xa2: {  	v35 =	vld [tilespmem:s30+$0x6D70]  }
0xa3: {  	v36 =	vmul.f32 v31, v13;
	v16 =	vadd.f32 v34, v16;
	_ =	sdelay $0x1  }
0xa4: {  	v37 =	vmul.f32 v33, v14;
	v16 =	vadd.f32 v36, v16;
	_ =	sdelay $0x1  }
0xa5: {  	v38 =	vmul.f32 v35, v15;
	v16 =	vadd.f32 v37, v16;
	_ =	sdelay $0x1  }
0xa6: {  	v16 =	vadd.f32 v38, v16;
	_ =	sdelay $0x1  }
0xa7: {  	[tilespmem:s23+$0x10A30] =	vst v16  }
0xa8: {  	v16 =	vld [tilespmem:s30+$0x6240]  }
0xa9: {  	v39 =	vld [tilespmem:s30+$0x6300];
	_ =	sdelay $0x1  }
0xaa: {  	v40 =	vld [tilespmem:s30+$0x63C0];
	_ =	sdelay $0x1  }
0xab: {  	v41 =	vld [tilespmem:s30+$0x6480]  }
0xac: {  	v16 =	vmul.f32 v16, v0;
	v17 =	vmul.f32 v39, v1  }
0xad: {  	v42 =	vld [tilespmem:s30+$0x6540]  }
0xae: {  	v43 =	vmul.f32 v40, v2;
	v16 =	vadd.f32 v17, v16  }
0xaf: {  	v44 =	vld [tilespmem:s30+$0x6600]  }
0xb0: {  	v45 =	vmul.f32 v41, v3;
	v16 =	vadd.f32 v43, v16  }
0xb1: {  	v46 =	vld [tilespmem:s30+$0x66C0]  }
0xb2: {  	v47 =	vmul.f32 v42, v4;
	v16 =	vadd.f32 v45, v16  }
0xb3: {  	v48 =	vld [tilespmem:s30+$0x6780]  }
0xb4: {  	v49 =	vmul.f32 v44, v5;
	v16 =	vadd.f32 v47, v16  }
0xb5: {  	v50 =	vld [tilespmem:s30+$0x6840]  }
0xb6: {  	v51 =	vmul.f32 v46, v6;
	v16 =	vadd.f32 v49, v16  }
0xb7: {  	v52 =	vld [tilespmem:s30+$0x6900]  }
0xb8: {  	v53 =	vmul.f32 v48, v7;
	v16 =	vadd.f32 v51, v16  }
0xb9: {  	v54 =	vld [tilespmem:s30+$0x69C0]  }
0xba: {  	v55 =	vmul.f32 v50, v8;
	v16 =	vadd.f32 v53, v16  }
0xbb: {  	v56 =	vld [tilespmem:s30+$0x6A80]  }
0xbc: {  	v57 =	vmul.f32 v52, v9;
	v16 =	vadd.f32 v55, v16  }
0xbd: {  	v58 =	vld [tilespmem:s30+$0x6B40]  }
0xbe: {  	v59 =	vmul.f32 v54, v10;
	v16 =	vadd.f32 v57, v16  }
0xbf: {  	v60 =	vld [tilespmem:s30+$0x6C00]  }
0xc0: {  	v61 =	vmul.f32 v56, v11;
	v16 =	vadd.f32 v59, v16  }
0xc1: {  	v62 =	vld [tilespmem:s30+$0x6CC0]  }
0xc2: {  	v63 =	vmul.f32 v58, v12;
	v16 =	vadd.f32 v61, v16  }
0xc3: {  	v21 =	vld [tilespmem:s30+$0x6D80]  }
0xc4: {  	v22 =	vmul.f32 v60, v13;
	v16 =	vadd.f32 v63, v16;
	_ =	sdelay $0x1  }
0xc5: {  	v23 =	vmul.f32 v62, v14;
	v16 =	vadd.f32 v22, v16;
	_ =	sdelay $0x1  }
0xc6: {  	v24 =	vmul.f32 v21, v15;
	v16 =	vadd.f32 v23, v16;
	_ =	sdelay $0x1  }
0xc7: {  	v16 =	vadd.f32 v24, v16;
	_ =	sdelay $0x1  }
0xc8: {  	[tilespmem:s23+$0x10A40] =	vst v16  }
0xc9: {  	v16 =	vld [tilespmem:s30+$0x6250]  }
0xca: {  	v25 =	vld [tilespmem:s30+$0x6310];
	_ =	sdelay $0x1  }
0xcb: {  	v26 =	vld [tilespmem:s30+$0x63D0];
	_ =	sdelay $0x1  }
0xcc: {  	v27 =	vld [tilespmem:s30+$0x6490]  }
0xcd: {  	v16 =	vmul.f32 v16, v0;
	v17 =	vmul.f32 v25, v1  }
0xce: {  	v28 =	vld [tilespmem:s30+$0x6550]  }
0xcf: {  	v29 =	vmul.f32 v26, v2;
	v16 =	vadd.f32 v17, v16  }
0xd0: {  	v30 =	vld [tilespmem:s30+$0x6610]  }
0xd1: {  	v31 =	vmul.f32 v27, v3;
	v16 =	vadd.f32 v29, v16  }
0xd2: {  	v32 =	vld [tilespmem:s30+$0x66D0]  }
0xd3: {  	v33 =	vmul.f32 v28, v4;
	v16 =	vadd.f32 v31, v16  }
0xd4: {  	v34 =	vld [tilespmem:s30+$0x6790]  }
0xd5: {  	v35 =	vmul.f32 v30, v5;
	v16 =	vadd.f32 v33, v16  }
0xd6: {  	v36 =	vld [tilespmem:s30+$0x6850]  }
0xd7: {  	v37 =	vmul.f32 v32, v6;
	v16 =	vadd.f32 v35, v16  }
0xd8: {  	v38 =	vld [tilespmem:s30+$0x6910]  }
0xd9: {  	v39 =	vmul.f32 v34, v7;
	v16 =	vadd.f32 v37, v16  }
0xda: {  	v40 =	vld [tilespmem:s30+$0x69D0]  }
0xdb: {  	v41 =	vmul.f32 v36, v8;
	v16 =	vadd.f32 v39, v16  }
0xdc: {  	v42 =	vld [tilespmem:s30+$0x6A90]  }
0xdd: {  	v43 =	vmul.f32 v38, v9;
	v16 =	vadd.f32 v41, v16  }
0xde: {  	v44 =	vld [tilespmem:s30+$0x6B50]  }
0xdf: {  	v45 =	vmul.f32 v40, v10;
	v16 =	vadd.f32 v43, v16  }
0xe0: {  	v46 =	vld [tilespmem:s30+$0x6C10]  }
0xe1: {  	v47 =	vmul.f32 v42, v11;
	v16 =	vadd.f32 v45, v16  }
0xe2: {  	v48 =	vld [tilespmem:s30+$0x6CD0]  }
0xe3: {  	v49 =	vmul.f32 v44, v12;
	v16 =	vadd.f32 v47, v16  }
0xe4: {  	v50 =	vld [tilespmem:s30+$0x6D90]  }
0xe5: {  	v51 =	vmul.f32 v46, v13;
	v16 =	vadd.f32 v49, v16;
	_ =	sdelay $0x1  }
0xe6: {  	v52 =	vmul.f32 v48, v14;
	v16 =	vadd.f32 v51, v16;
	_ =	sdelay $0x1  }
0xe7: {  	v53 =	vmul.f32 v50, v15;
	v16 =	vadd.f32 v52, v16;
	_ =	sdelay $0x1  }
0xe8: {  	v16 =	vadd.f32 v53, v16;
	_ =	sdelay $0x1  }
0xe9: {  	[tilespmem:s23+$0x10A50] =	vst v16  }
0xea: {  	v16 =	vld [tilespmem:s30+$0x6260]  }
0xeb: {  	v54 =	vld [tilespmem:s30+$0x6320];
	_ =	sdelay $0x1  }
0xec: {  	v55 =	vld [tilespmem:s30+$0x63E0];
	_ =	sdelay $0x1  }
0xed: {  	v56 =	vld [tilespmem:s30+$0x64A0]  }
0xee: {  	v16 =	vmul.f32 v16, v0;
	v17 =	vmul.f32 v54, v1  }
0xef: {  	v57 =	vld [tilespmem:s30+$0x6560]  }
0xf0: {  	v58 =	vmul.f32 v55, v2;
	v16 =	vadd.f32 v17, v16  }
0xf1: {  	v59 =	vld [tilespmem:s30+$0x6620]  }
0xf2: {  	v60 =	vmul.f32 v56, v3;
	v16 =	vadd.f32 v58, v16  }
0xf3: {  	v61 =	vld [tilespmem:s30+$0x66E0]  }
0xf4: {  	v62 =	vmul.f32 v57, v4;
	v16 =	vadd.f32 v60, v16  }
0xf5: {  	v63 =	vld [tilespmem:s30+$0x67A0]  }
0xf6: {  	v23 =	vmul.f32 v59, v5;
	v16 =	vadd.f32 v62, v16  }
0xf7: {  	v24 =	vld [tilespmem:s30+$0x6860]  }
0xf8: {  	v25 =	vmul.f32 v61, v6;
	v16 =	vadd.f32 v23, v16  }
0xf9: {  	v26 =	vld [tilespmem:s30+$0x6920]  }
0xfa: {  	v27 =	vmul.f32 v63, v7;
	v16 =	vadd.f32 v25, v16  }
0xfb: {  	v28 =	vld [tilespmem:s30+$0x69E0]  }
0xfc: {  	v29 =	vmul.f32 v24, v8;
	v16 =	vadd.f32 v27, v16  }
0xfd: {  	v30 =	vld [tilespmem:s30+$0x6AA0]  }
0xfe: {  	v31 =	vmul.f32 v26, v9;
	v16 =	vadd.f32 v29, v16  }
0xff: {  	v32 =	vld [tilespmem:s30+$0x6B60]  }
0x100: {  	v33 =	vmul.f32 v28, v10;
	v16 =	vadd.f32 v31, v16  }
0x101: {  	v34 =	vld [tilespmem:s30+$0x6C20]  }
0x102: {  	v35 =	vmul.f32 v30, v11;
	v16 =	vadd.f32 v33, v16  }
0x103: {  	v36 =	vld [tilespmem:s30+$0x6CE0]  }
0x104: {  	v37 =	vmul.f32 v32, v12;
	v16 =	vadd.f32 v35, v16  }
0x105: {  	v38 =	vld [tilespmem:s30+$0x6DA0]  }
0x106: {  	v39 =	vmul.f32 v34, v13;
	v16 =	vadd.f32 v37, v16;
	_ =	sdelay $0x1  }
0x107: {  	v40 =	vmul.f32 v36, v14;
	v16 =	vadd.f32 v39, v16;
	_ =	sdelay $0x1  }
0x108: {  	v41 =	vmul.f32 v38, v15;
	v16 =	vadd.f32 v40, v16;
	_ =	sdelay $0x1  }
0x109: {  	v16 =	vadd.f32 v41, v16;
	_ =	sdelay $0x1  }
0x10a: {  	[tilespmem:s23+$0x10A60] =	vst v16  }
0x10b: {  	v16 =	vld [tilespmem:s30+$0x6270]  }
0x10c: {  	v42 =	vld [tilespmem:s30+$0x6330];
	_ =	sdelay $0x1  }
0x10d: {  	v43 =	vld [tilespmem:s30+$0x63F0];
	_ =	sdelay $0x1  }
0x10e: {  	v44 =	vld [tilespmem:s30+$0x64B0]  }
0x10f: {  	v16 =	vmul.f32 v16, v0;
	v17 =	vmul.f32 v42, v1  }
0x110: {  	v45 =	vld [tilespmem:s30+$0x6570]  }
0x111: {  	v46 =	vmul.f32 v43, v2;
	v16 =	vadd.f32 v17, v16  }
0x112: {  	v47 =	vld [tilespmem:s30+$0x6630]  }
0x113: {  	v48 =	vmul.f32 v44, v3;
	v16 =	vadd.f32 v46, v16  }
0x114: {  	v49 =	vld [tilespmem:s30+$0x66F0]  }
0x115: {  	v50 =	vmul.f32 v45, v4;
	v16 =	vadd.f32 v48, v16  }
0x116: {  	v51 =	vld [tilespmem:s30+$0x67B0]  }
0x117: {  	v52 =	vmul.f32 v47, v5;
	v16 =	vadd.f32 v50, v16  }
0x118: {  	v53 =	vld [tilespmem:s30+$0x6870]  }
0x119: {  	v54 =	vmul.f32 v49, v6;
	v16 =	vadd.f32 v52, v16  }
0x11a: {  	v55 =	vld [tilespmem:s30+$0x6930]  }
0x11b: {  	v56 =	vmul.f32 v51, v7;
	v16 =	vadd.f32 v54, v16  }
0x11c: {  	v57 =	vld [tilespmem:s30+$0x69F0]  }
0x11d: {  	v58 =	vmul.f32 v53, v8;
	v16 =	vadd.f32 v56, v16  }
0x11e: {  	v59 =	vld [tilespmem:s30+$0x6AB0]  }
0x11f: {  	v60 =	vmul.f32 v55, v9;
	v16 =	vadd.f32 v58, v16  }
0x120: {  	v61 =	vld [tilespmem:s30+$0x6B70]  }
0x121: {  	v62 =	vmul.f32 v57, v10;
	v16 =	vadd.f32 v60, v16  }
0x122: {  	v63 =	vld [tilespmem:s30+$0x6C30]  }
0x123: {  	v22 =	vmul.f32 v59, v11;
	v16 =	vadd.f32 v62, v16  }
0x124: {  	v23 =	vld [tilespmem:s30+$0x6CF0]  }
0x125: {  	v24 =	vmul.f32 v61, v12;
	v16 =	vadd.f32 v22, v16  }
0x126: {  	v25 =	vld [tilespmem:s30+$0x6DB0]  }
0x127: {  	v26 =	vmul.f32 v63, v13;
	v16 =	vadd.f32 v24, v16;
	_ =	sdelay $0x1  }
0x128: {  	v27 =	vmul.f32 v23, v14;
	v16 =	vadd.f32 v26, v16;
	_ =	sdelay $0x1  }
0x129: {  	v28 =	vmul.f32 v25, v15;
	v16 =	vadd.f32 v27, v16;
	_ =	sdelay $0x1  }
0x12a: {  	v16 =	vadd.f32 v28, v16;
	_ =	sdelay $0x1  }
0x12b: {  	[tilespmem:s23+$0x10A70] =	vst v16  }
0x12c: {  	v16 =	vld [tilespmem:s30+$0x6280]  }
0x12d: {  	v29 =	vld [tilespmem:s30+$0x6340];
	_ =	sdelay $0x1  }
0x12e: {  	v30 =	vld [tilespmem:s30+$0x6400];
	_ =	sdelay $0x1  }
0x12f: {  	v31 =	vld [tilespmem:s30+$0x64C0]  }
0x130: {  	v16 =	vmul.f32 v16, v0;
	v17 =	vmul.f32 v29, v1  }
0x131: {  	v32 =	vld [tilespmem:s30+$0x6580]  }
0x132: {  	v33 =	vmul.f32 v30, v2;
	v16 =	vadd.f32 v17, v16  }
0x133: {  	v34 =	vld [tilespmem:s30+$0x6640]  }
0x134: {  	v35 =	vmul.f32 v31, v3;
	v16 =	vadd.f32 v33, v16  }
0x135: {  	v36 =	vld [tilespmem:s30+$0x6700]  }
0x136: {  	v37 =	vmul.f32 v32, v4;
	v16 =	vadd.f32 v35, v16  }
0x137: {  	v38 =	vld [tilespmem:s30+$0x67C0]  }
0x138: {  	v39 =	vmul.f32 v34, v5;
	v16 =	vadd.f32 v37, v16  }
0x139: {  	v40 =	vld [tilespmem:s30+$0x6880]  }
0x13a: {  	v41 =	vmul.f32 v36, v6;
	v16 =	vadd.f32 v39, v16  }
0x13b: {  	v42 =	vld [tilespmem:s30+$0x6940]  }
0x13c: {  	v43 =	vmul.f32 v38, v7;
	v16 =	vadd.f32 v41, v16  }
0x13d: {  	v44 =	vld [tilespmem:s30+$0x6A00]  }
0x13e: {  	v45 =	vmul.f32 v40, v8;
	v16 =	vadd.f32 v43, v16  }
0x13f: {  	v46 =	vld [tilespmem:s30+$0x6AC0]  }
0x140: {  	v47 =	vmul.f32 v42, v9;
	v16 =	vadd.f32 v45, v16  }
0x141: {  	v48 =	vld [tilespmem:s30+$0x6B80]  }
0x142: {  	v49 =	vmul.f32 v44, v10;
	v16 =	vadd.f32 v47, v16  }
0x143: {  	v50 =	vld [tilespmem:s30+$0x6C40]  }
0x144: {  	v51 =	vmul.f32 v46, v11;
	v16 =	vadd.f32 v49, v16  }
0x145: {  	v52 =	vld [tilespmem:s30+$0x6D00]  }
0x146: {  	v53 =	vmul.f32 v48, v12;
	v16 =	vadd.f32 v51, v16  }
0x147: {  	v54 =	vld [tilespmem:s30+$0x6DC0]  }
0x148: {  	v55 =	vmul.f32 v50, v13;
	v16 =	vadd.f32 v53, v16;
	_ =	sdelay $0x1  }
0x149: {  	v56 =	vmul.f32 v52, v14;
	v16 =	vadd.f32 v55, v16;
	_ =	sdelay $0x1  }
0x14a: {  	v57 =	vmul.f32 v54, v15;
	v16 =	vadd.f32 v56, v16;
	_ =	sdelay $0x1  }
0x14b: {  	v16 =	vadd.f32 v57, v16;
	_ =	sdelay $0x1  }
0x14c: {  	[tilespmem:s23+$0x10A80] =	vst v16  }
0x14d: {  	v16 =	vld [tilespmem:s30+$0x6290]  }
0x14e: {  	v58 =	vld [tilespmem:s30+$0x6350];
	_ =	sdelay $0x1  }
0x14f: {  	v59 =	vld [tilespmem:s30+$0x6410];
	_ =	sdelay $0x1  }
0x150: {  	v60 =	vld [tilespmem:s30+$0x64D0]  }
0x151: {  	v16 =	vmul.f32 v16, v0;
	v17 =	vmul.f32 v58, v1  }
0x152: {  	v61 =	vld [tilespmem:s30+$0x6590]  }
0x153: {  	v62 =	vmul.f32 v59, v2;
	v16 =	vadd.f32 v17, v16  }
0x154: {  	v63 =	vld [tilespmem:s30+$0x6650]  }
0x155: {  	v23 =	vmul.f32 v60, v3;
	v16 =	vadd.f32 v62, v16  }
0x156: {  	v24 =	vld [tilespmem:s30+$0x6710]  }
0x157: {  	v25 =	vmul.f32 v61, v4;
	v16 =	vadd.f32 v23, v16  }
0x158: {  	v26 =	vld [tilespmem:s30+$0x67D0]  }
0x159: {  	v27 =	vmul.f32 v63, v5;
	v16 =	vadd.f32 v25, v16  }
0x15a: {  	v28 =	vld [tilespmem:s30+$0x6890]  }
0x15b: {  	v29 =	vmul.f32 v24, v6;
	v16 =	vadd.f32 v27, v16  }
0x15c: {  	v30 =	vld [tilespmem:s30+$0x6950]  }
0x15d: {  	v31 =	vmul.f32 v26, v7;
	v16 =	vadd.f32 v29, v16  }
0x15e: {  	v32 =	vld [tilespmem:s30+$0x6A10]  }
0x15f: {  	v33 =	vmul.f32 v28, v8;
	v16 =	vadd.f32 v31, v16  }
0x160: {  	v34 =	vld [tilespmem:s30+$0x6AD0]  }
0x161: {  	v35 =	vmul.f32 v30, v9;
	v16 =	vadd.f32 v33, v16  }
0x162: {  	v36 =	vld [tilespmem:s30+$0x6B90]  }
0x163: {  	v37 =	vmul.f32 v32, v10;
	v16 =	vadd.f32 v35, v16  }
0x164: {  	v38 =	vld [tilespmem:s30+$0x6C50]  }
0x165: {  	v39 =	vmul.f32 v34, v11;
	v16 =	vadd.f32 v37, v16  }
0x166: {  	v40 =	vld [tilespmem:s30+$0x6D10]  }
0x167: {  	v41 =	vmul.f32 v36, v12;
	v16 =	vadd.f32 v39, v16  }
0x168: {  	v42 =	vld [tilespmem:s30+$0x6DD0]  }
0x169: {  	v43 =	vmul.f32 v38, v13;
	v16 =	vadd.f32 v41, v16;
	_ =	sdelay $0x1  }
0x16a: {  	v44 =	vmul.f32 v40, v14;
	v16 =	vadd.f32 v43, v16;
	_ =	sdelay $0x1  }
0x16b: {  	v45 =	vmul.f32 v42, v15;
	v16 =	vadd.f32 v44, v16;
	_ =	sdelay $0x1  }
0x16c: {  	v16 =	vadd.f32 v45, v16;
	_ =	sdelay $0x1  }
0x16d: {  	[tilespmem:s23+$0x10A90] =	vst v16  }
0x16e: {  	v16 =	vld [tilespmem:s30+$0x62A0]  }
0x16f: {  	v46 =	vld [tilespmem:s30+$0x6360];
	_ =	sdelay $0x1  }
0x170: {  	v47 =	vld [tilespmem:s30+$0x6420];
	_ =	sdelay $0x1  }
0x171: {  	v48 =	vld [tilespmem:s30+$0x64E0]  }
0x172: {  	v16 =	vmul.f32 v16, v0;
	v17 =	vmul.f32 v46, v1  }
0x173: {  	v49 =	vld [tilespmem:s30+$0x65A0]  }
0x174: {  	v50 =	vmul.f32 v47, v2;
	v16 =	vadd.f32 v17, v16  }
0x175: {  	v51 =	vld [tilespmem:s30+$0x6660]  }
0x176: {  	v52 =	vmul.f32 v48, v3;
	v16 =	vadd.f32 v50, v16  }
0x177: {  	v53 =	vld [tilespmem:s30+$0x6720]  }
0x178: {  	v54 =	vmul.f32 v49, v4;
	v16 =	vadd.f32 v52, v16  }
0x179: {  	v55 =	vld [tilespmem:s30+$0x67E0]  }
0x17a: {  	v56 =	vmul.f32 v51, v5;
	v16 =	vadd.f32 v54, v16  }
0x17b: {  	v57 =	vld [tilespmem:s30+$0x68A0]  }
0x17c: {  	v58 =	vmul.f32 v53, v6;
	v16 =	vadd.f32 v56, v16  }
0x17d: {  	v59 =	vld [tilespmem:s30+$0x6960]  }
0x17e: {  	v60 =	vmul.f32 v55, v7;
	v16 =	vadd.f32 v58, v16  }
0x17f: {  	v61 =	vld [tilespmem:s30+$0x6A20]  }
0x180: {  	v62 =	vmul.f32 v57, v8;
	v16 =	vadd.f32 v60, v16  }
0x181: {  	v63 =	vld [tilespmem:s30+$0x6AE0]  }
0x182: {  	v24 =	vmul.f32 v59, v9;
	v16 =	vadd.f32 v62, v16  }
0x183: {  	v25 =	vld [tilespmem:s30+$0x6BA0]  }
0x184: {  	v26 =	vmul.f32 v61, v10;
	v16 =	vadd.f32 v24, v16  }
0x185: {  	v27 =	vld [tilespmem:s30+$0x6C60]  }
0x186: {  	v28 =	vmul.f32 v63, v11;
	v16 =	vadd.f32 v26, v16  }
0x187: {  	v29 =	vld [tilespmem:s30+$0x6D20]  }
0x188: {  	v30 =	vmul.f32 v25, v12;
	v16 =	vadd.f32 v28, v16  }
0x189: {  	v31 =	vld [tilespmem:s30+$0x6DE0]  }
0x18a: {  	v32 =	vmul.f32 v27, v13;
	v16 =	vadd.f32 v30, v16;
	_ =	sdelay $0x1  }
0x18b: {  	v33 =	vmul.f32 v29, v14;
	v16 =	vadd.f32 v32, v16;
	_ =	sdelay $0x1  }
0x18c: {  	v34 =	vmul.f32 v31, v15;
	v16 =	vadd.f32 v33, v16;
	_ =	sdelay $0x1  }
0x18d: {  	v16 =	vadd.f32 v34, v16;
	_ =	sdelay $0x1  }
0x18e: {  	[tilespmem:s23+$0x10AA0] =	vst v16  }
0x18f: {  	v16 =	vld [tilespmem:s30+$0x62B0]  }
0x190: {  	v35 =	vld [tilespmem:s30+$0x6370];
	_ =	sdelay $0x1  }
0x191: {  	v36 =	vld [tilespmem:s30+$0x6430];
	_ =	sdelay $0x1  }
0x192: {  	v37 =	vld [tilespmem:s30+$0x64F0]  }
0x193: {  	v0 =	vmul.f32 v16, v0;
	v1 =	vmul.f32 v35, v1  }
0x194: {  	v38 =	vld [tilespmem:s30+$0x65B0]  }
0x195: {  	v39 =	vmul.f32 v36, v2;
	v0 =	vadd.f32 v1, v0  }
0x196: {  	v40 =	vld [tilespmem:s30+$0x6670]  }
0x197: {  	v41 =	vmul.f32 v37, v3;
	v0 =	vadd.f32 v39, v0  }
0x198: {  	v42 =	vld [tilespmem:s30+$0x6730]  }
0x199: {  	v43 =	vmul.f32 v38, v4;
	v0 =	vadd.f32 v41, v0  }
0x19a: {  	v44 =	vld [tilespmem:s30+$0x67F0]  }
0x19b: {  	v45 =	vmul.f32 v40, v5;
	v0 =	vadd.f32 v43, v0  }
0x19c: {  	v46 =	vld [tilespmem:s30+$0x68B0]  }
0x19d: {  	v47 =	vmul.f32 v42, v6;
	v0 =	vadd.f32 v45, v0  }
0x19e: {  	v48 =	vld [tilespmem:s30+$0x6970]  }
0x19f: {  	v49 =	vmul.f32 v44, v7;
	v0 =	vadd.f32 v47, v0  }
0x1a0: {  	v50 =	vld [tilespmem:s30+$0x6A30]  }
0x1a1: {  	v51 =	vmul.f32 v46, v8;
	v0 =	vadd.f32 v49, v0  }
0x1a2: {  	v52 =	vld [tilespmem:s30+$0x6AF0]  }
0x1a3: {  	v53 =	vmul.f32 v48, v9;
	v0 =	vadd.f32 v51, v0  }
0x1a4: {  	v54 =	vld [tilespmem:s30+$0x6BB0]  }
0x1a5: {  	v55 =	vmul.f32 v50, v10;
	v0 =	vadd.f32 v53, v0  }
0x1a6: {  	v56 =	vld [tilespmem:s30+$0x6C70]  }
0x1a7: {  	v57 =	vmul.f32 v52, v11;
	v0 =	vadd.f32 v55, v0  }
0x1a8: {  	v58 =	vld [tilespmem:s30+$0x6D30]  }
0x1a9: {  	v59 =	vmul.f32 v54, v12;
	v0 =	vadd.f32 v57, v0  }
0x1aa: {  	v60 =	vld [tilespmem:s30+$0x6DF0]  }
0x1ab: {  	v61 =	vmul.f32 v56, v13;
	v0 =	vadd.f32 v59, v0;
	_ =	sdelay $0x1  }
0x1ac: {  	v62 =	vmul.f32 v58, v14;
	v0 =	vadd.f32 v61, v0  }
0x1ad: {  	p0 =	sne.s32 s21, $0x6  }
.Ltmp0:
0x1ae: {  	v63 =	vmul.f32 v60, v15;
	v0 =	vadd.f32 v62, v0;
	(pc) =	sbr.rel @p0 .LBB2_3-.Ltmp0, $3  }
0x1af: {  	_ = 	snop  }
0x1b0: {  	v0 =	vadd.f32 v63, v0;
	_ =	sdelay $0x1  }
0x1b1: {  	s21 =	sadd.s32 $0x1, s21;
	[tilespmem:s23+$0x10AB0] =	vst v0  }
0x1b2: {  	s20 =	smul.u32 $0xB6DB6DB7, s19;
	_ =	sdelay $0x1  }
0x1b3: {  	s20 =	sadd.s32 $0xB6DB6DB6, s20  }
0x1b4: {  	p0 =	sgt.u32 s20, $0x24924923  }
0x1b5: {  	s19 =	smulhi.u32 @!p0 $0x92492493, s19;
	_ =	sdelay $0x1  }
0x1b6: {  	s19 =	sshrl.u32 @!p0 s19, $0x2  }
0x1b7: {  	s19 =	sadd.s32 @!p0 s7, s19  }
0x1b8: {  	s19 =	smul.u32 @!p0 $0x498, s19;
	_ =	sdelay $0x1  }
0x1b9: {  	s20 =	simm.s32 @!p0 $0x0;
	s21 =	simm.s32 @!p0 $0x10A00;
	s19 =	sadd.s32 @!p0 s2, s19  }
0x1ba: {  	[hbm4b:s19+s20] =	stream.linear.scatter @!p0 [tilespmem:s21], [sflag:$0x4], $0x24C0, $0x38;
	[tilespmem:$0x12EC0] =	vst v63  }
0x1bb: {  	p1 =	seq.s32 s17, $0x37;
	s19 =	simm.s32 @!p0 $0x4  }
0x1bc: {  	s20 =	smul.u32 @!p1 $0x380, s17;
	_ =	swait.ge @!p0 [sflag:s19], $0x24C0  }
0x1bd: {  	[sflag:s19] =	ssyncset.done @!p0 $0x0  }
0x1be: {  	[sflag:s19] =	ssyncadd.s32 @!p0 $0xFFFFDB40;
	s19 =	sshra.s32 @!p1 s20, $0x2  }
0x1bf: {  	s21 =	simm.s32 @!p1 $0x6200;
	s20 =	simm.s32 @!p1 $0x70;
	s19 =	sadd.s32 @!p1 $0xE0, s19  }
0x1c0: {  	[tilespmem:s21], [sflag:$0x1] =	stream.indirect.gather @!p1 [hbm4b:s4+s20], $0xC0, s19, s20, $0xb8;
	[tilespmem:$0x12EC0] =	vst v63  }
0x1c1: {  	_ =	swait.ge [sflag:s15], $0x5400  }
0x1c2: {  	s19 =	smul.u32 $0x7, s18;
	[sflag:s15] =	ssyncset.done $0x0  }
0x1c3: {  	s20 =	simm.s32 $0x0;
	[sflag:s15] =	ssyncadd.s32 $0xFFFFAC00  }
.LBB2_5:
0x1c4: {  	s22 =	sadd.s32 s19, s20  }
0x1c5: {  	s21 =	sshll.u32 s22, $0x4  }
0x1c6: {  	s23 =	smul.u32 $0x3000, s20;
	s21 =	sand.u32 $0x3FFFFFF0, s21  }
0x1c7: {  	v15 =	vld [tilespmem:s21+$0x3100]  }
0x1c8: {  	s30 =	sshra.s32 s23, $0x2  }
0x1c9: {  	v2 =	vld [tilespmem:s30+$0xB600]  }
0x1ca: {  	v3 =	vld [tilespmem:s30+$0xB6C0];
	_ =	sdelay $0x1  }
0x1cb: {  	v4 =	vld [tilespmem:s30+$0xB780];
	v0 =	vbroadcast v15, $0x0  }
0x1cc: {  	v1 =	vbroadcast v15, $0x1  }
0x1cd: {  	v6 =	vld [tilespmem:s30+$0xB840];
	v5 =	vmul.f32 v2, v0  }
0x1ce: {  	v3 =	vmul.f32 v3, v1;
	v2 =	vbroadcast v15, $0x2  }
0x1cf: {  	v7 =	vld [tilespmem:s30+$0xB900]  }
0x1d0: {  	v5 =	vadd.f32 v3, v5;
	v4 =	vmul.f32 v4, v2;
	v3 =	vbroadcast v15, $0x3  }
0x1d1: {  	v8 =	vld [tilespmem:s30+$0xB9C0]  }
0x1d2: {  	v5 =	vadd.f32 v4, v5;
	v6 =	vmul.f32 v6, v3;
	v4 =	vbroadcast v15, $0x4  }
0x1d3: {  	v9 =	vld [tilespmem:s30+$0xBA80]  }
0x1d4: {  	v6 =	vadd.f32 v6, v5;
	v7 =	vmul.f32 v7, v4;
	v5 =	vbroadcast v15, $0x5  }
0x1d5: {  	v10 =	vld [tilespmem:s30+$0xBB40]  }
0x1d6: {  	v7 =	vadd.f32 v7, v6;
	v8 =	vmul.f32 v8, v5;
	v6 =	vbroadcast v15, $0x6  }
0x1d7: {  	v11 =	vld [tilespmem:s30+$0xBC00]  }
0x1d8: {  	v8 =	vadd.f32 v8, v7;
	v9 =	vmul.f32 v9, v6;
	v7 =	vbroadcast v15, $0x7  }
0x1d9: {  	v12 =	vld [tilespmem:s30+$0xBCC0]  }
0x1da: {  	v9 =	vadd.f32 v9, v8;
	v10 =	vmul.f32 v10, v7;
	v8 =	vbroadcast v15, $0x8  }
0x1db: {  	v13 =	vld [tilespmem:s30+$0xBD80]  }
0x1dc: {  	v10 =	vadd.f32 v10, v9;
	v11 =	vmul.f32 v11, v8;
	v9 =	vbroadcast v15, $0x9  }
0x1dd: {  	v14 =	vld [tilespmem:s30+$0xBE40]  }
0x1de: {  	v11 =	vadd.f32 v11, v10;
	v12 =	vmul.f32 v12, v9;
	v10 =	vbroadcast v15, $0xA  }
0x1df: {  	v16 =	vld [tilespmem:s30+$0xBF00]  }
0x1e0: {  	v12 =	vadd.f32 v12, v11;
	v13 =	vmul.f32 v13, v10;
	v11 =	vbroadcast v15, $0xB  }
0x1e1: {  	v17 =	vld [tilespmem:s30+$0xBFC0]  }
0x1e2: {  	v13 =	vadd.f32 v13, v12;
	v14 =	vmul.f32 v14, v11;
	v12 =	vbroadcast v15, $0xC  }
0x1e3: {  	v18 =	vld [tilespmem:s30+$0xC080]  }
0x1e4: {  	v14 =	vadd.f32 v14, v13;
	v16 =	vmul.f32 v16, v12;
	v13 =	vbroadcast v15, $0xD  }
0x1e5: {  	s31 =	smulhi.u32 $0x5397829D, s22;
	v19 =	vld [tilespmem:s30+$0xC140]  }
0x1e6: {  	v16 =	vadd.f32 v16, v14;
	v17 =	vmul.f32 v17, v13;
	v14 =	vbroadcast v15, $0xE  }
0x1e7: {  	s23 =	sshrl.u32 s31, $0x4  }
0x1e8: {  	s23 =	smul.u32 $0x31, s23;
	v15 =	vbroadcast v15, $0xF;
	v16 =	vadd.f32 v17, v16;
	v31 =	vmul.f32 v18, v14;
	_ =	sdelay $0x1  }
0x1e9: {  	s22 =	ssub.s32 s22, s23;
	v32 =	vmul.f32 v19, v15;
	v16 =	vadd.f32 v31, v16  }
0x1ea: {  	s22 =	smul.u32 $0x300, s22  }
0x1eb: {  	v16 =	vadd.f32 v32, v16  }
0x1ec: {  	s22 =	sshrl.u32 s22, $0x2  }
0x1ed: {  	[tilespmem:s22+$0x10A00] =	vst v16  }
0x1ee: {  	v16 =	vld [tilespmem:s30+$0xB610]  }
0x1ef: {  	v33 =	vld [tilespmem:s30+$0xB6D0];
	_ =	sdelay $0x1  }
0x1f0: {  	v34 =	vld [tilespmem:s30+$0xB790];
	_ =	sdelay $0x1  }
0x1f1: {  	v35 =	vld [tilespmem:s30+$0xB850]  }
0x1f2: {  	v16 =	vmul.f32 v16, v0;
	v17 =	vmul.f32 v33, v1  }
0x1f3: {  	v20 =	vld [tilespmem:s30+$0xB910]  }
0x1f4: {  	v36 =	vmul.f32 v34, v2;
	v16 =	vadd.f32 v17, v16  }
0x1f5: {  	v37 =	vld [tilespmem:s30+$0xB9D0]  }
0x1f6: {  	v38 =	vmul.f32 v35, v3;
	v16 =	vadd.f32 v36, v16  }
0x1f7: {  	v39 =	vld [tilespmem:s30+$0xBA90]  }
0x1f8: {  	v40 =	vmul.f32 v20, v4;
	v16 =	vadd.f32 v38, v16  }
0x1f9: {  	v41 =	vld [tilespmem:s30+$0xBB50]  }
0x1fa: {  	v42 =	vmul.f32 v37, v5;
	v16 =	vadd.f32 v40, v16  }
0x1fb: {  	v43 =	vld [tilespmem:s30+$0xBC10]  }
0x1fc: {  	v44 =	vmul.f32 v39, v6;
	v16 =	vadd.f32 v42, v16  }
0x1fd: {  	v45 =	vld [tilespmem:s30+$0xBCD0]  }
0x1fe: {  	v46 =	vmul.f32 v41, v7;
	v16 =	vadd.f32 v44, v16  }
0x1ff: {  	v47 =	vld [tilespmem:s30+$0xBD90]  }
0x200: {  	v48 =	vmul.f32 v43, v8;
	v16 =	vadd.f32 v46, v16  }
0x201: {  	v49 =	vld [tilespmem:s30+$0xBE50]  }
0x202: {  	v50 =	vmul.f32 v45, v9;
	v16 =	vadd.f32 v48, v16  }
0x203: {  	v51 =	vld [tilespmem:s30+$0xBF10]  }
0x204: {  	v52 =	vmul.f32 v47, v10;
	v16 =	vadd.f32 v50, v16  }
0x205: {  	v53 =	vld [tilespmem:s30+$0xBFD0]  }
0x206: {  	v54 =	vmul.f32 v49, v11;
	v16 =	vadd.f32 v52, v16  }
0x207: {  	v55 =	vld [tilespmem:s30+$0xC090]  }
0x208: {  	v56 =	vmul.f32 v51, v12;
	v16 =	vadd.f32 v54, v16  }
0x209: {  	v57 =	vld [tilespmem:s30+$0xC150]  }
0x20a: {  	v58 =	vmul.f32 v53, v13;
	v16 =	vadd.f32 v56, v16;
	_ =	sdelay $0x1  }
0x20b: {  	v59 =	vmul.f32 v55, v14;
	v16 =	vadd.f32 v58, v16;
	_ =	sdelay $0x1  }
0x20c: {  	v60 =	vmul.f32 v57, v15;
	v16 =	vadd.f32 v59, v16;
	_ =	sdelay $0x1  }
0x20d: {  	v16 =	vadd.f32 v60, v16;
	_ =	sdelay $0x1  }
0x20e: {  	[tilespmem:s22+$0x10A10] =	vst v16  }
0x20f: {  	v16 =	vld [tilespmem:s30+$0xB620]  }
0x210: {  	v61 =	vld [tilespmem:s30+$0xB6E0];
	_ =	sdelay $0x1  }
0x211: {  	v62 =	vld [tilespmem:s30+$0xB7A0];
	_ =	sdelay $0x1  }
0x212: {  	v63 =	vld [tilespmem:s30+$0xB860]  }
0x213: {  	v16 =	vmul.f32 v16, v0;
	v17 =	vmul.f32 v61, v1  }
0x214: {  	v24 =	vld [tilespmem:s30+$0xB920]  }
0x215: {  	v25 =	vmul.f32 v62, v2;
	v16 =	vadd.f32 v17, v16  }
0x216: {  	v26 =	vld [tilespmem:s30+$0xB9E0]  }
0x217: {  	v27 =	vmul.f32 v63, v3;
	v16 =	vadd.f32 v25, v16  }
0x218: {  	v28 =	vld [tilespmem:s30+$0xBAA0]  }
0x219: {  	v29 =	vmul.f32 v24, v4;
	v16 =	vadd.f32 v27, v16  }
0x21a: {  	v30 =	vld [tilespmem:s30+$0xBB60]  }
0x21b: {  	v31 =	vmul.f32 v26, v5;
	v16 =	vadd.f32 v29, v16  }
0x21c: {  	v32 =	vld [tilespmem:s30+$0xBC20]  }
0x21d: {  	v33 =	vmul.f32 v28, v6;
	v16 =	vadd.f32 v31, v16  }
0x21e: {  	v34 =	vld [tilespmem:s30+$0xBCE0]  }
0x21f: {  	v35 =	vmul.f32 v30, v7;
	v16 =	vadd.f32 v33, v16  }
0x220: {  	v36 =	vld [tilespmem:s30+$0xBDA0]  }
0x221: {  	v37 =	vmul.f32 v32, v8;
	v16 =	vadd.f32 v35, v16  }
0x222: {  	v38 =	vld [tilespmem:s30+$0xBE60]  }
0x223: {  	v39 =	vmul.f32 v34, v9;
	v16 =	vadd.f32 v37, v16  }
0x224: {  	v40 =	vld [tilespmem:s30+$0xBF20]  }
0x225: {  	v41 =	vmul.f32 v36, v10;
	v16 =	vadd.f32 v39, v16  }
0x226: {  	v42 =	vld [tilespmem:s30+$0xBFE0]  }
0x227: {  	v43 =	vmul.f32 v38, v11;
	v16 =	vadd.f32 v41, v16  }
0x228: {  	v44 =	vld [tilespmem:s30+$0xC0A0]  }
0x229: {  	v45 =	vmul.f32 v40, v12;
	v16 =	vadd.f32 v43, v16  }
0x22a: {  	v46 =	vld [tilespmem:s30+$0xC160]  }
0x22b: {  	v47 =	vmul.f32 v42, v13;
	v16 =	vadd.f32 v45, v16;
	_ =	sdelay $0x1  }
0x22c: {  	v48 =	vmul.f32 v44, v14;
	v16 =	vadd.f32 v47, v16;
	_ =	sdelay $0x1  }
0x22d: {  	v49 =	vmul.f32 v46, v15;
	v16 =	vadd.f32 v48, v16;
	_ =	sdelay $0x1  }
0x22e: {  	v16 =	vadd.f32 v49, v16;
	_ =	sdelay $0x1  }
0x22f: {  	[tilespmem:s22+$0x10A20] =	vst v16  }
0x230: {  	v16 =	vld [tilespmem:s30+$0xB630]  }
0x231: {  	v50 =	vld [tilespmem:s30+$0xB6F0];
	_ =	sdelay $0x1  }
0x232: {  	v51 =	vld [tilespmem:s30+$0xB7B0];
	_ =	sdelay $0x1  }
0x233: {  	v52 =	vld [tilespmem:s30+$0xB870]  }
0x234: {  	v16 =	vmul.f32 v16, v0;
	v17 =	vmul.f32 v50, v1  }
0x235: {  	v53 =	vld [tilespmem:s30+$0xB930]  }
0x236: {  	v54 =	vmul.f32 v51, v2;
	v16 =	vadd.f32 v17, v16  }
0x237: {  	v55 =	vld [tilespmem:s30+$0xB9F0]  }
0x238: {  	v56 =	vmul.f32 v52, v3;
	v16 =	vadd.f32 v54, v16  }
0x239: {  	v57 =	vld [tilespmem:s30+$0xBAB0]  }
0x23a: {  	v58 =	vmul.f32 v53, v4;
	v16 =	vadd.f32 v56, v16  }
0x23b: {  	v59 =	vld [tilespmem:s30+$0xBB70]  }
0x23c: {  	v60 =	vmul.f32 v55, v5;
	v16 =	vadd.f32 v58, v16  }
0x23d: {  	v61 =	vld [tilespmem:s30+$0xBC30]  }
0x23e: {  	v62 =	vmul.f32 v57, v6;
	v16 =	vadd.f32 v60, v16  }
0x23f: {  	v63 =	vld [tilespmem:s30+$0xBCF0]  }
0x240: {  	v24 =	vmul.f32 v59, v7;
	v16 =	vadd.f32 v62, v16  }
0x241: {  	v25 =	vld [tilespmem:s30+$0xBDB0]  }
0x242: {  	v26 =	vmul.f32 v61, v8;
	v16 =	vadd.f32 v24, v16  }
0x243: {  	v27 =	vld [tilespmem:s30+$0xBE70]  }
0x244: {  	v28 =	vmul.f32 v63, v9;
	v16 =	vadd.f32 v26, v16  }
0x245: {  	v29 =	vld [tilespmem:s30+$0xBF30]  }
0x246: {  	v30 =	vmul.f32 v25, v10;
	v16 =	vadd.f32 v28, v16  }
0x247: {  	v31 =	vld [tilespmem:s30+$0xBFF0]  }
0x248: {  	v32 =	vmul.f32 v27, v11;
	v16 =	vadd.f32 v30, v16  }
0x249: {  	v33 =	vld [tilespmem:s30+$0xC0B0]  }
0x24a: {  	v34 =	vmul.f32 v29, v12;
	v16 =	vadd.f32 v32, v16  }
0x24b: {  	v35 =	vld [tilespmem:s30+$0xC170]  }
0x24c: {  	v36 =	vmul.f32 v31, v13;
	v16 =	vadd.f32 v34, v16;
	_ =	sdelay $0x1  }
0x24d: {  	v37 =	vmul.f32 v33, v14;
	v16 =	vadd.f32 v36, v16;
	_ =	sdelay $0x1  }
0x24e: {  	v38 =	vmul.f32 v35, v15;
	v16 =	vadd.f32 v37, v16;
	_ =	sdelay $0x1  }
0x24f: {  	v16 =	vadd.f32 v38, v16;
	_ =	sdelay $0x1  }
0x250: {  	[tilespmem:s22+$0x10A30] =	vst v16  }
0x251: {  	v16 =	vld [tilespmem:s30+$0xB640]  }
0x252: {  	v39 =	vld [tilespmem:s30+$0xB700];
	_ =	sdelay $0x1  }
0x253: {  	v40 =	vld [tilespmem:s30+$0xB7C0];
	_ =	sdelay $0x1  }
0x254: {  	v41 =	vld [tilespmem:s30+$0xB880]  }
0x255: {  	v16 =	vmul.f32 v16, v0;
	v17 =	vmul.f32 v39, v1  }
0x256: {  	v42 =	vld [tilespmem:s30+$0xB940]  }
0x257: {  	v43 =	vmul.f32 v40, v2;
	v16 =	vadd.f32 v17, v16  }
0x258: {  	v44 =	vld [tilespmem:s30+$0xBA00]  }
0x259: {  	v45 =	vmul.f32 v41, v3;
	v16 =	vadd.f32 v43, v16  }
0x25a: {  	v46 =	vld [tilespmem:s30+$0xBAC0]  }
0x25b: {  	v47 =	vmul.f32 v42, v4;
	v16 =	vadd.f32 v45, v16  }
0x25c: {  	v48 =	vld [tilespmem:s30+$0xBB80]  }
0x25d: {  	v49 =	vmul.f32 v44, v5;
	v16 =	vadd.f32 v47, v16  }
0x25e: {  	v50 =	vld [tilespmem:s30+$0xBC40]  }
0x25f: {  	v51 =	vmul.f32 v46, v6;
	v16 =	vadd.f32 v49, v16  }
0x260: {  	v52 =	vld [tilespmem:s30+$0xBD00]  }
0x261: {  	v53 =	vmul.f32 v48, v7;
	v16 =	vadd.f32 v51, v16  }
0x262: {  	v54 =	vld [tilespmem:s30+$0xBDC0]  }
0x263: {  	v55 =	vmul.f32 v50, v8;
	v16 =	vadd.f32 v53, v16  }
0x264: {  	v56 =	vld [tilespmem:s30+$0xBE80]  }
0x265: {  	v57 =	vmul.f32 v52, v9;
	v16 =	vadd.f32 v55, v16  }
0x266: {  	v58 =	vld [tilespmem:s30+$0xBF40]  }
0x267: {  	v59 =	vmul.f32 v54, v10;
	v16 =	vadd.f32 v57, v16  }
0x268: {  	v60 =	vld [tilespmem:s30+$0xC000]  }
0x269: {  	v61 =	vmul.f32 v56, v11;
	v16 =	vadd.f32 v59, v16  }
0x26a: {  	v62 =	vld [tilespmem:s30+$0xC0C0]  }
0x26b: {  	v63 =	vmul.f32 v58, v12;
	v16 =	vadd.f32 v61, v16  }
0x26c: {  	v21 =	vld [tilespmem:s30+$0xC180]  }
0x26d: {  	v22 =	vmul.f32 v60, v13;
	v16 =	vadd.f32 v63, v16;
	_ =	sdelay $0x1  }
0x26e: {  	v23 =	vmul.f32 v62, v14;
	v16 =	vadd.f32 v22, v16;
	_ =	sdelay $0x1  }
0x26f: {  	v24 =	vmul.f32 v21, v15;
	v16 =	vadd.f32 v23, v16;
	_ =	sdelay $0x1  }
0x270: {  	v16 =	vadd.f32 v24, v16;
	_ =	sdelay $0x1  }
0x271: {  	[tilespmem:s22+$0x10A40] =	vst v16  }
0x272: {  	v16 =	vld [tilespmem:s30+$0xB650]  }
0x273: {  	v25 =	vld [tilespmem:s30+$0xB710];
	_ =	sdelay $0x1  }
0x274: {  	v26 =	vld [tilespmem:s30+$0xB7D0];
	_ =	sdelay $0x1  }
0x275: {  	v27 =	vld [tilespmem:s30+$0xB890]  }
0x276: {  	v16 =	vmul.f32 v16, v0;
	v17 =	vmul.f32 v25, v1  }
0x277: {  	v28 =	vld [tilespmem:s30+$0xB950]  }
0x278: {  	v29 =	vmul.f32 v26, v2;
	v16 =	vadd.f32 v17, v16  }
0x279: {  	v30 =	vld [tilespmem:s30+$0xBA10]  }
0x27a: {  	v31 =	vmul.f32 v27, v3;
	v16 =	vadd.f32 v29, v16  }
0x27b: {  	v32 =	vld [tilespmem:s30+$0xBAD0]  }
0x27c: {  	v33 =	vmul.f32 v28, v4;
	v16 =	vadd.f32 v31, v16  }
0x27d: {  	v34 =	vld [tilespmem:s30+$0xBB90]  }
0x27e: {  	v35 =	vmul.f32 v30, v5;
	v16 =	vadd.f32 v33, v16  }
0x27f: {  	v36 =	vld [tilespmem:s30+$0xBC50]  }
0x280: {  	v37 =	vmul.f32 v32, v6;
	v16 =	vadd.f32 v35, v16  }
0x281: {  	v38 =	vld [tilespmem:s30+$0xBD10]  }
0x282: {  	v39 =	vmul.f32 v34, v7;
	v16 =	vadd.f32 v37, v16  }
0x283: {  	v40 =	vld [tilespmem:s30+$0xBDD0]  }
0x284: {  	v41 =	vmul.f32 v36, v8;
	v16 =	vadd.f32 v39, v16  }
0x285: {  	v42 =	vld [tilespmem:s30+$0xBE90]  }
0x286: {  	v43 =	vmul.f32 v38, v9;
	v16 =	vadd.f32 v41, v16  }
0x287: {  	v44 =	vld [tilespmem:s30+$0xBF50]  }
0x288: {  	v45 =	vmul.f32 v40, v10;
	v16 =	vadd.f32 v43, v16  }
0x289: {  	v46 =	vld [tilespmem:s30+$0xC010]  }
0x28a: {  	v47 =	vmul.f32 v42, v11;
	v16 =	vadd.f32 v45, v16  }
0x28b: {  	v48 =	vld [tilespmem:s30+$0xC0D0]  }
0x28c: {  	v49 =	vmul.f32 v44, v12;
	v16 =	vadd.f32 v47, v16  }
0x28d: {  	v50 =	vld [tilespmem:s30+$0xC190]  }
0x28e: {  	v51 =	vmul.f32 v46, v13;
	v16 =	vadd.f32 v49, v16;
	_ =	sdelay $0x1  }
0x28f: {  	v52 =	vmul.f32 v48, v14;
	v16 =	vadd.f32 v51, v16;
	_ =	sdelay $0x1  }
0x290: {  	v53 =	vmul.f32 v50, v15;
	v16 =	vadd.f32 v52, v16;
	_ =	sdelay $0x1  }
0x291: {  	v16 =	vadd.f32 v53, v16;
	_ =	sdelay $0x1  }
0x292: {  	[tilespmem:s22+$0x10A50] =	vst v16  }
0x293: {  	v16 =	vld [tilespmem:s30+$0xB660]  }
0x294: {  	v54 =	vld [tilespmem:s30+$0xB720];
	_ =	sdelay $0x1  }
0x295: {  	v55 =	vld [tilespmem:s30+$0xB7E0];
	_ =	sdelay $0x1  }
0x296: {  	v56 =	vld [tilespmem:s30+$0xB8A0]  }
0x297: {  	v16 =	vmul.f32 v16, v0;
	v17 =	vmul.f32 v54, v1  }
0x298: {  	v57 =	vld [tilespmem:s30+$0xB960]  }
0x299: {  	v58 =	vmul.f32 v55, v2;
	v16 =	vadd.f32 v17, v16  }
0x29a: {  	v59 =	vld [tilespmem:s30+$0xBA20]  }
0x29b: {  	v60 =	vmul.f32 v56, v3;
	v16 =	vadd.f32 v58, v16  }
0x29c: {  	v61 =	vld [tilespmem:s30+$0xBAE0]  }
0x29d: {  	v62 =	vmul.f32 v57, v4;
	v16 =	vadd.f32 v60, v16  }
0x29e: {  	v63 =	vld [tilespmem:s30+$0xBBA0]  }
0x29f: {  	v23 =	vmul.f32 v59, v5;
	v16 =	vadd.f32 v62, v16  }
0x2a0: {  	v24 =	vld [tilespmem:s30+$0xBC60]  }
0x2a1: {  	v25 =	vmul.f32 v61, v6;
	v16 =	vadd.f32 v23, v16  }
0x2a2: {  	v26 =	vld [tilespmem:s30+$0xBD20]  }
0x2a3: {  	v27 =	vmul.f32 v63, v7;
	v16 =	vadd.f32 v25, v16  }
0x2a4: {  	v28 =	vld [tilespmem:s30+$0xBDE0]  }
0x2a5: {  	v29 =	vmul.f32 v24, v8;
	v16 =	vadd.f32 v27, v16  }
0x2a6: {  	v30 =	vld [tilespmem:s30+$0xBEA0]  }
0x2a7: {  	v31 =	vmul.f32 v26, v9;
	v16 =	vadd.f32 v29, v16  }
0x2a8: {  	v32 =	vld [tilespmem:s30+$0xBF60]  }
0x2a9: {  	v33 =	vmul.f32 v28, v10;
	v16 =	vadd.f32 v31, v16  }
0x2aa: {  	v34 =	vld [tilespmem:s30+$0xC020]  }
0x2ab: {  	v35 =	vmul.f32 v30, v11;
	v16 =	vadd.f32 v33, v16  }
0x2ac: {  	v36 =	vld [tilespmem:s30+$0xC0E0]  }
0x2ad: {  	v37 =	vmul.f32 v32, v12;
	v16 =	vadd.f32 v35, v16  }
0x2ae: {  	v38 =	vld [tilespmem:s30+$0xC1A0]  }
0x2af: {  	v39 =	vmul.f32 v34, v13;
	v16 =	vadd.f32 v37, v16;
	_ =	sdelay $0x1  }
0x2b0: {  	v40 =	vmul.f32 v36, v14;
	v16 =	vadd.f32 v39, v16;
	_ =	sdelay $0x1  }
0x2b1: {  	v41 =	vmul.f32 v38, v15;
	v16 =	vadd.f32 v40, v16;
	_ =	sdelay $0x1  }
0x2b2: {  	v16 =	vadd.f32 v41, v16;
	_ =	sdelay $0x1  }
0x2b3: {  	[tilespmem:s22+$0x10A60] =	vst v16  }
0x2b4: {  	v16 =	vld [tilespmem:s30+$0xB670]  }
0x2b5: {  	v42 =	vld [tilespmem:s30+$0xB730];
	_ =	sdelay $0x1  }
0x2b6: {  	v43 =	vld [tilespmem:s30+$0xB7F0];
	_ =	sdelay $0x1  }
0x2b7: {  	v44 =	vld [tilespmem:s30+$0xB8B0]  }
0x2b8: {  	v16 =	vmul.f32 v16, v0;
	v17 =	vmul.f32 v42, v1  }
0x2b9: {  	v45 =	vld [tilespmem:s30+$0xB970]  }
0x2ba: {  	v46 =	vmul.f32 v43, v2;
	v16 =	vadd.f32 v17, v16  }
0x2bb: {  	v47 =	vld [tilespmem:s30+$0xBA30]  }
0x2bc: {  	v48 =	vmul.f32 v44, v3;
	v16 =	vadd.f32 v46, v16  }
0x2bd: {  	v49 =	vld [tilespmem:s30+$0xBAF0]  }
0x2be: {  	v50 =	vmul.f32 v45, v4;
	v16 =	vadd.f32 v48, v16  }
0x2bf: {  	v51 =	vld [tilespmem:s30+$0xBBB0]  }
0x2c0: {  	v52 =	vmul.f32 v47, v5;
	v16 =	vadd.f32 v50, v16  }
0x2c1: {  	v53 =	vld [tilespmem:s30+$0xBC70]  }
0x2c2: {  	v54 =	vmul.f32 v49, v6;
	v16 =	vadd.f32 v52, v16  }
0x2c3: {  	v55 =	vld [tilespmem:s30+$0xBD30]  }
0x2c4: {  	v56 =	vmul.f32 v51, v7;
	v16 =	vadd.f32 v54, v16  }
0x2c5: {  	v57 =	vld [tilespmem:s30+$0xBDF0]  }
0x2c6: {  	v58 =	vmul.f32 v53, v8;
	v16 =	vadd.f32 v56, v16  }
0x2c7: {  	v59 =	vld [tilespmem:s30+$0xBEB0]  }
0x2c8: {  	v60 =	vmul.f32 v55, v9;
	v16 =	vadd.f32 v58, v16  }
0x2c9: {  	v61 =	vld [tilespmem:s30+$0xBF70]  }
0x2ca: {  	v62 =	vmul.f32 v57, v10;
	v16 =	vadd.f32 v60, v16  }
0x2cb: {  	v63 =	vld [tilespmem:s30+$0xC030]  }
0x2cc: {  	v22 =	vmul.f32 v59, v11;
	v16 =	vadd.f32 v62, v16  }
0x2cd: {  	v23 =	vld [tilespmem:s30+$0xC0F0]  }
0x2ce: {  	v24 =	vmul.f32 v61, v12;
	v16 =	vadd.f32 v22, v16  }
0x2cf: {  	v25 =	vld [tilespmem:s30+$0xC1B0]  }
0x2d0: {  	v26 =	vmul.f32 v63, v13;
	v16 =	vadd.f32 v24, v16;
	_ =	sdelay $0x1  }
0x2d1: {  	v27 =	vmul.f32 v23, v14;
	v16 =	vadd.f32 v26, v16;
	_ =	sdelay $0x1  }
0x2d2: {  	v28 =	vmul.f32 v25, v15;
	v16 =	vadd.f32 v27, v16;
	_ =	sdelay $0x1  }
0x2d3: {  	v16 =	vadd.f32 v28, v16;
	_ =	sdelay $0x1  }
0x2d4: {  	[tilespmem:s22+$0x10A70] =	vst v16  }
0x2d5: {  	v16 =	vld [tilespmem:s30+$0xB680]  }
0x2d6: {  	v29 =	vld [tilespmem:s30+$0xB740];
	_ =	sdelay $0x1  }
0x2d7: {  	v30 =	vld [tilespmem:s30+$0xB800];
	_ =	sdelay $0x1  }
0x2d8: {  	v31 =	vld [tilespmem:s30+$0xB8C0]  }
0x2d9: {  	v16 =	vmul.f32 v16, v0;
	v17 =	vmul.f32 v29, v1  }
0x2da: {  	v32 =	vld [tilespmem:s30+$0xB980]  }
0x2db: {  	v33 =	vmul.f32 v30, v2;
	v16 =	vadd.f32 v17, v16  }
0x2dc: {  	v34 =	vld [tilespmem:s30+$0xBA40]  }
0x2dd: {  	v35 =	vmul.f32 v31, v3;
	v16 =	vadd.f32 v33, v16  }
0x2de: {  	v36 =	vld [tilespmem:s30+$0xBB00]  }
0x2df: {  	v37 =	vmul.f32 v32, v4;
	v16 =	vadd.f32 v35, v16  }
0x2e0: {  	v38 =	vld [tilespmem:s30+$0xBBC0]  }
0x2e1: {  	v39 =	vmul.f32 v34, v5;
	v16 =	vadd.f32 v37, v16  }
0x2e2: {  	v40 =	vld [tilespmem:s30+$0xBC80]  }
0x2e3: {  	v41 =	vmul.f32 v36, v6;
	v16 =	vadd.f32 v39, v16  }
0x2e4: {  	v42 =	vld [tilespmem:s30+$0xBD40]  }
0x2e5: {  	v43 =	vmul.f32 v38, v7;
	v16 =	vadd.f32 v41, v16  }
0x2e6: {  	v44 =	vld [tilespmem:s30+$0xBE00]  }
0x2e7: {  	v45 =	vmul.f32 v40, v8;
	v16 =	vadd.f32 v43, v16  }
0x2e8: {  	v46 =	vld [tilespmem:s30+$0xBEC0]  }
0x2e9: {  	v47 =	vmul.f32 v42, v9;
	v16 =	vadd.f32 v45, v16  }
0x2ea: {  	v48 =	vld [tilespmem:s30+$0xBF80]  }
0x2eb: {  	v49 =	vmul.f32 v44, v10;
	v16 =	vadd.f32 v47, v16  }
0x2ec: {  	v50 =	vld [tilespmem:s30+$0xC040]  }
0x2ed: {  	v51 =	vmul.f32 v46, v11;
	v16 =	vadd.f32 v49, v16  }
0x2ee: {  	v52 =	vld [tilespmem:s30+$0xC100]  }
0x2ef: {  	v53 =	vmul.f32 v48, v12;
	v16 =	vadd.f32 v51, v16  }
0x2f0: {  	v54 =	vld [tilespmem:s30+$0xC1C0]  }
0x2f1: {  	v55 =	vmul.f32 v50, v13;
	v16 =	vadd.f32 v53, v16;
	_ =	sdelay $0x1  }
0x2f2: {  	v56 =	vmul.f32 v52, v14;
	v16 =	vadd.f32 v55, v16;
	_ =	sdelay $0x1  }
0x2f3: {  	v57 =	vmul.f32 v54, v15;
	v16 =	vadd.f32 v56, v16;
	_ =	sdelay $0x1  }
0x2f4: {  	v16 =	vadd.f32 v57, v16;
	_ =	sdelay $0x1  }
0x2f5: {  	[tilespmem:s22+$0x10A80] =	vst v16  }
0x2f6: {  	v16 =	vld [tilespmem:s30+$0xB690]  }
0x2f7: {  	v58 =	vld [tilespmem:s30+$0xB750];
	_ =	sdelay $0x1  }
0x2f8: {  	v59 =	vld [tilespmem:s30+$0xB810];
	_ =	sdelay $0x1  }
0x2f9: {  	v60 =	vld [tilespmem:s30+$0xB8D0]  }
0x2fa: {  	v16 =	vmul.f32 v16, v0;
	v17 =	vmul.f32 v58, v1  }
0x2fb: {  	v61 =	vld [tilespmem:s30+$0xB990]  }
0x2fc: {  	v62 =	vmul.f32 v59, v2;
	v16 =	vadd.f32 v17, v16  }
0x2fd: {  	v63 =	vld [tilespmem:s30+$0xBA50]  }
0x2fe: {  	v23 =	vmul.f32 v60, v3;
	v16 =	vadd.f32 v62, v16  }
0x2ff: {  	v24 =	vld [tilespmem:s30+$0xBB10]  }
0x300: {  	v25 =	vmul.f32 v61, v4;
	v16 =	vadd.f32 v23, v16  }
0x301: {  	v26 =	vld [tilespmem:s30+$0xBBD0]  }
0x302: {  	v27 =	vmul.f32 v63, v5;
	v16 =	vadd.f32 v25, v16  }
0x303: {  	v28 =	vld [tilespmem:s30+$0xBC90]  }
0x304: {  	v29 =	vmul.f32 v24, v6;
	v16 =	vadd.f32 v27, v16  }
0x305: {  	v30 =	vld [tilespmem:s30+$0xBD50]  }
0x306: {  	v31 =	vmul.f32 v26, v7;
	v16 =	vadd.f32 v29, v16  }
0x307: {  	v32 =	vld [tilespmem:s30+$0xBE10]  }
0x308: {  	v33 =	vmul.f32 v28, v8;
	v16 =	vadd.f32 v31, v16  }
0x309: {  	v34 =	vld [tilespmem:s30+$0xBED0]  }
0x30a: {  	v35 =	vmul.f32 v30, v9;
	v16 =	vadd.f32 v33, v16  }
0x30b: {  	v36 =	vld [tilespmem:s30+$0xBF90]  }
0x30c: {  	v37 =	vmul.f32 v32, v10;
	v16 =	vadd.f32 v35, v16  }
0x30d: {  	v38 =	vld [tilespmem:s30+$0xC050]  }
0x30e: {  	v39 =	vmul.f32 v34, v11;
	v16 =	vadd.f32 v37, v16  }
0x30f: {  	v40 =	vld [tilespmem:s30+$0xC110]  }
0x310: {  	v41 =	vmul.f32 v36, v12;
	v16 =	vadd.f32 v39, v16  }
0x311: {  	v42 =	vld [tilespmem:s30+$0xC1D0]  }
0x312: {  	v43 =	vmul.f32 v38, v13;
	v16 =	vadd.f32 v41, v16;
	_ =	sdelay $0x1  }
0x313: {  	v44 =	vmul.f32 v40, v14;
	v16 =	vadd.f32 v43, v16;
	_ =	sdelay $0x1  }
0x314: {  	v45 =	vmul.f32 v42, v15;
	v16 =	vadd.f32 v44, v16;
	_ =	sdelay $0x1  }
0x315: {  	v16 =	vadd.f32 v45, v16;
	_ =	sdelay $0x1  }
0x316: {  	[tilespmem:s22+$0x10A90] =	vst v16  }
0x317: {  	v16 =	vld [tilespmem:s30+$0xB6A0]  }
0x318: {  	v46 =	vld [tilespmem:s30+$0xB760];
	_ =	sdelay $0x1  }
0x319: {  	v47 =	vld [tilespmem:s30+$0xB820];
	_ =	sdelay $0x1  }
0x31a: {  	v48 =	vld [tilespmem:s30+$0xB8E0]  }
0x31b: {  	v16 =	vmul.f32 v16, v0;
	v17 =	vmul.f32 v46, v1  }
0x31c: {  	v49 =	vld [tilespmem:s30+$0xB9A0]  }
0x31d: {  	v50 =	vmul.f32 v47, v2;
	v16 =	vadd.f32 v17, v16  }
0x31e: {  	v51 =	vld [tilespmem:s30+$0xBA60]  }
0x31f: {  	v52 =	vmul.f32 v48, v3;
	v16 =	vadd.f32 v50, v16  }
0x320: {  	v53 =	vld [tilespmem:s30+$0xBB20]  }
0x321: {  	v54 =	vmul.f32 v49, v4;
	v16 =	vadd.f32 v52, v16  }
0x322: {  	v55 =	vld [tilespmem:s30+$0xBBE0]  }
0x323: {  	v56 =	vmul.f32 v51, v5;
	v16 =	vadd.f32 v54, v16  }
0x324: {  	v57 =	vld [tilespmem:s30+$0xBCA0]  }
0x325: {  	v58 =	vmul.f32 v53, v6;
	v16 =	vadd.f32 v56, v16  }
0x326: {  	v59 =	vld [tilespmem:s30+$0xBD60]  }
0x327: {  	v60 =	vmul.f32 v55, v7;
	v16 =	vadd.f32 v58, v16  }
0x328: {  	v61 =	vld [tilespmem:s30+$0xBE20]  }
0x329: {  	v62 =	vmul.f32 v57, v8;
	v16 =	vadd.f32 v60, v16  }
0x32a: {  	v63 =	vld [tilespmem:s30+$0xBEE0]  }
0x32b: {  	v24 =	vmul.f32 v59, v9;
	v16 =	vadd.f32 v62, v16  }
0x32c: {  	v25 =	vld [tilespmem:s30+$0xBFA0]  }
0x32d: {  	v26 =	vmul.f32 v61, v10;
	v16 =	vadd.f32 v24, v16  }
0x32e: {  	v27 =	vld [tilespmem:s30+$0xC060]  }
0x32f: {  	v28 =	vmul.f32 v63, v11;
	v16 =	vadd.f32 v26, v16  }
0x330: {  	v29 =	vld [tilespmem:s30+$0xC120]  }
0x331: {  	v30 =	vmul.f32 v25, v12;
	v16 =	vadd.f32 v28, v16  }
0x332: {  	v31 =	vld [tilespmem:s30+$0xC1E0]  }
0x333: {  	v32 =	vmul.f32 v27, v13;
	v16 =	vadd.f32 v30, v16;
	_ =	sdelay $0x1  }
0x334: {  	v33 =	vmul.f32 v29, v14;
	v16 =	vadd.f32 v32, v16;
	_ =	sdelay $0x1  }
0x335: {  	v34 =	vmul.f32 v31, v15;
	v16 =	vadd.f32 v33, v16;
	_ =	sdelay $0x1  }
0x336: {  	v16 =	vadd.f32 v34, v16;
	_ =	sdelay $0x1  }
0x337: {  	[tilespmem:s22+$0x10AA0] =	vst v16  }
0x338: {  	v16 =	vld [tilespmem:s30+$0xB6B0]  }
0x339: {  	v35 =	vld [tilespmem:s30+$0xB770];
	_ =	sdelay $0x1  }
0x33a: {  	v36 =	vld [tilespmem:s30+$0xB830];
	_ =	sdelay $0x1  }
0x33b: {  	v37 =	vld [tilespmem:s30+$0xB8F0]  }
0x33c: {  	v0 =	vmul.f32 v16, v0;
	v1 =	vmul.f32 v35, v1  }
0x33d: {  	v38 =	vld [tilespmem:s30+$0xB9B0]  }
0x33e: {  	v39 =	vmul.f32 v36, v2;
	v0 =	vadd.f32 v1, v0  }
0x33f: {  	v40 =	vld [tilespmem:s30+$0xBA70]  }
0x340: {  	v41 =	vmul.f32 v37, v3;
	v0 =	vadd.f32 v39, v0  }
0x341: {  	v42 =	vld [tilespmem:s30+$0xBB30]  }
0x342: {  	v43 =	vmul.f32 v38, v4;
	v0 =	vadd.f32 v41, v0  }
0x343: {  	v44 =	vld [tilespmem:s30+$0xBBF0]  }
0x344: {  	v45 =	vmul.f32 v40, v5;
	v0 =	vadd.f32 v43, v0  }
0x345: {  	v46 =	vld [tilespmem:s30+$0xBCB0]  }
0x346: {  	v47 =	vmul.f32 v42, v6;
	v0 =	vadd.f32 v45, v0  }
0x347: {  	v48 =	vld [tilespmem:s30+$0xBD70]  }
0x348: {  	v49 =	vmul.f32 v44, v7;
	v0 =	vadd.f32 v47, v0  }
0x349: {  	v50 =	vld [tilespmem:s30+$0xBE30]  }
0x34a: {  	v51 =	vmul.f32 v46, v8;
	v0 =	vadd.f32 v49, v0  }
0x34b: {  	v52 =	vld [tilespmem:s30+$0xBEF0]  }
0x34c: {  	v53 =	vmul.f32 v48, v9;
	v0 =	vadd.f32 v51, v0  }
0x34d: {  	v54 =	vld [tilespmem:s30+$0xBFB0]  }
0x34e: {  	v55 =	vmul.f32 v50, v10;
	v0 =	vadd.f32 v53, v0  }
0x34f: {  	v56 =	vld [tilespmem:s30+$0xC070]  }
0x350: {  	v57 =	vmul.f32 v52, v11;
	v0 =	vadd.f32 v55, v0  }
0x351: {  	v58 =	vld [tilespmem:s30+$0xC130]  }
0x352: {  	v59 =	vmul.f32 v54, v12;
	v0 =	vadd.f32 v57, v0  }
0x353: {  	v60 =	vld [tilespmem:s30+$0xC1F0]  }
0x354: {  	v61 =	vmul.f32 v56, v13;
	v0 =	vadd.f32 v59, v0;
	_ =	sdelay $0x1  }
0x355: {  	v62 =	vmul.f32 v58, v14;
	v0 =	vadd.f32 v61, v0  }
0x356: {  	p0 =	sne.s32 s20, $0x6  }
.Ltmp1:
0x357: {  	v63 =	vmul.f32 v60, v15;
	v0 =	vadd.f32 v62, v0;
	(pc) =	sbr.rel @p0 .LBB2_5-.Ltmp1, $3  }
0x358: {  	_ = 	snop  }
0x359: {  	v0 =	vadd.f32 v63, v0;
	_ =	sdelay $0x1  }
0x35a: {  	s20 =	sadd.s32 $0x1, s20;
	[tilespmem:s22+$0x10AB0] =	vst v0  }
0x35b: {  	s19 =	smul.u32 $0xB6DB6DB7, s18;
	_ =	sdelay $0x1  }
0x35c: {  	s19 =	sadd.s32 $0xB6DB6DB6, s19  }
0x35d: {  	p0 =	sgt.u32 s19, $0x24924923  }
0x35e: {  	s18 =	smulhi.u32 @!p0 $0x92492493, s18;
	_ =	sdelay $0x1  }
0x35f: {  	s18 =	sshrl.u32 @!p0 s18, $0x2  }
0x360: {  	s18 =	sadd.s32 @!p0 s7, s18  }
0x361: {  	s17 =	sadd.s32 $0x1, s17;
	s18 =	smul.u32 @!p0 $0x498, s18  }
0x362: {  	p1 =	sne.s32 s17, $0x38  }
0x363: {  	s19 =	simm.s32 @!p0 $0x0;
	s20 =	simm.s32 @!p0 $0x10A00;
	s18 =	sadd.s32 @!p0 s2, s18  }
0x364: {  	[hbm4b:s18+s19] =	stream.linear.scatter @!p0 [tilespmem:s20], [sflag:$0x3], $0x24C0, $0x38;
	[tilespmem:$0x12EC0] =	vst v63  }
.Ltmp2:
0x365: {  	_ = 	snop;
	(pc) =	sbr.rel @p1 .LBB2_2-.Ltmp2, $4  }
0x366: {  	s18 =	simm.s32 @!p0 $0x3  }
0x367: {  	_ =	swait.ge @!p0 [sflag:s18], $0x24C0  }
0x368: {  	[sflag:s18] =	ssyncset.done @!p0 $0x0  }
0x369: {  	[sflag:s18] =	ssyncadd.s32 @!p0 $0xFFFFDB40  }
0x36a: {  	s16 =	sadd.s32 $0x1, s16  }
0x36b: {  	p0 =	sne.s32 s16, s8  }
.Ltmp3:
0x36c: {  	_ = 	snop;
	(pc) =	sbr.rel @p0 .LBB2_1-.Ltmp3, $1  }
0x36d: {  	_ =	sdelay $0x3  }
0x36e: {  	_ =	sfence.sel $0x180000  }
0x36f: {  	[bflag:$0x0] =	sbarrier.arrive $0xFFFF  }
0x370: {  	p0 =	sne.s32 s0, $0x0;
	_ =	strace $0x90000047  }
0x371: {  	s0 =	sadd.s32 @!p0 $0x100000, s1;
	[bflag:$0x2] =	sbarrier.arrive $0xFFFF  }
0x372: {  	[sflag:s0] =	ssyncadd.tile.s32 @!p0 $0x1;
	_ =	shalt  }
.Lfunc_end2:
_tile_overlayer_lowered:
.L_overlay_start_2:
0x373: {  	(tag) =	ssettag $0x2  }
0x374: {  	s0 =	rddreg [dreg:$0x0];
	s2 =	stileid.u32  }
0x375: {  	s1 =	rddreg [dreg:$0x1];
	p0 =	sne.s32 s2, $0x0  }
0x376: {  	s3 =	rddreg [dreg:$0x2];
	[bflag:$0x3] =	sbarrier.arrive $0xFFFF;
	s2 =	simm.s32 @!p0 $0x1C03  }
0x377: {  	[timem:s3], [sflag:s2] =	dma.local @!p0 [hbm:s0], s1  }
0x378: {  	s0 =	simm.s32 @!p0 $0x3  }
0x379: {  	_ =	swait.ge @!p0 [sflag:s0], s1  }
0x37a: {  	s1 =	ssub.s32 @!p0 $0x0, s1;
	[sflag:s0] =	ssyncset.done @!p0 $0x0  }
0x37b: {  	[sflag:s0] =	ssyncadd.s32 @!p0 s1  }
0x37c: {  	[bflag:$0x3] =	sbarrier.arrive $0xFFFF  }
0x37d: {  	_ =	shalt  }

</sc_bundles>
